<compile_context>
chip_gen: v7x
topology: tpu7x:2x2x1
jax: 0.10.2.dev20260603
libtpu: 0.0.44.dev20260713+nightly
codegen_flags: <defaults>
</compile_context>

<pallas_src>
import functools

import jax
import jax.numpy as jnp
from jax import lax
from jax.experimental import pallas as pl
from jax.experimental.pallas import tpu as pltpu
from jax.experimental.pallas import tpu_sc as plsc

N = 10000
E = 320000
DH = 128
DO = 40
NUM_ITER = 4

NC = 2
NS = 16
NW = NC * NS
CHUNK = 128
NCH = 81
EPT = NCH * CHUNK
NPAD = 10112
RPT = NPAD // NS

_mesh = plsc.VectorSubcoreMesh(
    core_axis_name="c", subcore_axis_name="s", num_cores=NC, num_subcores=NS)

NPAD_D = 10240
RPT_D = NPAD_D // NS
WAVE = 9


@functools.partial(
    pl.kernel,
    out_type=jax.ShapeDtypeStruct((2 * NPAD_D,), jnp.float32),
    mesh=_mesh,
    scratch_types=[
        pltpu.VMEM((NCH, CHUNK), jnp.int32),
        pltpu.VMEM((CHUNK,), jnp.float32),
        pltpu.VMEM((RPT_D,), jnp.float32),
        pltpu.VMEM_SHARED((NPAD_D,), jnp.float32),
        pltpu.SemaphoreType.DMA,
    ],
)
def _deg(dst_hbm, out_hbm, dall, ones_v, zbuf, dacc, ss):
    c = lax.axis_index("c")
    s = lax.axis_index("s")
    wid = s * NC + c

    def ldwave(w, _):
        for j in range(WAVE):
            pltpu.async_copy(dst_hbm.at[wid * NCH + w * WAVE + j],
                             dall.at[w * WAVE + j], ss)
        for j in range(WAVE):
            pltpu.make_async_copy(dst_hbm.at[wid * NCH + w * WAVE + j],
                                  dall.at[w * WAVE + j], ss).wait()
        return 0

    lax.fori_loop(0, NCH // WAVE, ldwave, 0)

    def fill(j, _):
        ones_v[pl.ds(j * 16, 16)] = jnp.ones((16,), jnp.float32)
        zbuf[pl.ds(j * 16, 16)] = jnp.zeros((16,), jnp.float32)
        return 0

    lax.fori_loop(0, CHUNK // 16, fill, 0)

    def fillz(j, _):
        zbuf[pl.ds(j * 16, 16)] = jnp.zeros((16,), jnp.float32)
        return 0

    lax.fori_loop(CHUNK // 16, RPT_D // 16, fillz, 0)
    r0 = s * RPT_D
    pltpu.sync_copy(zbuf, dacc.at[pl.ds(r0, RPT_D)])
    plsc.subcore_barrier()

    def wave(w, _):
        for j in range(WAVE):
            pltpu.async_copy(ones_v, dacc.at[dall.at[w * WAVE + j]], ss,
                             add=True)
        for j in range(WAVE):
            pltpu.make_async_copy(ones_v, dacc.at[dall.at[w * WAVE + j]],
                                  ss).wait()
        return 0

    lax.fori_loop(0, NCH // WAVE, wave, 0)
    plsc.subcore_barrier()
    pltpu.sync_copy(dacc.at[pl.ds(r0, RPT_D)], zbuf)
    pltpu.sync_copy(zbuf, out_hbm.at[pl.ds(c * NPAD_D + r0, RPT_D)])



@functools.partial(
    pl.kernel,
    out_type=jax.ShapeDtypeStruct((2 * NPAD, DH), jnp.float32),
    mesh=_mesh,
    scratch_types=[
        pltpu.VMEM((CHUNK,), jnp.int32),
        pltpu.VMEM((CHUNK,), jnp.int32),
        pltpu.VMEM((CHUNK,), jnp.int32),
        pltpu.VMEM((CHUNK,), jnp.int32),
        pltpu.VMEM((CHUNK,), jnp.int32),
        pltpu.VMEM((CHUNK,), jnp.int32),
        pltpu.VMEM((CHUNK, DH), jnp.float32),
        pltpu.VMEM((CHUNK, DH), jnp.float32),
        pltpu.VMEM((CHUNK, DH), jnp.float32),
        pltpu.VMEM_SHARED((NPAD, DH), jnp.float32),
        pltpu.SemaphoreType.DMA,
        pltpu.SemaphoreType.DMA,
        pltpu.SemaphoreType.DMA,
        pltpu.SemaphoreType.DMA,
        pltpu.SemaphoreType.DMA,
        pltpu.SemaphoreType.DMA,
        pltpu.SemaphoreType.DMA,
        pltpu.SemaphoreType.DMA,
        pltpu.SemaphoreType.DMA,
        pltpu.SemaphoreType.DMA,
        pltpu.SemaphoreType.DMA,
        pltpu.SemaphoreType.DMA,
    ],
)
def _agg(y_hbm, src_hbm, dst_hbm, zer_hbm, out_hbm,
         sx0, sx1, sx2, dx0, dx1, dx2, rb0, rb1, rb2, acc,
         gs0, gs1, gs2, ds0, ds1, ds2, ss0, ss1, ss2, is0, is1, is2):
    c = lax.axis_index("c")
    s = lax.axis_index("s")
    wid = s * NC + c
    e0 = wid * NCH
    sx = (sx0, sx1, sx2)
    dx = (dx0, dx1, dx2)
    rb = (rb0, rb1, rb2)
    gs = (gs0, gs1, gs2)
    ds = (ds0, ds1, ds2)
    ss = (ss0, ss1, ss2)
    iss = (is0, is1, is2)

    pltpu.sync_copy(zer_hbm, rb2)
    r0 = s * RPT
    rem = RPT - (RPT // CHUNK) * CHUNK
    for t in range(RPT // CHUNK):
        pltpu.async_copy(rb2, acc.at[pl.ds(r0 + t * CHUNK, CHUNK)], ss0)
    pltpu.async_copy(rb2.at[pl.ds(0, rem)],
                     acc.at[pl.ds(r0 + (RPT // CHUNK) * CHUNK, rem)], ss1)
    pltpu.async_copy(src_hbm.at[e0], sx0, is0)
    pltpu.async_copy(src_hbm.at[e0 + 1], sx1, is1)
    pltpu.async_copy(src_hbm.at[e0 + 2], sx2, is2)
    pltpu.async_copy(dst_hbm.at[e0], dx0, ds0)
    pltpu.async_copy(dst_hbm.at[e0 + 1], dx1, ds1)
    pltpu.async_copy(dst_hbm.at[e0], dx2, ds2)
    for t in range(RPT // CHUNK):
        pltpu.make_async_copy(rb2, acc.at[pl.ds(r0 + t * CHUNK, CHUNK)],
                              ss0).wait()
    pltpu.make_async_copy(rb2.at[pl.ds(0, rem)],
                          acc.at[pl.ds(r0 + (RPT // CHUNK) * CHUNK, rem)],
                          ss1).wait()
    pltpu.make_async_copy(src_hbm.at[e0], sx0, is0).wait()
    pltpu.async_copy(y_hbm.at[sx0], rb0, gs0)
    pltpu.make_async_copy(src_hbm.at[e0 + 1], sx1, is1).wait()
    pltpu.async_copy(y_hbm.at[sx1], rb1, gs1)
    pltpu.make_async_copy(dst_hbm.at[e0], dx2, ds2).wait()
    plsc.subcore_barrier()
    pltpu.async_copy(rb2, acc.at[dx2], ss2, add=True)

    def slot(t, j):
        b = j
        b2 = (j + 2) % 3
        pltpu.make_async_copy(y_hbm.at[sx[b]], rb[b], gs[b]).wait()

        @pl.when(t + 3 < NCH)
        def _():
            pltpu.async_copy(src_hbm.at[e0 + t + 3], sx[b], iss[b])

        pltpu.make_async_copy(dst_hbm.at[e0 + t], dx[b], ds[b]).wait()
        pltpu.async_copy(rb[b], acc.at[dx[b]], ss[b], add=True)
        pltpu.make_async_copy(rb[b2], acc.at[dx[b2]], ss[b2]).wait()

        @pl.when(t + 2 < NCH)
        def _():
            pltpu.async_copy(dst_hbm.at[e0 + t + 2], dx[b2], ds[b2])
            pltpu.make_async_copy(src_hbm.at[e0 + t + 2], sx[b2],
                                  iss[b2]).wait()
            pltpu.async_copy(y_hbm.at[sx[b2]], rb[b2], gs[b2])

    def body(i, _):
        for j in range(3):
            slot(3 * i + j, j)
        return 0

    lax.fori_loop(0, NCH // 3, body, 0)
    bl = (NCH - 1) % 3
    pltpu.make_async_copy(rb[bl], acc.at[dx[bl]], ss[bl]).wait()
    plsc.subcore_barrier()
    o0 = c * NPAD + r0
    pltpu.sync_copy(acc.at[pl.ds(r0, RPT)], out_hbm.at[pl.ds(o0, RPT)])



BROW = 2000
GRID = N // BROW

_row = lambda i: (i, 0)
_cst = lambda i: (0, 0)
_p0 = lambda i: (0, i, 0)
_p1 = lambda i: (1, i, 0)


def _mm(a, b):
    return jax.lax.dot(a, b, precision=jax.lax.Precision.HIGHEST,
                       preferred_element_type=jnp.float32)


def _enc_body(x_ref, we_ref, be_ref, wg_ref, d0_ref, d1_ref,
              h_ref, y_ref, dinv_ref):
    deg = d0_ref[0] + d1_ref[0] + 1.0
    dinv = lax.rsqrt(deg)
    h = jnp.maximum(_mm(x_ref[...], we_ref[...]) + be_ref[...], 0.0)
    h_ref[...] = h
    dinv_ref[...] = dinv
    y_ref[...] = _mm(h, wg_ref[...]) * dinv


_enc = pl.pallas_call(
    _enc_body,
    grid=(GRID,),
    in_specs=[
        pl.BlockSpec((BROW, DH), _row),
        pl.BlockSpec((DH, DH), _cst),
        pl.BlockSpec((1, DH), _cst),
        pl.BlockSpec((DH, DH), _cst),
        pl.BlockSpec((1, BROW, 1), _p0),
        pl.BlockSpec((1, BROW, 1), _p1),
    ],
    out_specs=(
        pl.BlockSpec((BROW, DH), _row),
        pl.BlockSpec((BROW, DH), _row),
        pl.BlockSpec((BROW, 1), _row),
    ),
    out_shape=(
        jax.ShapeDtypeStruct((N, DH), jnp.float32),
        jax.ShapeDtypeStruct((N, DH), jnp.float32),
        jax.ShapeDtypeStruct((N, 1), jnp.float32),
    ),
)


def _upd_body(h_ref, y_ref, dinv_ref, a0_ref, a1_ref, bg_ref, wg_ref,
              h2_ref, y2_ref):
    agg = a0_ref[0] + a1_ref[0]
    dinv = dinv_ref[...]
    nh = jnp.maximum(dinv * (agg + y_ref[...]) + bg_ref[...], 0.0)
    h2 = 0.5 * h_ref[...] + 0.5 * nh
    h2_ref[...] = h2
    y2_ref[...] = _mm(h2, wg_ref[...]) * dinv


_upd = pl.pallas_call(
    _upd_body,
    grid=(GRID,),
    in_specs=[
        pl.BlockSpec((BROW, DH), _row),
        pl.BlockSpec((BROW, DH), _row),
        pl.BlockSpec((BROW, 1), _row),
        pl.BlockSpec((1, BROW, DH), _p0),
        pl.BlockSpec((1, BROW, DH), _p1),
        pl.BlockSpec((1, DH), _cst),
        pl.BlockSpec((DH, DH), _cst),
    ],
    out_specs=(
        pl.BlockSpec((BROW, DH), _row),
        pl.BlockSpec((BROW, DH), _row),
    ),
    out_shape=(
        jax.ShapeDtypeStruct((N, DH), jnp.float32),
        jax.ShapeDtypeStruct((N, DH), jnp.float32),
    ),
)


def _fin_body(h_ref, y_ref, dinv_ref, a0_ref, a1_ref, bg_ref, wd_ref, bd_ref,
              out_ref):
    agg = a0_ref[0] + a1_ref[0]
    dinv = dinv_ref[...]
    nh = jnp.maximum(dinv * (agg + y_ref[...]) + bg_ref[...], 0.0)
    h2 = 0.5 * h_ref[...] + 0.5 * nh
    logits = _mm(h2, wd_ref[...]) + bd_ref[...]
    m = jnp.max(logits, axis=1, keepdims=True)
    lse = jnp.log(jnp.sum(jnp.exp(logits - m), axis=1, keepdims=True)) + m
    out_ref[...] = logits - lse


_fin = pl.pallas_call(
    _fin_body,
    grid=(GRID,),
    in_specs=[
        pl.BlockSpec((BROW, DH), _row),
        pl.BlockSpec((BROW, DH), _row),
        pl.BlockSpec((BROW, 1), _row),
        pl.BlockSpec((1, BROW, DH), _p0),
        pl.BlockSpec((1, BROW, DH), _p1),
        pl.BlockSpec((1, DH), _cst),
        pl.BlockSpec((DH, DO), _cst),
        pl.BlockSpec((1, DO), _cst),
    ],
    out_specs=pl.BlockSpec((BROW, DO), _row),
    out_shape=jax.ShapeDtypeStruct((N, DO), jnp.float32),
)



def kernel(x, edge_index, W_enc, b_enc, W_gc, b_gc, W_dec, b_dec):
    npt = EPT - E // NW
    ti = jnp.arange(NW, dtype=jnp.int32)[:, None]
    pj = jnp.arange(npt, dtype=jnp.int32)[None, :]
    pad_s = (pj * 89 + ti * 997) % N
    pad_d = N + (pj + ti * 7) % (NPAD - N)
    srcp = jnp.concatenate([edge_index[0].reshape(NW, -1), pad_s],
                           axis=1).reshape(NW * NCH, CHUNK)
    dstp = jnp.concatenate([edge_index[1].reshape(NW, -1), pad_d],
                           axis=1).reshape(NW * NCH, CHUNK)
    zer_r = jnp.zeros((CHUNK, DH), jnp.float32)
    be = b_enc.reshape(1, DH)
    bg = b_gc.reshape(1, DH)
    bd = b_dec.reshape(1, DO)

    degf = _deg(dstp).reshape(2, NPAD_D, 1)
    h, y, dinv = _enc(x, W_enc, be, W_gc, degf, degf)
    for _ in range(NUM_ITER - 1):
        aggf = _agg(y, srcp, dstp, zer_r).reshape(2, NPAD, DH)
        h, y = _upd(h, y, dinv, aggf, aggf, bg, W_gc)
    aggf = _agg(y, srcp, dstp, zer_r).reshape(2, NPAD, DH)
    return _fin(h, y, dinv, aggf, aggf, bg, W_dec, bd)

# --- scband reference (transcript-rebuilt; emitter-appended) ---
"""Pipeline reference for scband-iterative-gcn-4758823764122 (READ-ONLY COPY).

The authoritative reference and input builder live on the scoring server;
editing this copy changes nothing except your own understanding.
"""

import jax, jax.numpy as jnp
import numpy as np

N = 10000
E = 320000
D_IN = 128
D_HID = 128
D_OUT = 40
NUM_ITER = 4
SMOOTH = 0.5


def gcn_conv(x, edge_index, W, b):
    # PyG-style GCNConv: add self loops, symmetric normalization, scatter-add aggregate
    num_nodes = x.shape[0]
    xw = x @ W
    loop = jnp.arange(num_nodes, dtype=edge_index.dtype)
    src = jnp.concatenate([edge_index[0], loop])
    dst = jnp.concatenate([edge_index[1], loop])
    deg = jnp.zeros((num_nodes,), dtype=x.dtype).at[dst].add(1.0)
    dinv = jnp.where(deg > 0, jax.lax.rsqrt(jnp.maximum(deg, 1e-12)), 0.0)
    norm = dinv[src] * dinv[dst]
    msg = jnp.take(xw, src, axis=0) * norm[:, None]
    out = jax.ops.segment_sum(msg, dst, num_segments=num_nodes)
    return out + b


def setup_inputs(seed: int = 0) -> dict:
    key = jax.random.key(seed)
    ks = jax.random.split(key, 9)
    x = jax.random.normal(ks[0], (N, D_IN), dtype=jnp.float32)
    edge_index = jax.random.randint(ks[1], (2, E), 0, N, dtype=jnp.int32)
    W_enc = jax.random.normal(ks[2], (D_IN, D_HID), dtype=jnp.float32) * 0.05
    b_enc = jnp.zeros((D_HID,), dtype=jnp.float32)
    W_gc = jax.random.normal(ks[3], (D_HID, D_HID), dtype=jnp.float32) * 0.05
    b_gc = jnp.zeros((D_HID,), dtype=jnp.float32)
    W_dec = jax.random.normal(ks[4], (D_HID, D_OUT), dtype=jnp.float32) * 0.05
    b_dec = jnp.zeros((D_OUT,), dtype=jnp.float32)
    return {"x": x, "edge_index": edge_index, "W_enc": W_enc, "b_enc": b_enc,
            "W_gc": W_gc, "b_gc": b_gc, "W_dec": W_dec, "b_dec": b_dec}


def reference(x, edge_index, W_enc, b_enc, W_gc, b_gc, W_dec, b_dec):
    # encoder + relu (dropout=0.0 / eval mode -> identity)
    h = jax.nn.relu(x @ W_enc + b_enc)
    for _ in range(NUM_ITER):
        old_h = h
        new_h = jax.nn.relu(gcn_conv(h, edge_index, W_gc, b_gc))
        h = SMOOTH * old_h + (1.0 - SMOOTH) * new_h
    logits = h @ W_dec + b_dec
    return jax.nn.log_softmax(logits, axis=1)

if __name__ == "__main__":
    import jax
    _d = setup_inputs()
    print(jax.jit(kernel)(*tuple(_d.values())))

</pallas_src>

<mosaic_0001>
#map = affine_map<(d0, d1) -> (0, 0)>
#map1 = affine_map<(d0, d1) -> (0)>
module attributes {stable_mosaic.version = 14 : i64} {
  func.func @_deg(%arg0: i32, %arg1: i32, %arg2: memref<2592x128xi32, #tpu.memory_space<hbm>>, %arg3: memref<20480xf32, #tpu.memory_space<hbm>>, %arg4: memref<81x128xi32, #tpu.memory_space<vmem>>, %arg5: memref<128xf32, #tpu.memory_space<vmem>>, %arg6: memref<640xf32, #tpu.memory_space<vmem>>, %arg7: memref<10240xf32, #tpu.memory_space<vmem_shared>>, %arg8: memref<!tpu.dma_semaphore, #tpu.memory_space<semaphore_mem>>) attributes {dimension_semantics = [#tpu.dimension_semantics<core_parallel>, #tpu.dimension_semantics<subcore_parallel>], iteration_bounds = array<i64: 2, 16>, scalar_prefetch = 0 : i64, scratch_operands = 5 : i64, tpu.core_type = #tpu.core_type<sc_vector_subcore>, window_params = [{transform_indices = #map}, {transform_indices = #map1}]} {
    %mul3A = arith.constant 2 : i32
    %mul3A_0 = arith.muli %arg1, %mul3A : i32
    %add3A = arith.addi %mul3A_0, %arg0 : i32
    %scan3A = arith.constant 0 : i32
    %scan3A_1 = arith.constant 0 : i32
    %scan3A_2 = arith.constant 9 : i32
    %scan3A_3 = arith.addi %scan3A_1, %scan3A_2 : i32
    %scan3A_4 = arith.constant 1 : i32
    %scan3A_5 = scf.for %scan3A_34 = %scan3A_1 to %scan3A_3 step %scan3A_4 iter_args(%scan3A_35 = %scan3A) -> (i32)  : i32 {
      %mul3A_36 = arith.constant 81 : i32
      %mul3A_37 = arith.muli %add3A, %mul3A_36 : i32
      %mul3A_38 = arith.constant 9 : i32
      %mul3A_39 = arith.muli %scan3A_34, %mul3A_38 : i32
      %add3A_40 = arith.addi %mul3A_37, %mul3A_39 : i32
      %add3A_41 = arith.constant 0 : i32
      %add3A_42 = arith.addi %add3A_40, %add3A_41 : i32
      %mul3A_43 = arith.constant 9 : i32
      %mul3A_44 = arith.muli %scan3A_34, %mul3A_43 : i32
      %add3A_45 = arith.constant 0 : i32
      %add3A_46 = arith.addi %mul3A_44, %add3A_45 : i32
      %dma_start3A = arith.constant 0 : i32
      %dma_start3A_47 = tpu.memref_slice %arg4[%add3A_46, %dma_start3A] : memref<81x128xi32, #tpu.memory_space<vmem>> -> memref<1x128xi32, #tpu.memory_space<vmem>>
      %dma_start3A_48 = tpu.memref_squeeze %dma_start3A_47 : memref<1x128xi32, #tpu.memory_space<vmem>> -> memref<128xi32, #tpu.memory_space<vmem>>
      %dma_start3A_49 = arith.constant 0 : i32
      %dma_start3A_50 = tpu.memref_slice %arg2[%add3A_42, %dma_start3A_49] : memref<2592x128xi32, #tpu.memory_space<hbm>> -> memref<1x128xi32, #tpu.memory_space<hbm>>
      %dma_start3A_51 = tpu.memref_squeeze %dma_start3A_50 : memref<1x128xi32, #tpu.memory_space<hbm>> -> memref<128xi32, #tpu.memory_space<hbm>>
      %dma_start3A_52 = arith.constant 0 : i32
      %dma_start3A_53 = tpu.memref_slice %arg4[%add3A_46, %dma_start3A_52] : memref<81x128xi32, #tpu.memory_space<vmem>> -> memref<1x128xi32, #tpu.memory_space<vmem>>
      %dma_start3A_54 = tpu.memref_squeeze %dma_start3A_53 : memref<1x128xi32, #tpu.memory_space<vmem>> -> memref<128xi32, #tpu.memory_space<vmem>>
      %dma_start3A_55 = arith.constant 0 : i32
      %dma_start3A_56 = tpu.memref_slice %arg2[%add3A_42, %dma_start3A_55] : memref<2592x128xi32, #tpu.memory_space<hbm>> -> memref<1x128xi32, #tpu.memory_space<hbm>>
      %dma_start3A_57 = tpu.memref_squeeze %dma_start3A_56 : memref<1x128xi32, #tpu.memory_space<hbm>> -> memref<128xi32, #tpu.memory_space<hbm>>
      tpu.enqueue_dma source(%dma_start3A_57 : memref<128xi32, #tpu.memory_space<hbm>>) target(%dma_start3A_54 : memref<128xi32, #tpu.memory_space<vmem>>) target_semaphore(%arg8 : memref<!tpu.dma_semaphore, #tpu.memory_space<semaphore_mem>>)
      %mul3A_58 = arith.constant 81 : i32
      %mul3A_59 = arith.muli %add3A, %mul3A_58 : i32
      %mul3A_60 = arith.constant 9 : i32
      %mul3A_61 = arith.muli %scan3A_34, %mul3A_60 : i32
      %add3A_62 = arith.addi %mul3A_59, %mul3A_61 : i32
      %add3A_63 = arith.constant 1 : i32
      %add3A_64 = arith.addi %add3A_62, %add3A_63 : i32
      %mul3A_65 = arith.constant 9 : i32
      %mul3A_66 = arith.muli %scan3A_34, %mul3A_65 : i32
      %add3A_67 = arith.constant 1 : i32
      %add3A_68 = arith.addi %mul3A_66, %add3A_67 : i32
      %dma_start3A_69 = arith.constant 0 : i32
      %dma_start3A_70 = tpu.memref_slice %arg4[%add3A_68, %dma_start3A_69] : memref<81x128xi32, #tpu.memory_space<vmem>> -> memref<1x128xi32, #tpu.memory_space<vmem>>
      %dma_start3A_71 = tpu.memref_squeeze %dma_start3A_70 : memref<1x128xi32, #tpu.memory_space<vmem>> -> memref<128xi32, #tpu.memory_space<vmem>>
      %dma_start3A_72 = arith.constant 0 : i32
      %dma_start3A_73 = tpu.memref_slice %arg2[%add3A_64, %dma_start3A_72] : memref<2592x128xi32, #tpu.memory_space<hbm>> -> memref<1x128xi32, #tpu.memory_space<hbm>>
      %dma_start3A_74 = tpu.memref_squeeze %dma_start3A_73 : memref<1x128xi32, #tpu.memory_space<hbm>> -> memref<128xi32, #tpu.memory_space<hbm>>
      %dma_start3A_75 = arith.constant 0 : i32
      %dma_start3A_76 = tpu.memref_slice %arg4[%add3A_68, %dma_start3A_75] : memref<81x128xi32, #tpu.memory_space<vmem>> -> memref<1x128xi32, #tpu.memory_space<vmem>>
      %dma_start3A_77 = tpu.memref_squeeze %dma_start3A_76 : memref<1x128xi32, #tpu.memory_space<vmem>> -> memref<128xi32, #tpu.memory_space<vmem>>
      %dma_start3A_78 = arith.constant 0 : i32
      %dma_start3A_79 = tpu.memref_slice %arg2[%add3A_64, %dma_start3A_78] : memref<2592x128xi32, #tpu.memory_space<hbm>> -> memref<1x128xi32, #tpu.memory_space<hbm>>
      %dma_start3A_80 = tpu.memref_squeeze %dma_start3A_79 : memref<1x128xi32, #tpu.memory_space<hbm>> -> memref<128xi32, #tpu.memory_space<hbm>>
      tpu.enqueue_dma source(%dma_start3A_80 : memref<128xi32, #tpu.memory_space<hbm>>) target(%dma_start3A_77 : memref<128xi32, #tpu.memory_space<vmem>>) target_semaphore(%arg8 : memref<!tpu.dma_semaphore, #tpu.memory_space<semaphore_mem>>)
      %mul3A_81 = arith.constant 81 : i32
      %mul3A_82 = arith.muli %add3A, %mul3A_81 : i32
      %mul3A_83 = arith.constant 9 : i32
      %mul3A_84 = arith.muli %scan3A_34, %mul3A_83 : i32
      %add3A_85 = arith.addi %mul3A_82, %mul3A_84 : i32
      %add3A_86 = arith.constant 2 : i32
      %add3A_87 = arith.addi %add3A_85, %add3A_86 : i32
      %mul3A_88 = arith.constant 9 : i32
      %mul3A_89 = arith.muli %scan3A_34, %mul3A_88 : i32
      %add3A_90 = arith.constant 2 : i32
      %add3A_91 = arith.addi %mul3A_89, %add3A_90 : i32
      %dma_start3A_92 = arith.constant 0 : i32
      %dma_start3A_93 = tpu.memref_slice %arg4[%add3A_91, %dma_start3A_92] : memref<81x128xi32, #tpu.memory_space<vmem>> -> memref<1x128xi32, #tpu.memory_space<vmem>>
      %dma_start3A_94 = tpu.memref_squeeze %dma_start3A_93 : memref<1x128xi32, #tpu.memory_space<vmem>> -> memref<128xi32, #tpu.memory_space<vmem>>
      %dma_start3A_95 = arith.constant 0 : i32
      %dma_start3A_96 = tpu.memref_slice %arg2[%add3A_87, %dma_start3A_95] : memref<2592x128xi32, #tpu.memory_space<hbm>> -> memref<1x128xi32, #tpu.memory_space<hbm>>
      %dma_start3A_97 = tpu.memref_squeeze %dma_start3A_96 : memref<1x128xi32, #tpu.memory_space<hbm>> -> memref<128xi32, #tpu.memory_space<hbm>>
      %dma_start3A_98 = arith.constant 0 : i32
      %dma_start3A_99 = tpu.memref_slice %arg4[%add3A_91, %dma_start3A_98] : memref<81x128xi32, #tpu.memory_space<vmem>> -> memref<1x128xi32, #tpu.memory_space<vmem>>
      %dma_start3A_100 = tpu.memref_squeeze %dma_start3A_99 : memref<1x128xi32, #tpu.memory_space<vmem>> -> memref<128xi32, #tpu.memory_space<vmem>>
      %dma_start3A_101 = arith.constant 0 : i32
      %dma_start3A_102 = tpu.memref_slice %arg2[%add3A_87, %dma_start3A_101] : memref<2592x128xi32, #tpu.memory_space<hbm>> -> memref<1x128xi32, #tpu.memory_space<hbm>>
      %dma_start3A_103 = tpu.memref_squeeze %dma_start3A_102 : memref<1x128xi32, #tpu.memory_space<hbm>> -> memref<128xi32, #tpu.memory_space<hbm>>
      tpu.enqueue_dma source(%dma_start3A_103 : memref<128xi32, #tpu.memory_space<hbm>>) target(%dma_start3A_100 : memref<128xi32, #tpu.memory_space<vmem>>) target_semaphore(%arg8 : memref<!tpu.dma_semaphore, #tpu.memory_space<semaphore_mem>>)
      %mul3A_104 = arith.constant 81 : i32
      %mul3A_105 = arith.muli %add3A, %mul3A_104 : i32
      %mul3A_106 = arith.constant 9 : i32
      %mul3A_107 = arith.muli %scan3A_34, %mul3A_106 : i32
      %add3A_108 = arith.addi %mul3A_105, %mul3A_107 : i32
      %add3A_109 = arith.constant 3 : i32
      %add3A_110 = arith.addi %add3A_108, %add3A_109 : i32
      %mul3A_111 = arith.constant 9 : i32
      %mul3A_112 = arith.muli %scan3A_34, %mul3A_111 : i32
      %add3A_113 = arith.constant 3 : i32
      %add3A_114 = arith.addi %mul3A_112, %add3A_113 : i32
      %dma_start3A_115 = arith.constant 0 : i32
      %dma_start3A_116 = tpu.memref_slice %arg4[%add3A_114, %dma_start3A_115] : memref<81x128xi32, #tpu.memory_space<vmem>> -> memref<1x128xi32, #tpu.memory_space<vmem>>
      %dma_start3A_117 = tpu.memref_squeeze %dma_start3A_116 : memref<1x128xi32, #tpu.memory_space<vmem>> -> memref<128xi32, #tpu.memory_space<vmem>>
      %dma_start3A_118 = arith.constant 0 : i32
      %dma_start3A_119 = tpu.memref_slice %arg2[%add3A_110, %dma_start3A_118] : memref<2592x128xi32, #tpu.memory_space<hbm>> -> memref<1x128xi32, #tpu.memory_space<hbm>>
      %dma_start3A_120 = tpu.memref_squeeze %dma_start3A_119 : memref<1x128xi32, #tpu.memory_space<hbm>> -> memref<128xi32, #tpu.memory_space<hbm>>
      %dma_start3A_121 = arith.constant 0 : i32
      %dma_start3A_122 = tpu.memref_slice %arg4[%add3A_114, %dma_start3A_121] : memref<81x128xi32, #tpu.memory_space<vmem>> -> memref<1x128xi32, #tpu.memory_space<vmem>>
      %dma_start3A_123 = tpu.memref_squeeze %dma_start3A_122 : memref<1x128xi32, #tpu.memory_space<vmem>> -> memref<128xi32, #tpu.memory_space<vmem>>
      %dma_start3A_124 = arith.constant 0 : i32
      %dma_start3A_125 = tpu.memref_slice %arg2[%add3A_110, %dma_start3A_124] : memref<2592x128xi32, #tpu.memory_space<hbm>> -> memref<1x128xi32, #tpu.memory_space<hbm>>
      %dma_start3A_126 = tpu.memref_squeeze %dma_start3A_125 : memref<1x128xi32, #tpu.memory_space<hbm>> -> memref<128xi32, #tpu.memory_space<hbm>>
      tpu.enqueue_dma source(%dma_start3A_126 : memref<128xi32, #tpu.memory_space<hbm>>) target(%dma_start3A_123 : memref<128xi32, #tpu.memory_space<vmem>>) target_semaphore(%arg8 : memref<!tpu.dma_semaphore, #tpu.memory_space<semaphore_mem>>)
      %mul3A_127 = arith.constant 81 : i32
      %mul3A_128 = arith.muli %add3A, %mul3A_127 : i32
      %mul3A_129 = arith.constant 9 : i32
      %mul3A_130 = arith.muli %scan3A_34, %mul3A_129 : i32
      %add3A_131 = arith.addi %mul3A_128, %mul3A_130 : i32
      %add3A_132 = arith.constant 4 : i32
      %add3A_133 = arith.addi %add3A_131, %add3A_132 : i32
      %mul3A_134 = arith.constant 9 : i32
      %mul3A_135 = arith.muli %scan3A_34, %mul3A_134 : i32
      %add3A_136 = arith.constant 4 : i32
      %add3A_137 = arith.addi %mul3A_135, %add3A_136 : i32
      %dma_start3A_138 = arith.constant 0 : i32
      %dma_start3A_139 = tpu.memref_slice %arg4[%add3A_137, %dma_start3A_138] : memref<81x128xi32, #tpu.memory_space<vmem>> -> memref<1x128xi32, #tpu.memory_space<vmem>>
      %dma_start3A_140 = tpu.memref_squeeze %dma_start3A_139 : memref<1x128xi32, #tpu.memory_space<vmem>> -> memref<128xi32, #tpu.memory_space<vmem>>
      %dma_start3A_141 = arith.constant 0 : i32
      %dma_start3A_142 = tpu.memref_slice %arg2[%add3A_133, %dma_start3A_141] : memref<2592x128xi32, #tpu.memory_space<hbm>> -> memref<1x128xi32, #tpu.memory_space<hbm>>
      %dma_start3A_143 = tpu.memref_squeeze %dma_start3A_142 : memref<1x128xi32, #tpu.memory_space<hbm>> -> memref<128xi32, #tpu.memory_space<hbm>>
      %dma_start3A_144 = arith.constant 0 : i32
      %dma_start3A_145 = tpu.memref_slice %arg4[%add3A_137, %dma_start3A_144] : memref<81x128xi32, #tpu.memory_space<vmem>> -> memref<1x128xi32, #tpu.memory_space<vmem>>
      %dma_start3A_146 = tpu.memref_squeeze %dma_start3A_145 : memref<1x128xi32, #tpu.memory_space<vmem>> -> memref<128xi32, #tpu.memory_space<vmem>>
      %dma_start3A_147 = arith.constant 0 : i32
      %dma_start3A_148 = tpu.memref_slice %arg2[%add3A_133, %dma_start3A_147] : memref<2592x128xi32, #tpu.memory_space<hbm>> -> memref<1x128xi32, #tpu.memory_space<hbm>>
      %dma_start3A_149 = tpu.memref_squeeze %dma_start3A_148 : memref<1x128xi32, #tpu.memory_space<hbm>> -> memref<128xi32, #tpu.memory_space<hbm>>
      tpu.enqueue_dma source(%dma_start3A_149 : memref<128xi32, #tpu.memory_space<hbm>>) target(%dma_start3A_146 : memref<128xi32, #tpu.memory_space<vmem>>) target_semaphore(%arg8 : memref<!tpu.dma_semaphore, #tpu.memory_space<semaphore_mem>>)
      %mul3A_150 = arith.constant 81 : i32
      %mul3A_151 = arith.muli %add3A, %mul3A_150 : i32
      %mul3A_152 = arith.constant 9 : i32
      %mul3A_153 = arith.muli %scan3A_34, %mul3A_152 : i32
      %add3A_154 = arith.addi %mul3A_151, %mul3A_153 : i32
      %add3A_155 = arith.constant 5 : i32
      %add3A_156 = arith.addi %add3A_154, %add3A_155 : i32
      %mul3A_157 = arith.constant 9 : i32
      %mul3A_158 = arith.muli %scan3A_34, %mul3A_157 : i32
      %add3A_159 = arith.constant 5 : i32
      %add3A_160 = arith.addi %mul3A_158, %add3A_159 : i32
      %dma_start3A_161 = arith.constant 0 : i32
      %dma_start3A_162 = tpu.memref_slice %arg4[%add3A_160, %dma_start3A_161] : memref<81x128xi32, #tpu.memory_space<vmem>> -> memref<1x128xi32, #tpu.memory_space<vmem>>
      %dma_start3A_163 = tpu.memref_squeeze %dma_start3A_162 : memref<1x128xi32, #tpu.memory_space<vmem>> -> memref<128xi32, #tpu.memory_space<vmem>>
      %dma_start3A_164 = arith.constant 0 : i32
      %dma_start3A_165 = tpu.memref_slice %arg2[%add3A_156, %dma_start3A_164] : memref<2592x128xi32, #tpu.memory_space<hbm>> -> memref<1x128xi32, #tpu.memory_space<hbm>>
      %dma_start3A_166 = tpu.memref_squeeze %dma_start3A_165 : memref<1x128xi32, #tpu.memory_space<hbm>> -> memref<128xi32, #tpu.memory_space<hbm>>
      %dma_start3A_167 = arith.constant 0 : i32
      %dma_start3A_168 = tpu.memref_slice %arg4[%add3A_160, %dma_start3A_167] : memref<81x128xi32, #tpu.memory_space<vmem>> -> memref<1x128xi32, #tpu.memory_space<vmem>>
      %dma_start3A_169 = tpu.memref_squeeze %dma_start3A_168 : memref<1x128xi32, #tpu.memory_space<vmem>> -> memref<128xi32, #tpu.memory_space<vmem>>
      %dma_start3A_170 = arith.constant 0 : i32
      %dma_start3A_171 = tpu.memref_slice %arg2[%add3A_156, %dma_start3A_170] : memref<2592x128xi32, #tpu.memory_space<hbm>> -> memref<1x128xi32, #tpu.memory_space<hbm>>
      %dma_start3A_172 = tpu.memref_squeeze %dma_start3A_171 : memref<1x128xi32, #tpu.memory_space<hbm>> -> memref<128xi32, #tpu.memory_space<hbm>>
      tpu.enqueue_dma source(%dma_start3A_172 : memref<128xi32, #tpu.memory_space<hbm>>) target(%dma_start3A_169 : memref<128xi32, #tpu.memory_space<vmem>>) target_semaphore(%arg8 : memref<!tpu.dma_semaphore, #tpu.memory_space<semaphore_mem>>)
      %mul3A_173 = arith.constant 81 : i32
      %mul3A_174 = arith.muli %add3A, %mul3A_173 : i32
      %mul3A_175 = arith.constant 9 : i32
      %mul3A_176 = arith.muli %scan3A_34, %mul3A_175 : i32
      %add3A_177 = arith.addi %mul3A_174, %mul3A_176 : i32
      %add3A_178 = arith.constant 6 : i32
      %add3A_179 = arith.addi %add3A_177, %add3A_178 : i32
      %mul3A_180 = arith.constant 9 : i32
      %mul3A_181 = arith.muli %scan3A_34, %mul3A_180 : i32
      %add3A_182 = arith.constant 6 : i32
      %add3A_183 = arith.addi %mul3A_181, %add3A_182 : i32
      %dma_start3A_184 = arith.constant 0 : i32
      %dma_start3A_185 = tpu.memref_slice %arg4[%add3A_183, %dma_start3A_184] : memref<81x128xi32, #tpu.memory_space<vmem>> -> memref<1x128xi32, #tpu.memory_space<vmem>>
      %dma_start3A_186 = tpu.memref_squeeze %dma_start3A_185 : memref<1x128xi32, #tpu.memory_space<vmem>> -> memref<128xi32, #tpu.memory_space<vmem>>
      %dma_start3A_187 = arith.constant 0 : i32
      %dma_start3A_188 = tpu.memref_slice %arg2[%add3A_179, %dma_start3A_187] : memref<2592x128xi32, #tpu.memory_space<hbm>> -> memref<1x128xi32, #tpu.memory_space<hbm>>
      %dma_start3A_189 = tpu.memref_squeeze %dma_start3A_188 : memref<1x128xi32, #tpu.memory_space<hbm>> -> memref<128xi32, #tpu.memory_space<hbm>>
      %dma_start3A_190 = arith.constant 0 : i32
      %dma_start3A_191 = tpu.memref_slice %arg4[%add3A_183, %dma_start3A_190] : memref<81x128xi32, #tpu.memory_space<vmem>> -> memref<1x128xi32, #tpu.memory_space<vmem>>
      %dma_start3A_192 = tpu.memref_squeeze %dma_start3A_191 : memref<1x128xi32, #tpu.memory_space<vmem>> -> memref<128xi32, #tpu.memory_space<vmem>>
      %dma_start3A_193 = arith.constant 0 : i32
      %dma_start3A_194 = tpu.memref_slice %arg2[%add3A_179, %dma_start3A_193] : memref<2592x128xi32, #tpu.memory_space<hbm>> -> memref<1x128xi32, #tpu.memory_space<hbm>>
      %dma_start3A_195 = tpu.memref_squeeze %dma_start3A_194 : memref<1x128xi32, #tpu.memory_space<hbm>> -> memref<128xi32, #tpu.memory_space<hbm>>
      tpu.enqueue_dma source(%dma_start3A_195 : memref<128xi32, #tpu.memory_space<hbm>>) target(%dma_start3A_192 : memref<128xi32, #tpu.memory_space<vmem>>) target_semaphore(%arg8 : memref<!tpu.dma_semaphore, #tpu.memory_space<semaphore_mem>>)
      %mul3A_196 = arith.constant 81 : i32
      %mul3A_197 = arith.muli %add3A, %mul3A_196 : i32
      %mul3A_198 = arith.constant 9 : i32
      %mul3A_199 = arith.muli %scan3A_34, %mul3A_198 : i32
      %add3A_200 = arith.addi %mul3A_197, %mul3A_199 : i32
      %add3A_201 = arith.constant 7 : i32
      %add3A_202 = arith.addi %add3A_200, %add3A_201 : i32
      %mul3A_203 = arith.constant 9 : i32
      %mul3A_204 = arith.muli %scan3A_34, %mul3A_203 : i32
      %add3A_205 = arith.constant 7 : i32
      %add3A_206 = arith.addi %mul3A_204, %add3A_205 : i32
      %dma_start3A_207 = arith.constant 0 : i32
      %dma_start3A_208 = tpu.memref_slice %arg4[%add3A_206, %dma_start3A_207] : memref<81x128xi32, #tpu.memory_space<vmem>> -> memref<1x128xi32, #tpu.memory_space<vmem>>
      %dma_start3A_209 = tpu.memref_squeeze %dma_start3A_208 : memref<1x128xi32, #tpu.memory_space<vmem>> -> memref<128xi32, #tpu.memory_space<vmem>>
      %dma_start3A_210 = arith.constant 0 : i32
      %dma_start3A_211 = tpu.memref_slice %arg2[%add3A_202, %dma_start3A_210] : memref<2592x128xi32, #tpu.memory_space<hbm>> -> memref<1x128xi32, #tpu.memory_space<hbm>>
      %dma_start3A_212 = tpu.memref_squeeze %dma_start3A_211 : memref<1x128xi32, #tpu.memory_space<hbm>> -> memref<128xi32, #tpu.memory_space<hbm>>
      %dma_start3A_213 = arith.constant 0 : i32
      %dma_start3A_214 = tpu.memref_slice %arg4[%add3A_206, %dma_start3A_213] : memref<81x128xi32, #tpu.memory_space<vmem>> -> memref<1x128xi32, #tpu.memory_space<vmem>>
      %dma_start3A_215 = tpu.memref_squeeze %dma_start3A_214 : memref<1x128xi32, #tpu.memory_space<vmem>> -> memref<128xi32, #tpu.memory_space<vmem>>
      %dma_start3A_216 = arith.constant 0 : i32
      %dma_start3A_217 = tpu.memref_slice %arg2[%add3A_202, %dma_start3A_216] : memref<2592x128xi32, #tpu.memory_space<hbm>> -> memref<1x128xi32, #tpu.memory_space<hbm>>
      %dma_start3A_218 = tpu.memref_squeeze %dma_start3A_217 : memref<1x128xi32, #tpu.memory_space<hbm>> -> memref<128xi32, #tpu.memory_space<hbm>>
      tpu.enqueue_dma source(%dma_start3A_218 : memref<128xi32, #tpu.memory_space<hbm>>) target(%dma_start3A_215 : memref<128xi32, #tpu.memory_space<vmem>>) target_semaphore(%arg8 : memref<!tpu.dma_semaphore, #tpu.memory_space<semaphore_mem>>)
      %mul3A_219 = arith.constant 81 : i32
      %mul3A_220 = arith.muli %add3A, %mul3A_219 : i32
      %mul3A_221 = arith.constant 9 : i32
      %mul3A_222 = arith.muli %scan3A_34, %mul3A_221 : i32
      %add3A_223 = arith.addi %mul3A_220, %mul3A_222 : i32
      %add3A_224 = arith.constant 8 : i32
      %add3A_225 = arith.addi %add3A_223, %add3A_224 : i32
      %mul3A_226 = arith.constant 9 : i32
      %mul3A_227 = arith.muli %scan3A_34, %mul3A_226 : i32
      %add3A_228 = arith.constant 8 : i32
      %add3A_229 = arith.addi %mul3A_227, %add3A_228 : i32
      %dma_start3A_230 = arith.constant 0 : i32
      %dma_start3A_231 = tpu.memref_slice %arg4[%add3A_229, %dma_start3A_230] : memref<81x128xi32, #tpu.memory_space<vmem>> -> memref<1x128xi32, #tpu.memory_space<vmem>>
      %dma_start3A_232 = tpu.memref_squeeze %dma_start3A_231 : memref<1x128xi32, #tpu.memory_space<vmem>> -> memref<128xi32, #tpu.memory_space<vmem>>
      %dma_start3A_233 = arith.constant 0 : i32
      %dma_start3A_234 = tpu.memref_slice %arg2[%add3A_225, %dma_start3A_233] : memref<2592x128xi32, #tpu.memory_space<hbm>> -> memref<1x128xi32, #tpu.memory_space<hbm>>
      %dma_start3A_235 = tpu.memref_squeeze %dma_start3A_234 : memref<1x128xi32, #tpu.memory_space<hbm>> -> memref<128xi32, #tpu.memory_space<hbm>>
      %dma_start3A_236 = arith.constant 0 : i32
      %dma_start3A_237 = tpu.memref_slice %arg4[%add3A_229, %dma_start3A_236] : memref<81x128xi32, #tpu.memory_space<vmem>> -> memref<1x128xi32, #tpu.memory_space<vmem>>
      %dma_start3A_238 = tpu.memref_squeeze %dma_start3A_237 : memref<1x128xi32, #tpu.memory_space<vmem>> -> memref<128xi32, #tpu.memory_space<vmem>>
      %dma_start3A_239 = arith.constant 0 : i32
      %dma_start3A_240 = tpu.memref_slice %arg2[%add3A_225, %dma_start3A_239] : memref<2592x128xi32, #tpu.memory_space<hbm>> -> memref<1x128xi32, #tpu.memory_space<hbm>>
      %dma_start3A_241 = tpu.memref_squeeze %dma_start3A_240 : memref<1x128xi32, #tpu.memory_space<hbm>> -> memref<128xi32, #tpu.memory_space<hbm>>
      tpu.enqueue_dma source(%dma_start3A_241 : memref<128xi32, #tpu.memory_space<hbm>>) target(%dma_start3A_238 : memref<128xi32, #tpu.memory_space<vmem>>) target_semaphore(%arg8 : memref<!tpu.dma_semaphore, #tpu.memory_space<semaphore_mem>>)
      %mul3A_242 = arith.constant 81 : i32
      %mul3A_243 = arith.muli %add3A, %mul3A_242 : i32
      %mul3A_244 = arith.constant 9 : i32
      %mul3A_245 = arith.muli %scan3A_34, %mul3A_244 : i32
      %add3A_246 = arith.addi %mul3A_243, %mul3A_245 : i32
      %add3A_247 = arith.constant 0 : i32
      %add3A_248 = arith.addi %add3A_246, %add3A_247 : i32
      %mul3A_249 = arith.constant 9 : i32
      %mul3A_250 = arith.muli %scan3A_34, %mul3A_249 : i32
      %add3A_251 = arith.constant 0 : i32
      %add3A_252 = arith.addi %mul3A_250, %add3A_251 : i32
      %dma_wait3A = arith.constant 0 : i32
      %dma_wait3A_253 = tpu.memref_slice %arg4[%add3A_252, %dma_wait3A] : memref<81x128xi32, #tpu.memory_space<vmem>> -> memref<1x128xi32, #tpu.memory_space<vmem>>
      %dma_wait3A_254 = tpu.memref_squeeze %dma_wait3A_253 : memref<1x128xi32, #tpu.memory_space<vmem>> -> memref<128xi32, #tpu.memory_space<vmem>>
      %dma_wait3A_255 = arith.constant 0 : i32
      %dma_wait3A_256 = tpu.memref_slice %arg2[%add3A_248, %dma_wait3A_255] : memref<2592x128xi32, #tpu.memory_space<hbm>> -> memref<1x128xi32, #tpu.memory_space<hbm>>
      %dma_wait3A_257 = tpu.memref_squeeze %dma_wait3A_256 : memref<1x128xi32, #tpu.memory_space<hbm>> -> memref<128xi32, #tpu.memory_space<hbm>>
      %dma_wait3A_258 = arith.constant 0 : i32
      %dma_wait3A_259 = tpu.memref_slice %arg4[%add3A_252, %dma_wait3A_258] : memref<81x128xi32, #tpu.memory_space<vmem>> -> memref<1x128xi32, #tpu.memory_space<vmem>>
      %dma_wait3A_260 = tpu.memref_squeeze %dma_wait3A_259 : memref<1x128xi32, #tpu.memory_space<vmem>> -> memref<128xi32, #tpu.memory_space<vmem>>
      %dma_wait3A_261 = arith.constant 0 : i32
      %dma_wait3A_262 = tpu.memref_slice %arg2[%add3A_248, %dma_wait3A_261] : memref<2592x128xi32, #tpu.memory_space<hbm>> -> memref<1x128xi32, #tpu.memory_space<hbm>>
      %dma_wait3A_263 = tpu.memref_squeeze %dma_wait3A_262 : memref<1x128xi32, #tpu.memory_space<hbm>> -> memref<128xi32, #tpu.memory_space<hbm>>
      tpu.wait_dma2 semaphore(%arg8 : memref<!tpu.dma_semaphore, #tpu.memory_space<semaphore_mem>>) src(%dma_wait3A_263 : memref<128xi32, #tpu.memory_space<hbm>>) dst(%dma_wait3A_260 : memref<128xi32, #tpu.memory_space<vmem>>)
      %mul3A_264 = arith.constant 81 : i32
      %mul3A_265 = arith.muli %add3A, %mul3A_264 : i32
      %mul3A_266 = arith.constant 9 : i32
      %mul3A_267 = arith.muli %scan3A_34, %mul3A_266 : i32
      %add3A_268 = arith.addi %mul3A_265, %mul3A_267 : i32
      %add3A_269 = arith.constant 1 : i32
      %add3A_270 = arith.addi %add3A_268, %add3A_269 : i32
      %mul3A_271 = arith.constant 9 : i32
      %mul3A_272 = arith.muli %scan3A_34, %mul3A_271 : i32
      %add3A_273 = arith.constant 1 : i32
      %add3A_274 = arith.addi %mul3A_272, %add3A_273 : i32
      %dma_wait3A_275 = arith.constant 0 : i32
      %dma_wait3A_276 = tpu.memref_slice %arg4[%add3A_274, %dma_wait3A_275] : memref<81x128xi32, #tpu.memory_space<vmem>> -> memref<1x128xi32, #tpu.memory_space<vmem>>
      %dma_wait3A_277 = tpu.memref_squeeze %dma_wait3A_276 : memref<1x128xi32, #tpu.memory_space<vmem>> -> memref<128xi32, #tpu.memory_space<vmem>>
      %dma_wait3A_278 = arith.constant 0 : i32
      %dma_wait3A_279 = tpu.memref_slice %arg2[%add3A_270, %dma_wait3A_278] : memref<2592x128xi32, #tpu.memory_space<hbm>> -> memref<1x128xi32, #tpu.memory_space<hbm>>
      %dma_wait3A_280 = tpu.memref_squeeze %dma_wait3A_279 : memref<1x128xi32, #tpu.memory_space<hbm>> -> memref<128xi32, #tpu.memory_space<hbm>>
      %dma_wait3A_281 = arith.constant 0 : i32
      %dma_wait3A_282 = tpu.memref_slice %arg4[%add3A_274, %dma_wait3A_281] : memref<81x128xi32, #tpu.memory_space<vmem>> -> memref<1x128xi32, #tpu.memory_space<vmem>>
      %dma_wait3A_283 = tpu.memref_squeeze %dma_wait3A_282 : memref<1x128xi32, #tpu.memory_space<vmem>> -> memref<128xi32, #tpu.memory_space<vmem>>
      %dma_wait3A_284 = arith.constant 0 : i32
      %dma_wait3A_285 = tpu.memref_slice %arg2[%add3A_270, %dma_wait3A_284] : memref<2592x128xi32, #tpu.memory_space<hbm>> -> memref<1x128xi32, #tpu.memory_space<hbm>>
      %dma_wait3A_286 = tpu.memref_squeeze %dma_wait3A_285 : memref<1x128xi32, #tpu.memory_space<hbm>> -> memref<128xi32, #tpu.memory_space<hbm>>
      tpu.wait_dma2 semaphore(%arg8 : memref<!tpu.dma_semaphore, #tpu.memory_space<semaphore_mem>>) src(%dma_wait3A_286 : memref<128xi32, #tpu.memory_space<hbm>>) dst(%dma_wait3A_283 : memref<128xi32, #tpu.memory_space<vmem>>)
      %mul3A_287 = arith.constant 81 : i32
      %mul3A_288 = arith.muli %add3A, %mul3A_287 : i32
      %mul3A_289 = arith.constant 9 : i32
      %mul3A_290 = arith.muli %scan3A_34, %mul3A_289 : i32
      %add3A_291 = arith.addi %mul3A_288, %mul3A_290 : i32
      %add3A_292 = arith.constant 2 : i32
      %add3A_293 = arith.addi %add3A_291, %add3A_292 : i32
      %mul3A_294 = arith.constant 9 : i32
      %mul3A_295 = arith.muli %scan3A_34, %mul3A_294 : i32
      %add3A_296 = arith.constant 2 : i32
      %add3A_297 = arith.addi %mul3A_295, %add3A_296 : i32
      %dma_wait3A_298 = arith.constant 0 : i32
      %dma_wait3A_299 = tpu.memref_slice %arg4[%add3A_297, %dma_wait3A_298] : memref<81x128xi32, #tpu.memory_space<vmem>> -> memref<1x128xi32, #tpu.memory_space<vmem>>
      %dma_wait3A_300 = tpu.memref_squeeze %dma_wait3A_299 : memref<1x128xi32, #tpu.memory_space<vmem>> -> memref<128xi32, #tpu.memory_space<vmem>>
      %dma_wait3A_301 = arith.constant 0 : i32
      %dma_wait3A_302 = tpu.memref_slice %arg2[%add3A_293, %dma_wait3A_301] : memref<2592x128xi32, #tpu.memory_space<hbm>> -> memref<1x128xi32, #tpu.memory_space<hbm>>
      %dma_wait3A_303 = tpu.memref_squeeze %dma_wait3A_302 : memref<1x128xi32, #tpu.memory_space<hbm>> -> memref<128xi32, #tpu.memory_space<hbm>>
      %dma_wait3A_304 = arith.constant 0 : i32
      %dma_wait3A_305 = tpu.memref_slice %arg4[%add3A_297, %dma_wait3A_304] : memref<81x128xi32, #tpu.memory_space<vmem>> -> memref<1x128xi32, #tpu.memory_space<vmem>>
      %dma_wait3A_306 = tpu.memref_squeeze %dma_wait3A_305 : memref<1x128xi32, #tpu.memory_space<vmem>> -> memref<128xi32, #tpu.memory_space<vmem>>
      %dma_wait3A_307 = arith.constant 0 : i32
      %dma_wait3A_308 = tpu.memref_slice %arg2[%add3A_293, %dma_wait3A_307] : memref<2592x128xi32, #tpu.memory_space<hbm>> -> memref<1x128xi32, #tpu.memory_space<hbm>>
      %dma_wait3A_309 = tpu.memref_squeeze %dma_wait3A_308 : memref<1x128xi32, #tpu.memory_space<hbm>> -> memref<128xi32, #tpu.memory_space<hbm>>
      tpu.wait_dma2 semaphore(%arg8 : memref<!tpu.dma_semaphore, #tpu.memory_space<semaphore_mem>>) src(%dma_wait3A_309 : memref<128xi32, #tpu.memory_space<hbm>>) dst(%dma_wait3A_306 : memref<128xi32, #tpu.memory_space<vmem>>)
      %mul3A_310 = arith.constant 81 : i32
      %mul3A_311 = arith.muli %add3A, %mul3A_310 : i32
      %mul3A_312 = arith.constant 9 : i32
      %mul3A_313 = arith.muli %scan3A_34, %mul3A_312 : i32
      %add3A_314 = arith.addi %mul3A_311, %mul3A_313 : i32
      %add3A_315 = arith.constant 3 : i32
      %add3A_316 = arith.addi %add3A_314, %add3A_315 : i32
      %mul3A_317 = arith.constant 9 : i32
      %mul3A_318 = arith.muli %scan3A_34, %mul3A_317 : i32
      %add3A_319 = arith.constant 3 : i32
      %add3A_320 = arith.addi %mul3A_318, %add3A_319 : i32
      %dma_wait3A_321 = arith.constant 0 : i32
      %dma_wait3A_322 = tpu.memref_slice %arg4[%add3A_320, %dma_wait3A_321] : memref<81x128xi32, #tpu.memory_space<vmem>> -> memref<1x128xi32, #tpu.memory_space<vmem>>
      %dma_wait3A_323 = tpu.memref_squeeze %dma_wait3A_322 : memref<1x128xi32, #tpu.memory_space<vmem>> -> memref<128xi32, #tpu.memory_space<vmem>>
      %dma_wait3A_324 = arith.constant 0 : i32
      %dma_wait3A_325 = tpu.memref_slice %arg2[%add3A_316, %dma_wait3A_324] : memref<2592x128xi32, #tpu.memory_space<hbm>> -> memref<1x128xi32, #tpu.memory_space<hbm>>
      %dma_wait3A_326 = tpu.memref_squeeze %dma_wait3A_325 : memref<1x128xi32, #tpu.memory_space<hbm>> -> memref<128xi32, #tpu.memory_space<hbm>>
      %dma_wait3A_327 = arith.constant 0 : i32
      %dma_wait3A_328 = tpu.memref_slice %arg4[%add3A_320, %dma_wait3A_327] : memref<81x128xi32, #tpu.memory_space<vmem>> -> memref<1x128xi32, #tpu.memory_space<vmem>>
      %dma_wait3A_329 = tpu.memref_squeeze %dma_wait3A_328 : memref<1x128xi32, #tpu.memory_space<vmem>> -> memref<128xi32, #tpu.memory_space<vmem>>
      %dma_wait3A_330 = arith.constant 0 : i32
      %dma_wait3A_331 = tpu.memref_slice %arg2[%add3A_316, %dma_wait3A_330] : memref<2592x128xi32, #tpu.memory_space<hbm>> -> memref<1x128xi32, #tpu.memory_space<hbm>>
      %dma_wait3A_332 = tpu.memref_squeeze %dma_wait3A_331 : memref<1x128xi32, #tpu.memory_space<hbm>> -> memref<128xi32, #tpu.memory_space<hbm>>
      tpu.wait_dma2 semaphore(%arg8 : memref<!tpu.dma_semaphore, #tpu.memory_space<semaphore_mem>>) src(%dma_wait3A_332 : memref<128xi32, #tpu.memory_space<hbm>>) dst(%dma_wait3A_329 : memref<128xi32, #tpu.memory_space<vmem>>)
      %mul3A_333 = arith.constant 81 : i32
      %mul3A_334 = arith.muli %add3A, %mul3A_333 : i32
      %mul3A_335 = arith.constant 9 : i32
      %mul3A_336 = arith.muli %scan3A_34, %mul3A_335 : i32
      %add3A_337 = arith.addi %mul3A_334, %mul3A_336 : i32
      %add3A_338 = arith.constant 4 : i32
      %add3A_339 = arith.addi %add3A_337, %add3A_338 : i32
      %mul3A_340 = arith.constant 9 : i32
      %mul3A_341 = arith.muli %scan3A_34, %mul3A_340 : i32
      %add3A_342 = arith.constant 4 : i32
      %add3A_343 = arith.addi %mul3A_341, %add3A_342 : i32
      %dma_wait3A_344 = arith.constant 0 : i32
      %dma_wait3A_345 = tpu.memref_slice %arg4[%add3A_343, %dma_wait3A_344] : memref<81x128xi32, #tpu.memory_space<vmem>> -> memref<1x128xi32, #tpu.memory_space<vmem>>
      %dma_wait3A_346 = tpu.memref_squeeze %dma_wait3A_345 : memref<1x128xi32, #tpu.memory_space<vmem>> -> memref<128xi32, #tpu.memory_space<vmem>>
      %dma_wait3A_347 = arith.constant 0 : i32
      %dma_wait3A_348 = tpu.memref_slice %arg2[%add3A_339, %dma_wait3A_347] : memref<2592x128xi32, #tpu.memory_space<hbm>> -> memref<1x128xi32, #tpu.memory_space<hbm>>
      %dma_wait3A_349 = tpu.memref_squeeze %dma_wait3A_348 : memref<1x128xi32, #tpu.memory_space<hbm>> -> memref<128xi32, #tpu.memory_space<hbm>>
      %dma_wait3A_350 = arith.constant 0 : i32
      %dma_wait3A_351 = tpu.memref_slice %arg4[%add3A_343, %dma_wait3A_350] : memref<81x128xi32, #tpu.memory_space<vmem>> -> memref<1x128xi32, #tpu.memory_space<vmem>>
      %dma_wait3A_352 = tpu.memref_squeeze %dma_wait3A_351 : memref<1x128xi32, #tpu.memory_space<vmem>> -> memref<128xi32, #tpu.memory_space<vmem>>
      %dma_wait3A_353 = arith.constant 0 : i32
      %dma_wait3A_354 = tpu.memref_slice %arg2[%add3A_339, %dma_wait3A_353] : memref<2592x128xi32, #tpu.memory_space<hbm>> -> memref<1x128xi32, #tpu.memory_space<hbm>>
      %dma_wait3A_355 = tpu.memref_squeeze %dma_wait3A_354 : memref<1x128xi32, #tpu.memory_space<hbm>> -> memref<128xi32, #tpu.memory_space<hbm>>
      tpu.wait_dma2 semaphore(%arg8 : memref<!tpu.dma_semaphore, #tpu.memory_space<semaphore_mem>>) src(%dma_wait3A_355 : memref<128xi32, #tpu.memory_space<hbm>>) dst(%dma_wait3A_352 : memref<128xi32, #tpu.memory_space<vmem>>)
      %mul3A_356 = arith.constant 81 : i32
      %mul3A_357 = arith.muli %add3A, %mul3A_356 : i32
      %mul3A_358 = arith.constant 9 : i32
      %mul3A_359 = arith.muli %scan3A_34, %mul3A_358 : i32
      %add3A_360 = arith.addi %mul3A_357, %mul3A_359 : i32
      %add3A_361 = arith.constant 5 : i32
      %add3A_362 = arith.addi %add3A_360, %add3A_361 : i32
      %mul3A_363 = arith.constant 9 : i32
      %mul3A_364 = arith.muli %scan3A_34, %mul3A_363 : i32
      %add3A_365 = arith.constant 5 : i32
      %add3A_366 = arith.addi %mul3A_364, %add3A_365 : i32
      %dma_wait3A_367 = arith.constant 0 : i32
      %dma_wait3A_368 = tpu.memref_slice %arg4[%add3A_366, %dma_wait3A_367] : memref<81x128xi32, #tpu.memory_space<vmem>> -> memref<1x128xi32, #tpu.memory_space<vmem>>
      %dma_wait3A_369 = tpu.memref_squeeze %dma_wait3A_368 : memref<1x128xi32, #tpu.memory_space<vmem>> -> memref<128xi32, #tpu.memory_space<vmem>>
      %dma_wait3A_370 = arith.constant 0 : i32
      %dma_wait3A_371 = tpu.memref_slice %arg2[%add3A_362, %dma_wait3A_370] : memref<2592x128xi32, #tpu.memory_space<hbm>> -> memref<1x128xi32, #tpu.memory_space<hbm>>
      %dma_wait3A_372 = tpu.memref_squeeze %dma_wait3A_371 : memref<1x128xi32, #tpu.memory_space<hbm>> -> memref<128xi32, #tpu.memory_space<hbm>>
      %dma_wait3A_373 = arith.constant 0 : i32
      %dma_wait3A_374 = tpu.memref_slice %arg4[%add3A_366, %dma_wait3A_373] : memref<81x128xi32, #tpu.memory_space<vmem>> -> memref<1x128xi32, #tpu.memory_space<vmem>>
      %dma_wait3A_375 = tpu.memref_squeeze %dma_wait3A_374 : memref<1x128xi32, #tpu.memory_space<vmem>> -> memref<128xi32, #tpu.memory_space<vmem>>
      %dma_wait3A_376 = arith.constant 0 : i32
      %dma_wait3A_377 = tpu.memref_slice %arg2[%add3A_362, %dma_wait3A_376] : memref<2592x128xi32, #tpu.memory_space<hbm>> -> memref<1x128xi32, #tpu.memory_space<hbm>>
      %dma_wait3A_378 = tpu.memref_squeeze %dma_wait3A_377 : memref<1x128xi32, #tpu.memory_space<hbm>> -> memref<128xi32, #tpu.memory_space<hbm>>
      tpu.wait_dma2 semaphore(%arg8 : memref<!tpu.dma_semaphore, #tpu.memory_space<semaphore_mem>>) src(%dma_wait3A_378 : memref<128xi32, #tpu.memory_space<hbm>>) dst(%dma_wait3A_375 : memref<128xi32, #tpu.memory_space<vmem>>)
      %mul3A_379 = arith.constant 81 : i32
      %mul3A_380 = arith.muli %add3A, %mul3A_379 : i32
      %mul3A_381 = arith.constant 9 : i32
      %mul3A_382 = arith.muli %scan3A_34, %mul3A_381 : i32
      %add3A_383 = arith.addi %mul3A_380, %mul3A_382 : i32
      %add3A_384 = arith.constant 6 : i32
      %add3A_385 = arith.addi %add3A_383, %add3A_384 : i32
      %mul3A_386 = arith.constant 9 : i32
      %mul3A_387 = arith.muli %scan3A_34, %mul3A_386 : i32
      %add3A_388 = arith.constant 6 : i32
      %add3A_389 = arith.addi %mul3A_387, %add3A_388 : i32
      %dma_wait3A_390 = arith.constant 0 : i32
      %dma_wait3A_391 = tpu.memref_slice %arg4[%add3A_389, %dma_wait3A_390] : memref<81x128xi32, #tpu.memory_space<vmem>> -> memref<1x128xi32, #tpu.memory_space<vmem>>
      %dma_wait3A_392 = tpu.memref_squeeze %dma_wait3A_391 : memref<1x128xi32, #tpu.memory_space<vmem>> -> memref<128xi32, #tpu.memory_space<vmem>>
      %dma_wait3A_393 = arith.constant 0 : i32
      %dma_wait3A_394 = tpu.memref_slice %arg2[%add3A_385, %dma_wait3A_393] : memref<2592x128xi32, #tpu.memory_space<hbm>> -> memref<1x128xi32, #tpu.memory_space<hbm>>
      %dma_wait3A_395 = tpu.memref_squeeze %dma_wait3A_394 : memref<1x128xi32, #tpu.memory_space<hbm>> -> memref<128xi32, #tpu.memory_space<hbm>>
      %dma_wait3A_396 = arith.constant 0 : i32
      %dma_wait3A_397 = tpu.memref_slice %arg4[%add3A_389, %dma_wait3A_396] : memref<81x128xi32, #tpu.memory_space<vmem>> -> memref<1x128xi32, #tpu.memory_space<vmem>>
      %dma_wait3A_398 = tpu.memref_squeeze %dma_wait3A_397 : memref<1x128xi32, #tpu.memory_space<vmem>> -> memref<128xi32, #tpu.memory_space<vmem>>
      %dma_wait3A_399 = arith.constant 0 : i32
      %dma_wait3A_400 = tpu.memref_slice %arg2[%add3A_385, %dma_wait3A_399] : memref<2592x128xi32, #tpu.memory_space<hbm>> -> memref<1x128xi32, #tpu.memory_space<hbm>>
      %dma_wait3A_401 = tpu.memref_squeeze %dma_wait3A_400 : memref<1x128xi32, #tpu.memory_space<hbm>> -> memref<128xi32, #tpu.memory_space<hbm>>
      tpu.wait_dma2 semaphore(%arg8 : memref<!tpu.dma_semaphore, #tpu.memory_space<semaphore_mem>>) src(%dma_wait3A_401 : memref<128xi32, #tpu.memory_space<hbm>>) dst(%dma_wait3A_398 : memref<128xi32, #tpu.memory_space<vmem>>)
      %mul3A_402 = arith.constant 81 : i32
      %mul3A_403 = arith.muli %add3A, %mul3A_402 : i32
      %mul3A_404 = arith.constant 9 : i32
      %mul3A_405 = arith.muli %scan3A_34, %mul3A_404 : i32
      %add3A_406 = arith.addi %mul3A_403, %mul3A_405 : i32
      %add3A_407 = arith.constant 7 : i32
      %add3A_408 = arith.addi %add3A_406, %add3A_407 : i32
      %mul3A_409 = arith.constant 9 : i32
      %mul3A_410 = arith.muli %scan3A_34, %mul3A_409 : i32
      %add3A_411 = arith.constant 7 : i32
      %add3A_412 = arith.addi %mul3A_410, %add3A_411 : i32
      %dma_wait3A_413 = arith.constant 0 : i32
      %dma_wait3A_414 = tpu.memref_slice %arg4[%add3A_412, %dma_wait3A_413] : memref<81x128xi32, #tpu.memory_space<vmem>> -> memref<1x128xi32, #tpu.memory_space<vmem>>
      %dma_wait3A_415 = tpu.memref_squeeze %dma_wait3A_414 : memref<1x128xi32, #tpu.memory_space<vmem>> -> memref<128xi32, #tpu.memory_space<vmem>>
      %dma_wait3A_416 = arith.constant 0 : i32
      %dma_wait3A_417 = tpu.memref_slice %arg2[%add3A_408, %dma_wait3A_416] : memref<2592x128xi32, #tpu.memory_space<hbm>> -> memref<1x128xi32, #tpu.memory_space<hbm>>
      %dma_wait3A_418 = tpu.memref_squeeze %dma_wait3A_417 : memref<1x128xi32, #tpu.memory_space<hbm>> -> memref<128xi32, #tpu.memory_space<hbm>>
      %dma_wait3A_419 = arith.constant 0 : i32
      %dma_wait3A_420 = tpu.memref_slice %arg4[%add3A_412, %dma_wait3A_419] : memref<81x128xi32, #tpu.memory_space<vmem>> -> memref<1x128xi32, #tpu.memory_space<vmem>>
      %dma_wait3A_421 = tpu.memref_squeeze %dma_wait3A_420 : memref<1x128xi32, #tpu.memory_space<vmem>> -> memref<128xi32, #tpu.memory_space<vmem>>
      %dma_wait3A_422 = arith.constant 0 : i32
      %dma_wait3A_423 = tpu.memref_slice %arg2[%add3A_408, %dma_wait3A_422] : memref<2592x128xi32, #tpu.memory_space<hbm>> -> memref<1x128xi32, #tpu.memory_space<hbm>>
      %dma_wait3A_424 = tpu.memref_squeeze %dma_wait3A_423 : memref<1x128xi32, #tpu.memory_space<hbm>> -> memref<128xi32, #tpu.memory_space<hbm>>
      tpu.wait_dma2 semaphore(%arg8 : memref<!tpu.dma_semaphore, #tpu.memory_space<semaphore_mem>>) src(%dma_wait3A_424 : memref<128xi32, #tpu.memory_space<hbm>>) dst(%dma_wait3A_421 : memref<128xi32, #tpu.memory_space<vmem>>)
      %mul3A_425 = arith.constant 81 : i32
      %mul3A_426 = arith.muli %add3A, %mul3A_425 : i32
      %mul3A_427 = arith.constant 9 : i32
      %mul3A_428 = arith.muli %scan3A_34, %mul3A_427 : i32
      %add3A_429 = arith.addi %mul3A_426, %mul3A_428 : i32
      %add3A_430 = arith.constant 8 : i32
      %add3A_431 = arith.addi %add3A_429, %add3A_430 : i32
      %mul3A_432 = arith.constant 9 : i32
      %mul3A_433 = arith.muli %scan3A_34, %mul3A_432 : i32
      %add3A_434 = arith.constant 8 : i32
      %add3A_435 = arith.addi %mul3A_433, %add3A_434 : i32
      %dma_wait3A_436 = arith.constant 0 : i32
      %dma_wait3A_437 = tpu.memref_slice %arg4[%add3A_435, %dma_wait3A_436] : memref<81x128xi32, #tpu.memory_space<vmem>> -> memref<1x128xi32, #tpu.memory_space<vmem>>
      %dma_wait3A_438 = tpu.memref_squeeze %dma_wait3A_437 : memref<1x128xi32, #tpu.memory_space<vmem>> -> memref<128xi32, #tpu.memory_space<vmem>>
      %dma_wait3A_439 = arith.constant 0 : i32
      %dma_wait3A_440 = tpu.memref_slice %arg2[%add3A_431, %dma_wait3A_439] : memref<2592x128xi32, #tpu.memory_space<hbm>> -> memref<1x128xi32, #tpu.memory_space<hbm>>
      %dma_wait3A_441 = tpu.memref_squeeze %dma_wait3A_440 : memref<1x128xi32, #tpu.memory_space<hbm>> -> memref<128xi32, #tpu.memory_space<hbm>>
      %dma_wait3A_442 = arith.constant 0 : i32
      %dma_wait3A_443 = tpu.memref_slice %arg4[%add3A_435, %dma_wait3A_442] : memref<81x128xi32, #tpu.memory_space<vmem>> -> memref<1x128xi32, #tpu.memory_space<vmem>>
      %dma_wait3A_444 = tpu.memref_squeeze %dma_wait3A_443 : memref<1x128xi32, #tpu.memory_space<vmem>> -> memref<128xi32, #tpu.memory_space<vmem>>
      %dma_wait3A_445 = arith.constant 0 : i32
      %dma_wait3A_446 = tpu.memref_slice %arg2[%add3A_431, %dma_wait3A_445] : memref<2592x128xi32, #tpu.memory_space<hbm>> -> memref<1x128xi32, #tpu.memory_space<hbm>>
      %dma_wait3A_447 = tpu.memref_squeeze %dma_wait3A_446 : memref<1x128xi32, #tpu.memory_space<hbm>> -> memref<128xi32, #tpu.memory_space<hbm>>
      tpu.wait_dma2 semaphore(%arg8 : memref<!tpu.dma_semaphore, #tpu.memory_space<semaphore_mem>>) src(%dma_wait3A_447 : memref<128xi32, #tpu.memory_space<hbm>>) dst(%dma_wait3A_444 : memref<128xi32, #tpu.memory_space<vmem>>)
      %scan3A_448 = arith.constant 0 : i32
      scf.yield %scan3A_448 : i32
    }
    %scan3A_6 = arith.constant 9 : i32
    %scan3A_7 = arith.constant 0 : i32
    %scan3A_8 = arith.constant 0 : i32
    %scan3A_9 = arith.constant 8 : i32
    %scan3A_10 = arith.addi %scan3A_8, %scan3A_9 : i32
    %scan3A_11 = arith.constant 1 : i32
    %scan3A_12 = scf.for %scan3A_34 = %scan3A_8 to %scan3A_10 step %scan3A_11 iter_args(%scan3A_35 = %scan3A_7) -> (i32)  : i32 {
      %broadcast_in_dim3A = arith.constant 1.000000e+00 : f32
      %broadcast_in_dim3A_36 = vector.broadcast %broadcast_in_dim3A : f32 to vector<16xf32>
      %mul3A_37 = arith.constant 16 : i32
      %mul3A_38 = arith.muli %scan3A_34, %mul3A_37 : i32
      %swap3A = arith.index_cast %mul3A_38 : i32 to index
      %swap3A_39 = tpu.vector_load %arg5[%swap3A] {strides = array<i32>} : memref<128xf32, #tpu.memory_space<vmem>>, vector<16xf32>,
      %swap3A_40 = vector.shape_cast %swap3A_39 : vector<16xf32> to vector<16xf32>
      %swap3A_41 = vector.shape_cast %broadcast_in_dim3A_36 : vector<16xf32> to vector<16xf32>
      tpu.vector_store %arg5[%swap3A], %swap3A_41 {strides = array<i32>} : memref<128xf32, #tpu.memory_space<vmem>>, vector<16xf32>,
      %broadcast_in_dim3A_42 = arith.constant 0.000000e+00 : f32
      %broadcast_in_dim3A_43 = vector.broadcast %broadcast_in_dim3A_42 : f32 to vector<16xf32>
      %mul3A_44 = arith.constant 16 : i32
      %mul3A_45 = arith.muli %scan3A_34, %mul3A_44 : i32
      %swap3A_46 = arith.index_cast %mul3A_45 : i32 to index
      %swap3A_47 = tpu.vector_load %arg6[%swap3A_46] {strides = array<i32>} : memref<640xf32, #tpu.memory_space<vmem>>, vector<16xf32>,
      %swap3A_48 = vector.shape_cast %swap3A_47 : vector<16xf32> to vector<16xf32>
      %swap3A_49 = vector.shape_cast %broadcast_in_dim3A_43 : vector<16xf32> to vector<16xf32>
      tpu.vector_store %arg6[%swap3A_46], %swap3A_49 {strides = array<i32>} : memref<640xf32, #tpu.memory_space<vmem>>, vector<16xf32>,
      %scan3A_50 = arith.constant 0 : i32
      scf.yield %scan3A_50 : i32
    }
    %scan3A_13 = arith.constant 8 : i32
    %scan3A_14 = arith.constant 0 : i32
    %scan3A_15 = arith.constant 8 : i32
    %scan3A_16 = arith.constant 32 : i32
    %scan3A_17 = arith.addi %scan3A_15, %scan3A_16 : i32
    %scan3A_18 = arith.constant 1 : i32
    %scan3A_19 = scf.for %scan3A_34 = %scan3A_15 to %scan3A_17 step %scan3A_18 iter_args(%scan3A_35 = %scan3A_14) -> (i32)  : i32 {
      %broadcast_in_dim3A = arith.constant 0.000000e+00 : f32
      %broadcast_in_dim3A_36 = vector.broadcast %broadcast_in_dim3A : f32 to vector<16xf32>
      %mul3A_37 = arith.constant 16 : i32
      %mul3A_38 = arith.muli %scan3A_34, %mul3A_37 : i32
      %swap3A = arith.index_cast %mul3A_38 : i32 to index
      %swap3A_39 = tpu.vector_load %arg6[%swap3A] {strides = array<i32>} : memref<640xf32, #tpu.memory_space<vmem>>, vector<16xf32>,
      %swap3A_40 = vector.shape_cast %swap3A_39 : vector<16xf32> to vector<16xf32>
      %swap3A_41 = vector.shape_cast %broadcast_in_dim3A_36 : vector<16xf32> to vector<16xf32>
      tpu.vector_store %arg6[%swap3A], %swap3A_41 {strides = array<i32>} : memref<640xf32, #tpu.memory_space<vmem>>, vector<16xf32>,
      %scan3A_42 = arith.constant 0 : i32
      scf.yield %scan3A_42 : i32
    }
    %scan3A_20 = arith.constant 32 : i32
    %mul3A_21 = arith.constant 640 : i32
    %mul3A_22 = arith.muli %arg1, %mul3A_21 : i32
    "tpu.region"() ({
      %run_scoped3A = tpu.sem_alloc : memref<!tpu.dma_semaphore, #tpu.memory_space<semaphore_mem>>
      %dma_start3A = tpu.memref_slice %arg7[%mul3A_22] : memref<10240xf32, #tpu.memory_space<vmem_shared>> -> memref<640xf32, #tpu.memory_space<vmem_shared>>
      %dma_start3A_34 = tpu.memref_slice %arg7[%mul3A_22] : memref<10240xf32, #tpu.memory_space<vmem_shared>> -> memref<640xf32, #tpu.memory_space<vmem_shared>>
      tpu.enqueue_dma source(%arg6 : memref<640xf32, #tpu.memory_space<vmem>>) target(%dma_start3A_34 : memref<640xf32, #tpu.memory_space<vmem_shared>>) target_semaphore(%run_scoped3A : memref<!tpu.dma_semaphore, #tpu.memory_space<semaphore_mem>>)
      %dma_wait3A = tpu.memref_slice %arg7[%mul3A_22] : memref<10240xf32, #tpu.memory_space<vmem_shared>> -> memref<640xf32, #tpu.memory_space<vmem_shared>>
      %dma_wait3A_35 = tpu.memref_slice %arg7[%mul3A_22] : memref<10240xf32, #tpu.memory_space<vmem_shared>> -> memref<640xf32, #tpu.memory_space<vmem_shared>>
      tpu.wait_dma2 semaphore(%run_scoped3A : memref<!tpu.dma_semaphore, #tpu.memory_space<semaphore_mem>>) src(%arg6 : memref<640xf32, #tpu.memory_space<vmem>>) dst(%dma_wait3A_35 : memref<640xf32, #tpu.memory_space<vmem_shared>>)
      tpu.yield
    }) : () -> ()
    %barrier3A = arith.constant 0 : index
    tpu.barrier barrier_id(%barrier3A)
    %scan3A_23 = arith.constant 0 : i32
    %scan3A_24 = arith.constant 0 : i32
    %scan3A_25 = arith.constant 9 : i32
    %scan3A_26 = arith.addi %scan3A_24, %scan3A_25 : i32
    %scan3A_27 = arith.constant 1 : i32
    %scan3A_28 = scf.for %scan3A_34 = %scan3A_24 to %scan3A_26 step %scan3A_27 iter_args(%scan3A_35 = %scan3A_23) -> (i32)  : i32 {
      %mul3A_36 = arith.constant 9 : i32
      %mul3A_37 = arith.muli %scan3A_34, %mul3A_36 : i32
      %add3A_38 = arith.constant 0 : i32
      %add3A_39 = arith.addi %mul3A_37, %add3A_38 : i32
      %dma_start3A = arith.constant 0 : i32
      %dma_start3A_40 = tpu.memref_slice %arg4[%add3A_39, %dma_start3A] : memref<81x128xi32, #tpu.memory_space<vmem>> -> memref<1x128xi32, #tpu.memory_space<vmem>>
      %dma_start3A_41 = tpu.memref_squeeze %dma_start3A_40 : memref<1x128xi32, #tpu.memory_space<vmem>> -> memref<128xi32, #tpu.memory_space<vmem>>
      %dma_start3A_42 = arith.constant 0 : i32
      %dma_start3A_43 = tpu.memref_slice %arg7[%dma_start3A_42] : memref<10240xf32, #tpu.memory_space<vmem_shared>> -> memref<10240xf32, #tpu.memory_space<vmem_shared>>
      tpu.enqueue_indirect_dma source(%arg5 : memref<128xf32, #tpu.memory_space<vmem>>) target(%dma_start3A_43 : memref<10240xf32, #tpu.memory_space<vmem_shared>>) offsets(%dma_start3A_41 : memref<128xi32, #tpu.memory_space<vmem>>) semaphore(%arg8 : memref<!tpu.dma_semaphore, #tpu.memory_space<semaphore_mem>>) {add = true}
      %mul3A_44 = arith.constant 9 : i32
      %mul3A_45 = arith.muli %scan3A_34, %mul3A_44 : i32
      %add3A_46 = arith.constant 1 : i32
      %add3A_47 = arith.addi %mul3A_45, %add3A_46 : i32
      %dma_start3A_48 = arith.constant 0 : i32
      %dma_start3A_49 = tpu.memref_slice %arg4[%add3A_47, %dma_start3A_48] : memref<81x128xi32, #tpu.memory_space<vmem>> -> memref<1x128xi32, #tpu.memory_space<vmem>>
      %dma_start3A_50 = tpu.memref_squeeze %dma_start3A_49 : memref<1x128xi32, #tpu.memory_space<vmem>> -> memref<128xi32, #tpu.memory_space<vmem>>
      %dma_start3A_51 = arith.constant 0 : i32
      %dma_start3A_52 = tpu.memref_slice %arg7[%dma_start3A_51] : memref<10240xf32, #tpu.memory_space<vmem_shared>> -> memref<10240xf32, #tpu.memory_space<vmem_shared>>
      tpu.enqueue_indirect_dma source(%arg5 : memref<128xf32, #tpu.memory_space<vmem>>) target(%dma_start3A_52 : memref<10240xf32, #tpu.memory_space<vmem_shared>>) offsets(%dma_start3A_50 : memref<128xi32, #tpu.memory_space<vmem>>) semaphore(%arg8 : memref<!tpu.dma_semaphore, #tpu.memory_space<semaphore_mem>>) {add = true}
      %mul3A_53 = arith.constant 9 : i32
      %mul3A_54 = arith.muli %scan3A_34, %mul3A_53 : i32
      %add3A_55 = arith.constant 2 : i32
      %add3A_56 = arith.addi %mul3A_54, %add3A_55 : i32
      %dma_start3A_57 = arith.constant 0 : i32
      %dma_start3A_58 = tpu.memref_slice %arg4[%add3A_56, %dma_start3A_57] : memref<81x128xi32, #tpu.memory_space<vmem>> -> memref<1x128xi32, #tpu.memory_space<vmem>>
      %dma_start3A_59 = tpu.memref_squeeze %dma_start3A_58 : memref<1x128xi32, #tpu.memory_space<vmem>> -> memref<128xi32, #tpu.memory_space<vmem>>
      %dma_start3A_60 = arith.constant 0 : i32
      %dma_start3A_61 = tpu.memref_slice %arg7[%dma_start3A_60] : memref<10240xf32, #tpu.memory_space<vmem_shared>> -> memref<10240xf32, #tpu.memory_space<vmem_shared>>
      tpu.enqueue_indirect_dma source(%arg5 : memref<128xf32, #tpu.memory_space<vmem>>) target(%dma_start3A_61 : memref<10240xf32, #tpu.memory_space<vmem_shared>>) offsets(%dma_start3A_59 : memref<128xi32, #tpu.memory_space<vmem>>) semaphore(%arg8 : memref<!tpu.dma_semaphore, #tpu.memory_space<semaphore_mem>>) {add = true}
      %mul3A_62 = arith.constant 9 : i32
      %mul3A_63 = arith.muli %scan3A_34, %mul3A_62 : i32
      %add3A_64 = arith.constant 3 : i32
      %add3A_65 = arith.addi %mul3A_63, %add3A_64 : i32
      %dma_start3A_66 = arith.constant 0 : i32
      %dma_start3A_67 = tpu.memref_slice %arg4[%add3A_65, %dma_start3A_66] : memref<81x128xi32, #tpu.memory_space<vmem>> -> memref<1x128xi32, #tpu.memory_space<vmem>>
      %dma_start3A_68 = tpu.memref_squeeze %dma_start3A_67 : memref<1x128xi32, #tpu.memory_space<vmem>> -> memref<128xi32, #tpu.memory_space<vmem>>
      %dma_start3A_69 = arith.constant 0 : i32
      %dma_start3A_70 = tpu.memref_slice %arg7[%dma_start3A_69] : memref<10240xf32, #tpu.memory_space<vmem_shared>> -> memref<10240xf32, #tpu.memory_space<vmem_shared>>
      tpu.enqueue_indirect_dma source(%arg5 : memref<128xf32, #tpu.memory_space<vmem>>) target(%dma_start3A_70 : memref<10240xf32, #tpu.memory_space<vmem_shared>>) offsets(%dma_start3A_68 : memref<128xi32, #tpu.memory_space<vmem>>) semaphore(%arg8 : memref<!tpu.dma_semaphore, #tpu.memory_space<semaphore_mem>>) {add = true}
      %mul3A_71 = arith.constant 9 : i32
      %mul3A_72 = arith.muli %scan3A_34, %mul3A_71 : i32
      %add3A_73 = arith.constant 4 : i32
      %add3A_74 = arith.addi %mul3A_72, %add3A_73 : i32
      %dma_start3A_75 = arith.constant 0 : i32
      %dma_start3A_76 = tpu.memref_slice %arg4[%add3A_74, %dma_start3A_75] : memref<81x128xi32, #tpu.memory_space<vmem>> -> memref<1x128xi32, #tpu.memory_space<vmem>>
      %dma_start3A_77 = tpu.memref_squeeze %dma_start3A_76 : memref<1x128xi32, #tpu.memory_space<vmem>> -> memref<128xi32, #tpu.memory_space<vmem>>
      %dma_start3A_78 = arith.constant 0 : i32
      %dma_start3A_79 = tpu.memref_slice %arg7[%dma_start3A_78] : memref<10240xf32, #tpu.memory_space<vmem_shared>> -> memref<10240xf32, #tpu.memory_space<vmem_shared>>
      tpu.enqueue_indirect_dma source(%arg5 : memref<128xf32, #tpu.memory_space<vmem>>) target(%dma_start3A_79 : memref<10240xf32, #tpu.memory_space<vmem_shared>>) offsets(%dma_start3A_77 : memref<128xi32, #tpu.memory_space<vmem>>) semaphore(%arg8 : memref<!tpu.dma_semaphore, #tpu.memory_space<semaphore_mem>>) {add = true}
      %mul3A_80 = arith.constant 9 : i32
      %mul3A_81 = arith.muli %scan3A_34, %mul3A_80 : i32
      %add3A_82 = arith.constant 5 : i32
      %add3A_83 = arith.addi %mul3A_81, %add3A_82 : i32
      %dma_start3A_84 = arith.constant 0 : i32
      %dma_start3A_85 = tpu.memref_slice %arg4[%add3A_83, %dma_start3A_84] : memref<81x128xi32, #tpu.memory_space<vmem>> -> memref<1x128xi32, #tpu.memory_space<vmem>>
      %dma_start3A_86 = tpu.memref_squeeze %dma_start3A_85 : memref<1x128xi32, #tpu.memory_space<vmem>> -> memref<128xi32, #tpu.memory_space<vmem>>
      %dma_start3A_87 = arith.constant 0 : i32
      %dma_start3A_88 = tpu.memref_slice %arg7[%dma_start3A_87] : memref<10240xf32, #tpu.memory_space<vmem_shared>> -> memref<10240xf32, #tpu.memory_space<vmem_shared>>
      tpu.enqueue_indirect_dma source(%arg5 : memref<128xf32, #tpu.memory_space<vmem>>) target(%dma_start3A_88 : memref<10240xf32, #tpu.memory_space<vmem_shared>>) offsets(%dma_start3A_86 : memref<128xi32, #tpu.memory_space<vmem>>) semaphore(%arg8 : memref<!tpu.dma_semaphore, #tpu.memory_space<semaphore_mem>>) {add = true}
      %mul3A_89 = arith.constant 9 : i32
      %mul3A_90 = arith.muli %scan3A_34, %mul3A_89 : i32
      %add3A_91 = arith.constant 6 : i32
      %add3A_92 = arith.addi %mul3A_90, %add3A_91 : i32
      %dma_start3A_93 = arith.constant 0 : i32
      %dma_start3A_94 = tpu.memref_slice %arg4[%add3A_92, %dma_start3A_93] : memref<81x128xi32, #tpu.memory_space<vmem>> -> memref<1x128xi32, #tpu.memory_space<vmem>>
      %dma_start3A_95 = tpu.memref_squeeze %dma_start3A_94 : memref<1x128xi32, #tpu.memory_space<vmem>> -> memref<128xi32, #tpu.memory_space<vmem>>
      %dma_start3A_96 = arith.constant 0 : i32
      %dma_start3A_97 = tpu.memref_slice %arg7[%dma_start3A_96] : memref<10240xf32, #tpu.memory_space<vmem_shared>> -> memref<10240xf32, #tpu.memory_space<vmem_shared>>
      tpu.enqueue_indirect_dma source(%arg5 : memref<128xf32, #tpu.memory_space<vmem>>) target(%dma_start3A_97 : memref<10240xf32, #tpu.memory_space<vmem_shared>>) offsets(%dma_start3A_95 : memref<128xi32, #tpu.memory_space<vmem>>) semaphore(%arg8 : memref<!tpu.dma_semaphore, #tpu.memory_space<semaphore_mem>>) {add = true}
      %mul3A_98 = arith.constant 9 : i32
      %mul3A_99 = arith.muli %scan3A_34, %mul3A_98 : i32
      %add3A_100 = arith.constant 7 : i32
      %add3A_101 = arith.addi %mul3A_99, %add3A_100 : i32
      %dma_start3A_102 = arith.constant 0 : i32
      %dma_start3A_103 = tpu.memref_slice %arg4[%add3A_101, %dma_start3A_102] : memref<81x128xi32, #tpu.memory_space<vmem>> -> memref<1x128xi32, #tpu.memory_space<vmem>>
      %dma_start3A_104 = tpu.memref_squeeze %dma_start3A_103 : memref<1x128xi32, #tpu.memory_space<vmem>> -> memref<128xi32, #tpu.memory_space<vmem>>
      %dma_start3A_105 = arith.constant 0 : i32
      %dma_start3A_106 = tpu.memref_slice %arg7[%dma_start3A_105] : memref<10240xf32, #tpu.memory_space<vmem_shared>> -> memref<10240xf32, #tpu.memory_space<vmem_shared>>
      tpu.enqueue_indirect_dma source(%arg5 : memref<128xf32, #tpu.memory_space<vmem>>) target(%dma_start3A_106 : memref<10240xf32, #tpu.memory_space<vmem_shared>>) offsets(%dma_start3A_104 : memref<128xi32, #tpu.memory_space<vmem>>) semaphore(%arg8 : memref<!tpu.dma_semaphore, #tpu.memory_space<semaphore_mem>>) {add = true}
      %mul3A_107 = arith.constant 9 : i32
      %mul3A_108 = arith.muli %scan3A_34, %mul3A_107 : i32
      %add3A_109 = arith.constant 8 : i32
      %add3A_110 = arith.addi %mul3A_108, %add3A_109 : i32
      %dma_start3A_111 = arith.constant 0 : i32
      %dma_start3A_112 = tpu.memref_slice %arg4[%add3A_110, %dma_start3A_111] : memref<81x128xi32, #tpu.memory_space<vmem>> -> memref<1x128xi32, #tpu.memory_space<vmem>>
      %dma_start3A_113 = tpu.memref_squeeze %dma_start3A_112 : memref<1x128xi32, #tpu.memory_space<vmem>> -> memref<128xi32, #tpu.memory_space<vmem>>
      %dma_start3A_114 = arith.constant 0 : i32
      %dma_start3A_115 = tpu.memref_slice %arg7[%dma_start3A_114] : memref<10240xf32, #tpu.memory_space<vmem_shared>> -> memref<10240xf32, #tpu.memory_space<vmem_shared>>
      tpu.enqueue_indirect_dma source(%arg5 : memref<128xf32, #tpu.memory_space<vmem>>) target(%dma_start3A_115 : memref<10240xf32, #tpu.memory_space<vmem_shared>>) offsets(%dma_start3A_113 : memref<128xi32, #tpu.memory_space<vmem>>) semaphore(%arg8 : memref<!tpu.dma_semaphore, #tpu.memory_space<semaphore_mem>>) {add = true}
      %mul3A_116 = arith.constant 9 : i32
      %mul3A_117 = arith.muli %scan3A_34, %mul3A_116 : i32
      %add3A_118 = arith.constant 0 : i32
      %add3A_119 = arith.addi %mul3A_117, %add3A_118 : i32
      %dma_wait3A = arith.constant 0 : i32
      %dma_wait3A_120 = tpu.memref_slice %arg4[%add3A_119, %dma_wait3A] : memref<81x128xi32, #tpu.memory_space<vmem>> -> memref<1x128xi32, #tpu.memory_space<vmem>>
      %dma_wait3A_121 = tpu.memref_squeeze %dma_wait3A_120 : memref<1x128xi32, #tpu.memory_space<vmem>> -> memref<128xi32, #tpu.memory_space<vmem>>
      %dma_wait3A_122 = arith.constant 0 : i32
      %dma_wait3A_123 = tpu.memref_slice %arg7[%dma_wait3A_122] : memref<10240xf32, #tpu.memory_space<vmem_shared>> -> memref<10240xf32, #tpu.memory_space<vmem_shared>>
      tpu.wait_indirect_dma semaphore(%arg8 : memref<!tpu.dma_semaphore, #tpu.memory_space<semaphore_mem>>) src(%arg5 : memref<128xf32, #tpu.memory_space<vmem>>) dst(%dma_wait3A_123 : memref<10240xf32, #tpu.memory_space<vmem_shared>>)
      %mul3A_124 = arith.constant 9 : i32
      %mul3A_125 = arith.muli %scan3A_34, %mul3A_124 : i32
      %add3A_126 = arith.constant 1 : i32
      %add3A_127 = arith.addi %mul3A_125, %add3A_126 : i32
      %dma_wait3A_128 = arith.constant 0 : i32
      %dma_wait3A_129 = tpu.memref_slice %arg4[%add3A_127, %dma_wait3A_128] : memref<81x128xi32, #tpu.memory_space<vmem>> -> memref<1x128xi32, #tpu.memory_space<vmem>>
      %dma_wait3A_130 = tpu.memref_squeeze %dma_wait3A_129 : memref<1x128xi32, #tpu.memory_space<vmem>> -> memref<128xi32, #tpu.memory_space<vmem>>
      %dma_wait3A_131 = arith.constant 0 : i32
      %dma_wait3A_132 = tpu.memref_slice %arg7[%dma_wait3A_131] : memref<10240xf32, #tpu.memory_space<vmem_shared>> -> memref<10240xf32, #tpu.memory_space<vmem_shared>>
      tpu.wait_indirect_dma semaphore(%arg8 : memref<!tpu.dma_semaphore, #tpu.memory_space<semaphore_mem>>) src(%arg5 : memref<128xf32, #tpu.memory_space<vmem>>) dst(%dma_wait3A_132 : memref<10240xf32, #tpu.memory_space<vmem_shared>>)
      %mul3A_133 = arith.constant 9 : i32
      %mul3A_134 = arith.muli %scan3A_34, %mul3A_133 : i32
      %add3A_135 = arith.constant 2 : i32
      %add3A_136 = arith.addi %mul3A_134, %add3A_135 : i32
      %dma_wait3A_137 = arith.constant 0 : i32
      %dma_wait3A_138 = tpu.memref_slice %arg4[%add3A_136, %dma_wait3A_137] : memref<81x128xi32, #tpu.memory_space<vmem>> -> memref<1x128xi32, #tpu.memory_space<vmem>>
      %dma_wait3A_139 = tpu.memref_squeeze %dma_wait3A_138 : memref<1x128xi32, #tpu.memory_space<vmem>> -> memref<128xi32, #tpu.memory_space<vmem>>
      %dma_wait3A_140 = arith.constant 0 : i32
      %dma_wait3A_141 = tpu.memref_slice %arg7[%dma_wait3A_140] : memref<10240xf32, #tpu.memory_space<vmem_shared>> -> memref<10240xf32, #tpu.memory_space<vmem_shared>>
      tpu.wait_indirect_dma semaphore(%arg8 : memref<!tpu.dma_semaphore, #tpu.memory_space<semaphore_mem>>) src(%arg5 : memref<128xf32, #tpu.memory_space<vmem>>) dst(%dma_wait3A_141 : memref<10240xf32, #tpu.memory_space<vmem_shared>>)
      %mul3A_142 = arith.constant 9 : i32
      %mul3A_143 = arith.muli %scan3A_34, %mul3A_142 : i32
      %add3A_144 = arith.constant 3 : i32
      %add3A_145 = arith.addi %mul3A_143, %add3A_144 : i32
      %dma_wait3A_146 = arith.constant 0 : i32
      %dma_wait3A_147 = tpu.memref_slice %arg4[%add3A_145, %dma_wait3A_146] : memref<81x128xi32, #tpu.memory_space<vmem>> -> memref<1x128xi32, #tpu.memory_space<vmem>>
      %dma_wait3A_148 = tpu.memref_squeeze %dma_wait3A_147 : memref<1x128xi32, #tpu.memory_space<vmem>> -> memref<128xi32, #tpu.memory_space<vmem>>
      %dma_wait3A_149 = arith.constant 0 : i32
      %dma_wait3A_150 = tpu.memref_slice %arg7[%dma_wait3A_149] : memref<10240xf32, #tpu.memory_space<vmem_shared>> -> memref<10240xf32, #tpu.memory_space<vmem_shared>>
      tpu.wait_indirect_dma semaphore(%arg8 : memref<!tpu.dma_semaphore, #tpu.memory_space<semaphore_mem>>) src(%arg5 : memref<128xf32, #tpu.memory_space<vmem>>) dst(%dma_wait3A_150 : memref<10240xf32, #tpu.memory_space<vmem_shared>>)
      %mul3A_151 = arith.constant 9 : i32
      %mul3A_152 = arith.muli %scan3A_34, %mul3A_151 : i32
      %add3A_153 = arith.constant 4 : i32
      %add3A_154 = arith.addi %mul3A_152, %add3A_153 : i32
      %dma_wait3A_155 = arith.constant 0 : i32
      %dma_wait3A_156 = tpu.memref_slice %arg4[%add3A_154, %dma_wait3A_155] : memref<81x128xi32, #tpu.memory_space<vmem>> -> memref<1x128xi32, #tpu.memory_space<vmem>>
      %dma_wait3A_157 = tpu.memref_squeeze %dma_wait3A_156 : memref<1x128xi32, #tpu.memory_space<vmem>> -> memref<128xi32, #tpu.memory_space<vmem>>
      %dma_wait3A_158 = arith.constant 0 : i32
      %dma_wait3A_159 = tpu.memref_slice %arg7[%dma_wait3A_158] : memref<10240xf32, #tpu.memory_space<vmem_shared>> -> memref<10240xf32, #tpu.memory_space<vmem_shared>>
      tpu.wait_indirect_dma semaphore(%arg8 : memref<!tpu.dma_semaphore, #tpu.memory_space<semaphore_mem>>) src(%arg5 : memref<128xf32, #tpu.memory_space<vmem>>) dst(%dma_wait3A_159 : memref<10240xf32, #tpu.memory_space<vmem_shared>>)
      %mul3A_160 = arith.constant 9 : i32
      %mul3A_161 = arith.muli %scan3A_34, %mul3A_160 : i32
      %add3A_162 = arith.constant 5 : i32
      %add3A_163 = arith.addi %mul3A_161, %add3A_162 : i32
      %dma_wait3A_164 = arith.constant 0 : i32
      %dma_wait3A_165 = tpu.memref_slice %arg4[%add3A_163, %dma_wait3A_164] : memref<81x128xi32, #tpu.memory_space<vmem>> -> memref<1x128xi32, #tpu.memory_space<vmem>>
      %dma_wait3A_166 = tpu.memref_squeeze %dma_wait3A_165 : memref<1x128xi32, #tpu.memory_space<vmem>> -> memref<128xi32, #tpu.memory_space<vmem>>
      %dma_wait3A_167 = arith.constant 0 : i32
      %dma_wait3A_168 = tpu.memref_slice %arg7[%dma_wait3A_167] : memref<10240xf32, #tpu.memory_space<vmem_shared>> -> memref<10240xf32, #tpu.memory_space<vmem_shared>>
      tpu.wait_indirect_dma semaphore(%arg8 : memref<!tpu.dma_semaphore, #tpu.memory_space<semaphore_mem>>) src(%arg5 : memref<128xf32, #tpu.memory_space<vmem>>) dst(%dma_wait3A_168 : memref<10240xf32, #tpu.memory_space<vmem_shared>>)
      %mul3A_169 = arith.constant 9 : i32
      %mul3A_170 = arith.muli %scan3A_34, %mul3A_169 : i32
      %add3A_171 = arith.constant 6 : i32
      %add3A_172 = arith.addi %mul3A_170, %add3A_171 : i32
      %dma_wait3A_173 = arith.constant 0 : i32
      %dma_wait3A_174 = tpu.memref_slice %arg4[%add3A_172, %dma_wait3A_173] : memref<81x128xi32, #tpu.memory_space<vmem>> -> memref<1x128xi32, #tpu.memory_space<vmem>>
      %dma_wait3A_175 = tpu.memref_squeeze %dma_wait3A_174 : memref<1x128xi32, #tpu.memory_space<vmem>> -> memref<128xi32, #tpu.memory_space<vmem>>
      %dma_wait3A_176 = arith.constant 0 : i32
      %dma_wait3A_177 = tpu.memref_slice %arg7[%dma_wait3A_176] : memref<10240xf32, #tpu.memory_space<vmem_shared>> -> memref<10240xf32, #tpu.memory_space<vmem_shared>>
      tpu.wait_indirect_dma semaphore(%arg8 : memref<!tpu.dma_semaphore, #tpu.memory_space<semaphore_mem>>) src(%arg5 : memref<128xf32, #tpu.memory_space<vmem>>) dst(%dma_wait3A_177 : memref<10240xf32, #tpu.memory_space<vmem_shared>>)
      %mul3A_178 = arith.constant 9 : i32
      %mul3A_179 = arith.muli %scan3A_34, %mul3A_178 : i32
      %add3A_180 = arith.constant 7 : i32
      %add3A_181 = arith.addi %mul3A_179, %add3A_180 : i32
      %dma_wait3A_182 = arith.constant 0 : i32
      %dma_wait3A_183 = tpu.memref_slice %arg4[%add3A_181, %dma_wait3A_182] : memref<81x128xi32, #tpu.memory_space<vmem>> -> memref<1x128xi32, #tpu.memory_space<vmem>>
      %dma_wait3A_184 = tpu.memref_squeeze %dma_wait3A_183 : memref<1x128xi32, #tpu.memory_space<vmem>> -> memref<128xi32, #tpu.memory_space<vmem>>
      %dma_wait3A_185 = arith.constant 0 : i32
      %dma_wait3A_186 = tpu.memref_slice %arg7[%dma_wait3A_185] : memref<10240xf32, #tpu.memory_space<vmem_shared>> -> memref<10240xf32, #tpu.memory_space<vmem_shared>>
      tpu.wait_indirect_dma semaphore(%arg8 : memref<!tpu.dma_semaphore, #tpu.memory_space<semaphore_mem>>) src(%arg5 : memref<128xf32, #tpu.memory_space<vmem>>) dst(%dma_wait3A_186 : memref<10240xf32, #tpu.memory_space<vmem_shared>>)
      %mul3A_187 = arith.constant 9 : i32
      %mul3A_188 = arith.muli %scan3A_34, %mul3A_187 : i32
      %add3A_189 = arith.constant 8 : i32
      %add3A_190 = arith.addi %mul3A_188, %add3A_189 : i32
      %dma_wait3A_191 = arith.constant 0 : i32
      %dma_wait3A_192 = tpu.memref_slice %arg4[%add3A_190, %dma_wait3A_191] : memref<81x128xi32, #tpu.memory_space<vmem>> -> memref<1x128xi32, #tpu.memory_space<vmem>>
      %dma_wait3A_193 = tpu.memref_squeeze %dma_wait3A_192 : memref<1x128xi32, #tpu.memory_space<vmem>> -> memref<128xi32, #tpu.memory_space<vmem>>
      %dma_wait3A_194 = arith.constant 0 : i32
      %dma_wait3A_195 = tpu.memref_slice %arg7[%dma_wait3A_194] : memref<10240xf32, #tpu.memory_space<vmem_shared>> -> memref<10240xf32, #tpu.memory_space<vmem_shared>>
      tpu.wait_indirect_dma semaphore(%arg8 : memref<!tpu.dma_semaphore, #tpu.memory_space<semaphore_mem>>) src(%arg5 : memref<128xf32, #tpu.memory_space<vmem>>) dst(%dma_wait3A_195 : memref<10240xf32, #tpu.memory_space<vmem_shared>>)
      %scan3A_196 = arith.constant 0 : i32
      scf.yield %scan3A_196 : i32
    }
    %scan3A_29 = arith.constant 9 : i32
    %barrier3A_30 = arith.constant 0 : index
    tpu.barrier barrier_id(%barrier3A_30)
    "tpu.region"() ({
      %run_scoped3A = tpu.sem_alloc : memref<!tpu.dma_semaphore, #tpu.memory_space<semaphore_mem>>
      %dma_start3A = tpu.memref_slice %arg7[%mul3A_22] : memref<10240xf32, #tpu.memory_space<vmem_shared>> -> memref<640xf32, #tpu.memory_space<vmem_shared>>
      %dma_start3A_34 = tpu.memref_slice %arg7[%mul3A_22] : memref<10240xf32, #tpu.memory_space<vmem_shared>> -> memref<640xf32, #tpu.memory_space<vmem_shared>>
      tpu.enqueue_dma source(%dma_start3A_34 : memref<640xf32, #tpu.memory_space<vmem_shared>>) target(%arg6 : memref<640xf32, #tpu.memory_space<vmem>>) target_semaphore(%run_scoped3A : memref<!tpu.dma_semaphore, #tpu.memory_space<semaphore_mem>>)
      %dma_wait3A = tpu.memref_slice %arg7[%mul3A_22] : memref<10240xf32, #tpu.memory_space<vmem_shared>> -> memref<640xf32, #tpu.memory_space<vmem_shared>>
      %dma_wait3A_35 = tpu.memref_slice %arg7[%mul3A_22] : memref<10240xf32, #tpu.memory_space<vmem_shared>> -> memref<640xf32, #tpu.memory_space<vmem_shared>>
      tpu.wait_dma2 semaphore(%run_scoped3A : memref<!tpu.dma_semaphore, #tpu.memory_space<semaphore_mem>>) src(%dma_wait3A_35 : memref<640xf32, #tpu.memory_space<vmem_shared>>) dst(%arg6 : memref<640xf32, #tpu.memory_space<vmem>>)
      tpu.yield
    }) : () -> ()
    %mul3A_31 = arith.constant 10240 : i32
    %mul3A_32 = arith.muli %arg0, %mul3A_31 : i32
    %add3A_33 = arith.addi %mul3A_32, %mul3A_22 : i32
    "tpu.region"() ({
      %run_scoped3A = tpu.sem_alloc : memref<!tpu.dma_semaphore, #tpu.memory_space<semaphore_mem>>
      %dma_start3A = tpu.memref_slice %arg3[%add3A_33] : memref<20480xf32, #tpu.memory_space<hbm>> -> memref<640xf32, #tpu.memory_space<hbm>>
      %dma_start3A_34 = tpu.memref_slice %arg3[%add3A_33] : memref<20480xf32, #tpu.memory_space<hbm>> -> memref<640xf32, #tpu.memory_space<hbm>>
      tpu.enqueue_dma source(%arg6 : memref<640xf32, #tpu.memory_space<vmem>>) target(%dma_start3A_34 : memref<640xf32, #tpu.memory_space<hbm>>) target_semaphore(%run_scoped3A : memref<!tpu.dma_semaphore, #tpu.memory_space<semaphore_mem>>)
      %dma_wait3A = tpu.memref_slice %arg3[%add3A_33] : memref<20480xf32, #tpu.memory_space<hbm>> -> memref<640xf32, #tpu.memory_space<hbm>>
      %dma_wait3A_35 = tpu.memref_slice %arg3[%add3A_33] : memref<20480xf32, #tpu.memory_space<hbm>> -> memref<640xf32, #tpu.memory_space<hbm>>
      tpu.wait_dma2 semaphore(%run_scoped3A : memref<!tpu.dma_semaphore, #tpu.memory_space<semaphore_mem>>) src(%arg6 : memref<640xf32, #tpu.memory_space<vmem>>) dst(%dma_wait3A_35 : memref<640xf32, #tpu.memory_space<hbm>>)
      tpu.yield
    }) : () -> ()
    return
  }
}

#map = affine_map<(d0, d1) -> (0, 0)>
module attributes {stable_mosaic.version = 14 : i64} {
  func.func @_agg(%arg0: i32, %arg1: i32, %arg2: memref<10000x128xf32, #tpu.memory_space<hbm>>, %arg3: memref<2592x128xi32, #tpu.memory_space<hbm>>, %arg4: memref<2592x128xi32, #tpu.memory_space<hbm>>, %arg5: memref<128x128xf32, #tpu.memory_space<hbm>>, %arg6: memref<20224x128xf32, #tpu.memory_space<hbm>>, %arg7: memref<128xi32, #tpu.memory_space<vmem>>, %arg8: memref<128xi32, #tpu.memory_space<vmem>>, %arg9: memref<128xi32, #tpu.memory_space<vmem>>, %arg10: memref<128xi32, #tpu.memory_space<vmem>>, %arg11: memref<128xi32, #tpu.memory_space<vmem>>, %arg12: memref<128xi32, #tpu.memory_space<vmem>>, %arg13: memref<128x128xf32, #tpu.memory_space<vmem>>, %arg14: memref<128x128xf32, #tpu.memory_space<vmem>>, %arg15: memref<128x128xf32, #tpu.memory_space<vmem>>, %arg16: memref<10112x128xf32, #tpu.memory_space<vmem_shared>>, %arg17: memref<!tpu.dma_semaphore, #tpu.memory_space<semaphore_mem>>, %arg18: memref<!tpu.dma_semaphore, #tpu.memory_space<semaphore_mem>>, %arg19: memref<!tpu.dma_semaphore, #tpu.memory_space<semaphore_mem>>, %arg20: memref<!tpu.dma_semaphore, #tpu.memory_space<semaphore_mem>>, %arg21: memref<!tpu.dma_semaphore, #tpu.memory_space<semaphore_mem>>, %arg22: memref<!tpu.dma_semaphore, #tpu.memory_space<semaphore_mem>>, %arg23: memref<!tpu.dma_semaphore, #tpu.memory_space<semaphore_mem>>, %arg24: memref<!tpu.dma_semaphore, #tpu.memory_space<semaphore_mem>>, %arg25: memref<!tpu.dma_semaphore, #tpu.memory_space<semaphore_mem>>, %arg26: memref<!tpu.dma_semaphore, #tpu.memory_space<semaphore_mem>>, %arg27: memref<!tpu.dma_semaphore, #tpu.memory_space<semaphore_mem>>, %arg28: memref<!tpu.dma_semaphore, #tpu.memory_space<semaphore_mem>>) attributes {dimension_semantics = [#tpu.dimension_semantics<core_parallel>, #tpu.dimension_semantics<subcore_parallel>], iteration_bounds = array<i64: 2, 16>, scalar_prefetch = 0 : i64, scratch_operands = 22 : i64, tpu.core_type = #tpu.core_type<sc_vector_subcore>, window_params = [{transform_indices = #map}, {transform_indices = #map}, {transform_indices = #map}, {transform_indices = #map}, {transform_indices = #map}]} {
    %mul3A = arith.constant 2 : i32
    %mul3A_0 = arith.muli %arg1, %mul3A : i32
    %add3A = arith.addi %mul3A_0, %arg0 : i32
    %mul3A_1 = arith.constant 81 : i32
    %mul3A_2 = arith.muli %add3A, %mul3A_1 : i32
    "tpu.region"() ({
      %run_scoped3A = tpu.sem_alloc : memref<!tpu.dma_semaphore, #tpu.memory_space<semaphore_mem>>
      tpu.enqueue_dma source(%arg5 : memref<128x128xf32, #tpu.memory_space<hbm>>) target(%arg15 : memref<128x128xf32, #tpu.memory_space<vmem>>) target_semaphore(%run_scoped3A : memref<!tpu.dma_semaphore, #tpu.memory_space<semaphore_mem>>)
      tpu.wait_dma2 semaphore(%run_scoped3A : memref<!tpu.dma_semaphore, #tpu.memory_space<semaphore_mem>>) src(%arg5 : memref<128x128xf32, #tpu.memory_space<hbm>>) dst(%arg15 : memref<128x128xf32, #tpu.memory_space<vmem>>)
      tpu.yield
    }) : () -> ()
    %mul3A_3 = arith.constant 632 : i32
    %mul3A_4 = arith.muli %arg1, %mul3A_3 : i32
    %add3A_5 = arith.constant 0 : i32
    %add3A_6 = arith.addi %mul3A_4, %add3A_5 : i32
    %dma_start3A = arith.constant 0 : i32
    %dma_start3A_7 = tpu.memref_slice %arg16[%add3A_6, %dma_start3A] : memref<10112x128xf32, #tpu.memory_space<vmem_shared>> -> memref<128x128xf32, #tpu.memory_space<vmem_shared>>
    %dma_start3A_8 = arith.constant 0 : i32
    %dma_start3A_9 = tpu.memref_slice %arg16[%add3A_6, %dma_start3A_8] : memref<10112x128xf32, #tpu.memory_space<vmem_shared>> -> memref<128x128xf32, #tpu.memory_space<vmem_shared>>
    tpu.enqueue_dma source(%arg15 : memref<128x128xf32, #tpu.memory_space<vmem>>) target(%dma_start3A_9 : memref<128x128xf32, #tpu.memory_space<vmem_shared>>) target_semaphore(%arg23 : memref<!tpu.dma_semaphore, #tpu.memory_space<semaphore_mem>>)
    %add3A_10 = arith.constant 128 : i32
    %add3A_11 = arith.addi %mul3A_4, %add3A_10 : i32
    %dma_start3A_12 = arith.constant 0 : i32
    %dma_start3A_13 = tpu.memref_slice %arg16[%add3A_11, %dma_start3A_12] : memref<10112x128xf32, #tpu.memory_space<vmem_shared>> -> memref<128x128xf32, #tpu.memory_space<vmem_shared>>
    %dma_start3A_14 = arith.constant 0 : i32
    %dma_start3A_15 = tpu.memref_slice %arg16[%add3A_11, %dma_start3A_14] : memref<10112x128xf32, #tpu.memory_space<vmem_shared>> -> memref<128x128xf32, #tpu.memory_space<vmem_shared>>
    tpu.enqueue_dma source(%arg15 : memref<128x128xf32, #tpu.memory_space<vmem>>) target(%dma_start3A_15 : memref<128x128xf32, #tpu.memory_space<vmem_shared>>) target_semaphore(%arg23 : memref<!tpu.dma_semaphore, #tpu.memory_space<semaphore_mem>>)
    %add3A_16 = arith.constant 256 : i32
    %add3A_17 = arith.addi %mul3A_4, %add3A_16 : i32
    %dma_start3A_18 = arith.constant 0 : i32
    %dma_start3A_19 = tpu.memref_slice %arg16[%add3A_17, %dma_start3A_18] : memref<10112x128xf32, #tpu.memory_space<vmem_shared>> -> memref<128x128xf32, #tpu.memory_space<vmem_shared>>
    %dma_start3A_20 = arith.constant 0 : i32
    %dma_start3A_21 = tpu.memref_slice %arg16[%add3A_17, %dma_start3A_20] : memref<10112x128xf32, #tpu.memory_space<vmem_shared>> -> memref<128x128xf32, #tpu.memory_space<vmem_shared>>
    tpu.enqueue_dma source(%arg15 : memref<128x128xf32, #tpu.memory_space<vmem>>) target(%dma_start3A_21 : memref<128x128xf32, #tpu.memory_space<vmem_shared>>) target_semaphore(%arg23 : memref<!tpu.dma_semaphore, #tpu.memory_space<semaphore_mem>>)
    %add3A_22 = arith.constant 384 : i32
    %add3A_23 = arith.addi %mul3A_4, %add3A_22 : i32
    %dma_start3A_24 = arith.constant 0 : i32
    %dma_start3A_25 = tpu.memref_slice %arg16[%add3A_23, %dma_start3A_24] : memref<10112x128xf32, #tpu.memory_space<vmem_shared>> -> memref<128x128xf32, #tpu.memory_space<vmem_shared>>
    %dma_start3A_26 = arith.constant 0 : i32
    %dma_start3A_27 = tpu.memref_slice %arg16[%add3A_23, %dma_start3A_26] : memref<10112x128xf32, #tpu.memory_space<vmem_shared>> -> memref<128x128xf32, #tpu.memory_space<vmem_shared>>
    tpu.enqueue_dma source(%arg15 : memref<128x128xf32, #tpu.memory_space<vmem>>) target(%dma_start3A_27 : memref<128x128xf32, #tpu.memory_space<vmem_shared>>) target_semaphore(%arg23 : memref<!tpu.dma_semaphore, #tpu.memory_space<semaphore_mem>>)
    %add3A_28 = arith.constant 512 : i32
    %add3A_29 = arith.addi %mul3A_4, %add3A_28 : i32
    %dma_start3A_30 = arith.constant 0 : i32
    %dma_start3A_31 = arith.constant 0 : i32
    %dma_start3A_32 = tpu.memref_slice %arg15[%dma_start3A_30, %dma_start3A_31] : memref<128x128xf32, #tpu.memory_space<vmem>> -> memref<120x128xf32, #tpu.memory_space<vmem>>
    %dma_start3A_33 = arith.constant 0 : i32
    %dma_start3A_34 = tpu.memref_slice %arg16[%add3A_29, %dma_start3A_33] : memref<10112x128xf32, #tpu.memory_space<vmem_shared>> -> memref<120x128xf32, #tpu.memory_space<vmem_shared>>
    %dma_start3A_35 = arith.constant 0 : i32
    %dma_start3A_36 = tpu.memref_slice %arg16[%add3A_29, %dma_start3A_35] : memref<10112x128xf32, #tpu.memory_space<vmem_shared>> -> memref<120x128xf32, #tpu.memory_space<vmem_shared>>
    %dma_start3A_37 = arith.constant 0 : i32
    %dma_start3A_38 = arith.constant 0 : i32
    %dma_start3A_39 = tpu.memref_slice %arg15[%dma_start3A_37, %dma_start3A_38] : memref<128x128xf32, #tpu.memory_space<vmem>> -> memref<120x128xf32, #tpu.memory_space<vmem>>
    tpu.enqueue_dma source(%dma_start3A_39 : memref<120x128xf32, #tpu.memory_space<vmem>>) target(%dma_start3A_36 : memref<120x128xf32, #tpu.memory_space<vmem_shared>>) target_semaphore(%arg24 : memref<!tpu.dma_semaphore, #tpu.memory_space<semaphore_mem>>)
    %dma_start3A_40 = arith.constant 0 : i32
    %dma_start3A_41 = tpu.memref_slice %arg3[%mul3A_2, %dma_start3A_40] : memref<2592x128xi32, #tpu.memory_space<hbm>> -> memref<1x128xi32, #tpu.memory_space<hbm>>
    %dma_start3A_42 = tpu.memref_squeeze %dma_start3A_41 : memref<1x128xi32, #tpu.memory_space<hbm>> -> memref<128xi32, #tpu.memory_space<hbm>>
    %dma_start3A_43 = arith.constant 0 : i32
    %dma_start3A_44 = tpu.memref_slice %arg3[%mul3A_2, %dma_start3A_43] : memref<2592x128xi32, #tpu.memory_space<hbm>> -> memref<1x128xi32, #tpu.memory_space<hbm>>
    %dma_start3A_45 = tpu.memref_squeeze %dma_start3A_44 : memref<1x128xi32, #tpu.memory_space<hbm>> -> memref<128xi32, #tpu.memory_space<hbm>>
    tpu.enqueue_dma source(%dma_start3A_45 : memref<128xi32, #tpu.memory_space<hbm>>) target(%arg7 : memref<128xi32, #tpu.memory_space<vmem>>) target_semaphore(%arg26 : memref<!tpu.dma_semaphore, #tpu.memory_space<semaphore_mem>>)
    %add3A_46 = arith.constant 1 : i32
    %add3A_47 = arith.addi %mul3A_2, %add3A_46 : i32
    %dma_start3A_48 = arith.constant 0 : i32
    %dma_start3A_49 = tpu.memref_slice %arg3[%add3A_47, %dma_start3A_48] : memref<2592x128xi32, #tpu.memory_space<hbm>> -> memref<1x128xi32, #tpu.memory_space<hbm>>
    %dma_start3A_50 = tpu.memref_squeeze %dma_start3A_49 : memref<1x128xi32, #tpu.memory_space<hbm>> -> memref<128xi32, #tpu.memory_space<hbm>>
    %dma_start3A_51 = arith.constant 0 : i32
    %dma_start3A_52 = tpu.memref_slice %arg3[%add3A_47, %dma_start3A_51] : memref<2592x128xi32, #tpu.memory_space<hbm>> -> memref<1x128xi32, #tpu.memory_space<hbm>>
    %dma_start3A_53 = tpu.memref_squeeze %dma_start3A_52 : memref<1x128xi32, #tpu.memory_space<hbm>> -> memref<128xi32, #tpu.memory_space<hbm>>
    tpu.enqueue_dma source(%dma_start3A_53 : memref<128xi32, #tpu.memory_space<hbm>>) target(%arg8 : memref<128xi32, #tpu.memory_space<vmem>>) target_semaphore(%arg27 : memref<!tpu.dma_semaphore, #tpu.memory_space<semaphore_mem>>)
    %add3A_54 = arith.constant 2 : i32
    %add3A_55 = arith.addi %mul3A_2, %add3A_54 : i32
    %dma_start3A_56 = arith.constant 0 : i32
    %dma_start3A_57 = tpu.memref_slice %arg3[%add3A_55, %dma_start3A_56] : memref<2592x128xi32, #tpu.memory_space<hbm>> -> memref<1x128xi32, #tpu.memory_space<hbm>>
    %dma_start3A_58 = tpu.memref_squeeze %dma_start3A_57 : memref<1x128xi32, #tpu.memory_space<hbm>> -> memref<128xi32, #tpu.memory_space<hbm>>
    %dma_start3A_59 = arith.constant 0 : i32
    %dma_start3A_60 = tpu.memref_slice %arg3[%add3A_55, %dma_start3A_59] : memref<2592x128xi32, #tpu.memory_space<hbm>> -> memref<1x128xi32, #tpu.memory_space<hbm>>
    %dma_start3A_61 = tpu.memref_squeeze %dma_start3A_60 : memref<1x128xi32, #tpu.memory_space<hbm>> -> memref<128xi32, #tpu.memory_space<hbm>>
    tpu.enqueue_dma source(%dma_start3A_61 : memref<128xi32, #tpu.memory_space<hbm>>) target(%arg9 : memref<128xi32, #tpu.memory_space<vmem>>) target_semaphore(%arg28 : memref<!tpu.dma_semaphore, #tpu.memory_space<semaphore_mem>>)
    %dma_start3A_62 = arith.constant 0 : i32
    %dma_start3A_63 = tpu.memref_slice %arg4[%mul3A_2, %dma_start3A_62] : memref<2592x128xi32, #tpu.memory_space<hbm>> -> memref<1x128xi32, #tpu.memory_space<hbm>>
    %dma_start3A_64 = tpu.memref_squeeze %dma_start3A_63 : memref<1x128xi32, #tpu.memory_space<hbm>> -> memref<128xi32, #tpu.memory_space<hbm>>
    %dma_start3A_65 = arith.constant 0 : i32
    %dma_start3A_66 = tpu.memref_slice %arg4[%mul3A_2, %dma_start3A_65] : memref<2592x128xi32, #tpu.memory_space<hbm>> -> memref<1x128xi32, #tpu.memory_space<hbm>>
    %dma_start3A_67 = tpu.memref_squeeze %dma_start3A_66 : memref<1x128xi32, #tpu.memory_space<hbm>> -> memref<128xi32, #tpu.memory_space<hbm>>
    tpu.enqueue_dma source(%dma_start3A_67 : memref<128xi32, #tpu.memory_space<hbm>>) target(%arg10 : memref<128xi32, #tpu.memory_space<vmem>>) target_semaphore(%arg20 : memref<!tpu.dma_semaphore, #tpu.memory_space<semaphore_mem>>)
    %add3A_68 = arith.constant 1 : i32
    %add3A_69 = arith.addi %mul3A_2, %add3A_68 : i32
    %dma_start3A_70 = arith.constant 0 : i32
    %dma_start3A_71 = tpu.memref_slice %arg4[%add3A_69, %dma_start3A_70] : memref<2592x128xi32, #tpu.memory_space<hbm>> -> memref<1x128xi32, #tpu.memory_space<hbm>>
    %dma_start3A_72 = tpu.memref_squeeze %dma_start3A_71 : memref<1x128xi32, #tpu.memory_space<hbm>> -> memref<128xi32, #tpu.memory_space<hbm>>
    %dma_start3A_73 = arith.constant 0 : i32
    %dma_start3A_74 = tpu.memref_slice %arg4[%add3A_69, %dma_start3A_73] : memref<2592x128xi32, #tpu.memory_space<hbm>> -> memref<1x128xi32, #tpu.memory_space<hbm>>
    %dma_start3A_75 = tpu.memref_squeeze %dma_start3A_74 : memref<1x128xi32, #tpu.memory_space<hbm>> -> memref<128xi32, #tpu.memory_space<hbm>>
    tpu.enqueue_dma source(%dma_start3A_75 : memref<128xi32, #tpu.memory_space<hbm>>) target(%arg11 : memref<128xi32, #tpu.memory_space<vmem>>) target_semaphore(%arg21 : memref<!tpu.dma_semaphore, #tpu.memory_space<semaphore_mem>>)
    %dma_start3A_76 = arith.constant 0 : i32
    %dma_start3A_77 = tpu.memref_slice %arg4[%mul3A_2, %dma_start3A_76] : memref<2592x128xi32, #tpu.memory_space<hbm>> -> memref<1x128xi32, #tpu.memory_space<hbm>>
    %dma_start3A_78 = tpu.memref_squeeze %dma_start3A_77 : memref<1x128xi32, #tpu.memory_space<hbm>> -> memref<128xi32, #tpu.memory_space<hbm>>
    %dma_start3A_79 = arith.constant 0 : i32
    %dma_start3A_80 = tpu.memref_slice %arg4[%mul3A_2, %dma_start3A_79] : memref<2592x128xi32, #tpu.memory_space<hbm>> -> memref<1x128xi32, #tpu.memory_space<hbm>>
    %dma_start3A_81 = tpu.memref_squeeze %dma_start3A_80 : memref<1x128xi32, #tpu.memory_space<hbm>> -> memref<128xi32, #tpu.memory_space<hbm>>
    tpu.enqueue_dma source(%dma_start3A_81 : memref<128xi32, #tpu.memory_space<hbm>>) target(%arg12 : memref<128xi32, #tpu.memory_space<vmem>>) target_semaphore(%arg22 : memref<!tpu.dma_semaphore, #tpu.memory_space<semaphore_mem>>)
    %add3A_82 = arith.constant 0 : i32
    %add3A_83 = arith.addi %mul3A_4, %add3A_82 : i32
    %dma_wait3A = arith.constant 0 : i32
    %dma_wait3A_84 = tpu.memref_slice %arg16[%add3A_83, %dma_wait3A] : memref<10112x128xf32, #tpu.memory_space<vmem_shared>> -> memref<128x128xf32, #tpu.memory_space<vmem_shared>>
    %dma_wait3A_85 = arith.constant 0 : i32
    %dma_wait3A_86 = tpu.memref_slice %arg16[%add3A_83, %dma_wait3A_85] : memref<10112x128xf32, #tpu.memory_space<vmem_shared>> -> memref<128x128xf32, #tpu.memory_space<vmem_shared>>
    tpu.wait_dma2 semaphore(%arg23 : memref<!tpu.dma_semaphore, #tpu.memory_space<semaphore_mem>>) src(%arg15 : memref<128x128xf32, #tpu.memory_space<vmem>>) dst(%dma_wait3A_86 : memref<128x128xf32, #tpu.memory_space<vmem_shared>>)
    %add3A_87 = arith.constant 128 : i32
    %add3A_88 = arith.addi %mul3A_4, %add3A_87 : i32
    %dma_wait3A_89 = arith.constant 0 : i32
    %dma_wait3A_90 = tpu.memref_slice %arg16[%add3A_88, %dma_wait3A_89] : memref<10112x128xf32, #tpu.memory_space<vmem_shared>> -> memref<128x128xf32, #tpu.memory_space<vmem_shared>>
    %dma_wait3A_91 = arith.constant 0 : i32
    %dma_wait3A_92 = tpu.memref_slice %arg16[%add3A_88, %dma_wait3A_91] : memref<10112x128xf32, #tpu.memory_space<vmem_shared>> -> memref<128x128xf32, #tpu.memory_space<vmem_shared>>
    tpu.wait_dma2 semaphore(%arg23 : memref<!tpu.dma_semaphore, #tpu.memory_space<semaphore_mem>>) src(%arg15 : memref<128x128xf32, #tpu.memory_space<vmem>>) dst(%dma_wait3A_92 : memref<128x128xf32, #tpu.memory_space<vmem_shared>>)
    %add3A_93 = arith.constant 256 : i32
    %add3A_94 = arith.addi %mul3A_4, %add3A_93 : i32
    %dma_wait3A_95 = arith.constant 0 : i32
    %dma_wait3A_96 = tpu.memref_slice %arg16[%add3A_94, %dma_wait3A_95] : memref<10112x128xf32, #tpu.memory_space<vmem_shared>> -> memref<128x128xf32, #tpu.memory_space<vmem_shared>>
    %dma_wait3A_97 = arith.constant 0 : i32
    %dma_wait3A_98 = tpu.memref_slice %arg16[%add3A_94, %dma_wait3A_97] : memref<10112x128xf32, #tpu.memory_space<vmem_shared>> -> memref<128x128xf32, #tpu.memory_space<vmem_shared>>
    tpu.wait_dma2 semaphore(%arg23 : memref<!tpu.dma_semaphore, #tpu.memory_space<semaphore_mem>>) src(%arg15 : memref<128x128xf32, #tpu.memory_space<vmem>>) dst(%dma_wait3A_98 : memref<128x128xf32, #tpu.memory_space<vmem_shared>>)
    %add3A_99 = arith.constant 384 : i32
    %add3A_100 = arith.addi %mul3A_4, %add3A_99 : i32
    %dma_wait3A_101 = arith.constant 0 : i32
    %dma_wait3A_102 = tpu.memref_slice %arg16[%add3A_100, %dma_wait3A_101] : memref<10112x128xf32, #tpu.memory_space<vmem_shared>> -> memref<128x128xf32, #tpu.memory_space<vmem_shared>>
    %dma_wait3A_103 = arith.constant 0 : i32
    %dma_wait3A_104 = tpu.memref_slice %arg16[%add3A_100, %dma_wait3A_103] : memref<10112x128xf32, #tpu.memory_space<vmem_shared>> -> memref<128x128xf32, #tpu.memory_space<vmem_shared>>
    tpu.wait_dma2 semaphore(%arg23 : memref<!tpu.dma_semaphore, #tpu.memory_space<semaphore_mem>>) src(%arg15 : memref<128x128xf32, #tpu.memory_space<vmem>>) dst(%dma_wait3A_104 : memref<128x128xf32, #tpu.memory_space<vmem_shared>>)
    %add3A_105 = arith.constant 512 : i32
    %add3A_106 = arith.addi %mul3A_4, %add3A_105 : i32
    %dma_wait3A_107 = arith.constant 0 : i32
    %dma_wait3A_108 = arith.constant 0 : i32
    %dma_wait3A_109 = tpu.memref_slice %arg15[%dma_wait3A_107, %dma_wait3A_108] : memref<128x128xf32, #tpu.memory_space<vmem>> -> memref<120x128xf32, #tpu.memory_space<vmem>>
    %dma_wait3A_110 = arith.constant 0 : i32
    %dma_wait3A_111 = tpu.memref_slice %arg16[%add3A_106, %dma_wait3A_110] : memref<10112x128xf32, #tpu.memory_space<vmem_shared>> -> memref<120x128xf32, #tpu.memory_space<vmem_shared>>
    %dma_wait3A_112 = arith.constant 0 : i32
    %dma_wait3A_113 = tpu.memref_slice %arg16[%add3A_106, %dma_wait3A_112] : memref<10112x128xf32, #tpu.memory_space<vmem_shared>> -> memref<120x128xf32, #tpu.memory_space<vmem_shared>>
    %dma_wait3A_114 = arith.constant 0 : i32
    %dma_wait3A_115 = arith.constant 0 : i32
    %dma_wait3A_116 = tpu.memref_slice %arg15[%dma_wait3A_114, %dma_wait3A_115] : memref<128x128xf32, #tpu.memory_space<vmem>> -> memref<120x128xf32, #tpu.memory_space<vmem>>
    tpu.wait_dma2 semaphore(%arg24 : memref<!tpu.dma_semaphore, #tpu.memory_space<semaphore_mem>>) src(%dma_wait3A_116 : memref<120x128xf32, #tpu.memory_space<vmem>>) dst(%dma_wait3A_113 : memref<120x128xf32, #tpu.memory_space<vmem_shared>>)
    %dma_wait3A_117 = arith.constant 0 : i32
    %dma_wait3A_118 = tpu.memref_slice %arg3[%mul3A_2, %dma_wait3A_117] : memref<2592x128xi32, #tpu.memory_space<hbm>> -> memref<1x128xi32, #tpu.memory_space<hbm>>
    %dma_wait3A_119 = tpu.memref_squeeze %dma_wait3A_118 : memref<1x128xi32, #tpu.memory_space<hbm>> -> memref<128xi32, #tpu.memory_space<hbm>>
    %dma_wait3A_120 = arith.constant 0 : i32
    %dma_wait3A_121 = tpu.memref_slice %arg3[%mul3A_2, %dma_wait3A_120] : memref<2592x128xi32, #tpu.memory_space<hbm>> -> memref<1x128xi32, #tpu.memory_space<hbm>>
    %dma_wait3A_122 = tpu.memref_squeeze %dma_wait3A_121 : memref<1x128xi32, #tpu.memory_space<hbm>> -> memref<128xi32, #tpu.memory_space<hbm>>
    tpu.wait_dma2 semaphore(%arg26 : memref<!tpu.dma_semaphore, #tpu.memory_space<semaphore_mem>>) src(%dma_wait3A_122 : memref<128xi32, #tpu.memory_space<hbm>>) dst(%arg7 : memref<128xi32, #tpu.memory_space<vmem>>)
    %dma_start3A_123 = arith.constant 0 : i32
    %dma_start3A_124 = arith.constant 0 : i32
    %dma_start3A_125 = tpu.memref_slice %arg2[%dma_start3A_123, %dma_start3A_124] : memref<10000x128xf32, #tpu.memory_space<hbm>> -> memref<10000x128xf32, #tpu.memory_space<hbm>>
    tpu.enqueue_indirect_dma source(%dma_start3A_125 : memref<10000x128xf32, #tpu.memory_space<hbm>>) target(%arg13 : memref<128x128xf32, #tpu.memory_space<vmem>>) offsets(%arg7 : memref<128xi32, #tpu.memory_space<vmem>>) semaphore(%arg17 : memref<!tpu.dma_semaphore, #tpu.memory_space<semaphore_mem>>)
    %add3A_126 = arith.constant 1 : i32
    %add3A_127 = arith.addi %mul3A_2, %add3A_126 : i32
    %dma_wait3A_128 = arith.constant 0 : i32
    %dma_wait3A_129 = tpu.memref_slice %arg3[%add3A_127, %dma_wait3A_128] : memref<2592x128xi32, #tpu.memory_space<hbm>> -> memref<1x128xi32, #tpu.memory_space<hbm>>
    %dma_wait3A_130 = tpu.memref_squeeze %dma_wait3A_129 : memref<1x128xi32, #tpu.memory_space<hbm>> -> memref<128xi32, #tpu.memory_space<hbm>>
    %dma_wait3A_131 = arith.constant 0 : i32
    %dma_wait3A_132 = tpu.memref_slice %arg3[%add3A_127, %dma_wait3A_131] : memref<2592x128xi32, #tpu.memory_space<hbm>> -> memref<1x128xi32, #tpu.memory_space<hbm>>
    %dma_wait3A_133 = tpu.memref_squeeze %dma_wait3A_132 : memref<1x128xi32, #tpu.memory_space<hbm>> -> memref<128xi32, #tpu.memory_space<hbm>>
    tpu.wait_dma2 semaphore(%arg27 : memref<!tpu.dma_semaphore, #tpu.memory_space<semaphore_mem>>) src(%dma_wait3A_133 : memref<128xi32, #tpu.memory_space<hbm>>) dst(%arg8 : memref<128xi32, #tpu.memory_space<vmem>>)
    %dma_start3A_134 = arith.constant 0 : i32
    %dma_start3A_135 = arith.constant 0 : i32
    %dma_start3A_136 = tpu.memref_slice %arg2[%dma_start3A_134, %dma_start3A_135] : memref<10000x128xf32, #tpu.memory_space<hbm>> -> memref<10000x128xf32, #tpu.memory_space<hbm>>
    tpu.enqueue_indirect_dma source(%dma_start3A_136 : memref<10000x128xf32, #tpu.memory_space<hbm>>) target(%arg14 : memref<128x128xf32, #tpu.memory_space<vmem>>) offsets(%arg8 : memref<128xi32, #tpu.memory_space<vmem>>) semaphore(%arg18 : memref<!tpu.dma_semaphore, #tpu.memory_space<semaphore_mem>>)
    %dma_wait3A_137 = arith.constant 0 : i32
    %dma_wait3A_138 = tpu.memref_slice %arg4[%mul3A_2, %dma_wait3A_137] : memref<2592x128xi32, #tpu.memory_space<hbm>> -> memref<1x128xi32, #tpu.memory_space<hbm>>
    %dma_wait3A_139 = tpu.memref_squeeze %dma_wait3A_138 : memref<1x128xi32, #tpu.memory_space<hbm>> -> memref<128xi32, #tpu.memory_space<hbm>>
    %dma_wait3A_140 = arith.constant 0 : i32
    %dma_wait3A_141 = tpu.memref_slice %arg4[%mul3A_2, %dma_wait3A_140] : memref<2592x128xi32, #tpu.memory_space<hbm>> -> memref<1x128xi32, #tpu.memory_space<hbm>>
    %dma_wait3A_142 = tpu.memref_squeeze %dma_wait3A_141 : memref<1x128xi32, #tpu.memory_space<hbm>> -> memref<128xi32, #tpu.memory_space<hbm>>
    tpu.wait_dma2 semaphore(%arg22 : memref<!tpu.dma_semaphore, #tpu.memory_space<semaphore_mem>>) src(%dma_wait3A_142 : memref<128xi32, #tpu.memory_space<hbm>>) dst(%arg12 : memref<128xi32, #tpu.memory_space<vmem>>)
    %barrier3A = arith.constant 0 : index
    tpu.barrier barrier_id(%barrier3A)
    %dma_start3A_143 = arith.constant 0 : i32
    %dma_start3A_144 = arith.constant 0 : i32
    %dma_start3A_145 = tpu.memref_slice %arg16[%dma_start3A_143, %dma_start3A_144] : memref<10112x128xf32, #tpu.memory_space<vmem_shared>> -> memref<10112x128xf32, #tpu.memory_space<vmem_shared>>
    tpu.enqueue_indirect_dma source(%arg15 : memref<128x128xf32, #tpu.memory_space<vmem>>) target(%dma_start3A_145 : memref<10112x128xf32, #tpu.memory_space<vmem_shared>>) offsets(%arg12 : memref<128xi32, #tpu.memory_space<vmem>>) semaphore(%arg25 : memref<!tpu.dma_semaphore, #tpu.memory_space<semaphore_mem>>) {add = true}
    %scan3A = arith.constant 0 : i32
    %scan3A_146 = arith.constant 0 : i32
    %scan3A_147 = arith.constant 27 : i32
    %scan3A_148 = arith.addi %scan3A_146, %scan3A_147 : i32
    %scan3A_149 = arith.constant 1 : i32
    %scan3A_150 = scf.for %scan3A_159 = %scan3A_146 to %scan3A_148 step %scan3A_149 iter_args(%scan3A_160 = %scan3A) -> (i32)  : i32 {
      %mul3A_161 = arith.constant 3 : i32
      %mul3A_162 = arith.muli %mul3A_161, %scan3A_159 : i32
      %add3A_163 = arith.constant 0 : i32
      %add3A_164 = arith.addi %mul3A_162, %add3A_163 : i32
      %dma_wait3A_165 = arith.constant 0 : i32
      %dma_wait3A_166 = arith.constant 0 : i32
      %dma_wait3A_167 = tpu.memref_slice %arg2[%dma_wait3A_165, %dma_wait3A_166] : memref<10000x128xf32, #tpu.memory_space<hbm>> -> memref<10000x128xf32, #tpu.memory_space<hbm>>
      tpu.wait_indirect_dma semaphore(%arg17 : memref<!tpu.dma_semaphore, #tpu.memory_space<semaphore_mem>>) src(%dma_wait3A_167 : memref<10000x128xf32, #tpu.memory_space<hbm>>) dst(%arg13 : memref<128x128xf32, #tpu.memory_space<vmem>>)
      %add3A_168 = arith.constant 3 : i32
      %add3A_169 = arith.addi %add3A_164, %add3A_168 : i32
      %lt3A = arith.constant 81 : i32
      %lt3A_170 = arith.cmpi slt, %add3A_169, %lt3A : i32
      %convert_element_type3A = arith.extui %lt3A_170 : i1 to i32
      %cond3A = arith.constant 0 : i32
      %cond3A_171 = arith.cmpi ne, %convert_element_type3A, %cond3A : i32
      scf.if %cond3A_171 {
        %add3A_261 = arith.addi %mul3A_2, %add3A_164 : i32
        %add3A_262 = arith.constant 3 : i32
        %add3A_263 = arith.addi %add3A_261, %add3A_262 : i32
        %dma_start3A_264 = arith.constant 0 : i32
        %dma_start3A_265 = tpu.memref_slice %arg3[%add3A_263, %dma_start3A_264] : memref<2592x128xi32, #tpu.memory_space<hbm>> -> memref<1x128xi32, #tpu.memory_space<hbm>>
        %dma_start3A_266 = tpu.memref_squeeze %dma_start3A_265 : memref<1x128xi32, #tpu.memory_space<hbm>> -> memref<128xi32, #tpu.memory_space<hbm>>
        %dma_start3A_267 = arith.constant 0 : i32
        %dma_start3A_268 = tpu.memref_slice %arg3[%add3A_263, %dma_start3A_267] : memref<2592x128xi32, #tpu.memory_space<hbm>> -> memref<1x128xi32, #tpu.memory_space<hbm>>
        %dma_start3A_269 = tpu.memref_squeeze %dma_start3A_268 : memref<1x128xi32, #tpu.memory_space<hbm>> -> memref<128xi32, #tpu.memory_space<hbm>>
        tpu.enqueue_dma source(%dma_start3A_269 : memref<128xi32, #tpu.memory_space<hbm>>) target(%arg7 : memref<128xi32, #tpu.memory_space<vmem>>) target_semaphore(%arg26 : memref<!tpu.dma_semaphore, #tpu.memory_space<semaphore_mem>>)
      } else {
      }
      %add3A_172 = arith.addi %mul3A_2, %add3A_164 : i32
      %dma_wait3A_173 = arith.constant 0 : i32
      %dma_wait3A_174 = tpu.memref_slice %arg4[%add3A_172, %dma_wait3A_173] : memref<2592x128xi32, #tpu.memory_space<hbm>> -> memref<1x128xi32, #tpu.memory_space<hbm>>
      %dma_wait3A_175 = tpu.memref_squeeze %dma_wait3A_174 : memref<1x128xi32, #tpu.memory_space<hbm>> -> memref<128xi32, #tpu.memory_space<hbm>>
      %dma_wait3A_176 = arith.constant 0 : i32
      %dma_wait3A_177 = tpu.memref_slice %arg4[%add3A_172, %dma_wait3A_176] : memref<2592x128xi32, #tpu.memory_space<hbm>> -> memref<1x128xi32, #tpu.memory_space<hbm>>
      %dma_wait3A_178 = tpu.memref_squeeze %dma_wait3A_177 : memref<1x128xi32, #tpu.memory_space<hbm>> -> memref<128xi32, #tpu.memory_space<hbm>>
      tpu.wait_dma2 semaphore(%arg20 : memref<!tpu.dma_semaphore, #tpu.memory_space<semaphore_mem>>) src(%dma_wait3A_178 : memref<128xi32, #tpu.memory_space<hbm>>) dst(%arg10 : memref<128xi32, #tpu.memory_space<vmem>>)
      %dma_start3A_179 = arith.constant 0 : i32
      %dma_start3A_180 = arith.constant 0 : i32
      %dma_start3A_181 = tpu.memref_slice %arg16[%dma_start3A_179, %dma_start3A_180] : memref<10112x128xf32, #tpu.memory_space<vmem_shared>> -> memref<10112x128xf32, #tpu.memory_space<vmem_shared>>
      tpu.enqueue_indirect_dma source(%arg13 : memref<128x128xf32, #tpu.memory_space<vmem>>) target(%dma_start3A_181 : memref<10112x128xf32, #tpu.memory_space<vmem_shared>>) offsets(%arg10 : memref<128xi32, #tpu.memory_space<vmem>>) semaphore(%arg23 : memref<!tpu.dma_semaphore, #tpu.memory_space<semaphore_mem>>) {add = true}
      %dma_wait3A_182 = arith.constant 0 : i32
      %dma_wait3A_183 = arith.constant 0 : i32
      %dma_wait3A_184 = tpu.memref_slice %arg16[%dma_wait3A_182, %dma_wait3A_183] : memref<10112x128xf32, #tpu.memory_space<vmem_shared>> -> memref<10112x128xf32, #tpu.memory_space<vmem_shared>>
      tpu.wait_indirect_dma semaphore(%arg25 : memref<!tpu.dma_semaphore, #tpu.memory_space<semaphore_mem>>) src(%arg15 : memref<128x128xf32, #tpu.memory_space<vmem>>) dst(%dma_wait3A_184 : memref<10112x128xf32, #tpu.memory_space<vmem_shared>>)
      %add3A_185 = arith.constant 2 : i32
      %add3A_186 = arith.addi %add3A_164, %add3A_185 : i32
      %lt3A_187 = arith.constant 81 : i32
      %lt3A_188 = arith.cmpi slt, %add3A_186, %lt3A_187 : i32
      %convert_element_type3A_189 = arith.extui %lt3A_188 : i1 to i32
      %cond3A_190 = arith.constant 0 : i32
      %cond3A_191 = arith.cmpi ne, %convert_element_type3A_189, %cond3A_190 : i32
      scf.if %cond3A_191 {
        %add3A_261 = arith.addi %mul3A_2, %add3A_164 : i32
        %add3A_262 = arith.constant 2 : i32
        %add3A_263 = arith.addi %add3A_261, %add3A_262 : i32
        %dma_start3A_264 = arith.constant 0 : i32
        %dma_start3A_265 = tpu.memref_slice %arg4[%add3A_263, %dma_start3A_264] : memref<2592x128xi32, #tpu.memory_space<hbm>> -> memref<1x128xi32, #tpu.memory_space<hbm>>
        %dma_start3A_266 = tpu.memref_squeeze %dma_start3A_265 : memref<1x128xi32, #tpu.memory_space<hbm>> -> memref<128xi32, #tpu.memory_space<hbm>>
        %dma_start3A_267 = arith.constant 0 : i32
        %dma_start3A_268 = tpu.memref_slice %arg4[%add3A_263, %dma_start3A_267] : memref<2592x128xi32, #tpu.memory_space<hbm>> -> memref<1x128xi32, #tpu.memory_space<hbm>>
        %dma_start3A_269 = tpu.memref_squeeze %dma_start3A_268 : memref<1x128xi32, #tpu.memory_space<hbm>> -> memref<128xi32, #tpu.memory_space<hbm>>
        tpu.enqueue_dma source(%dma_start3A_269 : memref<128xi32, #tpu.memory_space<hbm>>) target(%arg12 : memref<128xi32, #tpu.memory_space<vmem>>) target_semaphore(%arg22 : memref<!tpu.dma_semaphore, #tpu.memory_space<semaphore_mem>>)
        %add3A_270 = arith.addi %mul3A_2, %add3A_164 : i32
        %add3A_271 = arith.constant 2 : i32
        %add3A_272 = arith.addi %add3A_270, %add3A_271 : i32
        %dma_wait3A_273 = arith.constant 0 : i32
        %dma_wait3A_274 = tpu.memref_slice %arg3[%add3A_272, %dma_wait3A_273] : memref<2592x128xi32, #tpu.memory_space<hbm>> -> memref<1x128xi32, #tpu.memory_space<hbm>>
        %dma_wait3A_275 = tpu.memref_squeeze %dma_wait3A_274 : memref<1x128xi32, #tpu.memory_space<hbm>> -> memref<128xi32, #tpu.memory_space<hbm>>
        %dma_wait3A_276 = arith.constant 0 : i32
        %dma_wait3A_277 = tpu.memref_slice %arg3[%add3A_272, %dma_wait3A_276] : memref<2592x128xi32, #tpu.memory_space<hbm>> -> memref<1x128xi32, #tpu.memory_space<hbm>>
        %dma_wait3A_278 = tpu.memref_squeeze %dma_wait3A_277 : memref<1x128xi32, #tpu.memory_space<hbm>> -> memref<128xi32, #tpu.memory_space<hbm>>
        tpu.wait_dma2 semaphore(%arg28 : memref<!tpu.dma_semaphore, #tpu.memory_space<semaphore_mem>>) src(%dma_wait3A_278 : memref<128xi32, #tpu.memory_space<hbm>>) dst(%arg9 : memref<128xi32, #tpu.memory_space<vmem>>)
        %dma_start3A_279 = arith.constant 0 : i32
        %dma_start3A_280 = arith.constant 0 : i32
        %dma_start3A_281 = tpu.memref_slice %arg2[%dma_start3A_279, %dma_start3A_280] : memref<10000x128xf32, #tpu.memory_space<hbm>> -> memref<10000x128xf32, #tpu.memory_space<hbm>>
        tpu.enqueue_indirect_dma source(%dma_start3A_281 : memref<10000x128xf32, #tpu.memory_space<hbm>>) target(%arg15 : memref<128x128xf32, #tpu.memory_space<vmem>>) offsets(%arg9 : memref<128xi32, #tpu.memory_space<vmem>>) semaphore(%arg19 : memref<!tpu.dma_semaphore, #tpu.memory_space<semaphore_mem>>)
      } else {
      }
      %mul3A_192 = arith.constant 3 : i32
      %mul3A_193 = arith.muli %mul3A_192, %scan3A_159 : i32
      %add3A_194 = arith.constant 1 : i32
      %add3A_195 = arith.addi %mul3A_193, %add3A_194 : i32
      %dma_wait3A_196 = arith.constant 0 : i32
      %dma_wait3A_197 = arith.constant 0 : i32
      %dma_wait3A_198 = tpu.memref_slice %arg2[%dma_wait3A_196, %dma_wait3A_197] : memref<10000x128xf32, #tpu.memory_space<hbm>> -> memref<10000x128xf32, #tpu.memory_space<hbm>>
      tpu.wait_indirect_dma semaphore(%arg18 : memref<!tpu.dma_semaphore, #tpu.memory_space<semaphore_mem>>) src(%dma_wait3A_198 : memref<10000x128xf32, #tpu.memory_space<hbm>>) dst(%arg14 : memref<128x128xf32, #tpu.memory_space<vmem>>)
      %add3A_199 = arith.constant 3 : i32
      %add3A_200 = arith.addi %add3A_195, %add3A_199 : i32
      %lt3A_201 = arith.constant 81 : i32
      %lt3A_202 = arith.cmpi slt, %add3A_200, %lt3A_201 : i32
      %convert_element_type3A_203 = arith.extui %lt3A_202 : i1 to i32
      %cond3A_204 = arith.constant 0 : i32
      %cond3A_205 = arith.cmpi ne, %convert_element_type3A_203, %cond3A_204 : i32
      scf.if %cond3A_205 {
        %add3A_261 = arith.addi %mul3A_2, %add3A_195 : i32
        %add3A_262 = arith.constant 3 : i32
        %add3A_263 = arith.addi %add3A_261, %add3A_262 : i32
        %dma_start3A_264 = arith.constant 0 : i32
        %dma_start3A_265 = tpu.memref_slice %arg3[%add3A_263, %dma_start3A_264] : memref<2592x128xi32, #tpu.memory_space<hbm>> -> memref<1x128xi32, #tpu.memory_space<hbm>>
        %dma_start3A_266 = tpu.memref_squeeze %dma_start3A_265 : memref<1x128xi32, #tpu.memory_space<hbm>> -> memref<128xi32, #tpu.memory_space<hbm>>
        %dma_start3A_267 = arith.constant 0 : i32
        %dma_start3A_268 = tpu.memref_slice %arg3[%add3A_263, %dma_start3A_267] : memref<2592x128xi32, #tpu.memory_space<hbm>> -> memref<1x128xi32, #tpu.memory_space<hbm>>
        %dma_start3A_269 = tpu.memref_squeeze %dma_start3A_268 : memref<1x128xi32, #tpu.memory_space<hbm>> -> memref<128xi32, #tpu.memory_space<hbm>>
        tpu.enqueue_dma source(%dma_start3A_269 : memref<128xi32, #tpu.memory_space<hbm>>) target(%arg8 : memref<128xi32, #tpu.memory_space<vmem>>) target_semaphore(%arg27 : memref<!tpu.dma_semaphore, #tpu.memory_space<semaphore_mem>>)
      } else {
      }
      %add3A_206 = arith.addi %mul3A_2, %add3A_195 : i32
      %dma_wait3A_207 = arith.constant 0 : i32
      %dma_wait3A_208 = tpu.memref_slice %arg4[%add3A_206, %dma_wait3A_207] : memref<2592x128xi32, #tpu.memory_space<hbm>> -> memref<1x128xi32, #tpu.memory_space<hbm>>
      %dma_wait3A_209 = tpu.memref_squeeze %dma_wait3A_208 : memref<1x128xi32, #tpu.memory_space<hbm>> -> memref<128xi32, #tpu.memory_space<hbm>>
      %dma_wait3A_210 = arith.constant 0 : i32
      %dma_wait3A_211 = tpu.memref_slice %arg4[%add3A_206, %dma_wait3A_210] : memref<2592x128xi32, #tpu.memory_space<hbm>> -> memref<1x128xi32, #tpu.memory_space<hbm>>
      %dma_wait3A_212 = tpu.memref_squeeze %dma_wait3A_211 : memref<1x128xi32, #tpu.memory_space<hbm>> -> memref<128xi32, #tpu.memory_space<hbm>>
      tpu.wait_dma2 semaphore(%arg21 : memref<!tpu.dma_semaphore, #tpu.memory_space<semaphore_mem>>) src(%dma_wait3A_212 : memref<128xi32, #tpu.memory_space<hbm>>) dst(%arg11 : memref<128xi32, #tpu.memory_space<vmem>>)
      %dma_start3A_213 = arith.constant 0 : i32
      %dma_start3A_214 = arith.constant 0 : i32
      %dma_start3A_215 = tpu.memref_slice %arg16[%dma_start3A_213, %dma_start3A_214] : memref<10112x128xf32, #tpu.memory_space<vmem_shared>> -> memref<10112x128xf32, #tpu.memory_space<vmem_shared>>
      tpu.enqueue_indirect_dma source(%arg14 : memref<128x128xf32, #tpu.memory_space<vmem>>) target(%dma_start3A_215 : memref<10112x128xf32, #tpu.memory_space<vmem_shared>>) offsets(%arg11 : memref<128xi32, #tpu.memory_space<vmem>>) semaphore(%arg24 : memref<!tpu.dma_semaphore, #tpu.memory_space<semaphore_mem>>) {add = true}
      %dma_wait3A_216 = arith.constant 0 : i32
      %dma_wait3A_217 = arith.constant 0 : i32
      %dma_wait3A_218 = tpu.memref_slice %arg16[%dma_wait3A_216, %dma_wait3A_217] : memref<10112x128xf32, #tpu.memory_space<vmem_shared>> -> memref<10112x128xf32, #tpu.memory_space<vmem_shared>>
      tpu.wait_indirect_dma semaphore(%arg23 : memref<!tpu.dma_semaphore, #tpu.memory_space<semaphore_mem>>) src(%arg13 : memref<128x128xf32, #tpu.memory_space<vmem>>) dst(%dma_wait3A_218 : memref<10112x128xf32, #tpu.memory_space<vmem_shared>>)
      %add3A_219 = arith.constant 2 : i32
      %add3A_220 = arith.addi %add3A_195, %add3A_219 : i32
      %lt3A_221 = arith.constant 81 : i32
      %lt3A_222 = arith.cmpi slt, %add3A_220, %lt3A_221 : i32
      %convert_element_type3A_223 = arith.extui %lt3A_222 : i1 to i32
      %cond3A_224 = arith.constant 0 : i32
      %cond3A_225 = arith.cmpi ne, %convert_element_type3A_223, %cond3A_224 : i32
      scf.if %cond3A_225 {
        %add3A_261 = arith.addi %mul3A_2, %add3A_195 : i32
        %add3A_262 = arith.constant 2 : i32
        %add3A_263 = arith.addi %add3A_261, %add3A_262 : i32
        %dma_start3A_264 = arith.constant 0 : i32
        %dma_start3A_265 = tpu.memref_slice %arg4[%add3A_263, %dma_start3A_264] : memref<2592x128xi32, #tpu.memory_space<hbm>> -> memref<1x128xi32, #tpu.memory_space<hbm>>
        %dma_start3A_266 = tpu.memref_squeeze %dma_start3A_265 : memref<1x128xi32, #tpu.memory_space<hbm>> -> memref<128xi32, #tpu.memory_space<hbm>>
        %dma_start3A_267 = arith.constant 0 : i32
        %dma_start3A_268 = tpu.memref_slice %arg4[%add3A_263, %dma_start3A_267] : memref<2592x128xi32, #tpu.memory_space<hbm>> -> memref<1x128xi32, #tpu.memory_space<hbm>>
        %dma_start3A_269 = tpu.memref_squeeze %dma_start3A_268 : memref<1x128xi32, #tpu.memory_space<hbm>> -> memref<128xi32, #tpu.memory_space<hbm>>
        tpu.enqueue_dma source(%dma_start3A_269 : memref<128xi32, #tpu.memory_space<hbm>>) target(%arg10 : memref<128xi32, #tpu.memory_space<vmem>>) target_semaphore(%arg20 : memref<!tpu.dma_semaphore, #tpu.memory_space<semaphore_mem>>)
        %add3A_270 = arith.addi %mul3A_2, %add3A_195 : i32
        %add3A_271 = arith.constant 2 : i32
        %add3A_272 = arith.addi %add3A_270, %add3A_271 : i32
        %dma_wait3A_273 = arith.constant 0 : i32
        %dma_wait3A_274 = tpu.memref_slice %arg3[%add3A_272, %dma_wait3A_273] : memref<2592x128xi32, #tpu.memory_space<hbm>> -> memref<1x128xi32, #tpu.memory_space<hbm>>
        %dma_wait3A_275 = tpu.memref_squeeze %dma_wait3A_274 : memref<1x128xi32, #tpu.memory_space<hbm>> -> memref<128xi32, #tpu.memory_space<hbm>>
        %dma_wait3A_276 = arith.constant 0 : i32
        %dma_wait3A_277 = tpu.memref_slice %arg3[%add3A_272, %dma_wait3A_276] : memref<2592x128xi32, #tpu.memory_space<hbm>> -> memref<1x128xi32, #tpu.memory_space<hbm>>
        %dma_wait3A_278 = tpu.memref_squeeze %dma_wait3A_277 : memref<1x128xi32, #tpu.memory_space<hbm>> -> memref<128xi32, #tpu.memory_space<hbm>>
        tpu.wait_dma2 semaphore(%arg26 : memref<!tpu.dma_semaphore, #tpu.memory_space<semaphore_mem>>) src(%dma_wait3A_278 : memref<128xi32, #tpu.memory_space<hbm>>) dst(%arg7 : memref<128xi32, #tpu.memory_space<vmem>>)
        %dma_start3A_279 = arith.constant 0 : i32
        %dma_start3A_280 = arith.constant 0 : i32
        %dma_start3A_281 = tpu.memref_slice %arg2[%dma_start3A_279, %dma_start3A_280] : memref<10000x128xf32, #tpu.memory_space<hbm>> -> memref<10000x128xf32, #tpu.memory_space<hbm>>
        tpu.enqueue_indirect_dma source(%dma_start3A_281 : memref<10000x128xf32, #tpu.memory_space<hbm>>) target(%arg13 : memref<128x128xf32, #tpu.memory_space<vmem>>) offsets(%arg7 : memref<128xi32, #tpu.memory_space<vmem>>) semaphore(%arg17 : memref<!tpu.dma_semaphore, #tpu.memory_space<semaphore_mem>>)
      } else {
      }
      %mul3A_226 = arith.constant 3 : i32
      %mul3A_227 = arith.muli %mul3A_226, %scan3A_159 : i32
      %add3A_228 = arith.constant 2 : i32
      %add3A_229 = arith.addi %mul3A_227, %add3A_228 : i32
      %dma_wait3A_230 = arith.constant 0 : i32
      %dma_wait3A_231 = arith.constant 0 : i32
      %dma_wait3A_232 = tpu.memref_slice %arg2[%dma_wait3A_230, %dma_wait3A_231] : memref<10000x128xf32, #tpu.memory_space<hbm>> -> memref<10000x128xf32, #tpu.memory_space<hbm>>
      tpu.wait_indirect_dma semaphore(%arg19 : memref<!tpu.dma_semaphore, #tpu.memory_space<semaphore_mem>>) src(%dma_wait3A_232 : memref<10000x128xf32, #tpu.memory_space<hbm>>) dst(%arg15 : memref<128x128xf32, #tpu.memory_space<vmem>>)
      %add3A_233 = arith.constant 3 : i32
      %add3A_234 = arith.addi %add3A_229, %add3A_233 : i32
      %lt3A_235 = arith.constant 81 : i32
      %lt3A_236 = arith.cmpi slt, %add3A_234, %lt3A_235 : i32
      %convert_element_type3A_237 = arith.extui %lt3A_236 : i1 to i32
      %cond3A_238 = arith.constant 0 : i32
      %cond3A_239 = arith.cmpi ne, %convert_element_type3A_237, %cond3A_238 : i32
      scf.if %cond3A_239 {
        %add3A_261 = arith.addi %mul3A_2, %add3A_229 : i32
        %add3A_262 = arith.constant 3 : i32
        %add3A_263 = arith.addi %add3A_261, %add3A_262 : i32
        %dma_start3A_264 = arith.constant 0 : i32
        %dma_start3A_265 = tpu.memref_slice %arg3[%add3A_263, %dma_start3A_264] : memref<2592x128xi32, #tpu.memory_space<hbm>> -> memref<1x128xi32, #tpu.memory_space<hbm>>
        %dma_start3A_266 = tpu.memref_squeeze %dma_start3A_265 : memref<1x128xi32, #tpu.memory_space<hbm>> -> memref<128xi32, #tpu.memory_space<hbm>>
        %dma_start3A_267 = arith.constant 0 : i32
        %dma_start3A_268 = tpu.memref_slice %arg3[%add3A_263, %dma_start3A_267] : memref<2592x128xi32, #tpu.memory_space<hbm>> -> memref<1x128xi32, #tpu.memory_space<hbm>>
        %dma_start3A_269 = tpu.memref_squeeze %dma_start3A_268 : memref<1x128xi32, #tpu.memory_space<hbm>> -> memref<128xi32, #tpu.memory_space<hbm>>
        tpu.enqueue_dma source(%dma_start3A_269 : memref<128xi32, #tpu.memory_space<hbm>>) target(%arg9 : memref<128xi32, #tpu.memory_space<vmem>>) target_semaphore(%arg28 : memref<!tpu.dma_semaphore, #tpu.memory_space<semaphore_mem>>)
      } else {
      }
      %add3A_240 = arith.addi %mul3A_2, %add3A_229 : i32
      %dma_wait3A_241 = arith.constant 0 : i32
      %dma_wait3A_242 = tpu.memref_slice %arg4[%add3A_240, %dma_wait3A_241] : memref<2592x128xi32, #tpu.memory_space<hbm>> -> memref<1x128xi32, #tpu.memory_space<hbm>>
      %dma_wait3A_243 = tpu.memref_squeeze %dma_wait3A_242 : memref<1x128xi32, #tpu.memory_space<hbm>> -> memref<128xi32, #tpu.memory_space<hbm>>
      %dma_wait3A_244 = arith.constant 0 : i32
      %dma_wait3A_245 = tpu.memref_slice %arg4[%add3A_240, %dma_wait3A_244] : memref<2592x128xi32, #tpu.memory_space<hbm>> -> memref<1x128xi32, #tpu.memory_space<hbm>>
      %dma_wait3A_246 = tpu.memref_squeeze %dma_wait3A_245 : memref<1x128xi32, #tpu.memory_space<hbm>> -> memref<128xi32, #tpu.memory_space<hbm>>
      tpu.wait_dma2 semaphore(%arg22 : memref<!tpu.dma_semaphore, #tpu.memory_space<semaphore_mem>>) src(%dma_wait3A_246 : memref<128xi32, #tpu.memory_space<hbm>>) dst(%arg12 : memref<128xi32, #tpu.memory_space<vmem>>)
      %dma_start3A_247 = arith.constant 0 : i32
      %dma_start3A_248 = arith.constant 0 : i32
      %dma_start3A_249 = tpu.memref_slice %arg16[%dma_start3A_247, %dma_start3A_248] : memref<10112x128xf32, #tpu.memory_space<vmem_shared>> -> memref<10112x128xf32, #tpu.memory_space<vmem_shared>>
      tpu.enqueue_indirect_dma source(%arg15 : memref<128x128xf32, #tpu.memory_space<vmem>>) target(%dma_start3A_249 : memref<10112x128xf32, #tpu.memory_space<vmem_shared>>) offsets(%arg12 : memref<128xi32, #tpu.memory_space<vmem>>) semaphore(%arg25 : memref<!tpu.dma_semaphore, #tpu.memory_space<semaphore_mem>>) {add = true}
      %dma_wait3A_250 = arith.constant 0 : i32
      %dma_wait3A_251 = arith.constant 0 : i32
      %dma_wait3A_252 = tpu.memref_slice %arg16[%dma_wait3A_250, %dma_wait3A_251] : memref<10112x128xf32, #tpu.memory_space<vmem_shared>> -> memref<10112x128xf32, #tpu.memory_space<vmem_shared>>
      tpu.wait_indirect_dma semaphore(%arg24 : memref<!tpu.dma_semaphore, #tpu.memory_space<semaphore_mem>>) src(%arg14 : memref<128x128xf32, #tpu.memory_space<vmem>>) dst(%dma_wait3A_252 : memref<10112x128xf32, #tpu.memory_space<vmem_shared>>)
      %add3A_253 = arith.constant 2 : i32
      %add3A_254 = arith.addi %add3A_229, %add3A_253 : i32
      %lt3A_255 = arith.constant 81 : i32
      %lt3A_256 = arith.cmpi slt, %add3A_254, %lt3A_255 : i32
      %convert_element_type3A_257 = arith.extui %lt3A_256 : i1 to i32
      %cond3A_258 = arith.constant 0 : i32
      %cond3A_259 = arith.cmpi ne, %convert_element_type3A_257, %cond3A_258 : i32
      scf.if %cond3A_259 {
        %add3A_261 = arith.addi %mul3A_2, %add3A_229 : i32
        %add3A_262 = arith.constant 2 : i32
        %add3A_263 = arith.addi %add3A_261, %add3A_262 : i32
        %dma_start3A_264 = arith.constant 0 : i32
        %dma_start3A_265 = tpu.memref_slice %arg4[%add3A_263, %dma_start3A_264] : memref<2592x128xi32, #tpu.memory_space<hbm>> -> memref<1x128xi32, #tpu.memory_space<hbm>>
        %dma_start3A_266 = tpu.memref_squeeze %dma_start3A_265 : memref<1x128xi32, #tpu.memory_space<hbm>> -> memref<128xi32, #tpu.memory_space<hbm>>
        %dma_start3A_267 = arith.constant 0 : i32
        %dma_start3A_268 = tpu.memref_slice %arg4[%add3A_263, %dma_start3A_267] : memref<2592x128xi32, #tpu.memory_space<hbm>> -> memref<1x128xi32, #tpu.memory_space<hbm>>
        %dma_start3A_269 = tpu.memref_squeeze %dma_start3A_268 : memref<1x128xi32, #tpu.memory_space<hbm>> -> memref<128xi32, #tpu.memory_space<hbm>>
        tpu.enqueue_dma source(%dma_start3A_269 : memref<128xi32, #tpu.memory_space<hbm>>) target(%arg11 : memref<128xi32, #tpu.memory_space<vmem>>) target_semaphore(%arg21 : memref<!tpu.dma_semaphore, #tpu.memory_space<semaphore_mem>>)
        %add3A_270 = arith.addi %mul3A_2, %add3A_229 : i32
        %add3A_271 = arith.constant 2 : i32
        %add3A_272 = arith.addi %add3A_270, %add3A_271 : i32
        %dma_wait3A_273 = arith.constant 0 : i32
        %dma_wait3A_274 = tpu.memref_slice %arg3[%add3A_272, %dma_wait3A_273] : memref<2592x128xi32, #tpu.memory_space<hbm>> -> memref<1x128xi32, #tpu.memory_space<hbm>>
        %dma_wait3A_275 = tpu.memref_squeeze %dma_wait3A_274 : memref<1x128xi32, #tpu.memory_space<hbm>> -> memref<128xi32, #tpu.memory_space<hbm>>
        %dma_wait3A_276 = arith.constant 0 : i32
        %dma_wait3A_277 = tpu.memref_slice %arg3[%add3A_272, %dma_wait3A_276] : memref<2592x128xi32, #tpu.memory_space<hbm>> -> memref<1x128xi32, #tpu.memory_space<hbm>>
        %dma_wait3A_278 = tpu.memref_squeeze %dma_wait3A_277 : memref<1x128xi32, #tpu.memory_space<hbm>> -> memref<128xi32, #tpu.memory_space<hbm>>
        tpu.wait_dma2 semaphore(%arg27 : memref<!tpu.dma_semaphore, #tpu.memory_space<semaphore_mem>>) src(%dma_wait3A_278 : memref<128xi32, #tpu.memory_space<hbm>>) dst(%arg8 : memref<128xi32, #tpu.memory_space<vmem>>)
        %dma_start3A_279 = arith.constant 0 : i32
        %dma_start3A_280 = arith.constant 0 : i32
        %dma_start3A_281 = tpu.memref_slice %arg2[%dma_start3A_279, %dma_start3A_280] : memref<10000x128xf32, #tpu.memory_space<hbm>> -> memref<10000x128xf32, #tpu.memory_space<hbm>>
        tpu.enqueue_indirect_dma source(%dma_start3A_281 : memref<10000x128xf32, #tpu.memory_space<hbm>>) target(%arg14 : memref<128x128xf32, #tpu.memory_space<vmem>>) offsets(%arg8 : memref<128xi32, #tpu.memory_space<vmem>>) semaphore(%arg18 : memref<!tpu.dma_semaphore, #tpu.memory_space<semaphore_mem>>)
      } else {
      }
      %scan3A_260 = arith.constant 0 : i32
      scf.yield %scan3A_260 : i32
    }
    %scan3A_151 = arith.constant 27 : i32
    %dma_wait3A_152 = arith.constant 0 : i32
    %dma_wait3A_153 = arith.constant 0 : i32
    %dma_wait3A_154 = tpu.memref_slice %arg16[%dma_wait3A_152, %dma_wait3A_153] : memref<10112x128xf32, #tpu.memory_space<vmem_shared>> -> memref<10112x128xf32, #tpu.memory_space<vmem_shared>>
    tpu.wait_indirect_dma semaphore(%arg25 : memref<!tpu.dma_semaphore, #tpu.memory_space<semaphore_mem>>) src(%arg15 : memref<128x128xf32, #tpu.memory_space<vmem>>) dst(%dma_wait3A_154 : memref<10112x128xf32, #tpu.memory_space<vmem_shared>>)
    %barrier3A_155 = arith.constant 0 : index
    tpu.barrier barrier_id(%barrier3A_155)
    %mul3A_156 = arith.constant 10112 : i32
    %mul3A_157 = arith.muli %arg0, %mul3A_156 : i32
    %add3A_158 = arith.addi %mul3A_157, %mul3A_4 : i32
    "tpu.region"() ({
      %run_scoped3A = tpu.sem_alloc : memref<!tpu.dma_semaphore, #tpu.memory_space<semaphore_mem>>
      %dma_start3A_159 = arith.constant 0 : i32
      %dma_start3A_160 = tpu.memref_slice %arg6[%add3A_158, %dma_start3A_159] : memref<20224x128xf32, #tpu.memory_space<hbm>> -> memref<632x128xf32, #tpu.memory_space<hbm>>
      %dma_start3A_161 = arith.constant 0 : i32
      %dma_start3A_162 = tpu.memref_slice %arg16[%mul3A_4, %dma_start3A_161] : memref<10112x128xf32, #tpu.memory_space<vmem_shared>> -> memref<632x128xf32, #tpu.memory_space<vmem_shared>>
      tpu.enqueue_dma source(%dma_start3A_162 : memref<632x128xf32, #tpu.memory_space<vmem_shared>>) target(%dma_start3A_160 : memref<632x128xf32, #tpu.memory_space<hbm>>) target_semaphore(%run_scoped3A : memref<!tpu.dma_semaphore, #tpu.memory_space<semaphore_mem>>)
      %dma_wait3A_163 = arith.constant 0 : i32
      %dma_wait3A_164 = tpu.memref_slice %arg6[%add3A_158, %dma_wait3A_163] : memref<20224x128xf32, #tpu.memory_space<hbm>> -> memref<632x128xf32, #tpu.memory_space<hbm>>
      %dma_wait3A_165 = arith.constant 0 : i32
      %dma_wait3A_166 = tpu.memref_slice %arg16[%mul3A_4, %dma_wait3A_165] : memref<10112x128xf32, #tpu.memory_space<vmem_shared>> -> memref<632x128xf32, #tpu.memory_space<vmem_shared>>
      tpu.wait_dma2 semaphore(%run_scoped3A : memref<!tpu.dma_semaphore, #tpu.memory_space<semaphore_mem>>) src(%dma_wait3A_166 : memref<632x128xf32, #tpu.memory_space<vmem_shared>>) dst(%dma_wait3A_164 : memref<632x128xf32, #tpu.memory_space<hbm>>)
      tpu.yield
    }) : () -> ()
    return
  }
}

#map = affine_map<(d0, d1) -> (0, 0)>
module attributes {stable_mosaic.version = 14 : i64} {
  func.func @_agg(%arg0: i32, %arg1: i32, %arg2: memref<10000x128xf32, #tpu.memory_space<hbm>>, %arg3: memref<2592x128xi32, #tpu.memory_space<hbm>>, %arg4: memref<2592x128xi32, #tpu.memory_space<hbm>>, %arg5: memref<128x128xf32, #tpu.memory_space<hbm>>, %arg6: memref<20224x128xf32, #tpu.memory_space<hbm>>, %arg7: memref<128xi32, #tpu.memory_space<vmem>>, %arg8: memref<128xi32, #tpu.memory_space<vmem>>, %arg9: memref<128xi32, #tpu.memory_space<vmem>>, %arg10: memref<128xi32, #tpu.memory_space<vmem>>, %arg11: memref<128xi32, #tpu.memory_space<vmem>>, %arg12: memref<128xi32, #tpu.memory_space<vmem>>, %arg13: memref<128x128xf32, #tpu.memory_space<vmem>>, %arg14: memref<128x128xf32, #tpu.memory_space<vmem>>, %arg15: memref<128x128xf32, #tpu.memory_space<vmem>>, %arg16: memref<10112x128xf32, #tpu.memory_space<vmem_shared>>, %arg17: memref<!tpu.dma_semaphore, #tpu.memory_space<semaphore_mem>>, %arg18: memref<!tpu.dma_semaphore, #tpu.memory_space<semaphore_mem>>, %arg19: memref<!tpu.dma_semaphore, #tpu.memory_space<semaphore_mem>>, %arg20: memref<!tpu.dma_semaphore, #tpu.memory_space<semaphore_mem>>, %arg21: memref<!tpu.dma_semaphore, #tpu.memory_space<semaphore_mem>>, %arg22: memref<!tpu.dma_semaphore, #tpu.memory_space<semaphore_mem>>, %arg23: memref<!tpu.dma_semaphore, #tpu.memory_space<semaphore_mem>>, %arg24: memref<!tpu.dma_semaphore, #tpu.memory_space<semaphore_mem>>, %arg25: memref<!tpu.dma_semaphore, #tpu.memory_space<semaphore_mem>>, %arg26: memref<!tpu.dma_semaphore, #tpu.memory_space<semaphore_mem>>, %arg27: memref<!tpu.dma_semaphore, #tpu.memory_space<semaphore_mem>>, %arg28: memref<!tpu.dma_semaphore, #tpu.memory_space<semaphore_mem>>) attributes {dimension_semantics = [#tpu.dimension_semantics<core_parallel>, #tpu.dimension_semantics<subcore_parallel>], iteration_bounds = array<i64: 2, 16>, scalar_prefetch = 0 : i64, scratch_operands = 22 : i64, tpu.core_type = #tpu.core_type<sc_vector_subcore>, window_params = [{transform_indices = #map}, {transform_indices = #map}, {transform_indices = #map}, {transform_indices = #map}, {transform_indices = #map}]} {
    %mul3A = arith.constant 2 : i32
    %mul3A_0 = arith.muli %arg1, %mul3A : i32
    %add3A = arith.addi %mul3A_0, %arg0 : i32
    %mul3A_1 = arith.constant 81 : i32
    %mul3A_2 = arith.muli %add3A, %mul3A_1 : i32
    "tpu.region"() ({
      %run_scoped3A = tpu.sem_alloc : memref<!tpu.dma_semaphore, #tpu.memory_space<semaphore_mem>>
      tpu.enqueue_dma source(%arg5 : memref<128x128xf32, #tpu.memory_space<hbm>>) target(%arg15 : memref<128x128xf32, #tpu.memory_space<vmem>>) target_semaphore(%run_scoped3A : memref<!tpu.dma_semaphore, #tpu.memory_space<semaphore_mem>>)
      tpu.wait_dma2 semaphore(%run_scoped3A : memref<!tpu.dma_semaphore, #tpu.memory_space<semaphore_mem>>) src(%arg5 : memref<128x128xf32, #tpu.memory_space<hbm>>) dst(%arg15 : memref<128x128xf32, #tpu.memory_space<vmem>>)
      tpu.yield
    }) : () -> ()
    %mul3A_3 = arith.constant 632 : i32
    %mul3A_4 = arith.muli %arg1, %mul3A_3 : i32
    %add3A_5 = arith.constant 0 : i32
    %add3A_6 = arith.addi %mul3A_4, %add3A_5 : i32
    %dma_start3A = arith.constant 0 : i32
    %dma_start3A_7 = tpu.memref_slice %arg16[%add3A_6, %dma_start3A] : memref<10112x128xf32, #tpu.memory_space<vmem_shared>> -> memref<128x128xf32, #tpu.memory_space<vmem_shared>>
    %dma_start3A_8 = arith.constant 0 : i32
    %dma_start3A_9 = tpu.memref_slice %arg16[%add3A_6, %dma_start3A_8] : memref<10112x128xf32, #tpu.memory_space<vmem_shared>> -> memref<128x128xf32, #tpu.memory_space<vmem_shared>>
    tpu.enqueue_dma source(%arg15 : memref<128x128xf32, #tpu.memory_space<vmem>>) target(%dma_start3A_9 : memref<128x128xf32, #tpu.memory_space<vmem_shared>>) target_semaphore(%arg23 : memref<!tpu.dma_semaphore, #tpu.memory_space<semaphore_mem>>)
    %add3A_10 = arith.constant 128 : i32
    %add3A_11 = arith.addi %mul3A_4, %add3A_10 : i32
    %dma_start3A_12 = arith.constant 0 : i32
    %dma_start3A_13 = tpu.memref_slice %arg16[%add3A_11, %dma_start3A_12] : memref<10112x128xf32, #tpu.memory_space<vmem_shared>> -> memref<128x128xf32, #tpu.memory_space<vmem_shared>>
    %dma_start3A_14 = arith.constant 0 : i32
    %dma_start3A_15 = tpu.memref_slice %arg16[%add3A_11, %dma_start3A_14] : memref<10112x128xf32, #tpu.memory_space<vmem_shared>> -> memref<128x128xf32, #tpu.memory_space<vmem_shared>>
    tpu.enqueue_dma source(%arg15 : memref<128x128xf32, #tpu.memory_space<vmem>>) target(%dma_start3A_15 : memref<128x128xf32, #tpu.memory_space<vmem_shared>>) target_semaphore(%arg23 : memref<!tpu.dma_semaphore, #tpu.memory_space<semaphore_mem>>)
    %add3A_16 = arith.constant 256 : i32
    %add3A_17 = arith.addi %mul3A_4, %add3A_16 : i32
    %dma_start3A_18 = arith.constant 0 : i32
    %dma_start3A_19 = tpu.memref_slice %arg16[%add3A_17, %dma_start3A_18] : memref<10112x128xf32, #tpu.memory_space<vmem_shared>> -> memref<128x128xf32, #tpu.memory_space<vmem_shared>>
    %dma_start3A_20 = arith.constant 0 : i32
    %dma_start3A_21 = tpu.memref_slice %arg16[%add3A_17, %dma_start3A_20] : memref<10112x128xf32, #tpu.memory_space<vmem_shared>> -> memref<128x128xf32, #tpu.memory_space<vmem_shared>>
    tpu.enqueue_dma source(%arg15 : memref<128x128xf32, #tpu.memory_space<vmem>>) target(%dma_start3A_21 : memref<128x128xf32, #tpu.memory_space<vmem_shared>>) target_semaphore(%arg23 : memref<!tpu.dma_semaphore, #tpu.memory_space<semaphore_mem>>)
    %add3A_22 = arith.constant 384 : i32
    %add3A_23 = arith.addi %mul3A_4, %add3A_22 : i32
    %dma_start3A_24 = arith.constant 0 : i32
    %dma_start3A_25 = tpu.memref_slice %arg16[%add3A_23, %dma_start3A_24] : memref<10112x128xf32, #tpu.memory_space<vmem_shared>> -> memref<128x128xf32, #tpu.memory_space<vmem_shared>>
    %dma_start3A_26 = arith.constant 0 : i32
    %dma_start3A_27 = tpu.memref_slice %arg16[%add3A_23, %dma_start3A_26] : memref<10112x128xf32, #tpu.memory_space<vmem_shared>> -> memref<128x128xf32, #tpu.memory_space<vmem_shared>>
    tpu.enqueue_dma source(%arg15 : memref<128x128xf32, #tpu.memory_space<vmem>>) target(%dma_start3A_27 : memref<128x128xf32, #tpu.memory_space<vmem_shared>>) target_semaphore(%arg23 : memref<!tpu.dma_semaphore, #tpu.memory_space<semaphore_mem>>)
    %add3A_28 = arith.constant 512 : i32
    %add3A_29 = arith.addi %mul3A_4, %add3A_28 : i32
    %dma_start3A_30 = arith.constant 0 : i32
    %dma_start3A_31 = arith.constant 0 : i32
    %dma_start3A_32 = tpu.memref_slice %arg15[%dma_start3A_30, %dma_start3A_31] : memref<128x128xf32, #tpu.memory_space<vmem>> -> memref<120x128xf32, #tpu.memory_space<vmem>>
    %dma_start3A_33 = arith.constant 0 : i32
    %dma_start3A_34 = tpu.memref_slice %arg16[%add3A_29, %dma_start3A_33] : memref<10112x128xf32, #tpu.memory_space<vmem_shared>> -> memref<120x128xf32, #tpu.memory_space<vmem_shared>>
    %dma_start3A_35 = arith.constant 0 : i32
    %dma_start3A_36 = tpu.memref_slice %arg16[%add3A_29, %dma_start3A_35] : memref<10112x128xf32, #tpu.memory_space<vmem_shared>> -> memref<120x128xf32, #tpu.memory_space<vmem_shared>>
    %dma_start3A_37 = arith.constant 0 : i32
    %dma_start3A_38 = arith.constant 0 : i32
    %dma_start3A_39 = tpu.memref_slice %arg15[%dma_start3A_37, %dma_start3A_38] : memref<128x128xf32, #tpu.memory_space<vmem>> -> memref<120x128xf32, #tpu.memory_space<vmem>>
    tpu.enqueue_dma source(%dma_start3A_39 : memref<120x128xf32, #tpu.memory_space<vmem>>) target(%dma_start3A_36 : memref<120x128xf32, #tpu.memory_space<vmem_shared>>) target_semaphore(%arg24 : memref<!tpu.dma_semaphore, #tpu.memory_space<semaphore_mem>>)
    %dma_start3A_40 = arith.constant 0 : i32
    %dma_start3A_41 = tpu.memref_slice %arg3[%mul3A_2, %dma_start3A_40] : memref<2592x128xi32, #tpu.memory_space<hbm>> -> memref<1x128xi32, #tpu.memory_space<hbm>>
    %dma_start3A_42 = tpu.memref_squeeze %dma_start3A_41 : memref<1x128xi32, #tpu.memory_space<hbm>> -> memref<128xi32, #tpu.memory_space<hbm>>
    %dma_start3A_43 = arith.constant 0 : i32
    %dma_start3A_44 = tpu.memref_slice %arg3[%mul3A_2, %dma_start3A_43] : memref<2592x128xi32, #tpu.memory_space<hbm>> -> memref<1x128xi32, #tpu.memory_space<hbm>>
    %dma_start3A_45 = tpu.memref_squeeze %dma_start3A_44 : memref<1x128xi32, #tpu.memory_space<hbm>> -> memref<128xi32, #tpu.memory_space<hbm>>
    tpu.enqueue_dma source(%dma_start3A_45 : memref<128xi32, #tpu.memory_space<hbm>>) target(%arg7 : memref<128xi32, #tpu.memory_space<vmem>>) target_semaphore(%arg26 : memref<!tpu.dma_semaphore, #tpu.memory_space<semaphore_mem>>)
    %add3A_46 = arith.constant 1 : i32
    %add3A_47 = arith.addi %mul3A_2, %add3A_46 : i32
    %dma_start3A_48 = arith.constant 0 : i32
    %dma_start3A_49 = tpu.memref_slice %arg3[%add3A_47, %dma_start3A_48] : memref<2592x128xi32, #tpu.memory_space<hbm>> -> memref<1x128xi32, #tpu.memory_space<hbm>>
    %dma_start3A_50 = tpu.memref_squeeze %dma_start3A_49 : memref<1x128xi32, #tpu.memory_space<hbm>> -> memref<128xi32, #tpu.memory_space<hbm>>
    %dma_start3A_51 = arith.constant 0 : i32
    %dma_start3A_52 = tpu.memref_slice %arg3[%add3A_47, %dma_start3A_51] : memref<2592x128xi32, #tpu.memory_space<hbm>> -> memref<1x128xi32, #tpu.memory_space<hbm>>
    %dma_start3A_53 = tpu.memref_squeeze %dma_start3A_52 : memref<1x128xi32, #tpu.memory_space<hbm>> -> memref<128xi32, #tpu.memory_space<hbm>>
    tpu.enqueue_dma source(%dma_start3A_53 : memref<128xi32, #tpu.memory_space<hbm>>) target(%arg8 : memref<128xi32, #tpu.memory_space<vmem>>) target_semaphore(%arg27 : memref<!tpu.dma_semaphore, #tpu.memory_space<semaphore_mem>>)
    %add3A_54 = arith.constant 2 : i32
    %add3A_55 = arith.addi %mul3A_2, %add3A_54 : i32
    %dma_start3A_56 = arith.constant 0 : i32
    %dma_start3A_57 = tpu.memref_slice %arg3[%add3A_55, %dma_start3A_56] : memref<2592x128xi32, #tpu.memory_space<hbm>> -> memref<1x128xi32, #tpu.memory_space<hbm>>
    %dma_start3A_58 = tpu.memref_squeeze %dma_start3A_57 : memref<1x128xi32, #tpu.memory_space<hbm>> -> memref<128xi32, #tpu.memory_space<hbm>>
    %dma_start3A_59 = arith.constant 0 : i32
    %dma_start3A_60 = tpu.memref_slice %arg3[%add3A_55, %dma_start3A_59] : memref<2592x128xi32, #tpu.memory_space<hbm>> -> memref<1x128xi32, #tpu.memory_space<hbm>>
    %dma_start3A_61 = tpu.memref_squeeze %dma_start3A_60 : memref<1x128xi32, #tpu.memory_space<hbm>> -> memref<128xi32, #tpu.memory_space<hbm>>
    tpu.enqueue_dma source(%dma_start3A_61 : memref<128xi32, #tpu.memory_space<hbm>>) target(%arg9 : memref<128xi32, #tpu.memory_space<vmem>>) target_semaphore(%arg28 : memref<!tpu.dma_semaphore, #tpu.memory_space<semaphore_mem>>)
    %dma_start3A_62 = arith.constant 0 : i32
    %dma_start3A_63 = tpu.memref_slice %arg4[%mul3A_2, %dma_start3A_62] : memref<2592x128xi32, #tpu.memory_space<hbm>> -> memref<1x128xi32, #tpu.memory_space<hbm>>
    %dma_start3A_64 = tpu.memref_squeeze %dma_start3A_63 : memref<1x128xi32, #tpu.memory_space<hbm>> -> memref<128xi32, #tpu.memory_space<hbm>>
    %dma_start3A_65 = arith.constant 0 : i32
    %dma_start3A_66 = tpu.memref_slice %arg4[%mul3A_2, %dma_start3A_65] : memref<2592x128xi32, #tpu.memory_space<hbm>> -> memref<1x128xi32, #tpu.memory_space<hbm>>
    %dma_start3A_67 = tpu.memref_squeeze %dma_start3A_66 : memref<1x128xi32, #tpu.memory_space<hbm>> -> memref<128xi32, #tpu.memory_space<hbm>>
    tpu.enqueue_dma source(%dma_start3A_67 : memref<128xi32, #tpu.memory_space<hbm>>) target(%arg10 : memref<128xi32, #tpu.memory_space<vmem>>) target_semaphore(%arg20 : memref<!tpu.dma_semaphore, #tpu.memory_space<semaphore_mem>>)
    %add3A_68 = arith.constant 1 : i32
    %add3A_69 = arith.addi %mul3A_2, %add3A_68 : i32
    %dma_start3A_70 = arith.constant 0 : i32
    %dma_start3A_71 = tpu.memref_slice %arg4[%add3A_69, %dma_start3A_70] : memref<2592x128xi32, #tpu.memory_space<hbm>> -> memref<1x128xi32, #tpu.memory_space<hbm>>
    %dma_start3A_72 = tpu.memref_squeeze %dma_start3A_71 : memref<1x128xi32, #tpu.memory_space<hbm>> -> memref<128xi32, #tpu.memory_space<hbm>>
    %dma_start3A_73 = arith.constant 0 : i32
    %dma_start3A_74 = tpu.memref_slice %arg4[%add3A_69, %dma_start3A_73] : memref<2592x128xi32, #tpu.memory_space<hbm>> -> memref<1x128xi32, #tpu.memory_space<hbm>>
    %dma_start3A_75 = tpu.memref_squeeze %dma_start3A_74 : memref<1x128xi32, #tpu.memory_space<hbm>> -> memref<128xi32, #tpu.memory_space<hbm>>
    tpu.enqueue_dma source(%dma_start3A_75 : memref<128xi32, #tpu.memory_space<hbm>>) target(%arg11 : memref<128xi32, #tpu.memory_space<vmem>>) target_semaphore(%arg21 : memref<!tpu.dma_semaphore, #tpu.memory_space<semaphore_mem>>)
    %dma_start3A_76 = arith.constant 0 : i32
    %dma_start3A_77 = tpu.memref_slice %arg4[%mul3A_2, %dma_start3A_76] : memref<2592x128xi32, #tpu.memory_space<hbm>> -> memref<1x128xi32, #tpu.memory_space<hbm>>
    %dma_start3A_78 = tpu.memref_squeeze %dma_start3A_77 : memref<1x128xi32, #tpu.memory_space<hbm>> -> memref<128xi32, #tpu.memory_space<hbm>>
    %dma_start3A_79 = arith.constant 0 : i32
    %dma_start3A_80 = tpu.memref_slice %arg4[%mul3A_2, %dma_start3A_79] : memref<2592x128xi32, #tpu.memory_space<hbm>> -> memref<1x128xi32, #tpu.memory_space<hbm>>
    %dma_start3A_81 = tpu.memref_squeeze %dma_start3A_80 : memref<1x128xi32, #tpu.memory_space<hbm>> -> memref<128xi32, #tpu.memory_space<hbm>>
    tpu.enqueue_dma source(%dma_start3A_81 : memref<128xi32, #tpu.memory_space<hbm>>) target(%arg12 : memref<128xi32, #tpu.memory_space<vmem>>) target_semaphore(%arg22 : memref<!tpu.dma_semaphore, #tpu.memory_space<semaphore_mem>>)
    %add3A_82 = arith.constant 0 : i32
    %add3A_83 = arith.addi %mul3A_4, %add3A_82 : i32
    %dma_wait3A = arith.constant 0 : i32
    %dma_wait3A_84 = tpu.memref_slice %arg16[%add3A_83, %dma_wait3A] : memref<10112x128xf32, #tpu.memory_space<vmem_shared>> -> memref<128x128xf32, #tpu.memory_space<vmem_shared>>
    %dma_wait3A_85 = arith.constant 0 : i32
    %dma_wait3A_86 = tpu.memref_slice %arg16[%add3A_83, %dma_wait3A_85] : memref<10112x128xf32, #tpu.memory_space<vmem_shared>> -> memref<128x128xf32, #tpu.memory_space<vmem_shared>>
    tpu.wait_dma2 semaphore(%arg23 : memref<!tpu.dma_semaphore, #tpu.memory_space<semaphore_mem>>) src(%arg15 : memref<128x128xf32, #tpu.memory_space<vmem>>) dst(%dma_wait3A_86 : memref<128x128xf32, #tpu.memory_space<vmem_shared>>)
    %add3A_87 = arith.constant 128 : i32
    %add3A_88 = arith.addi %mul3A_4, %add3A_87 : i32
    %dma_wait3A_89 = arith.constant 0 : i32
    %dma_wait3A_90 = tpu.memref_slice %arg16[%add3A_88, %dma_wait3A_89] : memref<10112x128xf32, #tpu.memory_space<vmem_shared>> -> memref<128x128xf32, #tpu.memory_space<vmem_shared>>
    %dma_wait3A_91 = arith.constant 0 : i32
    %dma_wait3A_92 = tpu.memref_slice %arg16[%add3A_88, %dma_wait3A_91] : memref<10112x128xf32, #tpu.memory_space<vmem_shared>> -> memref<128x128xf32, #tpu.memory_space<vmem_shared>>
    tpu.wait_dma2 semaphore(%arg23 : memref<!tpu.dma_semaphore, #tpu.memory_space<semaphore_mem>>) src(%arg15 : memref<128x128xf32, #tpu.memory_space<vmem>>) dst(%dma_wait3A_92 : memref<128x128xf32, #tpu.memory_space<vmem_shared>>)
    %add3A_93 = arith.constant 256 : i32
    %add3A_94 = arith.addi %mul3A_4, %add3A_93 : i32
    %dma_wait3A_95 = arith.constant 0 : i32
    %dma_wait3A_96 = tpu.memref_slice %arg16[%add3A_94, %dma_wait3A_95] : memref<10112x128xf32, #tpu.memory_space<vmem_shared>> -> memref<128x128xf32, #tpu.memory_space<vmem_shared>>
    %dma_wait3A_97 = arith.constant 0 : i32
    %dma_wait3A_98 = tpu.memref_slice %arg16[%add3A_94, %dma_wait3A_97] : memref<10112x128xf32, #tpu.memory_space<vmem_shared>> -> memref<128x128xf32, #tpu.memory_space<vmem_shared>>
    tpu.wait_dma2 semaphore(%arg23 : memref<!tpu.dma_semaphore, #tpu.memory_space<semaphore_mem>>) src(%arg15 : memref<128x128xf32, #tpu.memory_space<vmem>>) dst(%dma_wait3A_98 : memref<128x128xf32, #tpu.memory_space<vmem_shared>>)
    %add3A_99 = arith.constant 384 : i32
    %add3A_100 = arith.addi %mul3A_4, %add3A_99 : i32
    %dma_wait3A_101 = arith.constant 0 : i32
    %dma_wait3A_102 = tpu.memref_slice %arg16[%add3A_100, %dma_wait3A_101] : memref<10112x128xf32, #tpu.memory_space<vmem_shared>> -> memref<128x128xf32, #tpu.memory_space<vmem_shared>>
    %dma_wait3A_103 = arith.constant 0 : i32
    %dma_wait3A_104 = tpu.memref_slice %arg16[%add3A_100, %dma_wait3A_103] : memref<10112x128xf32, #tpu.memory_space<vmem_shared>> -> memref<128x128xf32, #tpu.memory_space<vmem_shared>>
    tpu.wait_dma2 semaphore(%arg23 : memref<!tpu.dma_semaphore, #tpu.memory_space<semaphore_mem>>) src(%arg15 : memref<128x128xf32, #tpu.memory_space<vmem>>) dst(%dma_wait3A_104 : memref<128x128xf32, #tpu.memory_space<vmem_shared>>)
    %add3A_105 = arith.constant 512 : i32
    %add3A_106 = arith.addi %mul3A_4, %add3A_105 : i32
    %dma_wait3A_107 = arith.constant 0 : i32
    %dma_wait3A_108 = arith.constant 0 : i32
    %dma_wait3A_109 = tpu.memref_slice %arg15[%dma_wait3A_107, %dma_wait3A_108] : memref<128x128xf32, #tpu.memory_space<vmem>> -> memref<120x128xf32, #tpu.memory_space<vmem>>
    %dma_wait3A_110 = arith.constant 0 : i32
    %dma_wait3A_111 = tpu.memref_slice %arg16[%add3A_106, %dma_wait3A_110] : memref<10112x128xf32, #tpu.memory_space<vmem_shared>> -> memref<120x128xf32, #tpu.memory_space<vmem_shared>>
    %dma_wait3A_112 = arith.constant 0 : i32
    %dma_wait3A_113 = tpu.memref_slice %arg16[%add3A_106, %dma_wait3A_112] : memref<10112x128xf32, #tpu.memory_space<vmem_shared>> -> memref<120x128xf32, #tpu.memory_space<vmem_shared>>
    %dma_wait3A_114 = arith.constant 0 : i32
    %dma_wait3A_115 = arith.constant 0 : i32
    %dma_wait3A_116 = tpu.memref_slice %arg15[%dma_wait3A_114, %dma_wait3A_115] : memref<128x128xf32, #tpu.memory_space<vmem>> -> memref<120x128xf32, #tpu.memory_space<vmem>>
    tpu.wait_dma2 semaphore(%arg24 : memref<!tpu.dma_semaphore, #tpu.memory_space<semaphore_mem>>) src(%dma_wait3A_116 : memref<120x128xf32, #tpu.memory_space<vmem>>) dst(%dma_wait3A_113 : memref<120x128xf32, #tpu.memory_space<vmem_shared>>)
    %dma_wait3A_117 = arith.constant 0 : i32
    %dma_wait3A_118 = tpu.memref_slice %arg3[%mul3A_2, %dma_wait3A_117] : memref<2592x128xi32, #tpu.memory_space<hbm>> -> memref<1x128xi32, #tpu.memory_space<hbm>>
    %dma_wait3A_119 = tpu.memref_squeeze %dma_wait3A_118 : memref<1x128xi32, #tpu.memory_space<hbm>> -> memref<128xi32, #tpu.memory_space<hbm>>
    %dma_wait3A_120 = arith.constant 0 : i32
    %dma_wait3A_121 = tpu.memref_slice %arg3[%mul3A_2, %dma_wait3A_120] : memref<2592x128xi32, #tpu.memory_space<hbm>> -> memref<1x128xi32, #tpu.memory_space<hbm>>
    %dma_wait3A_122 = tpu.memref_squeeze %dma_wait3A_121 : memref<1x128xi32, #tpu.memory_space<hbm>> -> memref<128xi32, #tpu.memory_space<hbm>>
    tpu.wait_dma2 semaphore(%arg26 : memref<!tpu.dma_semaphore, #tpu.memory_space<semaphore_mem>>) src(%dma_wait3A_122 : memref<128xi32, #tpu.memory_space<hbm>>) dst(%arg7 : memref<128xi32, #tpu.memory_space<vmem>>)
    %dma_start3A_123 = arith.constant 0 : i32
    %dma_start3A_124 = arith.constant 0 : i32
    %dma_start3A_125 = tpu.memref_slice %arg2[%dma_start3A_123, %dma_start3A_124] : memref<10000x128xf32, #tpu.memory_space<hbm>> -> memref<10000x128xf32, #tpu.memory_space<hbm>>
    tpu.enqueue_indirect_dma source(%dma_start3A_125 : memref<10000x128xf32, #tpu.memory_space<hbm>>) target(%arg13 : memref<128x128xf32, #tpu.memory_space<vmem>>) offsets(%arg7 : memref<128xi32, #tpu.memory_space<vmem>>) semaphore(%arg17 : memref<!tpu.dma_semaphore, #tpu.memory_space<semaphore_mem>>)
    %add3A_126 = arith.constant 1 : i32
    %add3A_127 = arith.addi %mul3A_2, %add3A_126 : i32
    %dma_wait3A_128 = arith.constant 0 : i32
    %dma_wait3A_129 = tpu.memref_slice %arg3[%add3A_127, %dma_wait3A_128] : memref<2592x128xi32, #tpu.memory_space<hbm>> -> memref<1x128xi32, #tpu.memory_space<hbm>>
    %dma_wait3A_130 = tpu.memref_squeeze %dma_wait3A_129 : memref<1x128xi32, #tpu.memory_space<hbm>> -> memref<128xi32, #tpu.memory_space<hbm>>
    %dma_wait3A_131 = arith.constant 0 : i32
    %dma_wait3A_132 = tpu.memref_slice %arg3[%add3A_127, %dma_wait3A_131] : memref<2592x128xi32, #tpu.memory_space<hbm>> -> memref<1x128xi32, #tpu.memory_space<hbm>>
    %dma_wait3A_133 = tpu.memref_squeeze %dma_wait3A_132 : memref<1x128xi32, #tpu.memory_space<hbm>> -> memref<128xi32, #tpu.memory_space<hbm>>
    tpu.wait_dma2 semaphore(%arg27 : memref<!tpu.dma_semaphore, #tpu.memory_space<semaphore_mem>>) src(%dma_wait3A_133 : memref<128xi32, #tpu.memory_space<hbm>>) dst(%arg8 : memref<128xi32, #tpu.memory_space<vmem>>)
    %dma_start3A_134 = arith.constant 0 : i32
    %dma_start3A_135 = arith.constant 0 : i32
    %dma_start3A_136 = tpu.memref_slice %arg2[%dma_start3A_134, %dma_start3A_135] : memref<10000x128xf32, #tpu.memory_space<hbm>> -> memref<10000x128xf32, #tpu.memory_space<hbm>>
    tpu.enqueue_indirect_dma source(%dma_start3A_136 : memref<10000x128xf32, #tpu.memory_space<hbm>>) target(%arg14 : memref<128x128xf32, #tpu.memory_space<vmem>>) offsets(%arg8 : memref<128xi32, #tpu.memory_space<vmem>>) semaphore(%arg18 : memref<!tpu.dma_semaphore, #tpu.memory_space<semaphore_mem>>)
    %dma_wait3A_137 = arith.constant 0 : i32
    %dma_wait3A_138 = tpu.memref_slice %arg4[%mul3A_2, %dma_wait3A_137] : memref<2592x128xi32, #tpu.memory_space<hbm>> -> memref<1x128xi32, #tpu.memory_space<hbm>>
    %dma_wait3A_139 = tpu.memref_squeeze %dma_wait3A_138 : memref<1x128xi32, #tpu.memory_space<hbm>> -> memref<128xi32, #tpu.memory_space<hbm>>
    %dma_wait3A_140 = arith.constant 0 : i32
    %dma_wait3A_141 = tpu.memref_slice %arg4[%mul3A_2, %dma_wait3A_140] : memref<2592x128xi32, #tpu.memory_space<hbm>> -> memref<1x128xi32, #tpu.memory_space<hbm>>
    %dma_wait3A_142 = tpu.memref_squeeze %dma_wait3A_141 : memref<1x128xi32, #tpu.memory_space<hbm>> -> memref<128xi32, #tpu.memory_space<hbm>>
    tpu.wait_dma2 semaphore(%arg22 : memref<!tpu.dma_semaphore, #tpu.memory_space<semaphore_mem>>) src(%dma_wait3A_142 : memref<128xi32, #tpu.memory_space<hbm>>) dst(%arg12 : memref<128xi32, #tpu.memory_space<vmem>>)
    %barrier3A = arith.constant 0 : index
    tpu.barrier barrier_id(%barrier3A)
    %dma_start3A_143 = arith.constant 0 : i32
    %dma_start3A_144 = arith.constant 0 : i32
    %dma_start3A_145 = tpu.memref_slice %arg16[%dma_start3A_143, %dma_start3A_144] : memref<10112x128xf32, #tpu.memory_space<vmem_shared>> -> memref<10112x128xf32, #tpu.memory_space<vmem_shared>>
    tpu.enqueue_indirect_dma source(%arg15 : memref<128x128xf32, #tpu.memory_space<vmem>>) target(%dma_start3A_145 : memref<10112x128xf32, #tpu.memory_space<vmem_shared>>) offsets(%arg12 : memref<128xi32, #tpu.memory_space<vmem>>) semaphore(%arg25 : memref<!tpu.dma_semaphore, #tpu.memory_space<semaphore_mem>>) {add = true}
    %scan3A = arith.constant 0 : i32
    %scan3A_146 = arith.constant 0 : i32
    %scan3A_147 = arith.constant 27 : i32
    %scan3A_148 = arith.addi %scan3A_146, %scan3A_147 : i32
    %scan3A_149 = arith.constant 1 : i32
    %scan3A_150 = scf.for %scan3A_159 = %scan3A_146 to %scan3A_148 step %scan3A_149 iter_args(%scan3A_160 = %scan3A) -> (i32)  : i32 {
      %mul3A_161 = arith.constant 3 : i32
      %mul3A_162 = arith.muli %mul3A_161, %scan3A_159 : i32
      %add3A_163 = arith.constant 0 : i32
      %add3A_164 = arith.addi %mul3A_162, %add3A_163 : i32
      %dma_wait3A_165 = arith.constant 0 : i32
      %dma_wait3A_166 = arith.constant 0 : i32
      %dma_wait3A_167 = tpu.memref_slice %arg2[%dma_wait3A_165, %dma_wait3A_166] : memref<10000x128xf32, #tpu.memory_space<hbm>> -> memref<10000x128xf32, #tpu.memory_space<hbm>>
      tpu.wait_indirect_dma semaphore(%arg17 : memref<!tpu.dma_semaphore, #tpu.memory_space<semaphore_mem>>) src(%dma_wait3A_167 : memref<10000x128xf32, #tpu.memory_space<hbm>>) dst(%arg13 : memref<128x128xf32, #tpu.memory_space<vmem>>)
      %add3A_168 = arith.constant 3 : i32
      %add3A_169 = arith.addi %add3A_164, %add3A_168 : i32
      %lt3A = arith.constant 81 : i32
      %lt3A_170 = arith.cmpi slt, %add3A_169, %lt3A : i32
      %convert_element_type3A = arith.extui %lt3A_170 : i1 to i32
      %cond3A = arith.constant 0 : i32
      %cond3A_171 = arith.cmpi ne, %convert_element_type3A, %cond3A : i32
      scf.if %cond3A_171 {
        %add3A_261 = arith.addi %mul3A_2, %add3A_164 : i32
        %add3A_262 = arith.constant 3 : i32
        %add3A_263 = arith.addi %add3A_261, %add3A_262 : i32
        %dma_start3A_264 = arith.constant 0 : i32
        %dma_start3A_265 = tpu.memref_slice %arg3[%add3A_263, %dma_start3A_264] : memref<2592x128xi32, #tpu.memory_space<hbm>> -> memref<1x128xi32, #tpu.memory_space<hbm>>
        %dma_start3A_266 = tpu.memref_squeeze %dma_start3A_265 : memref<1x128xi32, #tpu.memory_space<hbm>> -> memref<128xi32, #tpu.memory_space<hbm>>
        %dma_start3A_267 = arith.constant 0 : i32
        %dma_start3A_268 = tpu.memref_slice %arg3[%add3A_263, %dma_start3A_267] : memref<2592x128xi32, #tpu.memory_space<hbm>> -> memref<1x128xi32, #tpu.memory_space<hbm>>
        %dma_start3A_269 = tpu.memref_squeeze %dma_start3A_268 : memref<1x128xi32, #tpu.memory_space<hbm>> -> memref<128xi32, #tpu.memory_space<hbm>>
        tpu.enqueue_dma source(%dma_start3A_269 : memref<128xi32, #tpu.memory_space<hbm>>) target(%arg7 : memref<128xi32, #tpu.memory_space<vmem>>) target_semaphore(%arg26 : memref<!tpu.dma_semaphore, #tpu.memory_space<semaphore_mem>>)
      } else {
      }
      %add3A_172 = arith.addi %mul3A_2, %add3A_164 : i32
      %dma_wait3A_173 = arith.constant 0 : i32
      %dma_wait3A_174 = tpu.memref_slice %arg4[%add3A_172, %dma_wait3A_173] : memref<2592x128xi32, #tpu.memory_space<hbm>> -> memref<1x128xi32, #tpu.memory_space<hbm>>
      %dma_wait3A_175 = tpu.memref_squeeze %dma_wait3A_174 : memref<1x128xi32, #tpu.memory_space<hbm>> -> memref<128xi32, #tpu.memory_space<hbm>>
      %dma_wait3A_176 = arith.constant 0 : i32
      %dma_wait3A_177 = tpu.memref_slice %arg4[%add3A_172, %dma_wait3A_176] : memref<2592x128xi32, #tpu.memory_space<hbm>> -> memref<1x128xi32, #tpu.memory_space<hbm>>
      %dma_wait3A_178 = tpu.memref_squeeze %dma_wait3A_177 : memref<1x128xi32, #tpu.memory_space<hbm>> -> memref<128xi32, #tpu.memory_space<hbm>>
      tpu.wait_dma2 semaphore(%arg20 : memref<!tpu.dma_semaphore, #tpu.memory_space<semaphore_mem>>) src(%dma_wait3A_178 : memref<128xi32, #tpu.memory_space<hbm>>) dst(%arg10 : memref<128xi32, #tpu.memory_space<vmem>>)
      %dma_start3A_179 = arith.constant 0 : i32
      %dma_start3A_180 = arith.constant 0 : i32
      %dma_start3A_181 = tpu.memref_slice %arg16[%dma_start3A_179, %dma_start3A_180] : memref<10112x128xf32, #tpu.memory_space<vmem_shared>> -> memref<10112x128xf32, #tpu.memory_space<vmem_shared>>
      tpu.enqueue_indirect_dma source(%arg13 : memref<128x128xf32, #tpu.memory_space<vmem>>) target(%dma_start3A_181 : memref<10112x128xf32, #tpu.memory_space<vmem_shared>>) offsets(%arg10 : memref<128xi32, #tpu.memory_space<vmem>>) semaphore(%arg23 : memref<!tpu.dma_semaphore, #tpu.memory_space<semaphore_mem>>) {add = true}
      %dma_wait3A_182 = arith.constant 0 : i32
      %dma_wait3A_183 = arith.constant 0 : i32
      %dma_wait3A_184 = tpu.memref_slice %arg16[%dma_wait3A_182, %dma_wait3A_183] : memref<10112x128xf32, #tpu.memory_space<vmem_shared>> -> memref<10112x128xf32, #tpu.memory_space<vmem_shared>>
      tpu.wait_indirect_dma semaphore(%arg25 : memref<!tpu.dma_semaphore, #tpu.memory_space<semaphore_mem>>) src(%arg15 : memref<128x128xf32, #tpu.memory_space<vmem>>) dst(%dma_wait3A_184 : memref<10112x128xf32, #tpu.memory_space<vmem_shared>>)
      %add3A_185 = arith.constant 2 : i32
      %add3A_186 = arith.addi %add3A_164, %add3A_185 : i32
      %lt3A_187 = arith.constant 81 : i32
      %lt3A_188 = arith.cmpi slt, %add3A_186, %lt3A_187 : i32
      %convert_element_type3A_189 = arith.extui %lt3A_188 : i1 to i32
      %cond3A_190 = arith.constant 0 : i32
      %cond3A_191 = arith.cmpi ne, %convert_element_type3A_189, %cond3A_190 : i32
      scf.if %cond3A_191 {
        %add3A_261 = arith.addi %mul3A_2, %add3A_164 : i32
        %add3A_262 = arith.constant 2 : i32
        %add3A_263 = arith.addi %add3A_261, %add3A_262 : i32
        %dma_start3A_264 = arith.constant 0 : i32
        %dma_start3A_265 = tpu.memref_slice %arg4[%add3A_263, %dma_start3A_264] : memref<2592x128xi32, #tpu.memory_space<hbm>> -> memref<1x128xi32, #tpu.memory_space<hbm>>
        %dma_start3A_266 = tpu.memref_squeeze %dma_start3A_265 : memref<1x128xi32, #tpu.memory_space<hbm>> -> memref<128xi32, #tpu.memory_space<hbm>>
        %dma_start3A_267 = arith.constant 0 : i32
        %dma_start3A_268 = tpu.memref_slice %arg4[%add3A_263, %dma_start3A_267] : memref<2592x128xi32, #tpu.memory_space<hbm>> -> memref<1x128xi32, #tpu.memory_space<hbm>>
        %dma_start3A_269 = tpu.memref_squeeze %dma_start3A_268 : memref<1x128xi32, #tpu.memory_space<hbm>> -> memref<128xi32, #tpu.memory_space<hbm>>
        tpu.enqueue_dma source(%dma_start3A_269 : memref<128xi32, #tpu.memory_space<hbm>>) target(%arg12 : memref<128xi32, #tpu.memory_space<vmem>>) target_semaphore(%arg22 : memref<!tpu.dma_semaphore, #tpu.memory_space<semaphore_mem>>)
        %add3A_270 = arith.addi %mul3A_2, %add3A_164 : i32
        %add3A_271 = arith.constant 2 : i32
        %add3A_272 = arith.addi %add3A_270, %add3A_271 : i32
        %dma_wait3A_273 = arith.constant 0 : i32
        %dma_wait3A_274 = tpu.memref_slice %arg3[%add3A_272, %dma_wait3A_273] : memref<2592x128xi32, #tpu.memory_space<hbm>> -> memref<1x128xi32, #tpu.memory_space<hbm>>
        %dma_wait3A_275 = tpu.memref_squeeze %dma_wait3A_274 : memref<1x128xi32, #tpu.memory_space<hbm>> -> memref<128xi32, #tpu.memory_space<hbm>>
        %dma_wait3A_276 = arith.constant 0 : i32
        %dma_wait3A_277 = tpu.memref_slice %arg3[%add3A_272, %dma_wait3A_276] : memref<2592x128xi32, #tpu.memory_space<hbm>> -> memref<1x128xi32, #tpu.memory_space<hbm>>
        %dma_wait3A_278 = tpu.memref_squeeze %dma_wait3A_277 : memref<1x128xi32, #tpu.memory_space<hbm>> -> memref<128xi32, #tpu.memory_space<hbm>>
        tpu.wait_dma2 semaphore(%arg28 : memref<!tpu.dma_semaphore, #tpu.memory_space<semaphore_mem>>) src(%dma_wait3A_278 : memref<128xi32, #tpu.memory_space<hbm>>) dst(%arg9 : memref<128xi32, #tpu.memory_space<vmem>>)
        %dma_start3A_279 = arith.constant 0 : i32
        %dma_start3A_280 = arith.constant 0 : i32
        %dma_start3A_281 = tpu.memref_slice %arg2[%dma_start3A_279, %dma_start3A_280] : memref<10000x128xf32, #tpu.memory_space<hbm>> -> memref<10000x128xf32, #tpu.memory_space<hbm>>
        tpu.enqueue_indirect_dma source(%dma_start3A_281 : memref<10000x128xf32, #tpu.memory_space<hbm>>) target(%arg15 : memref<128x128xf32, #tpu.memory_space<vmem>>) offsets(%arg9 : memref<128xi32, #tpu.memory_space<vmem>>) semaphore(%arg19 : memref<!tpu.dma_semaphore, #tpu.memory_space<semaphore_mem>>)
      } else {
      }
      %mul3A_192 = arith.constant 3 : i32
      %mul3A_193 = arith.muli %mul3A_192, %scan3A_159 : i32
      %add3A_194 = arith.constant 1 : i32
      %add3A_195 = arith.addi %mul3A_193, %add3A_194 : i32
      %dma_wait3A_196 = arith.constant 0 : i32
      %dma_wait3A_197 = arith.constant 0 : i32
      %dma_wait3A_198 = tpu.memref_slice %arg2[%dma_wait3A_196, %dma_wait3A_197] : memref<10000x128xf32, #tpu.memory_space<hbm>> -> memref<10000x128xf32, #tpu.memory_space<hbm>>
      tpu.wait_indirect_dma semaphore(%arg18 : memref<!tpu.dma_semaphore, #tpu.memory_space<semaphore_mem>>) src(%dma_wait3A_198 : memref<10000x128xf32, #tpu.memory_space<hbm>>) dst(%arg14 : memref<128x128xf32, #tpu.memory_space<vmem>>)
      %add3A_199 = arith.constant 3 : i32
      %add3A_200 = arith.addi %add3A_195, %add3A_199 : i32
      %lt3A_201 = arith.constant 81 : i32
      %lt3A_202 = arith.cmpi slt, %add3A_200, %lt3A_201 : i32
      %convert_element_type3A_203 = arith.extui %lt3A_202 : i1 to i32
      %cond3A_204 = arith.constant 0 : i32
      %cond3A_205 = arith.cmpi ne, %convert_element_type3A_203, %cond3A_204 : i32
      scf.if %cond3A_205 {
        %add3A_261 = arith.addi %mul3A_2, %add3A_195 : i32
        %add3A_262 = arith.constant 3 : i32
        %add3A_263 = arith.addi %add3A_261, %add3A_262 : i32
        %dma_start3A_264 = arith.constant 0 : i32
        %dma_start3A_265 = tpu.memref_slice %arg3[%add3A_263, %dma_start3A_264] : memref<2592x128xi32, #tpu.memory_space<hbm>> -> memref<1x128xi32, #tpu.memory_space<hbm>>
        %dma_start3A_266 = tpu.memref_squeeze %dma_start3A_265 : memref<1x128xi32, #tpu.memory_space<hbm>> -> memref<128xi32, #tpu.memory_space<hbm>>
        %dma_start3A_267 = arith.constant 0 : i32
        %dma_start3A_268 = tpu.memref_slice %arg3[%add3A_263, %dma_start3A_267] : memref<2592x128xi32, #tpu.memory_space<hbm>> -> memref<1x128xi32, #tpu.memory_space<hbm>>
        %dma_start3A_269 = tpu.memref_squeeze %dma_start3A_268 : memref<1x128xi32, #tpu.memory_space<hbm>> -> memref<128xi32, #tpu.memory_space<hbm>>
        tpu.enqueue_dma source(%dma_start3A_269 : memref<128xi32, #tpu.memory_space<hbm>>) target(%arg8 : memref<128xi32, #tpu.memory_space<vmem>>) target_semaphore(%arg27 : memref<!tpu.dma_semaphore, #tpu.memory_space<semaphore_mem>>)
      } else {
      }
      %add3A_206 = arith.addi %mul3A_2, %add3A_195 : i32
      %dma_wait3A_207 = arith.constant 0 : i32
      %dma_wait3A_208 = tpu.memref_slice %arg4[%add3A_206, %dma_wait3A_207] : memref<2592x128xi32, #tpu.memory_space<hbm>> -> memref<1x128xi32, #tpu.memory_space<hbm>>
      %dma_wait3A_209 = tpu.memref_squeeze %dma_wait3A_208 : memref<1x128xi32, #tpu.memory_space<hbm>> -> memref<128xi32, #tpu.memory_space<hbm>>
      %dma_wait3A_210 = arith.constant 0 : i32
      %dma_wait3A_211 = tpu.memref_slice %arg4[%add3A_206, %dma_wait3A_210] : memref<2592x128xi32, #tpu.memory_space<hbm>> -> memref<1x128xi32, #tpu.memory_space<hbm>>
      %dma_wait3A_212 = tpu.memref_squeeze %dma_wait3A_211 : memref<1x128xi32, #tpu.memory_space<hbm>> -> memref<128xi32, #tpu.memory_space<hbm>>
      tpu.wait_dma2 semaphore(%arg21 : memref<!tpu.dma_semaphore, #tpu.memory_space<semaphore_mem>>) src(%dma_wait3A_212 : memref<128xi32, #tpu.memory_space<hbm>>) dst(%arg11 : memref<128xi32, #tpu.memory_space<vmem>>)
      %dma_start3A_213 = arith.constant 0 : i32
      %dma_start3A_214 = arith.constant 0 : i32
      %dma_start3A_215 = tpu.memref_slice %arg16[%dma_start3A_213, %dma_start3A_214] : memref<10112x128xf32, #tpu.memory_space<vmem_shared>> -> memref<10112x128xf32, #tpu.memory_space<vmem_shared>>
      tpu.enqueue_indirect_dma source(%arg14 : memref<128x128xf32, #tpu.memory_space<vmem>>) target(%dma_start3A_215 : memref<10112x128xf32, #tpu.memory_space<vmem_shared>>) offsets(%arg11 : memref<128xi32, #tpu.memory_space<vmem>>) semaphore(%arg24 : memref<!tpu.dma_semaphore, #tpu.memory_space<semaphore_mem>>) {add = true}
      %dma_wait3A_216 = arith.constant 0 : i32
      %dma_wait3A_217 = arith.constant 0 : i32
      %dma_wait3A_218 = tpu.memref_slice %arg16[%dma_wait3A_216, %dma_wait3A_217] : memref<10112x128xf32, #tpu.memory_space<vmem_shared>> -> memref<10112x128xf32, #tpu.memory_space<vmem_shared>>
      tpu.wait_indirect_dma semaphore(%arg23 : memref<!tpu.dma_semaphore, #tpu.memory_space<semaphore_mem>>) src(%arg13 : memref<128x128xf32, #tpu.memory_space<vmem>>) dst(%dma_wait3A_218 : memref<10112x128xf32, #tpu.memory_space<vmem_shared>>)
      %add3A_219 = arith.constant 2 : i32
      %add3A_220 = arith.addi %add3A_195, %add3A_219 : i32
      %lt3A_221 = arith.constant 81 : i32
      %lt3A_222 = arith.cmpi slt, %add3A_220, %lt3A_221 : i32
      %convert_element_type3A_223 = arith.extui %lt3A_222 : i1 to i32
      %cond3A_224 = arith.constant 0 : i32
      %cond3A_225 = arith.cmpi ne, %convert_element_type3A_223, %cond3A_224 : i32
      scf.if %cond3A_225 {
        %add3A_261 = arith.addi %mul3A_2, %add3A_195 : i32
        %add3A_262 = arith.constant 2 : i32
        %add3A_263 = arith.addi %add3A_261, %add3A_262 : i32
        %dma_start3A_264 = arith.constant 0 : i32
        %dma_start3A_265 = tpu.memref_slice %arg4[%add3A_263, %dma_start3A_264] : memref<2592x128xi32, #tpu.memory_space<hbm>> -> memref<1x128xi32, #tpu.memory_space<hbm>>
        %dma_start3A_266 = tpu.memref_squeeze %dma_start3A_265 : memref<1x128xi32, #tpu.memory_space<hbm>> -> memref<128xi32, #tpu.memory_space<hbm>>
        %dma_start3A_267 = arith.constant 0 : i32
        %dma_start3A_268 = tpu.memref_slice %arg4[%add3A_263, %dma_start3A_267] : memref<2592x128xi32, #tpu.memory_space<hbm>> -> memref<1x128xi32, #tpu.memory_space<hbm>>
        %dma_start3A_269 = tpu.memref_squeeze %dma_start3A_268 : memref<1x128xi32, #tpu.memory_space<hbm>> -> memref<128xi32, #tpu.memory_space<hbm>>
        tpu.enqueue_dma source(%dma_start3A_269 : memref<128xi32, #tpu.memory_space<hbm>>) target(%arg10 : memref<128xi32, #tpu.memory_space<vmem>>) target_semaphore(%arg20 : memref<!tpu.dma_semaphore, #tpu.memory_space<semaphore_mem>>)
        %add3A_270 = arith.addi %mul3A_2, %add3A_195 : i32
        %add3A_271 = arith.constant 2 : i32
        %add3A_272 = arith.addi %add3A_270, %add3A_271 : i32
        %dma_wait3A_273 = arith.constant 0 : i32
        %dma_wait3A_274 = tpu.memref_slice %arg3[%add3A_272, %dma_wait3A_273] : memref<2592x128xi32, #tpu.memory_space<hbm>> -> memref<1x128xi32, #tpu.memory_space<hbm>>
        %dma_wait3A_275 = tpu.memref_squeeze %dma_wait3A_274 : memref<1x128xi32, #tpu.memory_space<hbm>> -> memref<128xi32, #tpu.memory_space<hbm>>
        %dma_wait3A_276 = arith.constant 0 : i32
        %dma_wait3A_277 = tpu.memref_slice %arg3[%add3A_272, %dma_wait3A_276] : memref<2592x128xi32, #tpu.memory_space<hbm>> -> memref<1x128xi32, #tpu.memory_space<hbm>>
        %dma_wait3A_278 = tpu.memref_squeeze %dma_wait3A_277 : memref<1x128xi32, #tpu.memory_space<hbm>> -> memref<128xi32, #tpu.memory_space<hbm>>
        tpu.wait_dma2 semaphore(%arg26 : memref<!tpu.dma_semaphore, #tpu.memory_space<semaphore_mem>>) src(%dma_wait3A_278 : memref<128xi32, #tpu.memory_space<hbm>>) dst(%arg7 : memref<128xi32, #tpu.memory_space<vmem>>)
        %dma_start3A_279 = arith.constant 0 : i32
        %dma_start3A_280 = arith.constant 0 : i32
        %dma_start3A_281 = tpu.memref_slice %arg2[%dma_start3A_279, %dma_start3A_280] : memref<10000x128xf32, #tpu.memory_space<hbm>> -> memref<10000x128xf32, #tpu.memory_space<hbm>>
        tpu.enqueue_indirect_dma source(%dma_start3A_281 : memref<10000x128xf32, #tpu.memory_space<hbm>>) target(%arg13 : memref<128x128xf32, #tpu.memory_space<vmem>>) offsets(%arg7 : memref<128xi32, #tpu.memory_space<vmem>>) semaphore(%arg17 : memref<!tpu.dma_semaphore, #tpu.memory_space<semaphore_mem>>)
      } else {
      }
      %mul3A_226 = arith.constant 3 : i32
      %mul3A_227 = arith.muli %mul3A_226, %scan3A_159 : i32
      %add3A_228 = arith.constant 2 : i32
      %add3A_229 = arith.addi %mul3A_227, %add3A_228 : i32
      %dma_wait3A_230 = arith.constant 0 : i32
      %dma_wait3A_231 = arith.constant 0 : i32
      %dma_wait3A_232 = tpu.memref_slice %arg2[%dma_wait3A_230, %dma_wait3A_231] : memref<10000x128xf32, #tpu.memory_space<hbm>> -> memref<10000x128xf32, #tpu.memory_space<hbm>>
      tpu.wait_indirect_dma semaphore(%arg19 : memref<!tpu.dma_semaphore, #tpu.memory_space<semaphore_mem>>) src(%dma_wait3A_232 : memref<10000x128xf32, #tpu.memory_space<hbm>>) dst(%arg15 : memref<128x128xf32, #tpu.memory_space<vmem>>)
      %add3A_233 = arith.constant 3 : i32
      %add3A_234 = arith.addi %add3A_229, %add3A_233 : i32
      %lt3A_235 = arith.constant 81 : i32
      %lt3A_236 = arith.cmpi slt, %add3A_234, %lt3A_235 : i32
      %convert_element_type3A_237 = arith.extui %lt3A_236 : i1 to i32
      %cond3A_238 = arith.constant 0 : i32
      %cond3A_239 = arith.cmpi ne, %convert_element_type3A_237, %cond3A_238 : i32
      scf.if %cond3A_239 {
        %add3A_261 = arith.addi %mul3A_2, %add3A_229 : i32
        %add3A_262 = arith.constant 3 : i32
        %add3A_263 = arith.addi %add3A_261, %add3A_262 : i32
        %dma_start3A_264 = arith.constant 0 : i32
        %dma_start3A_265 = tpu.memref_slice %arg3[%add3A_263, %dma_start3A_264] : memref<2592x128xi32, #tpu.memory_space<hbm>> -> memref<1x128xi32, #tpu.memory_space<hbm>>
        %dma_start3A_266 = tpu.memref_squeeze %dma_start3A_265 : memref<1x128xi32, #tpu.memory_space<hbm>> -> memref<128xi32, #tpu.memory_space<hbm>>
        %dma_start3A_267 = arith.constant 0 : i32
        %dma_start3A_268 = tpu.memref_slice %arg3[%add3A_263, %dma_start3A_267] : memref<2592x128xi32, #tpu.memory_space<hbm>> -> memref<1x128xi32, #tpu.memory_space<hbm>>
        %dma_start3A_269 = tpu.memref_squeeze %dma_start3A_268 : memref<1x128xi32, #tpu.memory_space<hbm>> -> memref<128xi32, #tpu.memory_space<hbm>>
        tpu.enqueue_dma source(%dma_start3A_269 : memref<128xi32, #tpu.memory_space<hbm>>) target(%arg9 : memref<128xi32, #tpu.memory_space<vmem>>) target_semaphore(%arg28 : memref<!tpu.dma_semaphore, #tpu.memory_space<semaphore_mem>>)
      } else {
      }
      %add3A_240 = arith.addi %mul3A_2, %add3A_229 : i32
      %dma_wait3A_241 = arith.constant 0 : i32
      %dma_wait3A_242 = tpu.memref_slice %arg4[%add3A_240, %dma_wait3A_241] : memref<2592x128xi32, #tpu.memory_space<hbm>> -> memref<1x128xi32, #tpu.memory_space<hbm>>
      %dma_wait3A_243 = tpu.memref_squeeze %dma_wait3A_242 : memref<1x128xi32, #tpu.memory_space<hbm>> -> memref<128xi32, #tpu.memory_space<hbm>>
      %dma_wait3A_244 = arith.constant 0 : i32
      %dma_wait3A_245 = tpu.memref_slice %arg4[%add3A_240, %dma_wait3A_244] : memref<2592x128xi32, #tpu.memory_space<hbm>> -> memref<1x128xi32, #tpu.memory_space<hbm>>
      %dma_wait3A_246 = tpu.memref_squeeze %dma_wait3A_245 : memref<1x128xi32, #tpu.memory_space<hbm>> -> memref<128xi32, #tpu.memory_space<hbm>>
      tpu.wait_dma2 semaphore(%arg22 : memref<!tpu.dma_semaphore, #tpu.memory_space<semaphore_mem>>) src(%dma_wait3A_246 : memref<128xi32, #tpu.memory_space<hbm>>) dst(%arg12 : memref<128xi32, #tpu.memory_space<vmem>>)
      %dma_start3A_247 = arith.constant 0 : i32
      %dma_start3A_248 = arith.constant 0 : i32
      %dma_start3A_249 = tpu.memref_slice %arg16[%dma_start3A_247, %dma_start3A_248] : memref<10112x128xf32, #tpu.memory_space<vmem_shared>> -> memref<10112x128xf32, #tpu.memory_space<vmem_shared>>
      tpu.enqueue_indirect_dma source(%arg15 : memref<128x128xf32, #tpu.memory_space<vmem>>) target(%dma_start3A_249 : memref<10112x128xf32, #tpu.memory_space<vmem_shared>>) offsets(%arg12 : memref<128xi32, #tpu.memory_space<vmem>>) semaphore(%arg25 : memref<!tpu.dma_semaphore, #tpu.memory_space<semaphore_mem>>) {add = true}
      %dma_wait3A_250 = arith.constant 0 : i32
      %dma_wait3A_251 = arith.constant 0 : i32
      %dma_wait3A_252 = tpu.memref_slice %arg16[%dma_wait3A_250, %dma_wait3A_251] : memref<10112x128xf32, #tpu.memory_space<vmem_shared>> -> memref<10112x128xf32, #tpu.memory_space<vmem_shared>>
      tpu.wait_indirect_dma semaphore(%arg24 : memref<!tpu.dma_semaphore, #tpu.memory_space<semaphore_mem>>) src(%arg14 : memref<128x128xf32, #tpu.memory_space<vmem>>) dst(%dma_wait3A_252 : memref<10112x128xf32, #tpu.memory_space<vmem_shared>>)
      %add3A_253 = arith.constant 2 : i32
      %add3A_254 = arith.addi %add3A_229, %add3A_253 : i32
      %lt3A_255 = arith.constant 81 : i32
      %lt3A_256 = arith.cmpi slt, %add3A_254, %lt3A_255 : i32
      %convert_element_type3A_257 = arith.extui %lt3A_256 : i1 to i32
      %cond3A_258 = arith.constant 0 : i32
      %cond3A_259 = arith.cmpi ne, %convert_element_type3A_257, %cond3A_258 : i32
      scf.if %cond3A_259 {
        %add3A_261 = arith.addi %mul3A_2, %add3A_229 : i32
        %add3A_262 = arith.constant 2 : i32
        %add3A_263 = arith.addi %add3A_261, %add3A_262 : i32
        %dma_start3A_264 = arith.constant 0 : i32
        %dma_start3A_265 = tpu.memref_slice %arg4[%add3A_263, %dma_start3A_264] : memref<2592x128xi32, #tpu.memory_space<hbm>> -> memref<1x128xi32, #tpu.memory_space<hbm>>
        %dma_start3A_266 = tpu.memref_squeeze %dma_start3A_265 : memref<1x128xi32, #tpu.memory_space<hbm>> -> memref<128xi32, #tpu.memory_space<hbm>>
        %dma_start3A_267 = arith.constant 0 : i32
        %dma_start3A_268 = tpu.memref_slice %arg4[%add3A_263, %dma_start3A_267] : memref<2592x128xi32, #tpu.memory_space<hbm>> -> memref<1x128xi32, #tpu.memory_space<hbm>>
        %dma_start3A_269 = tpu.memref_squeeze %dma_start3A_268 : memref<1x128xi32, #tpu.memory_space<hbm>> -> memref<128xi32, #tpu.memory_space<hbm>>
        tpu.enqueue_dma source(%dma_start3A_269 : memref<128xi32, #tpu.memory_space<hbm>>) target(%arg11 : memref<128xi32, #tpu.memory_space<vmem>>) target_semaphore(%arg21 : memref<!tpu.dma_semaphore, #tpu.memory_space<semaphore_mem>>)
        %add3A_270 = arith.addi %mul3A_2, %add3A_229 : i32
        %add3A_271 = arith.constant 2 : i32
        %add3A_272 = arith.addi %add3A_270, %add3A_271 : i32
        %dma_wait3A_273 = arith.constant 0 : i32
        %dma_wait3A_274 = tpu.memref_slice %arg3[%add3A_272, %dma_wait3A_273] : memref<2592x128xi32, #tpu.memory_space<hbm>> -> memref<1x128xi32, #tpu.memory_space<hbm>>
        %dma_wait3A_275 = tpu.memref_squeeze %dma_wait3A_274 : memref<1x128xi32, #tpu.memory_space<hbm>> -> memref<128xi32, #tpu.memory_space<hbm>>
        %dma_wait3A_276 = arith.constant 0 : i32
        %dma_wait3A_277 = tpu.memref_slice %arg3[%add3A_272, %dma_wait3A_276] : memref<2592x128xi32, #tpu.memory_space<hbm>> -> memref<1x128xi32, #tpu.memory_space<hbm>>
        %dma_wait3A_278 = tpu.memref_squeeze %dma_wait3A_277 : memref<1x128xi32, #tpu.memory_space<hbm>> -> memref<128xi32, #tpu.memory_space<hbm>>
        tpu.wait_dma2 semaphore(%arg27 : memref<!tpu.dma_semaphore, #tpu.memory_space<semaphore_mem>>) src(%dma_wait3A_278 : memref<128xi32, #tpu.memory_space<hbm>>) dst(%arg8 : memref<128xi32, #tpu.memory_space<vmem>>)
        %dma_start3A_279 = arith.constant 0 : i32
        %dma_start3A_280 = arith.constant 0 : i32
        %dma_start3A_281 = tpu.memref_slice %arg2[%dma_start3A_279, %dma_start3A_280] : memref<10000x128xf32, #tpu.memory_space<hbm>> -> memref<10000x128xf32, #tpu.memory_space<hbm>>
        tpu.enqueue_indirect_dma source(%dma_start3A_281 : memref<10000x128xf32, #tpu.memory_space<hbm>>) target(%arg14 : memref<128x128xf32, #tpu.memory_space<vmem>>) offsets(%arg8 : memref<128xi32, #tpu.memory_space<vmem>>) semaphore(%arg18 : memref<!tpu.dma_semaphore, #tpu.memory_space<semaphore_mem>>)
      } else {
      }
      %scan3A_260 = arith.constant 0 : i32
      scf.yield %scan3A_260 : i32
    }
    %scan3A_151 = arith.constant 27 : i32
    %dma_wait3A_152 = arith.constant 0 : i32
    %dma_wait3A_153 = arith.constant 0 : i32
    %dma_wait3A_154 = tpu.memref_slice %arg16[%dma_wait3A_152, %dma_wait3A_153] : memref<10112x128xf32, #tpu.memory_space<vmem_shared>> -> memref<10112x128xf32, #tpu.memory_space<vmem_shared>>
    tpu.wait_indirect_dma semaphore(%arg25 : memref<!tpu.dma_semaphore, #tpu.memory_space<semaphore_mem>>) src(%arg15 : memref<128x128xf32, #tpu.memory_space<vmem>>) dst(%dma_wait3A_154 : memref<10112x128xf32, #tpu.memory_space<vmem_shared>>)
    %barrier3A_155 = arith.constant 0 : index
    tpu.barrier barrier_id(%barrier3A_155)
    %mul3A_156 = arith.constant 10112 : i32
    %mul3A_157 = arith.muli %arg0, %mul3A_156 : i32
    %add3A_158 = arith.addi %mul3A_157, %mul3A_4 : i32
    "tpu.region"() ({
      %run_scoped3A = tpu.sem_alloc : memref<!tpu.dma_semaphore, #tpu.memory_space<semaphore_mem>>
      %dma_start3A_159 = arith.constant 0 : i32
      %dma_start3A_160 = tpu.memref_slice %arg6[%add3A_158, %dma_start3A_159] : memref<20224x128xf32, #tpu.memory_space<hbm>> -> memref<632x128xf32, #tpu.memory_space<hbm>>
      %dma_start3A_161 = arith.constant 0 : i32
      %dma_start3A_162 = tpu.memref_slice %arg16[%mul3A_4, %dma_start3A_161] : memref<10112x128xf32, #tpu.memory_space<vmem_shared>> -> memref<632x128xf32, #tpu.memory_space<vmem_shared>>
      tpu.enqueue_dma source(%dma_start3A_162 : memref<632x128xf32, #tpu.memory_space<vmem_shared>>) target(%dma_start3A_160 : memref<632x128xf32, #tpu.memory_space<hbm>>) target_semaphore(%run_scoped3A : memref<!tpu.dma_semaphore, #tpu.memory_space<semaphore_mem>>)
      %dma_wait3A_163 = arith.constant 0 : i32
      %dma_wait3A_164 = tpu.memref_slice %arg6[%add3A_158, %dma_wait3A_163] : memref<20224x128xf32, #tpu.memory_space<hbm>> -> memref<632x128xf32, #tpu.memory_space<hbm>>
      %dma_wait3A_165 = arith.constant 0 : i32
      %dma_wait3A_166 = tpu.memref_slice %arg16[%mul3A_4, %dma_wait3A_165] : memref<10112x128xf32, #tpu.memory_space<vmem_shared>> -> memref<632x128xf32, #tpu.memory_space<vmem_shared>>
      tpu.wait_dma2 semaphore(%run_scoped3A : memref<!tpu.dma_semaphore, #tpu.memory_space<semaphore_mem>>) src(%dma_wait3A_166 : memref<632x128xf32, #tpu.memory_space<vmem_shared>>) dst(%dma_wait3A_164 : memref<632x128xf32, #tpu.memory_space<hbm>>)
      tpu.yield
    }) : () -> ()
    return
  }
}

#map = affine_map<(d0, d1) -> (0, 0)>
module attributes {stable_mosaic.version = 14 : i64} {
  func.func @_agg(%arg0: i32, %arg1: i32, %arg2: memref<10000x128xf32, #tpu.memory_space<hbm>>, %arg3: memref<2592x128xi32, #tpu.memory_space<hbm>>, %arg4: memref<2592x128xi32, #tpu.memory_space<hbm>>, %arg5: memref<128x128xf32, #tpu.memory_space<hbm>>, %arg6: memref<20224x128xf32, #tpu.memory_space<hbm>>, %arg7: memref<128xi32, #tpu.memory_space<vmem>>, %arg8: memref<128xi32, #tpu.memory_space<vmem>>, %arg9: memref<128xi32, #tpu.memory_space<vmem>>, %arg10: memref<128xi32, #tpu.memory_space<vmem>>, %arg11: memref<128xi32, #tpu.memory_space<vmem>>, %arg12: memref<128xi32, #tpu.memory_space<vmem>>, %arg13: memref<128x128xf32, #tpu.memory_space<vmem>>, %arg14: memref<128x128xf32, #tpu.memory_space<vmem>>, %arg15: memref<128x128xf32, #tpu.memory_space<vmem>>, %arg16: memref<10112x128xf32, #tpu.memory_space<vmem_shared>>, %arg17: memref<!tpu.dma_semaphore, #tpu.memory_space<semaphore_mem>>, %arg18: memref<!tpu.dma_semaphore, #tpu.memory_space<semaphore_mem>>, %arg19: memref<!tpu.dma_semaphore, #tpu.memory_space<semaphore_mem>>, %arg20: memref<!tpu.dma_semaphore, #tpu.memory_space<semaphore_mem>>, %arg21: memref<!tpu.dma_semaphore, #tpu.memory_space<semaphore_mem>>, %arg22: memref<!tpu.dma_semaphore, #tpu.memory_space<semaphore_mem>>, %arg23: memref<!tpu.dma_semaphore, #tpu.memory_space<semaphore_mem>>, %arg24: memref<!tpu.dma_semaphore, #tpu.memory_space<semaphore_mem>>, %arg25: memref<!tpu.dma_semaphore, #tpu.memory_space<semaphore_mem>>, %arg26: memref<!tpu.dma_semaphore, #tpu.memory_space<semaphore_mem>>, %arg27: memref<!tpu.dma_semaphore, #tpu.memory_space<semaphore_mem>>, %arg28: memref<!tpu.dma_semaphore, #tpu.memory_space<semaphore_mem>>) attributes {dimension_semantics = [#tpu.dimension_semantics<core_parallel>, #tpu.dimension_semantics<subcore_parallel>], iteration_bounds = array<i64: 2, 16>, scalar_prefetch = 0 : i64, scratch_operands = 22 : i64, tpu.core_type = #tpu.core_type<sc_vector_subcore>, window_params = [{transform_indices = #map}, {transform_indices = #map}, {transform_indices = #map}, {transform_indices = #map}, {transform_indices = #map}]} {
    %mul3A = arith.constant 2 : i32
    %mul3A_0 = arith.muli %arg1, %mul3A : i32
    %add3A = arith.addi %mul3A_0, %arg0 : i32
    %mul3A_1 = arith.constant 81 : i32
    %mul3A_2 = arith.muli %add3A, %mul3A_1 : i32
    "tpu.region"() ({
      %run_scoped3A = tpu.sem_alloc : memref<!tpu.dma_semaphore, #tpu.memory_space<semaphore_mem>>
      tpu.enqueue_dma source(%arg5 : memref<128x128xf32, #tpu.memory_space<hbm>>) target(%arg15 : memref<128x128xf32, #tpu.memory_space<vmem>>) target_semaphore(%run_scoped3A : memref<!tpu.dma_semaphore, #tpu.memory_space<semaphore_mem>>)
      tpu.wait_dma2 semaphore(%run_scoped3A : memref<!tpu.dma_semaphore, #tpu.memory_space<semaphore_mem>>) src(%arg5 : memref<128x128xf32, #tpu.memory_space<hbm>>) dst(%arg15 : memref<128x128xf32, #tpu.memory_space<vmem>>)
      tpu.yield
    }) : () -> ()
    %mul3A_3 = arith.constant 632 : i32
    %mul3A_4 = arith.muli %arg1, %mul3A_3 : i32
    %add3A_5 = arith.constant 0 : i32
    %add3A_6 = arith.addi %mul3A_4, %add3A_5 : i32
    %dma_start3A = arith.constant 0 : i32
    %dma_start3A_7 = tpu.memref_slice %arg16[%add3A_6, %dma_start3A] : memref<10112x128xf32, #tpu.memory_space<vmem_shared>> -> memref<128x128xf32, #tpu.memory_space<vmem_shared>>
    %dma_start3A_8 = arith.constant 0 : i32
    %dma_start3A_9 = tpu.memref_slice %arg16[%add3A_6, %dma_start3A_8] : memref<10112x128xf32, #tpu.memory_space<vmem_shared>> -> memref<128x128xf32, #tpu.memory_space<vmem_shared>>
    tpu.enqueue_dma source(%arg15 : memref<128x128xf32, #tpu.memory_space<vmem>>) target(%dma_start3A_9 : memref<128x128xf32, #tpu.memory_space<vmem_shared>>) target_semaphore(%arg23 : memref<!tpu.dma_semaphore, #tpu.memory_space<semaphore_mem>>)
    %add3A_10 = arith.constant 128 : i32
    %add3A_11 = arith.addi %mul3A_4, %add3A_10 : i32
    %dma_start3A_12 = arith.constant 0 : i32
    %dma_start3A_13 = tpu.memref_slice %arg16[%add3A_11, %dma_start3A_12] : memref<10112x128xf32, #tpu.memory_space<vmem_shared>> -> memref<128x128xf32, #tpu.memory_space<vmem_shared>>
    %dma_start3A_14 = arith.constant 0 : i32
    %dma_start3A_15 = tpu.memref_slice %arg16[%add3A_11, %dma_start3A_14] : memref<10112x128xf32, #tpu.memory_space<vmem_shared>> -> memref<128x128xf32, #tpu.memory_space<vmem_shared>>
    tpu.enqueue_dma source(%arg15 : memref<128x128xf32, #tpu.memory_space<vmem>>) target(%dma_start3A_15 : memref<128x128xf32, #tpu.memory_space<vmem_shared>>) target_semaphore(%arg23 : memref<!tpu.dma_semaphore, #tpu.memory_space<semaphore_mem>>)
    %add3A_16 = arith.constant 256 : i32
    %add3A_17 = arith.addi %mul3A_4, %add3A_16 : i32
    %dma_start3A_18 = arith.constant 0 : i32
    %dma_start3A_19 = tpu.memref_slice %arg16[%add3A_17, %dma_start3A_18] : memref<10112x128xf32, #tpu.memory_space<vmem_shared>> -> memref<128x128xf32, #tpu.memory_space<vmem_shared>>
    %dma_start3A_20 = arith.constant 0 : i32
    %dma_start3A_21 = tpu.memref_slice %arg16[%add3A_17, %dma_start3A_20] : memref<10112x128xf32, #tpu.memory_space<vmem_shared>> -> memref<128x128xf32, #tpu.memory_space<vmem_shared>>
    tpu.enqueue_dma source(%arg15 : memref<128x128xf32, #tpu.memory_space<vmem>>) target(%dma_start3A_21 : memref<128x128xf32, #tpu.memory_space<vmem_shared>>) target_semaphore(%arg23 : memref<!tpu.dma_semaphore, #tpu.memory_space<semaphore_mem>>)
    %add3A_22 = arith.constant 384 : i32
    %add3A_23 = arith.addi %mul3A_4, %add3A_22 : i32
    %dma_start3A_24 = arith.constant 0 : i32
    %dma_start3A_25 = tpu.memref_slice %arg16[%add3A_23, %dma_start3A_24] : memref<10112x128xf32, #tpu.memory_space<vmem_shared>> -> memref<128x128xf32, #tpu.memory_space<vmem_shared>>
    %dma_start3A_26 = arith.constant 0 : i32
    %dma_start3A_27 = tpu.memref_slice %arg16[%add3A_23, %dma_start3A_26] : memref<10112x128xf32, #tpu.memory_space<vmem_shared>> -> memref<128x128xf32, #tpu.memory_space<vmem_shared>>
    tpu.enqueue_dma source(%arg15 : memref<128x128xf32, #tpu.memory_space<vmem>>) target(%dma_start3A_27 : memref<128x128xf32, #tpu.memory_space<vmem_shared>>) target_semaphore(%arg23 : memref<!tpu.dma_semaphore, #tpu.memory_space<semaphore_mem>>)
    %add3A_28 = arith.constant 512 : i32
    %add3A_29 = arith.addi %mul3A_4, %add3A_28 : i32
    %dma_start3A_30 = arith.constant 0 : i32
    %dma_start3A_31 = arith.constant 0 : i32
    %dma_start3A_32 = tpu.memref_slice %arg15[%dma_start3A_30, %dma_start3A_31] : memref<128x128xf32, #tpu.memory_space<vmem>> -> memref<120x128xf32, #tpu.memory_space<vmem>>
    %dma_start3A_33 = arith.constant 0 : i32
    %dma_start3A_34 = tpu.memref_slice %arg16[%add3A_29, %dma_start3A_33] : memref<10112x128xf32, #tpu.memory_space<vmem_shared>> -> memref<120x128xf32, #tpu.memory_space<vmem_shared>>
    %dma_start3A_35 = arith.constant 0 : i32
    %dma_start3A_36 = tpu.memref_slice %arg16[%add3A_29, %dma_start3A_35] : memref<10112x128xf32, #tpu.memory_space<vmem_shared>> -> memref<120x128xf32, #tpu.memory_space<vmem_shared>>
    %dma_start3A_37 = arith.constant 0 : i32
    %dma_start3A_38 = arith.constant 0 : i32
    %dma_start3A_39 = tpu.memref_slice %arg15[%dma_start3A_37, %dma_start3A_38] : memref<128x128xf32, #tpu.memory_space<vmem>> -> memref<120x128xf32, #tpu.memory_space<vmem>>
    tpu.enqueue_dma source(%dma_start3A_39 : memref<120x128xf32, #tpu.memory_space<vmem>>) target(%dma_start3A_36 : memref<120x128xf32, #tpu.memory_space<vmem_shared>>) target_semaphore(%arg24 : memref<!tpu.dma_semaphore, #tpu.memory_space<semaphore_mem>>)
    %dma_start3A_40 = arith.constant 0 : i32
    %dma_start3A_41 = tpu.memref_slice %arg3[%mul3A_2, %dma_start3A_40] : memref<2592x128xi32, #tpu.memory_space<hbm>> -> memref<1x128xi32, #tpu.memory_space<hbm>>
    %dma_start3A_42 = tpu.memref_squeeze %dma_start3A_41 : memref<1x128xi32, #tpu.memory_space<hbm>> -> memref<128xi32, #tpu.memory_space<hbm>>
    %dma_start3A_43 = arith.constant 0 : i32
    %dma_start3A_44 = tpu.memref_slice %arg3[%mul3A_2, %dma_start3A_43] : memref<2592x128xi32, #tpu.memory_space<hbm>> -> memref<1x128xi32, #tpu.memory_space<hbm>>
    %dma_start3A_45 = tpu.memref_squeeze %dma_start3A_44 : memref<1x128xi32, #tpu.memory_space<hbm>> -> memref<128xi32, #tpu.memory_space<hbm>>
    tpu.enqueue_dma source(%dma_start3A_45 : memref<128xi32, #tpu.memory_space<hbm>>) target(%arg7 : memref<128xi32, #tpu.memory_space<vmem>>) target_semaphore(%arg26 : memref<!tpu.dma_semaphore, #tpu.memory_space<semaphore_mem>>)
    %add3A_46 = arith.constant 1 : i32
    %add3A_47 = arith.addi %mul3A_2, %add3A_46 : i32
    %dma_start3A_48 = arith.constant 0 : i32
    %dma_start3A_49 = tpu.memref_slice %arg3[%add3A_47, %dma_start3A_48] : memref<2592x128xi32, #tpu.memory_space<hbm>> -> memref<1x128xi32, #tpu.memory_space<hbm>>
    %dma_start3A_50 = tpu.memref_squeeze %dma_start3A_49 : memref<1x128xi32, #tpu.memory_space<hbm>> -> memref<128xi32, #tpu.memory_space<hbm>>
    %dma_start3A_51 = arith.constant 0 : i32
    %dma_start3A_52 = tpu.memref_slice %arg3[%add3A_47, %dma_start3A_51] : memref<2592x128xi32, #tpu.memory_space<hbm>> -> memref<1x128xi32, #tpu.memory_space<hbm>>
    %dma_start3A_53 = tpu.memref_squeeze %dma_start3A_52 : memref<1x128xi32, #tpu.memory_space<hbm>> -> memref<128xi32, #tpu.memory_space<hbm>>
    tpu.enqueue_dma source(%dma_start3A_53 : memref<128xi32, #tpu.memory_space<hbm>>) target(%arg8 : memref<128xi32, #tpu.memory_space<vmem>>) target_semaphore(%arg27 : memref<!tpu.dma_semaphore, #tpu.memory_space<semaphore_mem>>)
    %add3A_54 = arith.constant 2 : i32
    %add3A_55 = arith.addi %mul3A_2, %add3A_54 : i32
    %dma_start3A_56 = arith.constant 0 : i32
    %dma_start3A_57 = tpu.memref_slice %arg3[%add3A_55, %dma_start3A_56] : memref<2592x128xi32, #tpu.memory_space<hbm>> -> memref<1x128xi32, #tpu.memory_space<hbm>>
    %dma_start3A_58 = tpu.memref_squeeze %dma_start3A_57 : memref<1x128xi32, #tpu.memory_space<hbm>> -> memref<128xi32, #tpu.memory_space<hbm>>
    %dma_start3A_59 = arith.constant 0 : i32
    %dma_start3A_60 = tpu.memref_slice %arg3[%add3A_55, %dma_start3A_59] : memref<2592x128xi32, #tpu.memory_space<hbm>> -> memref<1x128xi32, #tpu.memory_space<hbm>>
    %dma_start3A_61 = tpu.memref_squeeze %dma_start3A_60 : memref<1x128xi32, #tpu.memory_space<hbm>> -> memref<128xi32, #tpu.memory_space<hbm>>
    tpu.enqueue_dma source(%dma_start3A_61 : memref<128xi32, #tpu.memory_space<hbm>>) target(%arg9 : memref<128xi32, #tpu.memory_space<vmem>>) target_semaphore(%arg28 : memref<!tpu.dma_semaphore, #tpu.memory_space<semaphore_mem>>)
    %dma_start3A_62 = arith.constant 0 : i32
    %dma_start3A_63 = tpu.memref_slice %arg4[%mul3A_2, %dma_start3A_62] : memref<2592x128xi32, #tpu.memory_space<hbm>> -> memref<1x128xi32, #tpu.memory_space<hbm>>
    %dma_start3A_64 = tpu.memref_squeeze %dma_start3A_63 : memref<1x128xi32, #tpu.memory_space<hbm>> -> memref<128xi32, #tpu.memory_space<hbm>>
    %dma_start3A_65 = arith.constant 0 : i32
    %dma_start3A_66 = tpu.memref_slice %arg4[%mul3A_2, %dma_start3A_65] : memref<2592x128xi32, #tpu.memory_space<hbm>> -> memref<1x128xi32, #tpu.memory_space<hbm>>
    %dma_start3A_67 = tpu.memref_squeeze %dma_start3A_66 : memref<1x128xi32, #tpu.memory_space<hbm>> -> memref<128xi32, #tpu.memory_space<hbm>>
    tpu.enqueue_dma source(%dma_start3A_67 : memref<128xi32, #tpu.memory_space<hbm>>) target(%arg10 : memref<128xi32, #tpu.memory_space<vmem>>) target_semaphore(%arg20 : memref<!tpu.dma_semaphore, #tpu.memory_space<semaphore_mem>>)
    %add3A_68 = arith.constant 1 : i32
    %add3A_69 = arith.addi %mul3A_2, %add3A_68 : i32
    %dma_start3A_70 = arith.constant 0 : i32
    %dma_start3A_71 = tpu.memref_slice %arg4[%add3A_69, %dma_start3A_70] : memref<2592x128xi32, #tpu.memory_space<hbm>> -> memref<1x128xi32, #tpu.memory_space<hbm>>
    %dma_start3A_72 = tpu.memref_squeeze %dma_start3A_71 : memref<1x128xi32, #tpu.memory_space<hbm>> -> memref<128xi32, #tpu.memory_space<hbm>>
    %dma_start3A_73 = arith.constant 0 : i32
    %dma_start3A_74 = tpu.memref_slice %arg4[%add3A_69, %dma_start3A_73] : memref<2592x128xi32, #tpu.memory_space<hbm>> -> memref<1x128xi32, #tpu.memory_space<hbm>>
    %dma_start3A_75 = tpu.memref_squeeze %dma_start3A_74 : memref<1x128xi32, #tpu.memory_space<hbm>> -> memref<128xi32, #tpu.memory_space<hbm>>
    tpu.enqueue_dma source(%dma_start3A_75 : memref<128xi32, #tpu.memory_space<hbm>>) target(%arg11 : memref<128xi32, #tpu.memory_space<vmem>>) target_semaphore(%arg21 : memref<!tpu.dma_semaphore, #tpu.memory_space<semaphore_mem>>)
    %dma_start3A_76 = arith.constant 0 : i32
    %dma_start3A_77 = tpu.memref_slice %arg4[%mul3A_2, %dma_start3A_76] : memref<2592x128xi32, #tpu.memory_space<hbm>> -> memref<1x128xi32, #tpu.memory_space<hbm>>
    %dma_start3A_78 = tpu.memref_squeeze %dma_start3A_77 : memref<1x128xi32, #tpu.memory_space<hbm>> -> memref<128xi32, #tpu.memory_space<hbm>>
    %dma_start3A_79 = arith.constant 0 : i32
    %dma_start3A_80 = tpu.memref_slice %arg4[%mul3A_2, %dma_start3A_79] : memref<2592x128xi32, #tpu.memory_space<hbm>> -> memref<1x128xi32, #tpu.memory_space<hbm>>
    %dma_start3A_81 = tpu.memref_squeeze %dma_start3A_80 : memref<1x128xi32, #tpu.memory_space<hbm>> -> memref<128xi32, #tpu.memory_space<hbm>>
    tpu.enqueue_dma source(%dma_start3A_81 : memref<128xi32, #tpu.memory_space<hbm>>) target(%arg12 : memref<128xi32, #tpu.memory_space<vmem>>) target_semaphore(%arg22 : memref<!tpu.dma_semaphore, #tpu.memory_space<semaphore_mem>>)
    %add3A_82 = arith.constant 0 : i32
    %add3A_83 = arith.addi %mul3A_4, %add3A_82 : i32
    %dma_wait3A = arith.constant 0 : i32
    %dma_wait3A_84 = tpu.memref_slice %arg16[%add3A_83, %dma_wait3A] : memref<10112x128xf32, #tpu.memory_space<vmem_shared>> -> memref<128x128xf32, #tpu.memory_space<vmem_shared>>
    %dma_wait3A_85 = arith.constant 0 : i32
    %dma_wait3A_86 = tpu.memref_slice %arg16[%add3A_83, %dma_wait3A_85] : memref<10112x128xf32, #tpu.memory_space<vmem_shared>> -> memref<128x128xf32, #tpu.memory_space<vmem_shared>>
    tpu.wait_dma2 semaphore(%arg23 : memref<!tpu.dma_semaphore, #tpu.memory_space<semaphore_mem>>) src(%arg15 : memref<128x128xf32, #tpu.memory_space<vmem>>) dst(%dma_wait3A_86 : memref<128x128xf32, #tpu.memory_space<vmem_shared>>)
    %add3A_87 = arith.constant 128 : i32
    %add3A_88 = arith.addi %mul3A_4, %add3A_87 : i32
    %dma_wait3A_89 = arith.constant 0 : i32
    %dma_wait3A_90 = tpu.memref_slice %arg16[%add3A_88, %dma_wait3A_89] : memref<10112x128xf32, #tpu.memory_space<vmem_shared>> -> memref<128x128xf32, #tpu.memory_space<vmem_shared>>
    %dma_wait3A_91 = arith.constant 0 : i32
    %dma_wait3A_92 = tpu.memref_slice %arg16[%add3A_88, %dma_wait3A_91] : memref<10112x128xf32, #tpu.memory_space<vmem_shared>> -> memref<128x128xf32, #tpu.memory_space<vmem_shared>>
    tpu.wait_dma2 semaphore(%arg23 : memref<!tpu.dma_semaphore, #tpu.memory_space<semaphore_mem>>) src(%arg15 : memref<128x128xf32, #tpu.memory_space<vmem>>) dst(%dma_wait3A_92 : memref<128x128xf32, #tpu.memory_space<vmem_shared>>)
    %add3A_93 = arith.constant 256 : i32
    %add3A_94 = arith.addi %mul3A_4, %add3A_93 : i32
    %dma_wait3A_95 = arith.constant 0 : i32
    %dma_wait3A_96 = tpu.memref_slice %arg16[%add3A_94, %dma_wait3A_95] : memref<10112x128xf32, #tpu.memory_space<vmem_shared>> -> memref<128x128xf32, #tpu.memory_space<vmem_shared>>
    %dma_wait3A_97 = arith.constant 0 : i32
    %dma_wait3A_98 = tpu.memref_slice %arg16[%add3A_94, %dma_wait3A_97] : memref<10112x128xf32, #tpu.memory_space<vmem_shared>> -> memref<128x128xf32, #tpu.memory_space<vmem_shared>>
    tpu.wait_dma2 semaphore(%arg23 : memref<!tpu.dma_semaphore, #tpu.memory_space<semaphore_mem>>) src(%arg15 : memref<128x128xf32, #tpu.memory_space<vmem>>) dst(%dma_wait3A_98 : memref<128x128xf32, #tpu.memory_space<vmem_shared>>)
    %add3A_99 = arith.constant 384 : i32
    %add3A_100 = arith.addi %mul3A_4, %add3A_99 : i32
    %dma_wait3A_101 = arith.constant 0 : i32
    %dma_wait3A_102 = tpu.memref_slice %arg16[%add3A_100, %dma_wait3A_101] : memref<10112x128xf32, #tpu.memory_space<vmem_shared>> -> memref<128x128xf32, #tpu.memory_space<vmem_shared>>
    %dma_wait3A_103 = arith.constant 0 : i32
    %dma_wait3A_104 = tpu.memref_slice %arg16[%add3A_100, %dma_wait3A_103] : memref<10112x128xf32, #tpu.memory_space<vmem_shared>> -> memref<128x128xf32, #tpu.memory_space<vmem_shared>>
    tpu.wait_dma2 semaphore(%arg23 : memref<!tpu.dma_semaphore, #tpu.memory_space<semaphore_mem>>) src(%arg15 : memref<128x128xf32, #tpu.memory_space<vmem>>) dst(%dma_wait3A_104 : memref<128x128xf32, #tpu.memory_space<vmem_shared>>)
    %add3A_105 = arith.constant 512 : i32
    %add3A_106 = arith.addi %mul3A_4, %add3A_105 : i32
    %dma_wait3A_107 = arith.constant 0 : i32
    %dma_wait3A_108 = arith.constant 0 : i32
    %dma_wait3A_109 = tpu.memref_slice %arg15[%dma_wait3A_107, %dma_wait3A_108] : memref<128x128xf32, #tpu.memory_space<vmem>> -> memref<120x128xf32, #tpu.memory_space<vmem>>
    %dma_wait3A_110 = arith.constant 0 : i32
    %dma_wait3A_111 = tpu.memref_slice %arg16[%add3A_106, %dma_wait3A_110] : memref<10112x128xf32, #tpu.memory_space<vmem_shared>> -> memref<120x128xf32, #tpu.memory_space<vmem_shared>>
    %dma_wait3A_112 = arith.constant 0 : i32
    %dma_wait3A_113 = tpu.memref_slice %arg16[%add3A_106, %dma_wait3A_112] : memref<10112x128xf32, #tpu.memory_space<vmem_shared>> -> memref<120x128xf32, #tpu.memory_space<vmem_shared>>
    %dma_wait3A_114 = arith.constant 0 : i32
    %dma_wait3A_115 = arith.constant 0 : i32
    %dma_wait3A_116 = tpu.memref_slice %arg15[%dma_wait3A_114, %dma_wait3A_115] : memref<128x128xf32, #tpu.memory_space<vmem>> -> memref<120x128xf32, #tpu.memory_space<vmem>>
    tpu.wait_dma2 semaphore(%arg24 : memref<!tpu.dma_semaphore, #tpu.memory_space<semaphore_mem>>) src(%dma_wait3A_116 : memref<120x128xf32, #tpu.memory_space<vmem>>) dst(%dma_wait3A_113 : memref<120x128xf32, #tpu.memory_space<vmem_shared>>)
    %dma_wait3A_117 = arith.constant 0 : i32
    %dma_wait3A_118 = tpu.memref_slice %arg3[%mul3A_2, %dma_wait3A_117] : memref<2592x128xi32, #tpu.memory_space<hbm>> -> memref<1x128xi32, #tpu.memory_space<hbm>>
    %dma_wait3A_119 = tpu.memref_squeeze %dma_wait3A_118 : memref<1x128xi32, #tpu.memory_space<hbm>> -> memref<128xi32, #tpu.memory_space<hbm>>
    %dma_wait3A_120 = arith.constant 0 : i32
    %dma_wait3A_121 = tpu.memref_slice %arg3[%mul3A_2, %dma_wait3A_120] : memref<2592x128xi32, #tpu.memory_space<hbm>> -> memref<1x128xi32, #tpu.memory_space<hbm>>
    %dma_wait3A_122 = tpu.memref_squeeze %dma_wait3A_121 : memref<1x128xi32, #tpu.memory_space<hbm>> -> memref<128xi32, #tpu.memory_space<hbm>>
    tpu.wait_dma2 semaphore(%arg26 : memref<!tpu.dma_semaphore, #tpu.memory_space<semaphore_mem>>) src(%dma_wait3A_122 : memref<128xi32, #tpu.memory_space<hbm>>) dst(%arg7 : memref<128xi32, #tpu.memory_space<vmem>>)
    %dma_start3A_123 = arith.constant 0 : i32
    %dma_start3A_124 = arith.constant 0 : i32
    %dma_start3A_125 = tpu.memref_slice %arg2[%dma_start3A_123, %dma_start3A_124] : memref<10000x128xf32, #tpu.memory_space<hbm>> -> memref<10000x128xf32, #tpu.memory_space<hbm>>
    tpu.enqueue_indirect_dma source(%dma_start3A_125 : memref<10000x128xf32, #tpu.memory_space<hbm>>) target(%arg13 : memref<128x128xf32, #tpu.memory_space<vmem>>) offsets(%arg7 : memref<128xi32, #tpu.memory_space<vmem>>) semaphore(%arg17 : memref<!tpu.dma_semaphore, #tpu.memory_space<semaphore_mem>>)
    %add3A_126 = arith.constant 1 : i32
    %add3A_127 = arith.addi %mul3A_2, %add3A_126 : i32
    %dma_wait3A_128 = arith.constant 0 : i32
    %dma_wait3A_129 = tpu.memref_slice %arg3[%add3A_127, %dma_wait3A_128] : memref<2592x128xi32, #tpu.memory_space<hbm>> -> memref<1x128xi32, #tpu.memory_space<hbm>>
    %dma_wait3A_130 = tpu.memref_squeeze %dma_wait3A_129 : memref<1x128xi32, #tpu.memory_space<hbm>> -> memref<128xi32, #tpu.memory_space<hbm>>
    %dma_wait3A_131 = arith.constant 0 : i32
    %dma_wait3A_132 = tpu.memref_slice %arg3[%add3A_127, %dma_wait3A_131] : memref<2592x128xi32, #tpu.memory_space<hbm>> -> memref<1x128xi32, #tpu.memory_space<hbm>>
    %dma_wait3A_133 = tpu.memref_squeeze %dma_wait3A_132 : memref<1x128xi32, #tpu.memory_space<hbm>> -> memref<128xi32, #tpu.memory_space<hbm>>
    tpu.wait_dma2 semaphore(%arg27 : memref<!tpu.dma_semaphore, #tpu.memory_space<semaphore_mem>>) src(%dma_wait3A_133 : memref<128xi32, #tpu.memory_space<hbm>>) dst(%arg8 : memref<128xi32, #tpu.memory_space<vmem>>)
    %dma_start3A_134 = arith.constant 0 : i32
    %dma_start3A_135 = arith.constant 0 : i32
    %dma_start3A_136 = tpu.memref_slice %arg2[%dma_start3A_134, %dma_start3A_135] : memref<10000x128xf32, #tpu.memory_space<hbm>> -> memref<10000x128xf32, #tpu.memory_space<hbm>>
    tpu.enqueue_indirect_dma source(%dma_start3A_136 : memref<10000x128xf32, #tpu.memory_space<hbm>>) target(%arg14 : memref<128x128xf32, #tpu.memory_space<vmem>>) offsets(%arg8 : memref<128xi32, #tpu.memory_space<vmem>>) semaphore(%arg18 : memref<!tpu.dma_semaphore, #tpu.memory_space<semaphore_mem>>)
    %dma_wait3A_137 = arith.constant 0 : i32
    %dma_wait3A_138 = tpu.memref_slice %arg4[%mul3A_2, %dma_wait3A_137] : memref<2592x128xi32, #tpu.memory_space<hbm>> -> memref<1x128xi32, #tpu.memory_space<hbm>>
    %dma_wait3A_139 = tpu.memref_squeeze %dma_wait3A_138 : memref<1x128xi32, #tpu.memory_space<hbm>> -> memref<128xi32, #tpu.memory_space<hbm>>
    %dma_wait3A_140 = arith.constant 0 : i32
    %dma_wait3A_141 = tpu.memref_slice %arg4[%mul3A_2, %dma_wait3A_140] : memref<2592x128xi32, #tpu.memory_space<hbm>> -> memref<1x128xi32, #tpu.memory_space<hbm>>
    %dma_wait3A_142 = tpu.memref_squeeze %dma_wait3A_141 : memref<1x128xi32, #tpu.memory_space<hbm>> -> memref<128xi32, #tpu.memory_space<hbm>>
    tpu.wait_dma2 semaphore(%arg22 : memref<!tpu.dma_semaphore, #tpu.memory_space<semaphore_mem>>) src(%dma_wait3A_142 : memref<128xi32, #tpu.memory_space<hbm>>) dst(%arg12 : memref<128xi32, #tpu.memory_space<vmem>>)
    %barrier3A = arith.constant 0 : index
    tpu.barrier barrier_id(%barrier3A)
    %dma_start3A_143 = arith.constant 0 : i32
    %dma_start3A_144 = arith.constant 0 : i32
    %dma_start3A_145 = tpu.memref_slice %arg16[%dma_start3A_143, %dma_start3A_144] : memref<10112x128xf32, #tpu.memory_space<vmem_shared>> -> memref<10112x128xf32, #tpu.memory_space<vmem_shared>>
    tpu.enqueue_indirect_dma source(%arg15 : memref<128x128xf32, #tpu.memory_space<vmem>>) target(%dma_start3A_145 : memref<10112x128xf32, #tpu.memory_space<vmem_shared>>) offsets(%arg12 : memref<128xi32, #tpu.memory_space<vmem>>) semaphore(%arg25 : memref<!tpu.dma_semaphore, #tpu.memory_space<semaphore_mem>>) {add = true}
    %scan3A = arith.constant 0 : i32
    %scan3A_146 = arith.constant 0 : i32
    %scan3A_147 = arith.constant 27 : i32
    %scan3A_148 = arith.addi %scan3A_146, %scan3A_147 : i32
    %scan3A_149 = arith.constant 1 : i32
    %scan3A_150 = scf.for %scan3A_159 = %scan3A_146 to %scan3A_148 step %scan3A_149 iter_args(%scan3A_160 = %scan3A) -> (i32)  : i32 {
      %mul3A_161 = arith.constant 3 : i32
      %mul3A_162 = arith.muli %mul3A_161, %scan3A_159 : i32
      %add3A_163 = arith.constant 0 : i32
      %add3A_164 = arith.addi %mul3A_162, %add3A_163 : i32
      %dma_wait3A_165 = arith.constant 0 : i32
      %dma_wait3A_166 = arith.constant 0 : i32
      %dma_wait3A_167 = tpu.memref_slice %arg2[%dma_wait3A_165, %dma_wait3A_166] : memref<10000x128xf32, #tpu.memory_space<hbm>> -> memref<10000x128xf32, #tpu.memory_space<hbm>>
      tpu.wait_indirect_dma semaphore(%arg17 : memref<!tpu.dma_semaphore, #tpu.memory_space<semaphore_mem>>) src(%dma_wait3A_167 : memref<10000x128xf32, #tpu.memory_space<hbm>>) dst(%arg13 : memref<128x128xf32, #tpu.memory_space<vmem>>)
      %add3A_168 = arith.constant 3 : i32
      %add3A_169 = arith.addi %add3A_164, %add3A_168 : i32
      %lt3A = arith.constant 81 : i32
      %lt3A_170 = arith.cmpi slt, %add3A_169, %lt3A : i32
      %convert_element_type3A = arith.extui %lt3A_170 : i1 to i32
      %cond3A = arith.constant 0 : i32
      %cond3A_171 = arith.cmpi ne, %convert_element_type3A, %cond3A : i32
      scf.if %cond3A_171 {
        %add3A_261 = arith.addi %mul3A_2, %add3A_164 : i32
        %add3A_262 = arith.constant 3 : i32
        %add3A_263 = arith.addi %add3A_261, %add3A_262 : i32
        %dma_start3A_264 = arith.constant 0 : i32
        %dma_start3A_265 = tpu.memref_slice %arg3[%add3A_263, %dma_start3A_264] : memref<2592x128xi32, #tpu.memory_space<hbm>> -> memref<1x128xi32, #tpu.memory_space<hbm>>
        %dma_start3A_266 = tpu.memref_squeeze %dma_start3A_265 : memref<1x128xi32, #tpu.memory_space<hbm>> -> memref<128xi32, #tpu.memory_space<hbm>>
        %dma_start3A_267 = arith.constant 0 : i32
        %dma_start3A_268 = tpu.memref_slice %arg3[%add3A_263, %dma_start3A_267] : memref<2592x128xi32, #tpu.memory_space<hbm>> -> memref<1x128xi32, #tpu.memory_space<hbm>>
        %dma_start3A_269 = tpu.memref_squeeze %dma_start3A_268 : memref<1x128xi32, #tpu.memory_space<hbm>> -> memref<128xi32, #tpu.memory_space<hbm>>
        tpu.enqueue_dma source(%dma_start3A_269 : memref<128xi32, #tpu.memory_space<hbm>>) target(%arg7 : memref<128xi32, #tpu.memory_space<vmem>>) target_semaphore(%arg26 : memref<!tpu.dma_semaphore, #tpu.memory_space<semaphore_mem>>)
      } else {
      }
      %add3A_172 = arith.addi %mul3A_2, %add3A_164 : i32
      %dma_wait3A_173 = arith.constant 0 : i32
      %dma_wait3A_174 = tpu.memref_slice %arg4[%add3A_172, %dma_wait3A_173] : memref<2592x128xi32, #tpu.memory_space<hbm>> -> memref<1x128xi32, #tpu.memory_space<hbm>>
      %dma_wait3A_175 = tpu.memref_squeeze %dma_wait3A_174 : memref<1x128xi32, #tpu.memory_space<hbm>> -> memref<128xi32, #tpu.memory_space<hbm>>
      %dma_wait3A_176 = arith.constant 0 : i32
      %dma_wait3A_177 = tpu.memref_slice %arg4[%add3A_172, %dma_wait3A_176] : memref<2592x128xi32, #tpu.memory_space<hbm>> -> memref<1x128xi32, #tpu.memory_space<hbm>>
      %dma_wait3A_178 = tpu.memref_squeeze %dma_wait3A_177 : memref<1x128xi32, #tpu.memory_space<hbm>> -> memref<128xi32, #tpu.memory_space<hbm>>
      tpu.wait_dma2 semaphore(%arg20 : memref<!tpu.dma_semaphore, #tpu.memory_space<semaphore_mem>>) src(%dma_wait3A_178 : memref<128xi32, #tpu.memory_space<hbm>>) dst(%arg10 : memref<128xi32, #tpu.memory_space<vmem>>)
      %dma_start3A_179 = arith.constant 0 : i32
      %dma_start3A_180 = arith.constant 0 : i32
      %dma_start3A_181 = tpu.memref_slice %arg16[%dma_start3A_179, %dma_start3A_180] : memref<10112x128xf32, #tpu.memory_space<vmem_shared>> -> memref<10112x128xf32, #tpu.memory_space<vmem_shared>>
      tpu.enqueue_indirect_dma source(%arg13 : memref<128x128xf32, #tpu.memory_space<vmem>>) target(%dma_start3A_181 : memref<10112x128xf32, #tpu.memory_space<vmem_shared>>) offsets(%arg10 : memref<128xi32, #tpu.memory_space<vmem>>) semaphore(%arg23 : memref<!tpu.dma_semaphore, #tpu.memory_space<semaphore_mem>>) {add = true}
      %dma_wait3A_182 = arith.constant 0 : i32
      %dma_wait3A_183 = arith.constant 0 : i32
      %dma_wait3A_184 = tpu.memref_slice %arg16[%dma_wait3A_182, %dma_wait3A_183] : memref<10112x128xf32, #tpu.memory_space<vmem_shared>> -> memref<10112x128xf32, #tpu.memory_space<vmem_shared>>
      tpu.wait_indirect_dma semaphore(%arg25 : memref<!tpu.dma_semaphore, #tpu.memory_space<semaphore_mem>>) src(%arg15 : memref<128x128xf32, #tpu.memory_space<vmem>>) dst(%dma_wait3A_184 : memref<10112x128xf32, #tpu.memory_space<vmem_shared>>)
      %add3A_185 = arith.constant 2 : i32
      %add3A_186 = arith.addi %add3A_164, %add3A_185 : i32
      %lt3A_187 = arith.constant 81 : i32
      %lt3A_188 = arith.cmpi slt, %add3A_186, %lt3A_187 : i32
      %convert_element_type3A_189 = arith.extui %lt3A_188 : i1 to i32
      %cond3A_190 = arith.constant 0 : i32
      %cond3A_191 = arith.cmpi ne, %convert_element_type3A_189, %cond3A_190 : i32
      scf.if %cond3A_191 {
        %add3A_261 = arith.addi %mul3A_2, %add3A_164 : i32
        %add3A_262 = arith.constant 2 : i32
        %add3A_263 = arith.addi %add3A_261, %add3A_262 : i32
        %dma_start3A_264 = arith.constant 0 : i32
        %dma_start3A_265 = tpu.memref_slice %arg4[%add3A_263, %dma_start3A_264] : memref<2592x128xi32, #tpu.memory_space<hbm>> -> memref<1x128xi32, #tpu.memory_space<hbm>>
        %dma_start3A_266 = tpu.memref_squeeze %dma_start3A_265 : memref<1x128xi32, #tpu.memory_space<hbm>> -> memref<128xi32, #tpu.memory_space<hbm>>
        %dma_start3A_267 = arith.constant 0 : i32
        %dma_start3A_268 = tpu.memref_slice %arg4[%add3A_263, %dma_start3A_267] : memref<2592x128xi32, #tpu.memory_space<hbm>> -> memref<1x128xi32, #tpu.memory_space<hbm>>
        %dma_start3A_269 = tpu.memref_squeeze %dma_start3A_268 : memref<1x128xi32, #tpu.memory_space<hbm>> -> memref<128xi32, #tpu.memory_space<hbm>>
        tpu.enqueue_dma source(%dma_start3A_269 : memref<128xi32, #tpu.memory_space<hbm>>) target(%arg12 : memref<128xi32, #tpu.memory_space<vmem>>) target_semaphore(%arg22 : memref<!tpu.dma_semaphore, #tpu.memory_space<semaphore_mem>>)
        %add3A_270 = arith.addi %mul3A_2, %add3A_164 : i32
        %add3A_271 = arith.constant 2 : i32
        %add3A_272 = arith.addi %add3A_270, %add3A_271 : i32
        %dma_wait3A_273 = arith.constant 0 : i32
        %dma_wait3A_274 = tpu.memref_slice %arg3[%add3A_272, %dma_wait3A_273] : memref<2592x128xi32, #tpu.memory_space<hbm>> -> memref<1x128xi32, #tpu.memory_space<hbm>>
        %dma_wait3A_275 = tpu.memref_squeeze %dma_wait3A_274 : memref<1x128xi32, #tpu.memory_space<hbm>> -> memref<128xi32, #tpu.memory_space<hbm>>
        %dma_wait3A_276 = arith.constant 0 : i32
        %dma_wait3A_277 = tpu.memref_slice %arg3[%add3A_272, %dma_wait3A_276] : memref<2592x128xi32, #tpu.memory_space<hbm>> -> memref<1x128xi32, #tpu.memory_space<hbm>>
        %dma_wait3A_278 = tpu.memref_squeeze %dma_wait3A_277 : memref<1x128xi32, #tpu.memory_space<hbm>> -> memref<128xi32, #tpu.memory_space<hbm>>
        tpu.wait_dma2 semaphore(%arg28 : memref<!tpu.dma_semaphore, #tpu.memory_space<semaphore_mem>>) src(%dma_wait3A_278 : memref<128xi32, #tpu.memory_space<hbm>>) dst(%arg9 : memref<128xi32, #tpu.memory_space<vmem>>)
        %dma_start3A_279 = arith.constant 0 : i32
        %dma_start3A_280 = arith.constant 0 : i32
        %dma_start3A_281 = tpu.memref_slice %arg2[%dma_start3A_279, %dma_start3A_280] : memref<10000x128xf32, #tpu.memory_space<hbm>> -> memref<10000x128xf32, #tpu.memory_space<hbm>>
        tpu.enqueue_indirect_dma source(%dma_start3A_281 : memref<10000x128xf32, #tpu.memory_space<hbm>>) target(%arg15 : memref<128x128xf32, #tpu.memory_space<vmem>>) offsets(%arg9 : memref<128xi32, #tpu.memory_space<vmem>>) semaphore(%arg19 : memref<!tpu.dma_semaphore, #tpu.memory_space<semaphore_mem>>)
      } else {
      }
      %mul3A_192 = arith.constant 3 : i32
      %mul3A_193 = arith.muli %mul3A_192, %scan3A_159 : i32
      %add3A_194 = arith.constant 1 : i32
      %add3A_195 = arith.addi %mul3A_193, %add3A_194 : i32
      %dma_wait3A_196 = arith.constant 0 : i32
      %dma_wait3A_197 = arith.constant 0 : i32
      %dma_wait3A_198 = tpu.memref_slice %arg2[%dma_wait3A_196, %dma_wait3A_197] : memref<10000x128xf32, #tpu.memory_space<hbm>> -> memref<10000x128xf32, #tpu.memory_space<hbm>>
      tpu.wait_indirect_dma semaphore(%arg18 : memref<!tpu.dma_semaphore, #tpu.memory_space<semaphore_mem>>) src(%dma_wait3A_198 : memref<10000x128xf32, #tpu.memory_space<hbm>>) dst(%arg14 : memref<128x128xf32, #tpu.memory_space<vmem>>)
      %add3A_199 = arith.constant 3 : i32
      %add3A_200 = arith.addi %add3A_195, %add3A_199 : i32
      %lt3A_201 = arith.constant 81 : i32
      %lt3A_202 = arith.cmpi slt, %add3A_200, %lt3A_201 : i32
      %convert_element_type3A_203 = arith.extui %lt3A_202 : i1 to i32
      %cond3A_204 = arith.constant 0 : i32
      %cond3A_205 = arith.cmpi ne, %convert_element_type3A_203, %cond3A_204 : i32
      scf.if %cond3A_205 {
        %add3A_261 = arith.addi %mul3A_2, %add3A_195 : i32
        %add3A_262 = arith.constant 3 : i32
        %add3A_263 = arith.addi %add3A_261, %add3A_262 : i32
        %dma_start3A_264 = arith.constant 0 : i32
        %dma_start3A_265 = tpu.memref_slice %arg3[%add3A_263, %dma_start3A_264] : memref<2592x128xi32, #tpu.memory_space<hbm>> -> memref<1x128xi32, #tpu.memory_space<hbm>>
        %dma_start3A_266 = tpu.memref_squeeze %dma_start3A_265 : memref<1x128xi32, #tpu.memory_space<hbm>> -> memref<128xi32, #tpu.memory_space<hbm>>
        %dma_start3A_267 = arith.constant 0 : i32
        %dma_start3A_268 = tpu.memref_slice %arg3[%add3A_263, %dma_start3A_267] : memref<2592x128xi32, #tpu.memory_space<hbm>> -> memref<1x128xi32, #tpu.memory_space<hbm>>
        %dma_start3A_269 = tpu.memref_squeeze %dma_start3A_268 : memref<1x128xi32, #tpu.memory_space<hbm>> -> memref<128xi32, #tpu.memory_space<hbm>>
        tpu.enqueue_dma source(%dma_start3A_269 : memref<128xi32, #tpu.memory_space<hbm>>) target(%arg8 : memref<128xi32, #tpu.memory_space<vmem>>) target_semaphore(%arg27 : memref<!tpu.dma_semaphore, #tpu.memory_space<semaphore_mem>>)
      } else {
      }
      %add3A_206 = arith.addi %mul3A_2, %add3A_195 : i32
      %dma_wait3A_207 = arith.constant 0 : i32
      %dma_wait3A_208 = tpu.memref_slice %arg4[%add3A_206, %dma_wait3A_207] : memref<2592x128xi32, #tpu.memory_space<hbm>> -> memref<1x128xi32, #tpu.memory_space<hbm>>
      %dma_wait3A_209 = tpu.memref_squeeze %dma_wait3A_208 : memref<1x128xi32, #tpu.memory_space<hbm>> -> memref<128xi32, #tpu.memory_space<hbm>>
      %dma_wait3A_210 = arith.constant 0 : i32
      %dma_wait3A_211 = tpu.memref_slice %arg4[%add3A_206, %dma_wait3A_210] : memref<2592x128xi32, #tpu.memory_space<hbm>> -> memref<1x128xi32, #tpu.memory_space<hbm>>
      %dma_wait3A_212 = tpu.memref_squeeze %dma_wait3A_211 : memref<1x128xi32, #tpu.memory_space<hbm>> -> memref<128xi32, #tpu.memory_space<hbm>>
      tpu.wait_dma2 semaphore(%arg21 : memref<!tpu.dma_semaphore, #tpu.memory_space<semaphore_mem>>) src(%dma_wait3A_212 : memref<128xi32, #tpu.memory_space<hbm>>) dst(%arg11 : memref<128xi32, #tpu.memory_space<vmem>>)
      %dma_start3A_213 = arith.constant 0 : i32
      %dma_start3A_214 = arith.constant 0 : i32
      %dma_start3A_215 = tpu.memref_slice %arg16[%dma_start3A_213, %dma_start3A_214] : memref<10112x128xf32, #tpu.memory_space<vmem_shared>> -> memref<10112x128xf32, #tpu.memory_space<vmem_shared>>
      tpu.enqueue_indirect_dma source(%arg14 : memref<128x128xf32, #tpu.memory_space<vmem>>) target(%dma_start3A_215 : memref<10112x128xf32, #tpu.memory_space<vmem_shared>>) offsets(%arg11 : memref<128xi32, #tpu.memory_space<vmem>>) semaphore(%arg24 : memref<!tpu.dma_semaphore, #tpu.memory_space<semaphore_mem>>) {add = true}
      %dma_wait3A_216 = arith.constant 0 : i32
      %dma_wait3A_217 = arith.constant 0 : i32
      %dma_wait3A_218 = tpu.memref_slice %arg16[%dma_wait3A_216, %dma_wait3A_217] : memref<10112x128xf32, #tpu.memory_space<vmem_shared>> -> memref<10112x128xf32, #tpu.memory_space<vmem_shared>>
      tpu.wait_indirect_dma semaphore(%arg23 : memref<!tpu.dma_semaphore, #tpu.memory_space<semaphore_mem>>) src(%arg13 : memref<128x128xf32, #tpu.memory_space<vmem>>) dst(%dma_wait3A_218 : memref<10112x128xf32, #tpu.memory_space<vmem_shared>>)
      %add3A_219 = arith.constant 2 : i32
      %add3A_220 = arith.addi %add3A_195, %add3A_219 : i32
      %lt3A_221 = arith.constant 81 : i32
      %lt3A_222 = arith.cmpi slt, %add3A_220, %lt3A_221 : i32
      %convert_element_type3A_223 = arith.extui %lt3A_222 : i1 to i32
      %cond3A_224 = arith.constant 0 : i32
      %cond3A_225 = arith.cmpi ne, %convert_element_type3A_223, %cond3A_224 : i32
      scf.if %cond3A_225 {
        %add3A_261 = arith.addi %mul3A_2, %add3A_195 : i32
        %add3A_262 = arith.constant 2 : i32
        %add3A_263 = arith.addi %add3A_261, %add3A_262 : i32
        %dma_start3A_264 = arith.constant 0 : i32
        %dma_start3A_265 = tpu.memref_slice %arg4[%add3A_263, %dma_start3A_264] : memref<2592x128xi32, #tpu.memory_space<hbm>> -> memref<1x128xi32, #tpu.memory_space<hbm>>
        %dma_start3A_266 = tpu.memref_squeeze %dma_start3A_265 : memref<1x128xi32, #tpu.memory_space<hbm>> -> memref<128xi32, #tpu.memory_space<hbm>>
        %dma_start3A_267 = arith.constant 0 : i32
        %dma_start3A_268 = tpu.memref_slice %arg4[%add3A_263, %dma_start3A_267] : memref<2592x128xi32, #tpu.memory_space<hbm>> -> memref<1x128xi32, #tpu.memory_space<hbm>>
        %dma_start3A_269 = tpu.memref_squeeze %dma_start3A_268 : memref<1x128xi32, #tpu.memory_space<hbm>> -> memref<128xi32, #tpu.memory_space<hbm>>
        tpu.enqueue_dma source(%dma_start3A_269 : memref<128xi32, #tpu.memory_space<hbm>>) target(%arg10 : memref<128xi32, #tpu.memory_space<vmem>>) target_semaphore(%arg20 : memref<!tpu.dma_semaphore, #tpu.memory_space<semaphore_mem>>)
        %add3A_270 = arith.addi %mul3A_2, %add3A_195 : i32
        %add3A_271 = arith.constant 2 : i32
        %add3A_272 = arith.addi %add3A_270, %add3A_271 : i32
        %dma_wait3A_273 = arith.constant 0 : i32
        %dma_wait3A_274 = tpu.memref_slice %arg3[%add3A_272, %dma_wait3A_273] : memref<2592x128xi32, #tpu.memory_space<hbm>> -> memref<1x128xi32, #tpu.memory_space<hbm>>
        %dma_wait3A_275 = tpu.memref_squeeze %dma_wait3A_274 : memref<1x128xi32, #tpu.memory_space<hbm>> -> memref<128xi32, #tpu.memory_space<hbm>>
        %dma_wait3A_276 = arith.constant 0 : i32
        %dma_wait3A_277 = tpu.memref_slice %arg3[%add3A_272, %dma_wait3A_276] : memref<2592x128xi32, #tpu.memory_space<hbm>> -> memref<1x128xi32, #tpu.memory_space<hbm>>
        %dma_wait3A_278 = tpu.memref_squeeze %dma_wait3A_277 : memref<1x128xi32, #tpu.memory_space<hbm>> -> memref<128xi32, #tpu.memory_space<hbm>>
        tpu.wait_dma2 semaphore(%arg26 : memref<!tpu.dma_semaphore, #tpu.memory_space<semaphore_mem>>) src(%dma_wait3A_278 : memref<128xi32, #tpu.memory_space<hbm>>) dst(%arg7 : memref<128xi32, #tpu.memory_space<vmem>>)
        %dma_start3A_279 = arith.constant 0 : i32
        %dma_start3A_280 = arith.constant 0 : i32
        %dma_start3A_281 = tpu.memref_slice %arg2[%dma_start3A_279, %dma_start3A_280] : memref<10000x128xf32, #tpu.memory_space<hbm>> -> memref<10000x128xf32, #tpu.memory_space<hbm>>
        tpu.enqueue_indirect_dma source(%dma_start3A_281 : memref<10000x128xf32, #tpu.memory_space<hbm>>) target(%arg13 : memref<128x128xf32, #tpu.memory_space<vmem>>) offsets(%arg7 : memref<128xi32, #tpu.memory_space<vmem>>) semaphore(%arg17 : memref<!tpu.dma_semaphore, #tpu.memory_space<semaphore_mem>>)
      } else {
      }
      %mul3A_226 = arith.constant 3 : i32
      %mul3A_227 = arith.muli %mul3A_226, %scan3A_159 : i32
      %add3A_228 = arith.constant 2 : i32
      %add3A_229 = arith.addi %mul3A_227, %add3A_228 : i32
      %dma_wait3A_230 = arith.constant 0 : i32
      %dma_wait3A_231 = arith.constant 0 : i32
      %dma_wait3A_232 = tpu.memref_slice %arg2[%dma_wait3A_230, %dma_wait3A_231] : memref<10000x128xf32, #tpu.memory_space<hbm>> -> memref<10000x128xf32, #tpu.memory_space<hbm>>
      tpu.wait_indirect_dma semaphore(%arg19 : memref<!tpu.dma_semaphore, #tpu.memory_space<semaphore_mem>>) src(%dma_wait3A_232 : memref<10000x128xf32, #tpu.memory_space<hbm>>) dst(%arg15 : memref<128x128xf32, #tpu.memory_space<vmem>>)
      %add3A_233 = arith.constant 3 : i32
      %add3A_234 = arith.addi %add3A_229, %add3A_233 : i32
      %lt3A_235 = arith.constant 81 : i32
      %lt3A_236 = arith.cmpi slt, %add3A_234, %lt3A_235 : i32
      %convert_element_type3A_237 = arith.extui %lt3A_236 : i1 to i32
      %cond3A_238 = arith.constant 0 : i32
      %cond3A_239 = arith.cmpi ne, %convert_element_type3A_237, %cond3A_238 : i32
      scf.if %cond3A_239 {
        %add3A_261 = arith.addi %mul3A_2, %add3A_229 : i32
        %add3A_262 = arith.constant 3 : i32
        %add3A_263 = arith.addi %add3A_261, %add3A_262 : i32
        %dma_start3A_264 = arith.constant 0 : i32
        %dma_start3A_265 = tpu.memref_slice %arg3[%add3A_263, %dma_start3A_264] : memref<2592x128xi32, #tpu.memory_space<hbm>> -> memref<1x128xi32, #tpu.memory_space<hbm>>
        %dma_start3A_266 = tpu.memref_squeeze %dma_start3A_265 : memref<1x128xi32, #tpu.memory_space<hbm>> -> memref<128xi32, #tpu.memory_space<hbm>>
        %dma_start3A_267 = arith.constant 0 : i32
        %dma_start3A_268 = tpu.memref_slice %arg3[%add3A_263, %dma_start3A_267] : memref<2592x128xi32, #tpu.memory_space<hbm>> -> memref<1x128xi32, #tpu.memory_space<hbm>>
        %dma_start3A_269 = tpu.memref_squeeze %dma_start3A_268 : memref<1x128xi32, #tpu.memory_space<hbm>> -> memref<128xi32, #tpu.memory_space<hbm>>
        tpu.enqueue_dma source(%dma_start3A_269 : memref<128xi32, #tpu.memory_space<hbm>>) target(%arg9 : memref<128xi32, #tpu.memory_space<vmem>>) target_semaphore(%arg28 : memref<!tpu.dma_semaphore, #tpu.memory_space<semaphore_mem>>)
      } else {
      }
      %add3A_240 = arith.addi %mul3A_2, %add3A_229 : i32
      %dma_wait3A_241 = arith.constant 0 : i32
      %dma_wait3A_242 = tpu.memref_slice %arg4[%add3A_240, %dma_wait3A_241] : memref<2592x128xi32, #tpu.memory_space<hbm>> -> memref<1x128xi32, #tpu.memory_space<hbm>>
      %dma_wait3A_243 = tpu.memref_squeeze %dma_wait3A_242 : memref<1x128xi32, #tpu.memory_space<hbm>> -> memref<128xi32, #tpu.memory_space<hbm>>
      %dma_wait3A_244 = arith.constant 0 : i32
      %dma_wait3A_245 = tpu.memref_slice %arg4[%add3A_240, %dma_wait3A_244] : memref<2592x128xi32, #tpu.memory_space<hbm>> -> memref<1x128xi32, #tpu.memory_space<hbm>>
      %dma_wait3A_246 = tpu.memref_squeeze %dma_wait3A_245 : memref<1x128xi32, #tpu.memory_space<hbm>> -> memref<128xi32, #tpu.memory_space<hbm>>
      tpu.wait_dma2 semaphore(%arg22 : memref<!tpu.dma_semaphore, #tpu.memory_space<semaphore_mem>>) src(%dma_wait3A_246 : memref<128xi32, #tpu.memory_space<hbm>>) dst(%arg12 : memref<128xi32, #tpu.memory_space<vmem>>)
      %dma_start3A_247 = arith.constant 0 : i32
      %dma_start3A_248 = arith.constant 0 : i32
      %dma_start3A_249 = tpu.memref_slice %arg16[%dma_start3A_247, %dma_start3A_248] : memref<10112x128xf32, #tpu.memory_space<vmem_shared>> -> memref<10112x128xf32, #tpu.memory_space<vmem_shared>>
      tpu.enqueue_indirect_dma source(%arg15 : memref<128x128xf32, #tpu.memory_space<vmem>>) target(%dma_start3A_249 : memref<10112x128xf32, #tpu.memory_space<vmem_shared>>) offsets(%arg12 : memref<128xi32, #tpu.memory_space<vmem>>) semaphore(%arg25 : memref<!tpu.dma_semaphore, #tpu.memory_space<semaphore_mem>>) {add = true}
      %dma_wait3A_250 = arith.constant 0 : i32
      %dma_wait3A_251 = arith.constant 0 : i32
      %dma_wait3A_252 = tpu.memref_slice %arg16[%dma_wait3A_250, %dma_wait3A_251] : memref<10112x128xf32, #tpu.memory_space<vmem_shared>> -> memref<10112x128xf32, #tpu.memory_space<vmem_shared>>
      tpu.wait_indirect_dma semaphore(%arg24 : memref<!tpu.dma_semaphore, #tpu.memory_space<semaphore_mem>>) src(%arg14 : memref<128x128xf32, #tpu.memory_space<vmem>>) dst(%dma_wait3A_252 : memref<10112x128xf32, #tpu.memory_space<vmem_shared>>)
      %add3A_253 = arith.constant 2 : i32
      %add3A_254 = arith.addi %add3A_229, %add3A_253 : i32
      %lt3A_255 = arith.constant 81 : i32
      %lt3A_256 = arith.cmpi slt, %add3A_254, %lt3A_255 : i32
      %convert_element_type3A_257 = arith.extui %lt3A_256 : i1 to i32
      %cond3A_258 = arith.constant 0 : i32
      %cond3A_259 = arith.cmpi ne, %convert_element_type3A_257, %cond3A_258 : i32
      scf.if %cond3A_259 {
        %add3A_261 = arith.addi %mul3A_2, %add3A_229 : i32
        %add3A_262 = arith.constant 2 : i32
        %add3A_263 = arith.addi %add3A_261, %add3A_262 : i32
        %dma_start3A_264 = arith.constant 0 : i32
        %dma_start3A_265 = tpu.memref_slice %arg4[%add3A_263, %dma_start3A_264] : memref<2592x128xi32, #tpu.memory_space<hbm>> -> memref<1x128xi32, #tpu.memory_space<hbm>>
        %dma_start3A_266 = tpu.memref_squeeze %dma_start3A_265 : memref<1x128xi32, #tpu.memory_space<hbm>> -> memref<128xi32, #tpu.memory_space<hbm>>
        %dma_start3A_267 = arith.constant 0 : i32
        %dma_start3A_268 = tpu.memref_slice %arg4[%add3A_263, %dma_start3A_267] : memref<2592x128xi32, #tpu.memory_space<hbm>> -> memref<1x128xi32, #tpu.memory_space<hbm>>
        %dma_start3A_269 = tpu.memref_squeeze %dma_start3A_268 : memref<1x128xi32, #tpu.memory_space<hbm>> -> memref<128xi32, #tpu.memory_space<hbm>>
        tpu.enqueue_dma source(%dma_start3A_269 : memref<128xi32, #tpu.memory_space<hbm>>) target(%arg11 : memref<128xi32, #tpu.memory_space<vmem>>) target_semaphore(%arg21 : memref<!tpu.dma_semaphore, #tpu.memory_space<semaphore_mem>>)
        %add3A_270 = arith.addi %mul3A_2, %add3A_229 : i32
        %add3A_271 = arith.constant 2 : i32
        %add3A_272 = arith.addi %add3A_270, %add3A_271 : i32
        %dma_wait3A_273 = arith.constant 0 : i32
        %dma_wait3A_274 = tpu.memref_slice %arg3[%add3A_272, %dma_wait3A_273] : memref<2592x128xi32, #tpu.memory_space<hbm>> -> memref<1x128xi32, #tpu.memory_space<hbm>>
        %dma_wait3A_275 = tpu.memref_squeeze %dma_wait3A_274 : memref<1x128xi32, #tpu.memory_space<hbm>> -> memref<128xi32, #tpu.memory_space<hbm>>
        %dma_wait3A_276 = arith.constant 0 : i32
        %dma_wait3A_277 = tpu.memref_slice %arg3[%add3A_272, %dma_wait3A_276] : memref<2592x128xi32, #tpu.memory_space<hbm>> -> memref<1x128xi32, #tpu.memory_space<hbm>>
        %dma_wait3A_278 = tpu.memref_squeeze %dma_wait3A_277 : memref<1x128xi32, #tpu.memory_space<hbm>> -> memref<128xi32, #tpu.memory_space<hbm>>
        tpu.wait_dma2 semaphore(%arg27 : memref<!tpu.dma_semaphore, #tpu.memory_space<semaphore_mem>>) src(%dma_wait3A_278 : memref<128xi32, #tpu.memory_space<hbm>>) dst(%arg8 : memref<128xi32, #tpu.memory_space<vmem>>)
        %dma_start3A_279 = arith.constant 0 : i32
        %dma_start3A_280 = arith.constant 0 : i32
        %dma_start3A_281 = tpu.memref_slice %arg2[%dma_start3A_279, %dma_start3A_280] : memref<10000x128xf32, #tpu.memory_space<hbm>> -> memref<10000x128xf32, #tpu.memory_space<hbm>>
        tpu.enqueue_indirect_dma source(%dma_start3A_281 : memref<10000x128xf32, #tpu.memory_space<hbm>>) target(%arg14 : memref<128x128xf32, #tpu.memory_space<vmem>>) offsets(%arg8 : memref<128xi32, #tpu.memory_space<vmem>>) semaphore(%arg18 : memref<!tpu.dma_semaphore, #tpu.memory_space<semaphore_mem>>)
      } else {
      }
      %scan3A_260 = arith.constant 0 : i32
      scf.yield %scan3A_260 : i32
    }
    %scan3A_151 = arith.constant 27 : i32
    %dma_wait3A_152 = arith.constant 0 : i32
    %dma_wait3A_153 = arith.constant 0 : i32
    %dma_wait3A_154 = tpu.memref_slice %arg16[%dma_wait3A_152, %dma_wait3A_153] : memref<10112x128xf32, #tpu.memory_space<vmem_shared>> -> memref<10112x128xf32, #tpu.memory_space<vmem_shared>>
    tpu.wait_indirect_dma semaphore(%arg25 : memref<!tpu.dma_semaphore, #tpu.memory_space<semaphore_mem>>) src(%arg15 : memref<128x128xf32, #tpu.memory_space<vmem>>) dst(%dma_wait3A_154 : memref<10112x128xf32, #tpu.memory_space<vmem_shared>>)
    %barrier3A_155 = arith.constant 0 : index
    tpu.barrier barrier_id(%barrier3A_155)
    %mul3A_156 = arith.constant 10112 : i32
    %mul3A_157 = arith.muli %arg0, %mul3A_156 : i32
    %add3A_158 = arith.addi %mul3A_157, %mul3A_4 : i32
    "tpu.region"() ({
      %run_scoped3A = tpu.sem_alloc : memref<!tpu.dma_semaphore, #tpu.memory_space<semaphore_mem>>
      %dma_start3A_159 = arith.constant 0 : i32
      %dma_start3A_160 = tpu.memref_slice %arg6[%add3A_158, %dma_start3A_159] : memref<20224x128xf32, #tpu.memory_space<hbm>> -> memref<632x128xf32, #tpu.memory_space<hbm>>
      %dma_start3A_161 = arith.constant 0 : i32
      %dma_start3A_162 = tpu.memref_slice %arg16[%mul3A_4, %dma_start3A_161] : memref<10112x128xf32, #tpu.memory_space<vmem_shared>> -> memref<632x128xf32, #tpu.memory_space<vmem_shared>>
      tpu.enqueue_dma source(%dma_start3A_162 : memref<632x128xf32, #tpu.memory_space<vmem_shared>>) target(%dma_start3A_160 : memref<632x128xf32, #tpu.memory_space<hbm>>) target_semaphore(%run_scoped3A : memref<!tpu.dma_semaphore, #tpu.memory_space<semaphore_mem>>)
      %dma_wait3A_163 = arith.constant 0 : i32
      %dma_wait3A_164 = tpu.memref_slice %arg6[%add3A_158, %dma_wait3A_163] : memref<20224x128xf32, #tpu.memory_space<hbm>> -> memref<632x128xf32, #tpu.memory_space<hbm>>
      %dma_wait3A_165 = arith.constant 0 : i32
      %dma_wait3A_166 = tpu.memref_slice %arg16[%mul3A_4, %dma_wait3A_165] : memref<10112x128xf32, #tpu.memory_space<vmem_shared>> -> memref<632x128xf32, #tpu.memory_space<vmem_shared>>
      tpu.wait_dma2 semaphore(%run_scoped3A : memref<!tpu.dma_semaphore, #tpu.memory_space<semaphore_mem>>) src(%dma_wait3A_166 : memref<632x128xf32, #tpu.memory_space<vmem_shared>>) dst(%dma_wait3A_164 : memref<632x128xf32, #tpu.memory_space<hbm>>)
      tpu.yield
    }) : () -> ()
    return
  }
}

#map = affine_map<(d0, d1) -> (0, 0)>
module attributes {stable_mosaic.version = 14 : i64} {
  func.func @_agg(%arg0: i32, %arg1: i32, %arg2: memref<10000x128xf32, #tpu.memory_space<hbm>>, %arg3: memref<2592x128xi32, #tpu.memory_space<hbm>>, %arg4: memref<2592x128xi32, #tpu.memory_space<hbm>>, %arg5: memref<128x128xf32, #tpu.memory_space<hbm>>, %arg6: memref<20224x128xf32, #tpu.memory_space<hbm>>, %arg7: memref<128xi32, #tpu.memory_space<vmem>>, %arg8: memref<128xi32, #tpu.memory_space<vmem>>, %arg9: memref<128xi32, #tpu.memory_space<vmem>>, %arg10: memref<128xi32, #tpu.memory_space<vmem>>, %arg11: memref<128xi32, #tpu.memory_space<vmem>>, %arg12: memref<128xi32, #tpu.memory_space<vmem>>, %arg13: memref<128x128xf32, #tpu.memory_space<vmem>>, %arg14: memref<128x128xf32, #tpu.memory_space<vmem>>, %arg15: memref<128x128xf32, #tpu.memory_space<vmem>>, %arg16: memref<10112x128xf32, #tpu.memory_space<vmem_shared>>, %arg17: memref<!tpu.dma_semaphore, #tpu.memory_space<semaphore_mem>>, %arg18: memref<!tpu.dma_semaphore, #tpu.memory_space<semaphore_mem>>, %arg19: memref<!tpu.dma_semaphore, #tpu.memory_space<semaphore_mem>>, %arg20: memref<!tpu.dma_semaphore, #tpu.memory_space<semaphore_mem>>, %arg21: memref<!tpu.dma_semaphore, #tpu.memory_space<semaphore_mem>>, %arg22: memref<!tpu.dma_semaphore, #tpu.memory_space<semaphore_mem>>, %arg23: memref<!tpu.dma_semaphore, #tpu.memory_space<semaphore_mem>>, %arg24: memref<!tpu.dma_semaphore, #tpu.memory_space<semaphore_mem>>, %arg25: memref<!tpu.dma_semaphore, #tpu.memory_space<semaphore_mem>>, %arg26: memref<!tpu.dma_semaphore, #tpu.memory_space<semaphore_mem>>, %arg27: memref<!tpu.dma_semaphore, #tpu.memory_space<semaphore_mem>>, %arg28: memref<!tpu.dma_semaphore, #tpu.memory_space<semaphore_mem>>) attributes {dimension_semantics = [#tpu.dimension_semantics<core_parallel>, #tpu.dimension_semantics<subcore_parallel>], iteration_bounds = array<i64: 2, 16>, scalar_prefetch = 0 : i64, scratch_operands = 22 : i64, tpu.core_type = #tpu.core_type<sc_vector_subcore>, window_params = [{transform_indices = #map}, {transform_indices = #map}, {transform_indices = #map}, {transform_indices = #map}, {transform_indices = #map}]} {
    %mul3A = arith.constant 2 : i32
    %mul3A_0 = arith.muli %arg1, %mul3A : i32
    %add3A = arith.addi %mul3A_0, %arg0 : i32
    %mul3A_1 = arith.constant 81 : i32
    %mul3A_2 = arith.muli %add3A, %mul3A_1 : i32
    "tpu.region"() ({
      %run_scoped3A = tpu.sem_alloc : memref<!tpu.dma_semaphore, #tpu.memory_space<semaphore_mem>>
      tpu.enqueue_dma source(%arg5 : memref<128x128xf32, #tpu.memory_space<hbm>>) target(%arg15 : memref<128x128xf32, #tpu.memory_space<vmem>>) target_semaphore(%run_scoped3A : memref<!tpu.dma_semaphore, #tpu.memory_space<semaphore_mem>>)
      tpu.wait_dma2 semaphore(%run_scoped3A : memref<!tpu.dma_semaphore, #tpu.memory_space<semaphore_mem>>) src(%arg5 : memref<128x128xf32, #tpu.memory_space<hbm>>) dst(%arg15 : memref<128x128xf32, #tpu.memory_space<vmem>>)
      tpu.yield
    }) : () -> ()
    %mul3A_3 = arith.constant 632 : i32
    %mul3A_4 = arith.muli %arg1, %mul3A_3 : i32
    %add3A_5 = arith.constant 0 : i32
    %add3A_6 = arith.addi %mul3A_4, %add3A_5 : i32
    %dma_start3A = arith.constant 0 : i32
    %dma_start3A_7 = tpu.memref_slice %arg16[%add3A_6, %dma_start3A] : memref<10112x128xf32, #tpu.memory_space<vmem_shared>> -> memref<128x128xf32, #tpu.memory_space<vmem_shared>>
    %dma_start3A_8 = arith.constant 0 : i32
    %dma_start3A_9 = tpu.memref_slice %arg16[%add3A_6, %dma_start3A_8] : memref<10112x128xf32, #tpu.memory_space<vmem_shared>> -> memref<128x128xf32, #tpu.memory_space<vmem_shared>>
    tpu.enqueue_dma source(%arg15 : memref<128x128xf32, #tpu.memory_space<vmem>>) target(%dma_start3A_9 : memref<128x128xf32, #tpu.memory_space<vmem_shared>>) target_semaphore(%arg23 : memref<!tpu.dma_semaphore, #tpu.memory_space<semaphore_mem>>)
    %add3A_10 = arith.constant 128 : i32
    %add3A_11 = arith.addi %mul3A_4, %add3A_10 : i32
    %dma_start3A_12 = arith.constant 0 : i32
    %dma_start3A_13 = tpu.memref_slice %arg16[%add3A_11, %dma_start3A_12] : memref<10112x128xf32, #tpu.memory_space<vmem_shared>> -> memref<128x128xf32, #tpu.memory_space<vmem_shared>>
    %dma_start3A_14 = arith.constant 0 : i32
    %dma_start3A_15 = tpu.memref_slice %arg16[%add3A_11, %dma_start3A_14] : memref<10112x128xf32, #tpu.memory_space<vmem_shared>> -> memref<128x128xf32, #tpu.memory_space<vmem_shared>>
    tpu.enqueue_dma source(%arg15 : memref<128x128xf32, #tpu.memory_space<vmem>>) target(%dma_start3A_15 : memref<128x128xf32, #tpu.memory_space<vmem_shared>>) target_semaphore(%arg23 : memref<!tpu.dma_semaphore, #tpu.memory_space<semaphore_mem>>)
    %add3A_16 = arith.constant 256 : i32
    %add3A_17 = arith.addi %mul3A_4, %add3A_16 : i32
    %dma_start3A_18 = arith.constant 0 : i32
    %dma_start3A_19 = tpu.memref_slice %arg16[%add3A_17, %dma_start3A_18] : memref<10112x128xf32, #tpu.memory_space<vmem_shared>> -> memref<128x128xf32, #tpu.memory_space<vmem_shared>>
    %dma_start3A_20 = arith.constant 0 : i32
    %dma_start3A_21 = tpu.memref_slice %arg16[%add3A_17, %dma_start3A_20] : memref<10112x128xf32, #tpu.memory_space<vmem_shared>> -> memref<128x128xf32, #tpu.memory_space<vmem_shared>>
    tpu.enqueue_dma source(%arg15 : memref<128x128xf32, #tpu.memory_space<vmem>>) target(%dma_start3A_21 : memref<128x128xf32, #tpu.memory_space<vmem_shared>>) target_semaphore(%arg23 : memref<!tpu.dma_semaphore, #tpu.memory_space<semaphore_mem>>)
    %add3A_22 = arith.constant 384 : i32
    %add3A_23 = arith.addi %mul3A_4, %add3A_22 : i32
    %dma_start3A_24 = arith.constant 0 : i32
    %dma_start3A_25 = tpu.memref_slice %arg16[%add3A_23, %dma_start3A_24] : memref<10112x128xf32, #tpu.memory_space<vmem_shared>> -> memref<128x128xf32, #tpu.memory_space<vmem_shared>>
    %dma_start3A_26 = arith.constant 0 : i32
    %dma_start3A_27 = tpu.memref_slice %arg16[%add3A_23, %dma_start3A_26] : memref<10112x128xf32, #tpu.memory_space<vmem_shared>> -> memref<128x128xf32, #tpu.memory_space<vmem_shared>>
    tpu.enqueue_dma source(%arg15 : memref<128x128xf32, #tpu.memory_space<vmem>>) target(%dma_start3A_27 : memref<128x128xf32, #tpu.memory_space<vmem_shared>>) target_semaphore(%arg23 : memref<!tpu.dma_semaphore, #tpu.memory_space<semaphore_mem>>)
    %add3A_28 = arith.constant 512 : i32
    %add3A_29 = arith.addi %mul3A_4, %add3A_28 : i32
    %dma_start3A_30 = arith.constant 0 : i32
    %dma_start3A_31 = arith.constant 0 : i32
    %dma_start3A_32 = tpu.memref_slice %arg15[%dma_start3A_30, %dma_start3A_31] : memref<128x128xf32, #tpu.memory_space<vmem>> -> memref<120x128xf32, #tpu.memory_space<vmem>>
    %dma_start3A_33 = arith.constant 0 : i32
    %dma_start3A_34 = tpu.memref_slice %arg16[%add3A_29, %dma_start3A_33] : memref<10112x128xf32, #tpu.memory_space<vmem_shared>> -> memref<120x128xf32, #tpu.memory_space<vmem_shared>>
    %dma_start3A_35 = arith.constant 0 : i32
    %dma_start3A_36 = tpu.memref_slice %arg16[%add3A_29, %dma_start3A_35] : memref<10112x128xf32, #tpu.memory_space<vmem_shared>> -> memref<120x128xf32, #tpu.memory_space<vmem_shared>>
    %dma_start3A_37 = arith.constant 0 : i32
    %dma_start3A_38 = arith.constant 0 : i32
    %dma_start3A_39 = tpu.memref_slice %arg15[%dma_start3A_37, %dma_start3A_38] : memref<128x128xf32, #tpu.memory_space<vmem>> -> memref<120x128xf32, #tpu.memory_space<vmem>>
    tpu.enqueue_dma source(%dma_start3A_39 : memref<120x128xf32, #tpu.memory_space<vmem>>) target(%dma_start3A_36 : memref<120x128xf32, #tpu.memory_space<vmem_shared>>) target_semaphore(%arg24 : memref<!tpu.dma_semaphore, #tpu.memory_space<semaphore_mem>>)
    %dma_start3A_40 = arith.constant 0 : i32
    %dma_start3A_41 = tpu.memref_slice %arg3[%mul3A_2, %dma_start3A_40] : memref<2592x128xi32, #tpu.memory_space<hbm>> -> memref<1x128xi32, #tpu.memory_space<hbm>>
    %dma_start3A_42 = tpu.memref_squeeze %dma_start3A_41 : memref<1x128xi32, #tpu.memory_space<hbm>> -> memref<128xi32, #tpu.memory_space<hbm>>
    %dma_start3A_43 = arith.constant 0 : i32
    %dma_start3A_44 = tpu.memref_slice %arg3[%mul3A_2, %dma_start3A_43] : memref<2592x128xi32, #tpu.memory_space<hbm>> -> memref<1x128xi32, #tpu.memory_space<hbm>>
    %dma_start3A_45 = tpu.memref_squeeze %dma_start3A_44 : memref<1x128xi32, #tpu.memory_space<hbm>> -> memref<128xi32, #tpu.memory_space<hbm>>
    tpu.enqueue_dma source(%dma_start3A_45 : memref<128xi32, #tpu.memory_space<hbm>>) target(%arg7 : memref<128xi32, #tpu.memory_space<vmem>>) target_semaphore(%arg26 : memref<!tpu.dma_semaphore, #tpu.memory_space<semaphore_mem>>)
    %add3A_46 = arith.constant 1 : i32
    %add3A_47 = arith.addi %mul3A_2, %add3A_46 : i32
    %dma_start3A_48 = arith.constant 0 : i32
    %dma_start3A_49 = tpu.memref_slice %arg3[%add3A_47, %dma_start3A_48] : memref<2592x128xi32, #tpu.memory_space<hbm>> -> memref<1x128xi32, #tpu.memory_space<hbm>>
    %dma_start3A_50 = tpu.memref_squeeze %dma_start3A_49 : memref<1x128xi32, #tpu.memory_space<hbm>> -> memref<128xi32, #tpu.memory_space<hbm>>
    %dma_start3A_51 = arith.constant 0 : i32
    %dma_start3A_52 = tpu.memref_slice %arg3[%add3A_47, %dma_start3A_51] : memref<2592x128xi32, #tpu.memory_space<hbm>> -> memref<1x128xi32, #tpu.memory_space<hbm>>
    %dma_start3A_53 = tpu.memref_squeeze %dma_start3A_52 : memref<1x128xi32, #tpu.memory_space<hbm>> -> memref<128xi32, #tpu.memory_space<hbm>>
    tpu.enqueue_dma source(%dma_start3A_53 : memref<128xi32, #tpu.memory_space<hbm>>) target(%arg8 : memref<128xi32, #tpu.memory_space<vmem>>) target_semaphore(%arg27 : memref<!tpu.dma_semaphore, #tpu.memory_space<semaphore_mem>>)
    %add3A_54 = arith.constant 2 : i32
    %add3A_55 = arith.addi %mul3A_2, %add3A_54 : i32
    %dma_start3A_56 = arith.constant 0 : i32
    %dma_start3A_57 = tpu.memref_slice %arg3[%add3A_55, %dma_start3A_56] : memref<2592x128xi32, #tpu.memory_space<hbm>> -> memref<1x128xi32, #tpu.memory_space<hbm>>
    %dma_start3A_58 = tpu.memref_squeeze %dma_start3A_57 : memref<1x128xi32, #tpu.memory_space<hbm>> -> memref<128xi32, #tpu.memory_space<hbm>>
    %dma_start3A_59 = arith.constant 0 : i32
    %dma_start3A_60 = tpu.memref_slice %arg3[%add3A_55, %dma_start3A_59] : memref<2592x128xi32, #tpu.memory_space<hbm>> -> memref<1x128xi32, #tpu.memory_space<hbm>>
    %dma_start3A_61 = tpu.memref_squeeze %dma_start3A_60 : memref<1x128xi32, #tpu.memory_space<hbm>> -> memref<128xi32, #tpu.memory_space<hbm>>
    tpu.enqueue_dma source(%dma_start3A_61 : memref<128xi32, #tpu.memory_space<hbm>>) target(%arg9 : memref<128xi32, #tpu.memory_space<vmem>>) target_semaphore(%arg28 : memref<!tpu.dma_semaphore, #tpu.memory_space<semaphore_mem>>)
    %dma_start3A_62 = arith.constant 0 : i32
    %dma_start3A_63 = tpu.memref_slice %arg4[%mul3A_2, %dma_start3A_62] : memref<2592x128xi32, #tpu.memory_space<hbm>> -> memref<1x128xi32, #tpu.memory_space<hbm>>
    %dma_start3A_64 = tpu.memref_squeeze %dma_start3A_63 : memref<1x128xi32, #tpu.memory_space<hbm>> -> memref<128xi32, #tpu.memory_space<hbm>>
    %dma_start3A_65 = arith.constant 0 : i32
    %dma_start3A_66 = tpu.memref_slice %arg4[%mul3A_2, %dma_start3A_65] : memref<2592x128xi32, #tpu.memory_space<hbm>> -> memref<1x128xi32, #tpu.memory_space<hbm>>
    %dma_start3A_67 = tpu.memref_squeeze %dma_start3A_66 : memref<1x128xi32, #tpu.memory_space<hbm>> -> memref<128xi32, #tpu.memory_space<hbm>>
    tpu.enqueue_dma source(%dma_start3A_67 : memref<128xi32, #tpu.memory_space<hbm>>) target(%arg10 : memref<128xi32, #tpu.memory_space<vmem>>) target_semaphore(%arg20 : memref<!tpu.dma_semaphore, #tpu.memory_space<semaphore_mem>>)
    %add3A_68 = arith.constant 1 : i32
    %add3A_69 = arith.addi %mul3A_2, %add3A_68 : i32
    %dma_start3A_70 = arith.constant 0 : i32
    %dma_start3A_71 = tpu.memref_slice %arg4[%add3A_69, %dma_start3A_70] : memref<2592x128xi32, #tpu.memory_space<hbm>> -> memref<1x128xi32, #tpu.memory_space<hbm>>
    %dma_start3A_72 = tpu.memref_squeeze %dma_start3A_71 : memref<1x128xi32, #tpu.memory_space<hbm>> -> memref<128xi32, #tpu.memory_space<hbm>>
    %dma_start3A_73 = arith.constant 0 : i32
    %dma_start3A_74 = tpu.memref_slice %arg4[%add3A_69, %dma_start3A_73] : memref<2592x128xi32, #tpu.memory_space<hbm>> -> memref<1x128xi32, #tpu.memory_space<hbm>>
    %dma_start3A_75 = tpu.memref_squeeze %dma_start3A_74 : memref<1x128xi32, #tpu.memory_space<hbm>> -> memref<128xi32, #tpu.memory_space<hbm>>
    tpu.enqueue_dma source(%dma_start3A_75 : memref<128xi32, #tpu.memory_space<hbm>>) target(%arg11 : memref<128xi32, #tpu.memory_space<vmem>>) target_semaphore(%arg21 : memref<!tpu.dma_semaphore, #tpu.memory_space<semaphore_mem>>)
    %dma_start3A_76 = arith.constant 0 : i32
    %dma_start3A_77 = tpu.memref_slice %arg4[%mul3A_2, %dma_start3A_76] : memref<2592x128xi32, #tpu.memory_space<hbm>> -> memref<1x128xi32, #tpu.memory_space<hbm>>
    %dma_start3A_78 = tpu.memref_squeeze %dma_start3A_77 : memref<1x128xi32, #tpu.memory_space<hbm>> -> memref<128xi32, #tpu.memory_space<hbm>>
    %dma_start3A_79 = arith.constant 0 : i32
    %dma_start3A_80 = tpu.memref_slice %arg4[%mul3A_2, %dma_start3A_79] : memref<2592x128xi32, #tpu.memory_space<hbm>> -> memref<1x128xi32, #tpu.memory_space<hbm>>
    %dma_start3A_81 = tpu.memref_squeeze %dma_start3A_80 : memref<1x128xi32, #tpu.memory_space<hbm>> -> memref<128xi32, #tpu.memory_space<hbm>>
    tpu.enqueue_dma source(%dma_start3A_81 : memref<128xi32, #tpu.memory_space<hbm>>) target(%arg12 : memref<128xi32, #tpu.memory_space<vmem>>) target_semaphore(%arg22 : memref<!tpu.dma_semaphore, #tpu.memory_space<semaphore_mem>>)
    %add3A_82 = arith.constant 0 : i32
    %add3A_83 = arith.addi %mul3A_4, %add3A_82 : i32
    %dma_wait3A = arith.constant 0 : i32
    %dma_wait3A_84 = tpu.memref_slice %arg16[%add3A_83, %dma_wait3A] : memref<10112x128xf32, #tpu.memory_space<vmem_shared>> -> memref<128x128xf32, #tpu.memory_space<vmem_shared>>
    %dma_wait3A_85 = arith.constant 0 : i32
    %dma_wait3A_86 = tpu.memref_slice %arg16[%add3A_83, %dma_wait3A_85] : memref<10112x128xf32, #tpu.memory_space<vmem_shared>> -> memref<128x128xf32, #tpu.memory_space<vmem_shared>>
    tpu.wait_dma2 semaphore(%arg23 : memref<!tpu.dma_semaphore, #tpu.memory_space<semaphore_mem>>) src(%arg15 : memref<128x128xf32, #tpu.memory_space<vmem>>) dst(%dma_wait3A_86 : memref<128x128xf32, #tpu.memory_space<vmem_shared>>)
    %add3A_87 = arith.constant 128 : i32
    %add3A_88 = arith.addi %mul3A_4, %add3A_87 : i32
    %dma_wait3A_89 = arith.constant 0 : i32
    %dma_wait3A_90 = tpu.memref_slice %arg16[%add3A_88, %dma_wait3A_89] : memref<10112x128xf32, #tpu.memory_space<vmem_shared>> -> memref<128x128xf32, #tpu.memory_space<vmem_shared>>
    %dma_wait3A_91 = arith.constant 0 : i32
    %dma_wait3A_92 = tpu.memref_slice %arg16[%add3A_88, %dma_wait3A_91] : memref<10112x128xf32, #tpu.memory_space<vmem_shared>> -> memref<128x128xf32, #tpu.memory_space<vmem_shared>>
    tpu.wait_dma2 semaphore(%arg23 : memref<!tpu.dma_semaphore, #tpu.memory_space<semaphore_mem>>) src(%arg15 : memref<128x128xf32, #tpu.memory_space<vmem>>) dst(%dma_wait3A_92 : memref<128x128xf32, #tpu.memory_space<vmem_shared>>)
    %add3A_93 = arith.constant 256 : i32
    %add3A_94 = arith.addi %mul3A_4, %add3A_93 : i32
    %dma_wait3A_95 = arith.constant 0 : i32
    %dma_wait3A_96 = tpu.memref_slice %arg16[%add3A_94, %dma_wait3A_95] : memref<10112x128xf32, #tpu.memory_space<vmem_shared>> -> memref<128x128xf32, #tpu.memory_space<vmem_shared>>
    %dma_wait3A_97 = arith.constant 0 : i32
    %dma_wait3A_98 = tpu.memref_slice %arg16[%add3A_94, %dma_wait3A_97] : memref<10112x128xf32, #tpu.memory_space<vmem_shared>> -> memref<128x128xf32, #tpu.memory_space<vmem_shared>>
    tpu.wait_dma2 semaphore(%arg23 : memref<!tpu.dma_semaphore, #tpu.memory_space<semaphore_mem>>) src(%arg15 : memref<128x128xf32, #tpu.memory_space<vmem>>) dst(%dma_wait3A_98 : memref<128x128xf32, #tpu.memory_space<vmem_shared>>)
    %add3A_99 = arith.constant 384 : i32
    %add3A_100 = arith.addi %mul3A_4, %add3A_99 : i32
    %dma_wait3A_101 = arith.constant 0 : i32
    %dma_wait3A_102 = tpu.memref_slice %arg16[%add3A_100, %dma_wait3A_101] : memref<10112x128xf32, #tpu.memory_space<vmem_shared>> -> memref<128x128xf32, #tpu.memory_space<vmem_shared>>
    %dma_wait3A_103 = arith.constant 0 : i32
    %dma_wait3A_104 = tpu.memref_slice %arg16[%add3A_100, %dma_wait3A_103] : memref<10112x128xf32, #tpu.memory_space<vmem_shared>> -> memref<128x128xf32, #tpu.memory_space<vmem_shared>>
    tpu.wait_dma2 semaphore(%arg23 : memref<!tpu.dma_semaphore, #tpu.memory_space<semaphore_mem>>) src(%arg15 : memref<128x128xf32, #tpu.memory_space<vmem>>) dst(%dma_wait3A_104 : memref<128x128xf32, #tpu.memory_space<vmem_shared>>)
    %add3A_105 = arith.constant 512 : i32
    %add3A_106 = arith.addi %mul3A_4, %add3A_105 : i32
    %dma_wait3A_107 = arith.constant 0 : i32
    %dma_wait3A_108 = arith.constant 0 : i32
    %dma_wait3A_109 = tpu.memref_slice %arg15[%dma_wait3A_107, %dma_wait3A_108] : memref<128x128xf32, #tpu.memory_space<vmem>> -> memref<120x128xf32, #tpu.memory_space<vmem>>
    %dma_wait3A_110 = arith.constant 0 : i32
    %dma_wait3A_111 = tpu.memref_slice %arg16[%add3A_106, %dma_wait3A_110] : memref<10112x128xf32, #tpu.memory_space<vmem_shared>> -> memref<120x128xf32, #tpu.memory_space<vmem_shared>>
    %dma_wait3A_112 = arith.constant 0 : i32
    %dma_wait3A_113 = tpu.memref_slice %arg16[%add3A_106, %dma_wait3A_112] : memref<10112x128xf32, #tpu.memory_space<vmem_shared>> -> memref<120x128xf32, #tpu.memory_space<vmem_shared>>
    %dma_wait3A_114 = arith.constant 0 : i32
    %dma_wait3A_115 = arith.constant 0 : i32
    %dma_wait3A_116 = tpu.memref_slice %arg15[%dma_wait3A_114, %dma_wait3A_115] : memref<128x128xf32, #tpu.memory_space<vmem>> -> memref<120x128xf32, #tpu.memory_space<vmem>>
    tpu.wait_dma2 semaphore(%arg24 : memref<!tpu.dma_semaphore, #tpu.memory_space<semaphore_mem>>) src(%dma_wait3A_116 : memref<120x128xf32, #tpu.memory_space<vmem>>) dst(%dma_wait3A_113 : memref<120x128xf32, #tpu.memory_space<vmem_shared>>)
    %dma_wait3A_117 = arith.constant 0 : i32
    %dma_wait3A_118 = tpu.memref_slice %arg3[%mul3A_2, %dma_wait3A_117] : memref<2592x128xi32, #tpu.memory_space<hbm>> -> memref<1x128xi32, #tpu.memory_space<hbm>>
    %dma_wait3A_119 = tpu.memref_squeeze %dma_wait3A_118 : memref<1x128xi32, #tpu.memory_space<hbm>> -> memref<128xi32, #tpu.memory_space<hbm>>
    %dma_wait3A_120 = arith.constant 0 : i32
    %dma_wait3A_121 = tpu.memref_slice %arg3[%mul3A_2, %dma_wait3A_120] : memref<2592x128xi32, #tpu.memory_space<hbm>> -> memref<1x128xi32, #tpu.memory_space<hbm>>
    %dma_wait3A_122 = tpu.memref_squeeze %dma_wait3A_121 : memref<1x128xi32, #tpu.memory_space<hbm>> -> memref<128xi32, #tpu.memory_space<hbm>>
    tpu.wait_dma2 semaphore(%arg26 : memref<!tpu.dma_semaphore, #tpu.memory_space<semaphore_mem>>) src(%dma_wait3A_122 : memref<128xi32, #tpu.memory_space<hbm>>) dst(%arg7 : memref<128xi32, #tpu.memory_space<vmem>>)
    %dma_start3A_123 = arith.constant 0 : i32
    %dma_start3A_124 = arith.constant 0 : i32
    %dma_start3A_125 = tpu.memref_slice %arg2[%dma_start3A_123, %dma_start3A_124] : memref<10000x128xf32, #tpu.memory_space<hbm>> -> memref<10000x128xf32, #tpu.memory_space<hbm>>
    tpu.enqueue_indirect_dma source(%dma_start3A_125 : memref<10000x128xf32, #tpu.memory_space<hbm>>) target(%arg13 : memref<128x128xf32, #tpu.memory_space<vmem>>) offsets(%arg7 : memref<128xi32, #tpu.memory_space<vmem>>) semaphore(%arg17 : memref<!tpu.dma_semaphore, #tpu.memory_space<semaphore_mem>>)
    %add3A_126 = arith.constant 1 : i32
    %add3A_127 = arith.addi %mul3A_2, %add3A_126 : i32
    %dma_wait3A_128 = arith.constant 0 : i32
    %dma_wait3A_129 = tpu.memref_slice %arg3[%add3A_127, %dma_wait3A_128] : memref<2592x128xi32, #tpu.memory_space<hbm>> -> memref<1x128xi32, #tpu.memory_space<hbm>>
    %dma_wait3A_130 = tpu.memref_squeeze %dma_wait3A_129 : memref<1x128xi32, #tpu.memory_space<hbm>> -> memref<128xi32, #tpu.memory_space<hbm>>
    %dma_wait3A_131 = arith.constant 0 : i32
    %dma_wait3A_132 = tpu.memref_slice %arg3[%add3A_127, %dma_wait3A_131] : memref<2592x128xi32, #tpu.memory_space<hbm>> -> memref<1x128xi32, #tpu.memory_space<hbm>>
    %dma_wait3A_133 = tpu.memref_squeeze %dma_wait3A_132 : memref<1x128xi32, #tpu.memory_space<hbm>> -> memref<128xi32, #tpu.memory_space<hbm>>
    tpu.wait_dma2 semaphore(%arg27 : memref<!tpu.dma_semaphore, #tpu.memory_space<semaphore_mem>>) src(%dma_wait3A_133 : memref<128xi32, #tpu.memory_space<hbm>>) dst(%arg8 : memref<128xi32, #tpu.memory_space<vmem>>)
    %dma_start3A_134 = arith.constant 0 : i32
    %dma_start3A_135 = arith.constant 0 : i32
    %dma_start3A_136 = tpu.memref_slice %arg2[%dma_start3A_134, %dma_start3A_135] : memref<10000x128xf32, #tpu.memory_space<hbm>> -> memref<10000x128xf32, #tpu.memory_space<hbm>>
    tpu.enqueue_indirect_dma source(%dma_start3A_136 : memref<10000x128xf32, #tpu.memory_space<hbm>>) target(%arg14 : memref<128x128xf32, #tpu.memory_space<vmem>>) offsets(%arg8 : memref<128xi32, #tpu.memory_space<vmem>>) semaphore(%arg18 : memref<!tpu.dma_semaphore, #tpu.memory_space<semaphore_mem>>)
    %dma_wait3A_137 = arith.constant 0 : i32
    %dma_wait3A_138 = tpu.memref_slice %arg4[%mul3A_2, %dma_wait3A_137] : memref<2592x128xi32, #tpu.memory_space<hbm>> -> memref<1x128xi32, #tpu.memory_space<hbm>>
    %dma_wait3A_139 = tpu.memref_squeeze %dma_wait3A_138 : memref<1x128xi32, #tpu.memory_space<hbm>> -> memref<128xi32, #tpu.memory_space<hbm>>
    %dma_wait3A_140 = arith.constant 0 : i32
    %dma_wait3A_141 = tpu.memref_slice %arg4[%mul3A_2, %dma_wait3A_140] : memref<2592x128xi32, #tpu.memory_space<hbm>> -> memref<1x128xi32, #tpu.memory_space<hbm>>
    %dma_wait3A_142 = tpu.memref_squeeze %dma_wait3A_141 : memref<1x128xi32, #tpu.memory_space<hbm>> -> memref<128xi32, #tpu.memory_space<hbm>>
    tpu.wait_dma2 semaphore(%arg22 : memref<!tpu.dma_semaphore, #tpu.memory_space<semaphore_mem>>) src(%dma_wait3A_142 : memref<128xi32, #tpu.memory_space<hbm>>) dst(%arg12 : memref<128xi32, #tpu.memory_space<vmem>>)
    %barrier3A = arith.constant 0 : index
    tpu.barrier barrier_id(%barrier3A)
    %dma_start3A_143 = arith.constant 0 : i32
    %dma_start3A_144 = arith.constant 0 : i32
    %dma_start3A_145 = tpu.memref_slice %arg16[%dma_start3A_143, %dma_start3A_144] : memref<10112x128xf32, #tpu.memory_space<vmem_shared>> -> memref<10112x128xf32, #tpu.memory_space<vmem_shared>>
    tpu.enqueue_indirect_dma source(%arg15 : memref<128x128xf32, #tpu.memory_space<vmem>>) target(%dma_start3A_145 : memref<10112x128xf32, #tpu.memory_space<vmem_shared>>) offsets(%arg12 : memref<128xi32, #tpu.memory_space<vmem>>) semaphore(%arg25 : memref<!tpu.dma_semaphore, #tpu.memory_space<semaphore_mem>>) {add = true}
    %scan3A = arith.constant 0 : i32
    %scan3A_146 = arith.constant 0 : i32
    %scan3A_147 = arith.constant 27 : i32
    %scan3A_148 = arith.addi %scan3A_146, %scan3A_147 : i32
    %scan3A_149 = arith.constant 1 : i32
    %scan3A_150 = scf.for %scan3A_159 = %scan3A_146 to %scan3A_148 step %scan3A_149 iter_args(%scan3A_160 = %scan3A) -> (i32)  : i32 {
      %mul3A_161 = arith.constant 3 : i32
      %mul3A_162 = arith.muli %mul3A_161, %scan3A_159 : i32
      %add3A_163 = arith.constant 0 : i32
      %add3A_164 = arith.addi %mul3A_162, %add3A_163 : i32
      %dma_wait3A_165 = arith.constant 0 : i32
      %dma_wait3A_166 = arith.constant 0 : i32
      %dma_wait3A_167 = tpu.memref_slice %arg2[%dma_wait3A_165, %dma_wait3A_166] : memref<10000x128xf32, #tpu.memory_space<hbm>> -> memref<10000x128xf32, #tpu.memory_space<hbm>>
      tpu.wait_indirect_dma semaphore(%arg17 : memref<!tpu.dma_semaphore, #tpu.memory_space<semaphore_mem>>) src(%dma_wait3A_167 : memref<10000x128xf32, #tpu.memory_space<hbm>>) dst(%arg13 : memref<128x128xf32, #tpu.memory_space<vmem>>)
      %add3A_168 = arith.constant 3 : i32
      %add3A_169 = arith.addi %add3A_164, %add3A_168 : i32
      %lt3A = arith.constant 81 : i32
      %lt3A_170 = arith.cmpi slt, %add3A_169, %lt3A : i32
      %convert_element_type3A = arith.extui %lt3A_170 : i1 to i32
      %cond3A = arith.constant 0 : i32
      %cond3A_171 = arith.cmpi ne, %convert_element_type3A, %cond3A : i32
      scf.if %cond3A_171 {
        %add3A_261 = arith.addi %mul3A_2, %add3A_164 : i32
        %add3A_262 = arith.constant 3 : i32
        %add3A_263 = arith.addi %add3A_261, %add3A_262 : i32
        %dma_start3A_264 = arith.constant 0 : i32
        %dma_start3A_265 = tpu.memref_slice %arg3[%add3A_263, %dma_start3A_264] : memref<2592x128xi32, #tpu.memory_space<hbm>> -> memref<1x128xi32, #tpu.memory_space<hbm>>
        %dma_start3A_266 = tpu.memref_squeeze %dma_start3A_265 : memref<1x128xi32, #tpu.memory_space<hbm>> -> memref<128xi32, #tpu.memory_space<hbm>>
        %dma_start3A_267 = arith.constant 0 : i32
        %dma_start3A_268 = tpu.memref_slice %arg3[%add3A_263, %dma_start3A_267] : memref<2592x128xi32, #tpu.memory_space<hbm>> -> memref<1x128xi32, #tpu.memory_space<hbm>>
        %dma_start3A_269 = tpu.memref_squeeze %dma_start3A_268 : memref<1x128xi32, #tpu.memory_space<hbm>> -> memref<128xi32, #tpu.memory_space<hbm>>
        tpu.enqueue_dma source(%dma_start3A_269 : memref<128xi32, #tpu.memory_space<hbm>>) target(%arg7 : memref<128xi32, #tpu.memory_space<vmem>>) target_semaphore(%arg26 : memref<!tpu.dma_semaphore, #tpu.memory_space<semaphore_mem>>)
      } else {
      }
      %add3A_172 = arith.addi %mul3A_2, %add3A_164 : i32
      %dma_wait3A_173 = arith.constant 0 : i32
      %dma_wait3A_174 = tpu.memref_slice %arg4[%add3A_172, %dma_wait3A_173] : memref<2592x128xi32, #tpu.memory_space<hbm>> -> memref<1x128xi32, #tpu.memory_space<hbm>>
      %dma_wait3A_175 = tpu.memref_squeeze %dma_wait3A_174 : memref<1x128xi32, #tpu.memory_space<hbm>> -> memref<128xi32, #tpu.memory_space<hbm>>
      %dma_wait3A_176 = arith.constant 0 : i32
      %dma_wait3A_177 = tpu.memref_slice %arg4[%add3A_172, %dma_wait3A_176] : memref<2592x128xi32, #tpu.memory_space<hbm>> -> memref<1x128xi32, #tpu.memory_space<hbm>>
      %dma_wait3A_178 = tpu.memref_squeeze %dma_wait3A_177 : memref<1x128xi32, #tpu.memory_space<hbm>> -> memref<128xi32, #tpu.memory_space<hbm>>
      tpu.wait_dma2 semaphore(%arg20 : memref<!tpu.dma_semaphore, #tpu.memory_space<semaphore_mem>>) src(%dma_wait3A_178 : memref<128xi32, #tpu.memory_space<hbm>>) dst(%arg10 : memref<128xi32, #tpu.memory_space<vmem>>)
      %dma_start3A_179 = arith.constant 0 : i32
      %dma_start3A_180 = arith.constant 0 : i32
      %dma_start3A_181 = tpu.memref_slice %arg16[%dma_start3A_179, %dma_start3A_180] : memref<10112x128xf32, #tpu.memory_space<vmem_shared>> -> memref<10112x128xf32, #tpu.memory_space<vmem_shared>>
      tpu.enqueue_indirect_dma source(%arg13 : memref<128x128xf32, #tpu.memory_space<vmem>>) target(%dma_start3A_181 : memref<10112x128xf32, #tpu.memory_space<vmem_shared>>) offsets(%arg10 : memref<128xi32, #tpu.memory_space<vmem>>) semaphore(%arg23 : memref<!tpu.dma_semaphore, #tpu.memory_space<semaphore_mem>>) {add = true}
      %dma_wait3A_182 = arith.constant 0 : i32
      %dma_wait3A_183 = arith.constant 0 : i32
      %dma_wait3A_184 = tpu.memref_slice %arg16[%dma_wait3A_182, %dma_wait3A_183] : memref<10112x128xf32, #tpu.memory_space<vmem_shared>> -> memref<10112x128xf32, #tpu.memory_space<vmem_shared>>
      tpu.wait_indirect_dma semaphore(%arg25 : memref<!tpu.dma_semaphore, #tpu.memory_space<semaphore_mem>>) src(%arg15 : memref<128x128xf32, #tpu.memory_space<vmem>>) dst(%dma_wait3A_184 : memref<10112x128xf32, #tpu.memory_space<vmem_shared>>)
      %add3A_185 = arith.constant 2 : i32
      %add3A_186 = arith.addi %add3A_164, %add3A_185 : i32
      %lt3A_187 = arith.constant 81 : i32
      %lt3A_188 = arith.cmpi slt, %add3A_186, %lt3A_187 : i32
      %convert_element_type3A_189 = arith.extui %lt3A_188 : i1 to i32
      %cond3A_190 = arith.constant 0 : i32
      %cond3A_191 = arith.cmpi ne, %convert_element_type3A_189, %cond3A_190 : i32
      scf.if %cond3A_191 {
        %add3A_261 = arith.addi %mul3A_2, %add3A_164 : i32
        %add3A_262 = arith.constant 2 : i32
        %add3A_263 = arith.addi %add3A_261, %add3A_262 : i32
        %dma_start3A_264 = arith.constant 0 : i32
        %dma_start3A_265 = tpu.memref_slice %arg4[%add3A_263, %dma_start3A_264] : memref<2592x128xi32, #tpu.memory_space<hbm>> -> memref<1x128xi32, #tpu.memory_space<hbm>>
        %dma_start3A_266 = tpu.memref_squeeze %dma_start3A_265 : memref<1x128xi32, #tpu.memory_space<hbm>> -> memref<128xi32, #tpu.memory_space<hbm>>
        %dma_start3A_267 = arith.constant 0 : i32
        %dma_start3A_268 = tpu.memref_slice %arg4[%add3A_263, %dma_start3A_267] : memref<2592x128xi32, #tpu.memory_space<hbm>> -> memref<1x128xi32, #tpu.memory_space<hbm>>
        %dma_start3A_269 = tpu.memref_squeeze %dma_start3A_268 : memref<1x128xi32, #tpu.memory_space<hbm>> -> memref<128xi32, #tpu.memory_space<hbm>>
        tpu.enqueue_dma source(%dma_start3A_269 : memref<128xi32, #tpu.memory_space<hbm>>) target(%arg12 : memref<128xi32, #tpu.memory_space<vmem>>) target_semaphore(%arg22 : memref<!tpu.dma_semaphore, #tpu.memory_space<semaphore_mem>>)
        %add3A_270 = arith.addi %mul3A_2, %add3A_164 : i32
        %add3A_271 = arith.constant 2 : i32
        %add3A_272 = arith.addi %add3A_270, %add3A_271 : i32
        %dma_wait3A_273 = arith.constant 0 : i32
        %dma_wait3A_274 = tpu.memref_slice %arg3[%add3A_272, %dma_wait3A_273] : memref<2592x128xi32, #tpu.memory_space<hbm>> -> memref<1x128xi32, #tpu.memory_space<hbm>>
        %dma_wait3A_275 = tpu.memref_squeeze %dma_wait3A_274 : memref<1x128xi32, #tpu.memory_space<hbm>> -> memref<128xi32, #tpu.memory_space<hbm>>
        %dma_wait3A_276 = arith.constant 0 : i32
        %dma_wait3A_277 = tpu.memref_slice %arg3[%add3A_272, %dma_wait3A_276] : memref<2592x128xi32, #tpu.memory_space<hbm>> -> memref<1x128xi32, #tpu.memory_space<hbm>>
        %dma_wait3A_278 = tpu.memref_squeeze %dma_wait3A_277 : memref<1x128xi32, #tpu.memory_space<hbm>> -> memref<128xi32, #tpu.memory_space<hbm>>
        tpu.wait_dma2 semaphore(%arg28 : memref<!tpu.dma_semaphore, #tpu.memory_space<semaphore_mem>>) src(%dma_wait3A_278 : memref<128xi32, #tpu.memory_space<hbm>>) dst(%arg9 : memref<128xi32, #tpu.memory_space<vmem>>)
        %dma_start3A_279 = arith.constant 0 : i32
        %dma_start3A_280 = arith.constant 0 : i32
        %dma_start3A_281 = tpu.memref_slice %arg2[%dma_start3A_279, %dma_start3A_280] : memref<10000x128xf32, #tpu.memory_space<hbm>> -> memref<10000x128xf32, #tpu.memory_space<hbm>>
        tpu.enqueue_indirect_dma source(%dma_start3A_281 : memref<10000x128xf32, #tpu.memory_space<hbm>>) target(%arg15 : memref<128x128xf32, #tpu.memory_space<vmem>>) offsets(%arg9 : memref<128xi32, #tpu.memory_space<vmem>>) semaphore(%arg19 : memref<!tpu.dma_semaphore, #tpu.memory_space<semaphore_mem>>)
      } else {
      }
      %mul3A_192 = arith.constant 3 : i32
      %mul3A_193 = arith.muli %mul3A_192, %scan3A_159 : i32
      %add3A_194 = arith.constant 1 : i32
      %add3A_195 = arith.addi %mul3A_193, %add3A_194 : i32
      %dma_wait3A_196 = arith.constant 0 : i32
      %dma_wait3A_197 = arith.constant 0 : i32
      %dma_wait3A_198 = tpu.memref_slice %arg2[%dma_wait3A_196, %dma_wait3A_197] : memref<10000x128xf32, #tpu.memory_space<hbm>> -> memref<10000x128xf32, #tpu.memory_space<hbm>>
      tpu.wait_indirect_dma semaphore(%arg18 : memref<!tpu.dma_semaphore, #tpu.memory_space<semaphore_mem>>) src(%dma_wait3A_198 : memref<10000x128xf32, #tpu.memory_space<hbm>>) dst(%arg14 : memref<128x128xf32, #tpu.memory_space<vmem>>)
      %add3A_199 = arith.constant 3 : i32
      %add3A_200 = arith.addi %add3A_195, %add3A_199 : i32
      %lt3A_201 = arith.constant 81 : i32
      %lt3A_202 = arith.cmpi slt, %add3A_200, %lt3A_201 : i32
      %convert_element_type3A_203 = arith.extui %lt3A_202 : i1 to i32
      %cond3A_204 = arith.constant 0 : i32
      %cond3A_205 = arith.cmpi ne, %convert_element_type3A_203, %cond3A_204 : i32
      scf.if %cond3A_205 {
        %add3A_261 = arith.addi %mul3A_2, %add3A_195 : i32
        %add3A_262 = arith.constant 3 : i32
        %add3A_263 = arith.addi %add3A_261, %add3A_262 : i32
        %dma_start3A_264 = arith.constant 0 : i32
        %dma_start3A_265 = tpu.memref_slice %arg3[%add3A_263, %dma_start3A_264] : memref<2592x128xi32, #tpu.memory_space<hbm>> -> memref<1x128xi32, #tpu.memory_space<hbm>>
        %dma_start3A_266 = tpu.memref_squeeze %dma_start3A_265 : memref<1x128xi32, #tpu.memory_space<hbm>> -> memref<128xi32, #tpu.memory_space<hbm>>
        %dma_start3A_267 = arith.constant 0 : i32
        %dma_start3A_268 = tpu.memref_slice %arg3[%add3A_263, %dma_start3A_267] : memref<2592x128xi32, #tpu.memory_space<hbm>> -> memref<1x128xi32, #tpu.memory_space<hbm>>
        %dma_start3A_269 = tpu.memref_squeeze %dma_start3A_268 : memref<1x128xi32, #tpu.memory_space<hbm>> -> memref<128xi32, #tpu.memory_space<hbm>>
        tpu.enqueue_dma source(%dma_start3A_269 : memref<128xi32, #tpu.memory_space<hbm>>) target(%arg8 : memref<128xi32, #tpu.memory_space<vmem>>) target_semaphore(%arg27 : memref<!tpu.dma_semaphore, #tpu.memory_space<semaphore_mem>>)
      } else {
      }
      %add3A_206 = arith.addi %mul3A_2, %add3A_195 : i32
      %dma_wait3A_207 = arith.constant 0 : i32
      %dma_wait3A_208 = tpu.memref_slice %arg4[%add3A_206, %dma_wait3A_207] : memref<2592x128xi32, #tpu.memory_space<hbm>> -> memref<1x128xi32, #tpu.memory_space<hbm>>
      %dma_wait3A_209 = tpu.memref_squeeze %dma_wait3A_208 : memref<1x128xi32, #tpu.memory_space<hbm>> -> memref<128xi32, #tpu.memory_space<hbm>>
      %dma_wait3A_210 = arith.constant 0 : i32
      %dma_wait3A_211 = tpu.memref_slice %arg4[%add3A_206, %dma_wait3A_210] : memref<2592x128xi32, #tpu.memory_space<hbm>> -> memref<1x128xi32, #tpu.memory_space<hbm>>
      %dma_wait3A_212 = tpu.memref_squeeze %dma_wait3A_211 : memref<1x128xi32, #tpu.memory_space<hbm>> -> memref<128xi32, #tpu.memory_space<hbm>>
      tpu.wait_dma2 semaphore(%arg21 : memref<!tpu.dma_semaphore, #tpu.memory_space<semaphore_mem>>) src(%dma_wait3A_212 : memref<128xi32, #tpu.memory_space<hbm>>) dst(%arg11 : memref<128xi32, #tpu.memory_space<vmem>>)
      %dma_start3A_213 = arith.constant 0 : i32
      %dma_start3A_214 = arith.constant 0 : i32
      %dma_start3A_215 = tpu.memref_slice %arg16[%dma_start3A_213, %dma_start3A_214] : memref<10112x128xf32, #tpu.memory_space<vmem_shared>> -> memref<10112x128xf32, #tpu.memory_space<vmem_shared>>
      tpu.enqueue_indirect_dma source(%arg14 : memref<128x128xf32, #tpu.memory_space<vmem>>) target(%dma_start3A_215 : memref<10112x128xf32, #tpu.memory_space<vmem_shared>>) offsets(%arg11 : memref<128xi32, #tpu.memory_space<vmem>>) semaphore(%arg24 : memref<!tpu.dma_semaphore, #tpu.memory_space<semaphore_mem>>) {add = true}
      %dma_wait3A_216 = arith.constant 0 : i32
      %dma_wait3A_217 = arith.constant 0 : i32
      %dma_wait3A_218 = tpu.memref_slice %arg16[%dma_wait3A_216, %dma_wait3A_217] : memref<10112x128xf32, #tpu.memory_space<vmem_shared>> -> memref<10112x128xf32, #tpu.memory_space<vmem_shared>>
      tpu.wait_indirect_dma semaphore(%arg23 : memref<!tpu.dma_semaphore, #tpu.memory_space<semaphore_mem>>) src(%arg13 : memref<128x128xf32, #tpu.memory_space<vmem>>) dst(%dma_wait3A_218 : memref<10112x128xf32, #tpu.memory_space<vmem_shared>>)
      %add3A_219 = arith.constant 2 : i32
      %add3A_220 = arith.addi %add3A_195, %add3A_219 : i32
      %lt3A_221 = arith.constant 81 : i32
      %lt3A_222 = arith.cmpi slt, %add3A_220, %lt3A_221 : i32
      %convert_element_type3A_223 = arith.extui %lt3A_222 : i1 to i32
      %cond3A_224 = arith.constant 0 : i32
      %cond3A_225 = arith.cmpi ne, %convert_element_type3A_223, %cond3A_224 : i32
      scf.if %cond3A_225 {
        %add3A_261 = arith.addi %mul3A_2, %add3A_195 : i32
        %add3A_262 = arith.constant 2 : i32
        %add3A_263 = arith.addi %add3A_261, %add3A_262 : i32
        %dma_start3A_264 = arith.constant 0 : i32
        %dma_start3A_265 = tpu.memref_slice %arg4[%add3A_263, %dma_start3A_264] : memref<2592x128xi32, #tpu.memory_space<hbm>> -> memref<1x128xi32, #tpu.memory_space<hbm>>
        %dma_start3A_266 = tpu.memref_squeeze %dma_start3A_265 : memref<1x128xi32, #tpu.memory_space<hbm>> -> memref<128xi32, #tpu.memory_space<hbm>>
        %dma_start3A_267 = arith.constant 0 : i32
        %dma_start3A_268 = tpu.memref_slice %arg4[%add3A_263, %dma_start3A_267] : memref<2592x128xi32, #tpu.memory_space<hbm>> -> memref<1x128xi32, #tpu.memory_space<hbm>>
        %dma_start3A_269 = tpu.memref_squeeze %dma_start3A_268 : memref<1x128xi32, #tpu.memory_space<hbm>> -> memref<128xi32, #tpu.memory_space<hbm>>
        tpu.enqueue_dma source(%dma_start3A_269 : memref<128xi32, #tpu.memory_space<hbm>>) target(%arg10 : memref<128xi32, #tpu.memory_space<vmem>>) target_semaphore(%arg20 : memref<!tpu.dma_semaphore, #tpu.memory_space<semaphore_mem>>)
        %add3A_270 = arith.addi %mul3A_2, %add3A_195 : i32
        %add3A_271 = arith.constant 2 : i32
        %add3A_272 = arith.addi %add3A_270, %add3A_271 : i32
        %dma_wait3A_273 = arith.constant 0 : i32
        %dma_wait3A_274 = tpu.memref_slice %arg3[%add3A_272, %dma_wait3A_273] : memref<2592x128xi32, #tpu.memory_space<hbm>> -> memref<1x128xi32, #tpu.memory_space<hbm>>
        %dma_wait3A_275 = tpu.memref_squeeze %dma_wait3A_274 : memref<1x128xi32, #tpu.memory_space<hbm>> -> memref<128xi32, #tpu.memory_space<hbm>>
        %dma_wait3A_276 = arith.constant 0 : i32
        %dma_wait3A_277 = tpu.memref_slice %arg3[%add3A_272, %dma_wait3A_276] : memref<2592x128xi32, #tpu.memory_space<hbm>> -> memref<1x128xi32, #tpu.memory_space<hbm>>
        %dma_wait3A_278 = tpu.memref_squeeze %dma_wait3A_277 : memref<1x128xi32, #tpu.memory_space<hbm>> -> memref<128xi32, #tpu.memory_space<hbm>>
        tpu.wait_dma2 semaphore(%arg26 : memref<!tpu.dma_semaphore, #tpu.memory_space<semaphore_mem>>) src(%dma_wait3A_278 : memref<128xi32, #tpu.memory_space<hbm>>) dst(%arg7 : memref<128xi32, #tpu.memory_space<vmem>>)
        %dma_start3A_279 = arith.constant 0 : i32
        %dma_start3A_280 = arith.constant 0 : i32
        %dma_start3A_281 = tpu.memref_slice %arg2[%dma_start3A_279, %dma_start3A_280] : memref<10000x128xf32, #tpu.memory_space<hbm>> -> memref<10000x128xf32, #tpu.memory_space<hbm>>
        tpu.enqueue_indirect_dma source(%dma_start3A_281 : memref<10000x128xf32, #tpu.memory_space<hbm>>) target(%arg13 : memref<128x128xf32, #tpu.memory_space<vmem>>) offsets(%arg7 : memref<128xi32, #tpu.memory_space<vmem>>) semaphore(%arg17 : memref<!tpu.dma_semaphore, #tpu.memory_space<semaphore_mem>>)
      } else {
      }
      %mul3A_226 = arith.constant 3 : i32
      %mul3A_227 = arith.muli %mul3A_226, %scan3A_159 : i32
      %add3A_228 = arith.constant 2 : i32
      %add3A_229 = arith.addi %mul3A_227, %add3A_228 : i32
      %dma_wait3A_230 = arith.constant 0 : i32
      %dma_wait3A_231 = arith.constant 0 : i32
      %dma_wait3A_232 = tpu.memref_slice %arg2[%dma_wait3A_230, %dma_wait3A_231] : memref<10000x128xf32, #tpu.memory_space<hbm>> -> memref<10000x128xf32, #tpu.memory_space<hbm>>
      tpu.wait_indirect_dma semaphore(%arg19 : memref<!tpu.dma_semaphore, #tpu.memory_space<semaphore_mem>>) src(%dma_wait3A_232 : memref<10000x128xf32, #tpu.memory_space<hbm>>) dst(%arg15 : memref<128x128xf32, #tpu.memory_space<vmem>>)
      %add3A_233 = arith.constant 3 : i32
      %add3A_234 = arith.addi %add3A_229, %add3A_233 : i32
      %lt3A_235 = arith.constant 81 : i32
      %lt3A_236 = arith.cmpi slt, %add3A_234, %lt3A_235 : i32
      %convert_element_type3A_237 = arith.extui %lt3A_236 : i1 to i32
      %cond3A_238 = arith.constant 0 : i32
      %cond3A_239 = arith.cmpi ne, %convert_element_type3A_237, %cond3A_238 : i32
      scf.if %cond3A_239 {
        %add3A_261 = arith.addi %mul3A_2, %add3A_229 : i32
        %add3A_262 = arith.constant 3 : i32
        %add3A_263 = arith.addi %add3A_261, %add3A_262 : i32
        %dma_start3A_264 = arith.constant 0 : i32
        %dma_start3A_265 = tpu.memref_slice %arg3[%add3A_263, %dma_start3A_264] : memref<2592x128xi32, #tpu.memory_space<hbm>> -> memref<1x128xi32, #tpu.memory_space<hbm>>
        %dma_start3A_266 = tpu.memref_squeeze %dma_start3A_265 : memref<1x128xi32, #tpu.memory_space<hbm>> -> memref<128xi32, #tpu.memory_space<hbm>>
        %dma_start3A_267 = arith.constant 0 : i32
        %dma_start3A_268 = tpu.memref_slice %arg3[%add3A_263, %dma_start3A_267] : memref<2592x128xi32, #tpu.memory_space<hbm>> -> memref<1x128xi32, #tpu.memory_space<hbm>>
        %dma_start3A_269 = tpu.memref_squeeze %dma_start3A_268 : memref<1x128xi32, #tpu.memory_space<hbm>> -> memref<128xi32, #tpu.memory_space<hbm>>
        tpu.enqueue_dma source(%dma_start3A_269 : memref<128xi32, #tpu.memory_space<hbm>>) target(%arg9 : memref<128xi32, #tpu.memory_space<vmem>>) target_semaphore(%arg28 : memref<!tpu.dma_semaphore, #tpu.memory_space<semaphore_mem>>)
      } else {
      }
      %add3A_240 = arith.addi %mul3A_2, %add3A_229 : i32
      %dma_wait3A_241 = arith.constant 0 : i32
      %dma_wait3A_242 = tpu.memref_slice %arg4[%add3A_240, %dma_wait3A_241] : memref<2592x128xi32, #tpu.memory_space<hbm>> -> memref<1x128xi32, #tpu.memory_space<hbm>>
      %dma_wait3A_243 = tpu.memref_squeeze %dma_wait3A_242 : memref<1x128xi32, #tpu.memory_space<hbm>> -> memref<128xi32, #tpu.memory_space<hbm>>
      %dma_wait3A_244 = arith.constant 0 : i32
      %dma_wait3A_245 = tpu.memref_slice %arg4[%add3A_240, %dma_wait3A_244] : memref<2592x128xi32, #tpu.memory_space<hbm>> -> memref<1x128xi32, #tpu.memory_space<hbm>>
      %dma_wait3A_246 = tpu.memref_squeeze %dma_wait3A_245 : memref<1x128xi32, #tpu.memory_space<hbm>> -> memref<128xi32, #tpu.memory_space<hbm>>
      tpu.wait_dma2 semaphore(%arg22 : memref<!tpu.dma_semaphore, #tpu.memory_space<semaphore_mem>>) src(%dma_wait3A_246 : memref<128xi32, #tpu.memory_space<hbm>>) dst(%arg12 : memref<128xi32, #tpu.memory_space<vmem>>)
      %dma_start3A_247 = arith.constant 0 : i32
      %dma_start3A_248 = arith.constant 0 : i32
      %dma_start3A_249 = tpu.memref_slice %arg16[%dma_start3A_247, %dma_start3A_248] : memref<10112x128xf32, #tpu.memory_space<vmem_shared>> -> memref<10112x128xf32, #tpu.memory_space<vmem_shared>>
      tpu.enqueue_indirect_dma source(%arg15 : memref<128x128xf32, #tpu.memory_space<vmem>>) target(%dma_start3A_249 : memref<10112x128xf32, #tpu.memory_space<vmem_shared>>) offsets(%arg12 : memref<128xi32, #tpu.memory_space<vmem>>) semaphore(%arg25 : memref<!tpu.dma_semaphore, #tpu.memory_space<semaphore_mem>>) {add = true}
      %dma_wait3A_250 = arith.constant 0 : i32
      %dma_wait3A_251 = arith.constant 0 : i32
      %dma_wait3A_252 = tpu.memref_slice %arg16[%dma_wait3A_250, %dma_wait3A_251] : memref<10112x128xf32, #tpu.memory_space<vmem_shared>> -> memref<10112x128xf32, #tpu.memory_space<vmem_shared>>
      tpu.wait_indirect_dma semaphore(%arg24 : memref<!tpu.dma_semaphore, #tpu.memory_space<semaphore_mem>>) src(%arg14 : memref<128x128xf32, #tpu.memory_space<vmem>>) dst(%dma_wait3A_252 : memref<10112x128xf32, #tpu.memory_space<vmem_shared>>)
      %add3A_253 = arith.constant 2 : i32
      %add3A_254 = arith.addi %add3A_229, %add3A_253 : i32
      %lt3A_255 = arith.constant 81 : i32
      %lt3A_256 = arith.cmpi slt, %add3A_254, %lt3A_255 : i32
      %convert_element_type3A_257 = arith.extui %lt3A_256 : i1 to i32
      %cond3A_258 = arith.constant 0 : i32
      %cond3A_259 = arith.cmpi ne, %convert_element_type3A_257, %cond3A_258 : i32
      scf.if %cond3A_259 {
        %add3A_261 = arith.addi %mul3A_2, %add3A_229 : i32
        %add3A_262 = arith.constant 2 : i32
        %add3A_263 = arith.addi %add3A_261, %add3A_262 : i32
        %dma_start3A_264 = arith.constant 0 : i32
        %dma_start3A_265 = tpu.memref_slice %arg4[%add3A_263, %dma_start3A_264] : memref<2592x128xi32, #tpu.memory_space<hbm>> -> memref<1x128xi32, #tpu.memory_space<hbm>>
        %dma_start3A_266 = tpu.memref_squeeze %dma_start3A_265 : memref<1x128xi32, #tpu.memory_space<hbm>> -> memref<128xi32, #tpu.memory_space<hbm>>
        %dma_start3A_267 = arith.constant 0 : i32
        %dma_start3A_268 = tpu.memref_slice %arg4[%add3A_263, %dma_start3A_267] : memref<2592x128xi32, #tpu.memory_space<hbm>> -> memref<1x128xi32, #tpu.memory_space<hbm>>
        %dma_start3A_269 = tpu.memref_squeeze %dma_start3A_268 : memref<1x128xi32, #tpu.memory_space<hbm>> -> memref<128xi32, #tpu.memory_space<hbm>>
        tpu.enqueue_dma source(%dma_start3A_269 : memref<128xi32, #tpu.memory_space<hbm>>) target(%arg11 : memref<128xi32, #tpu.memory_space<vmem>>) target_semaphore(%arg21 : memref<!tpu.dma_semaphore, #tpu.memory_space<semaphore_mem>>)
        %add3A_270 = arith.addi %mul3A_2, %add3A_229 : i32
        %add3A_271 = arith.constant 2 : i32
        %add3A_272 = arith.addi %add3A_270, %add3A_271 : i32
        %dma_wait3A_273 = arith.constant 0 : i32
        %dma_wait3A_274 = tpu.memref_slice %arg3[%add3A_272, %dma_wait3A_273] : memref<2592x128xi32, #tpu.memory_space<hbm>> -> memref<1x128xi32, #tpu.memory_space<hbm>>
        %dma_wait3A_275 = tpu.memref_squeeze %dma_wait3A_274 : memref<1x128xi32, #tpu.memory_space<hbm>> -> memref<128xi32, #tpu.memory_space<hbm>>
        %dma_wait3A_276 = arith.constant 0 : i32
        %dma_wait3A_277 = tpu.memref_slice %arg3[%add3A_272, %dma_wait3A_276] : memref<2592x128xi32, #tpu.memory_space<hbm>> -> memref<1x128xi32, #tpu.memory_space<hbm>>
        %dma_wait3A_278 = tpu.memref_squeeze %dma_wait3A_277 : memref<1x128xi32, #tpu.memory_space<hbm>> -> memref<128xi32, #tpu.memory_space<hbm>>
        tpu.wait_dma2 semaphore(%arg27 : memref<!tpu.dma_semaphore, #tpu.memory_space<semaphore_mem>>) src(%dma_wait3A_278 : memref<128xi32, #tpu.memory_space<hbm>>) dst(%arg8 : memref<128xi32, #tpu.memory_space<vmem>>)
        %dma_start3A_279 = arith.constant 0 : i32
        %dma_start3A_280 = arith.constant 0 : i32
        %dma_start3A_281 = tpu.memref_slice %arg2[%dma_start3A_279, %dma_start3A_280] : memref<10000x128xf32, #tpu.memory_space<hbm>> -> memref<10000x128xf32, #tpu.memory_space<hbm>>
        tpu.enqueue_indirect_dma source(%dma_start3A_281 : memref<10000x128xf32, #tpu.memory_space<hbm>>) target(%arg14 : memref<128x128xf32, #tpu.memory_space<vmem>>) offsets(%arg8 : memref<128xi32, #tpu.memory_space<vmem>>) semaphore(%arg18 : memref<!tpu.dma_semaphore, #tpu.memory_space<semaphore_mem>>)
      } else {
      }
      %scan3A_260 = arith.constant 0 : i32
      scf.yield %scan3A_260 : i32
    }
    %scan3A_151 = arith.constant 27 : i32
    %dma_wait3A_152 = arith.constant 0 : i32
    %dma_wait3A_153 = arith.constant 0 : i32
    %dma_wait3A_154 = tpu.memref_slice %arg16[%dma_wait3A_152, %dma_wait3A_153] : memref<10112x128xf32, #tpu.memory_space<vmem_shared>> -> memref<10112x128xf32, #tpu.memory_space<vmem_shared>>
    tpu.wait_indirect_dma semaphore(%arg25 : memref<!tpu.dma_semaphore, #tpu.memory_space<semaphore_mem>>) src(%arg15 : memref<128x128xf32, #tpu.memory_space<vmem>>) dst(%dma_wait3A_154 : memref<10112x128xf32, #tpu.memory_space<vmem_shared>>)
    %barrier3A_155 = arith.constant 0 : index
    tpu.barrier barrier_id(%barrier3A_155)
    %mul3A_156 = arith.constant 10112 : i32
    %mul3A_157 = arith.muli %arg0, %mul3A_156 : i32
    %add3A_158 = arith.addi %mul3A_157, %mul3A_4 : i32
    "tpu.region"() ({
      %run_scoped3A = tpu.sem_alloc : memref<!tpu.dma_semaphore, #tpu.memory_space<semaphore_mem>>
      %dma_start3A_159 = arith.constant 0 : i32
      %dma_start3A_160 = tpu.memref_slice %arg6[%add3A_158, %dma_start3A_159] : memref<20224x128xf32, #tpu.memory_space<hbm>> -> memref<632x128xf32, #tpu.memory_space<hbm>>
      %dma_start3A_161 = arith.constant 0 : i32
      %dma_start3A_162 = tpu.memref_slice %arg16[%mul3A_4, %dma_start3A_161] : memref<10112x128xf32, #tpu.memory_space<vmem_shared>> -> memref<632x128xf32, #tpu.memory_space<vmem_shared>>
      tpu.enqueue_dma source(%dma_start3A_162 : memref<632x128xf32, #tpu.memory_space<vmem_shared>>) target(%dma_start3A_160 : memref<632x128xf32, #tpu.memory_space<hbm>>) target_semaphore(%run_scoped3A : memref<!tpu.dma_semaphore, #tpu.memory_space<semaphore_mem>>)
      %dma_wait3A_163 = arith.constant 0 : i32
      %dma_wait3A_164 = tpu.memref_slice %arg6[%add3A_158, %dma_wait3A_163] : memref<20224x128xf32, #tpu.memory_space<hbm>> -> memref<632x128xf32, #tpu.memory_space<hbm>>
      %dma_wait3A_165 = arith.constant 0 : i32
      %dma_wait3A_166 = tpu.memref_slice %arg16[%mul3A_4, %dma_wait3A_165] : memref<10112x128xf32, #tpu.memory_space<vmem_shared>> -> memref<632x128xf32, #tpu.memory_space<vmem_shared>>
      tpu.wait_dma2 semaphore(%run_scoped3A : memref<!tpu.dma_semaphore, #tpu.memory_space<semaphore_mem>>) src(%dma_wait3A_166 : memref<632x128xf32, #tpu.memory_space<vmem_shared>>) dst(%dma_wait3A_164 : memref<632x128xf32, #tpu.memory_space<hbm>>)
      tpu.yield
    }) : () -> ()
    return
  }
}

module attributes {stable_mosaic.version = 14 : i64} {
  func.func @_enc_body(%arg0: i32, %arg1: memref<2000x128xf32, #tpu.memory_space<vmem>>, %arg2: memref<128x128xf32, #tpu.memory_space<vmem>>, %arg3: memref<1x128xf32, #tpu.memory_space<vmem>>, %arg4: memref<128x128xf32, #tpu.memory_space<vmem>>, %arg5: memref<1x2000x1xf32, #tpu.memory_space<vmem>>, %arg6: memref<1x2000x1xf32, #tpu.memory_space<vmem>>, %arg7: memref<2000x128xf32, #tpu.memory_space<vmem>>, %arg8: memref<2000x128xf32, #tpu.memory_space<vmem>>, %arg9: memref<2000x1xf32, #tpu.memory_space<vmem>>) attributes {dimension_semantics = [#tpu.dimension_semantics<arbitrary>], iteration_bounds = array<i64: 5>, scalar_prefetch = 0 : i64, scratch_operands = 0 : i64, tpu.core_type = #tpu.core_type<tc>, window_params = [{transform_indices = @transform_0, window_bounds = array<i64: 2000, 128>}, {pipeline_mode = #tpu.pipeline_mode<synchronous>, transform_indices = @transform_1, window_bounds = array<i64: 128, 128>}, {pipeline_mode = #tpu.pipeline_mode<synchronous>, transform_indices = @transform_2, window_bounds = array<i64: 1, 128>}, {pipeline_mode = #tpu.pipeline_mode<synchronous>, transform_indices = @transform_3, window_bounds = array<i64: 128, 128>}, {transform_indices = @transform_4, window_bounds = array<i64: 1, 2000, 1>}, {transform_indices = @transform_5, window_bounds = array<i64: 1, 2000, 1>}, {transform_indices = @transform_6, window_bounds = array<i64: 2000, 128>}, {transform_indices = @transform_7, window_bounds = array<i64: 2000, 128>}, {transform_indices = @transform_8, window_bounds = array<i64: 2000, 1>}]} {
    %get3A = arith.constant 0 : index
    %get3A_0 = arith.constant 0 : index
    %get3A_1 = arith.constant 0 : index
    %get3A_2 = vector.load %arg5[%get3A, %get3A_0, %get3A_1] : memref<1x2000x1xf32, #tpu.memory_space<vmem>>, vector<1x2000x1xf32>
    %get3A_3 = vector.shape_cast %get3A_2 : vector<1x2000x1xf32> to vector<2000x1xf32>
    %get3A_4 = arith.constant 0 : index
    %get3A_5 = arith.constant 0 : index
    %get3A_6 = arith.constant 0 : index
    %get3A_7 = vector.load %arg6[%get3A_4, %get3A_5, %get3A_6] : memref<1x2000x1xf32, #tpu.memory_space<vmem>>, vector<1x2000x1xf32>
    %get3A_8 = vector.shape_cast %get3A_7 : vector<1x2000x1xf32> to vector<2000x1xf32>
    %add3A = arith.addf %get3A_3, %get3A_8 : vector<2000x1xf32>
    %add3A_9 = arith.constant 1.000000e+00 : f32
    %add3A_10 = vector.broadcast %add3A_9 : f32 to vector<2000x1xf32>
    %add3A_11 = arith.addf %add3A, %add3A_10 : vector<2000x1xf32>
    %rsqrt3A = math.rsqrt %add3A_11 : vector<2000x1xf32>
    %get3A_12 = arith.constant 0 : index
    %get3A_13 = arith.constant 0 : index
    %get3A_14 = vector.load %arg1[%get3A_12, %get3A_13] : memref<2000x128xf32, #tpu.memory_space<vmem>>, vector<2000x128xf32>
    %get3A_15 = arith.constant 0 : index
    %get3A_16 = arith.constant 0 : index
    %get3A_17 = vector.load %arg2[%get3A_15, %get3A_16] : memref<128x128xf32, #tpu.memory_space<vmem>>, vector<128x128xf32>
    %dot_general3A = arith.constant dense<0.000000e+00> : vector<2000x128xf32>
    %dot_general3A_18 = tpu.matmul %get3A_14, %get3A_17, %dot_general3A {dimension_numbers = #tpu.dot_dimension_numbers<[1], [0], [0], [1], [0, 0, 1, 1], [], []>, precision = #tpu.contract_precision<fp32>, transpose_lhs_hint = false} : vector<2000x128xf32>, vector<128x128xf32>, vector<2000x128xf32> -> vector<2000x128xf32>
    %get3A_19 = arith.constant 0 : index
    %get3A_20 = arith.constant 0 : index
    %get3A_21 = vector.load %arg3[%get3A_19, %get3A_20] : memref<1x128xf32, #tpu.memory_space<vmem>>, vector<1x128xf32>
    %add3A_22 = vector.broadcast %get3A_21 : vector<1x128xf32> to vector<2000x128xf32>
    %add3A_23 = arith.addf %dot_general3A_18, %add3A_22 : vector<2000x128xf32>
    %max3A = arith.constant 0.000000e+00 : f32
    %max3A_24 = vector.broadcast %max3A : f32 to vector<2000x128xf32>
    %max3A_25 = arith.maximumf %add3A_23, %max3A_24 : vector<2000x128xf32>
    %swap3A = arith.constant 0 : index
    %swap3A_26 = arith.constant 0 : index
    %swap3A_27 = vector.load %arg7[%swap3A, %swap3A_26] : memref<2000x128xf32, #tpu.memory_space<vmem>>, vector<2000x128xf32>
    tpu.vector_store %arg7[%swap3A, %swap3A_26], %max3A_25 {strides = array<i32>} : memref<2000x128xf32, #tpu.memory_space<vmem>>, vector<2000x128xf32>,
    %swap3A_28 = arith.constant 0 : index
    %swap3A_29 = arith.constant 0 : index
    %swap3A_30 = vector.load %arg9[%swap3A_28, %swap3A_29] : memref<2000x1xf32, #tpu.memory_space<vmem>>, vector<2000x1xf32>
    tpu.vector_store %arg9[%swap3A_28, %swap3A_29], %rsqrt3A {strides = array<i32>} : memref<2000x1xf32, #tpu.memory_space<vmem>>, vector<2000x1xf32>,
    %get3A_31 = arith.constant 0 : index
    %get3A_32 = arith.constant 0 : index
    %get3A_33 = vector.load %arg4[%get3A_31, %get3A_32] : memref<128x128xf32, #tpu.memory_space<vmem>>, vector<128x128xf32>
    %dot_general3A_34 = arith.constant dense<0.000000e+00> : vector<2000x128xf32>
    %dot_general3A_35 = tpu.matmul %max3A_25, %get3A_33, %dot_general3A_34 {dimension_numbers = #tpu.dot_dimension_numbers<[1], [0], [0], [1], [0, 0, 1, 1], [], []>, precision = #tpu.contract_precision<fp32>, transpose_lhs_hint = false} : vector<2000x128xf32>, vector<128x128xf32>, vector<2000x128xf32> -> vector<2000x128xf32>
    %mul3A = vector.broadcast %rsqrt3A : vector<2000x1xf32> to vector<2000x128xf32>
    %mul3A_36 = arith.mulf %dot_general3A_35, %mul3A : vector<2000x128xf32>
    %swap3A_37 = arith.constant 0 : index
    %swap3A_38 = arith.constant 0 : index
    %swap3A_39 = vector.load %arg8[%swap3A_37, %swap3A_38] : memref<2000x128xf32, #tpu.memory_space<vmem>>, vector<2000x128xf32>
    tpu.vector_store %arg8[%swap3A_37, %swap3A_38], %mul3A_36 {strides = array<i32>} : memref<2000x128xf32, #tpu.memory_space<vmem>>, vector<2000x128xf32>,
    return
  }
  func.func @transform_0(%arg0: i32) -> (i32, i32) {
    %c0_i32 = arith.constant 0 : i32
    %c0_i32_0 = arith.constant 0 : i32
    return %arg0, %c0_i32 : i32, i32
  }
  func.func @transform_1(%arg0: i32) -> (i32, i32) {
    %c0_i32 = arith.constant 0 : i32
    %c0_i32_0 = arith.constant 0 : i32
    %c0_i32_1 = arith.constant 0 : i32
    return %c0_i32, %c0_i32_0 : i32, i32
  }
  func.func @transform_2(%arg0: i32) -> (i32, i32) {
    %c0_i32 = arith.constant 0 : i32
    %c0_i32_0 = arith.constant 0 : i32
    %c0_i32_1 = arith.constant 0 : i32
    return %c0_i32, %c0_i32_0 : i32, i32
  }
  func.func @transform_3(%arg0: i32) -> (i32, i32) {
    %c0_i32 = arith.constant 0 : i32
    %c0_i32_0 = arith.constant 0 : i32
    %c0_i32_1 = arith.constant 0 : i32
    return %c0_i32, %c0_i32_0 : i32, i32
  }
  func.func @transform_4(%arg0: i32) -> (i32, i32, i32) {
    %c0_i32 = arith.constant 0 : i32
    %c0_i32_0 = arith.constant 0 : i32
    %c0_i32_1 = arith.constant 0 : i32
    return %c0_i32, %arg0, %c0_i32_0 : i32, i32, i32
  }
  func.func @transform_5(%arg0: i32) -> (i32, i32, i32) {
    %c1_i32 = arith.constant 1 : i32
    %c0_i32 = arith.constant 0 : i32
    %c0_i32_0 = arith.constant 0 : i32
    return %c1_i32, %arg0, %c0_i32 : i32, i32, i32
  }
  func.func @transform_6(%arg0: i32) -> (i32, i32) {
    %c0_i32 = arith.constant 0 : i32
    %c0_i32_0 = arith.constant 0 : i32
    return %arg0, %c0_i32 : i32, i32
  }
  func.func @transform_7(%arg0: i32) -> (i32, i32) {
    %c0_i32 = arith.constant 0 : i32
    %c0_i32_0 = arith.constant 0 : i32
    return %arg0, %c0_i32 : i32, i32
  }
  func.func @transform_8(%arg0: i32) -> (i32, i32) {
    %c0_i32 = arith.constant 0 : i32
    %c0_i32_0 = arith.constant 0 : i32
    return %arg0, %c0_i32 : i32, i32
  }
}

module attributes {stable_mosaic.version = 14 : i64} {
  func.func @_upd_body(%arg0: i32, %arg1: memref<2000x128xf32, #tpu.memory_space<vmem>>, %arg2: memref<2000x128xf32, #tpu.memory_space<vmem>>, %arg3: memref<2000x1xf32, #tpu.memory_space<vmem>>, %arg4: memref<1x2000x128xf32, #tpu.memory_space<vmem>>, %arg5: memref<1x2000x128xf32, #tpu.memory_space<vmem>>, %arg6: memref<1x128xf32, #tpu.memory_space<vmem>>, %arg7: memref<128x128xf32, #tpu.memory_space<vmem>>, %arg8: memref<2000x128xf32, #tpu.memory_space<vmem>>, %arg9: memref<2000x128xf32, #tpu.memory_space<vmem>>) attributes {dimension_semantics = [#tpu.dimension_semantics<arbitrary>], iteration_bounds = array<i64: 5>, scalar_prefetch = 0 : i64, scratch_operands = 0 : i64, tpu.core_type = #tpu.core_type<tc>, window_params = [{transform_indices = @transform_0, window_bounds = array<i64: 2000, 128>}, {transform_indices = @transform_1, window_bounds = array<i64: 2000, 128>}, {transform_indices = @transform_2, window_bounds = array<i64: 2000, 1>}, {transform_indices = @transform_3, window_bounds = array<i64: 1, 2000, 128>}, {transform_indices = @transform_4, window_bounds = array<i64: 1, 2000, 128>}, {pipeline_mode = #tpu.pipeline_mode<synchronous>, transform_indices = @transform_5, window_bounds = array<i64: 1, 128>}, {pipeline_mode = #tpu.pipeline_mode<synchronous>, transform_indices = @transform_6, window_bounds = array<i64: 128, 128>}, {transform_indices = @transform_7, window_bounds = array<i64: 2000, 128>}, {transform_indices = @transform_8, window_bounds = array<i64: 2000, 128>}]} {
    %get3A = arith.constant 0 : index
    %get3A_0 = arith.constant 0 : index
    %get3A_1 = arith.constant 0 : index
    %get3A_2 = vector.load %arg4[%get3A, %get3A_0, %get3A_1] : memref<1x2000x128xf32, #tpu.memory_space<vmem>>, vector<1x2000x128xf32>
    %get3A_3 = vector.shape_cast %get3A_2 : vector<1x2000x128xf32> to vector<2000x128xf32>
    %get3A_4 = arith.constant 0 : index
    %get3A_5 = arith.constant 0 : index
    %get3A_6 = arith.constant 0 : index
    %get3A_7 = vector.load %arg5[%get3A_4, %get3A_5, %get3A_6] : memref<1x2000x128xf32, #tpu.memory_space<vmem>>, vector<1x2000x128xf32>
    %get3A_8 = vector.shape_cast %get3A_7 : vector<1x2000x128xf32> to vector<2000x128xf32>
    %add3A = arith.addf %get3A_3, %get3A_8 : vector<2000x128xf32>
    %get3A_9 = arith.constant 0 : index
    %get3A_10 = arith.constant 0 : index
    %get3A_11 = vector.load %arg3[%get3A_9, %get3A_10] : memref<2000x1xf32, #tpu.memory_space<vmem>>, vector<2000x1xf32>
    %get3A_12 = arith.constant 0 : index
    %get3A_13 = arith.constant 0 : index
    %get3A_14 = vector.load %arg2[%get3A_12, %get3A_13] : memref<2000x128xf32, #tpu.memory_space<vmem>>, vector<2000x128xf32>
    %add3A_15 = arith.addf %add3A, %get3A_14 : vector<2000x128xf32>
    %mul3A = vector.broadcast %get3A_11 : vector<2000x1xf32> to vector<2000x128xf32>
    %mul3A_16 = arith.mulf %mul3A, %add3A_15 : vector<2000x128xf32>
    %get3A_17 = arith.constant 0 : index
    %get3A_18 = arith.constant 0 : index
    %get3A_19 = vector.load %arg6[%get3A_17, %get3A_18] : memref<1x128xf32, #tpu.memory_space<vmem>>, vector<1x128xf32>
    %add3A_20 = vector.broadcast %get3A_19 : vector<1x128xf32> to vector<2000x128xf32>
    %add3A_21 = arith.addf %mul3A_16, %add3A_20 : vector<2000x128xf32>
    %max3A = arith.constant 0.000000e+00 : f32
    %max3A_22 = vector.broadcast %max3A : f32 to vector<2000x128xf32>
    %max3A_23 = arith.maximumf %add3A_21, %max3A_22 : vector<2000x128xf32>
    %get3A_24 = arith.constant 0 : index
    %get3A_25 = arith.constant 0 : index
    %get3A_26 = vector.load %arg1[%get3A_24, %get3A_25] : memref<2000x128xf32, #tpu.memory_space<vmem>>, vector<2000x128xf32>
    %mul3A_27 = arith.constant 5.000000e-01 : f32
    %mul3A_28 = vector.broadcast %mul3A_27 : f32 to vector<2000x128xf32>
    %mul3A_29 = arith.mulf %mul3A_28, %get3A_26 : vector<2000x128xf32>
    %mul3A_30 = arith.constant 5.000000e-01 : f32
    %mul3A_31 = vector.broadcast %mul3A_30 : f32 to vector<2000x128xf32>
    %mul3A_32 = arith.mulf %mul3A_31, %max3A_23 : vector<2000x128xf32>
    %add3A_33 = arith.addf %mul3A_29, %mul3A_32 : vector<2000x128xf32>
    %swap3A = arith.constant 0 : index
    %swap3A_34 = arith.constant 0 : index
    %swap3A_35 = vector.load %arg8[%swap3A, %swap3A_34] : memref<2000x128xf32, #tpu.memory_space<vmem>>, vector<2000x128xf32>
    tpu.vector_store %arg8[%swap3A, %swap3A_34], %add3A_33 {strides = array<i32>} : memref<2000x128xf32, #tpu.memory_space<vmem>>, vector<2000x128xf32>,
    %get3A_36 = arith.constant 0 : index
    %get3A_37 = arith.constant 0 : index
    %get3A_38 = vector.load %arg7[%get3A_36, %get3A_37] : memref<128x128xf32, #tpu.memory_space<vmem>>, vector<128x128xf32>
    %dot_general3A = arith.constant dense<0.000000e+00> : vector<2000x128xf32>
    %dot_general3A_39 = tpu.matmul %add3A_33, %get3A_38, %dot_general3A {dimension_numbers = #tpu.dot_dimension_numbers<[1], [0], [0], [1], [0, 0, 1, 1], [], []>, precision = #tpu.contract_precision<fp32>, transpose_lhs_hint = false} : vector<2000x128xf32>, vector<128x128xf32>, vector<2000x128xf32> -> vector<2000x128xf32>
    %mul3A_40 = vector.broadcast %get3A_11 : vector<2000x1xf32> to vector<2000x128xf32>
    %mul3A_41 = arith.mulf %dot_general3A_39, %mul3A_40 : vector<2000x128xf32>
    %swap3A_42 = arith.constant 0 : index
    %swap3A_43 = arith.constant 0 : index
    %swap3A_44 = vector.load %arg9[%swap3A_42, %swap3A_43] : memref<2000x128xf32, #tpu.memory_space<vmem>>, vector<2000x128xf32>
    tpu.vector_store %arg9[%swap3A_42, %swap3A_43], %mul3A_41 {strides = array<i32>} : memref<2000x128xf32, #tpu.memory_space<vmem>>, vector<2000x128xf32>,
    return
  }
  func.func @transform_0(%arg0: i32) -> (i32, i32) {
    %c0_i32 = arith.constant 0 : i32
    %c0_i32_0 = arith.constant 0 : i32
    return %arg0, %c0_i32 : i32, i32
  }
  func.func @transform_1(%arg0: i32) -> (i32, i32) {
    %c0_i32 = arith.constant 0 : i32
    %c0_i32_0 = arith.constant 0 : i32
    return %arg0, %c0_i32 : i32, i32
  }
  func.func @transform_2(%arg0: i32) -> (i32, i32) {
    %c0_i32 = arith.constant 0 : i32
    %c0_i32_0 = arith.constant 0 : i32
    return %arg0, %c0_i32 : i32, i32
  }
  func.func @transform_3(%arg0: i32) -> (i32, i32, i32) {
    %c0_i32 = arith.constant 0 : i32
    %c0_i32_0 = arith.constant 0 : i32
    %c0_i32_1 = arith.constant 0 : i32
    return %c0_i32, %arg0, %c0_i32_0 : i32, i32, i32
  }
  func.func @transform_4(%arg0: i32) -> (i32, i32, i32) {
    %c1_i32 = arith.constant 1 : i32
    %c0_i32 = arith.constant 0 : i32
    %c0_i32_0 = arith.constant 0 : i32
    return %c1_i32, %arg0, %c0_i32 : i32, i32, i32
  }
  func.func @transform_5(%arg0: i32) -> (i32, i32) {
    %c0_i32 = arith.constant 0 : i32
    %c0_i32_0 = arith.constant 0 : i32
    %c0_i32_1 = arith.constant 0 : i32
    return %c0_i32, %c0_i32_0 : i32, i32
  }
  func.func @transform_6(%arg0: i32) -> (i32, i32) {
    %c0_i32 = arith.constant 0 : i32
    %c0_i32_0 = arith.constant 0 : i32
    %c0_i32_1 = arith.constant 0 : i32
    return %c0_i32, %c0_i32_0 : i32, i32
  }
  func.func @transform_7(%arg0: i32) -> (i32, i32) {
    %c0_i32 = arith.constant 0 : i32
    %c0_i32_0 = arith.constant 0 : i32
    return %arg0, %c0_i32 : i32, i32
  }
  func.func @transform_8(%arg0: i32) -> (i32, i32) {
    %c0_i32 = arith.constant 0 : i32
    %c0_i32_0 = arith.constant 0 : i32
    return %arg0, %c0_i32 : i32, i32
  }
}

module attributes {stable_mosaic.version = 14 : i64} {
  func.func @_fin_body(%arg0: i32, %arg1: memref<2000x128xf32, #tpu.memory_space<vmem>>, %arg2: memref<2000x128xf32, #tpu.memory_space<vmem>>, %arg3: memref<2000x1xf32, #tpu.memory_space<vmem>>, %arg4: memref<1x2000x128xf32, #tpu.memory_space<vmem>>, %arg5: memref<1x2000x128xf32, #tpu.memory_space<vmem>>, %arg6: memref<1x128xf32, #tpu.memory_space<vmem>>, %arg7: memref<128x40xf32, #tpu.memory_space<vmem>>, %arg8: memref<1x40xf32, #tpu.memory_space<vmem>>, %arg9: memref<2000x40xf32, #tpu.memory_space<vmem>>) attributes {dimension_semantics = [#tpu.dimension_semantics<arbitrary>], iteration_bounds = array<i64: 5>, scalar_prefetch = 0 : i64, scratch_operands = 0 : i64, tpu.core_type = #tpu.core_type<tc>, window_params = [{transform_indices = @transform_0, window_bounds = array<i64: 2000, 128>}, {transform_indices = @transform_1, window_bounds = array<i64: 2000, 128>}, {transform_indices = @transform_2, window_bounds = array<i64: 2000, 1>}, {transform_indices = @transform_3, window_bounds = array<i64: 1, 2000, 128>}, {transform_indices = @transform_4, window_bounds = array<i64: 1, 2000, 128>}, {pipeline_mode = #tpu.pipeline_mode<synchronous>, transform_indices = @transform_5, window_bounds = array<i64: 1, 128>}, {pipeline_mode = #tpu.pipeline_mode<synchronous>, transform_indices = @transform_6, window_bounds = array<i64: 128, 40>}, {pipeline_mode = #tpu.pipeline_mode<synchronous>, transform_indices = @transform_7, window_bounds = array<i64: 1, 40>}, {transform_indices = @transform_8, window_bounds = array<i64: 2000, 40>}]} {
    %get3A = arith.constant 0 : index
    %get3A_0 = arith.constant 0 : index
    %get3A_1 = arith.constant 0 : index
    %get3A_2 = vector.load %arg4[%get3A, %get3A_0, %get3A_1] : memref<1x2000x128xf32, #tpu.memory_space<vmem>>, vector<1x2000x128xf32>
    %get3A_3 = vector.shape_cast %get3A_2 : vector<1x2000x128xf32> to vector<2000x128xf32>
    %get3A_4 = arith.constant 0 : index
    %get3A_5 = arith.constant 0 : index
    %get3A_6 = arith.constant 0 : index
    %get3A_7 = vector.load %arg5[%get3A_4, %get3A_5, %get3A_6] : memref<1x2000x128xf32, #tpu.memory_space<vmem>>, vector<1x2000x128xf32>
    %get3A_8 = vector.shape_cast %get3A_7 : vector<1x2000x128xf32> to vector<2000x128xf32>
    %add3A = arith.addf %get3A_3, %get3A_8 : vector<2000x128xf32>
    %get3A_9 = arith.constant 0 : index
    %get3A_10 = arith.constant 0 : index
    %get3A_11 = vector.load %arg3[%get3A_9, %get3A_10] : memref<2000x1xf32, #tpu.memory_space<vmem>>, vector<2000x1xf32>
    %get3A_12 = arith.constant 0 : index
    %get3A_13 = arith.constant 0 : index
    %get3A_14 = vector.load %arg2[%get3A_12, %get3A_13] : memref<2000x128xf32, #tpu.memory_space<vmem>>, vector<2000x128xf32>
    %add3A_15 = arith.addf %add3A, %get3A_14 : vector<2000x128xf32>
    %mul3A = vector.broadcast %get3A_11 : vector<2000x1xf32> to vector<2000x128xf32>
    %mul3A_16 = arith.mulf %mul3A, %add3A_15 : vector<2000x128xf32>
    %get3A_17 = arith.constant 0 : index
    %get3A_18 = arith.constant 0 : index
    %get3A_19 = vector.load %arg6[%get3A_17, %get3A_18] : memref<1x128xf32, #tpu.memory_space<vmem>>, vector<1x128xf32>
    %add3A_20 = vector.broadcast %get3A_19 : vector<1x128xf32> to vector<2000x128xf32>
    %add3A_21 = arith.addf %mul3A_16, %add3A_20 : vector<2000x128xf32>
    %max3A = arith.constant 0.000000e+00 : f32
    %max3A_22 = vector.broadcast %max3A : f32 to vector<2000x128xf32>
    %max3A_23 = arith.maximumf %add3A_21, %max3A_22 : vector<2000x128xf32>
    %get3A_24 = arith.constant 0 : index
    %get3A_25 = arith.constant 0 : index
    %get3A_26 = vector.load %arg1[%get3A_24, %get3A_25] : memref<2000x128xf32, #tpu.memory_space<vmem>>, vector<2000x128xf32>
    %mul3A_27 = arith.constant 5.000000e-01 : f32
    %mul3A_28 = vector.broadcast %mul3A_27 : f32 to vector<2000x128xf32>
    %mul3A_29 = arith.mulf %mul3A_28, %get3A_26 : vector<2000x128xf32>
    %mul3A_30 = arith.constant 5.000000e-01 : f32
    %mul3A_31 = vector.broadcast %mul3A_30 : f32 to vector<2000x128xf32>
    %mul3A_32 = arith.mulf %mul3A_31, %max3A_23 : vector<2000x128xf32>
    %add3A_33 = arith.addf %mul3A_29, %mul3A_32 : vector<2000x128xf32>
    %get3A_34 = arith.constant 0 : index
    %get3A_35 = arith.constant 0 : index
    %get3A_36 = vector.load %arg7[%get3A_34, %get3A_35] : memref<128x40xf32, #tpu.memory_space<vmem>>, vector<128x40xf32>
    %dot_general3A = arith.constant dense<0.000000e+00> : vector<2000x40xf32>
    %dot_general3A_37 = tpu.matmul %add3A_33, %get3A_36, %dot_general3A {dimension_numbers = #tpu.dot_dimension_numbers<[1], [0], [0], [1], [0, 0, 1, 1], [], []>, precision = #tpu.contract_precision<fp32>, transpose_lhs_hint = false} : vector<2000x128xf32>, vector<128x40xf32>, vector<2000x40xf32> -> vector<2000x40xf32>
    %get3A_38 = arith.constant 0 : index
    %get3A_39 = arith.constant 0 : index
    %get3A_40 = vector.load %arg8[%get3A_38, %get3A_39] : memref<1x40xf32, #tpu.memory_space<vmem>>, vector<1x40xf32>
    %add3A_41 = vector.broadcast %get3A_40 : vector<1x40xf32> to vector<2000x40xf32>
    %add3A_42 = arith.addf %dot_general3A_37, %add3A_41 : vector<2000x40xf32>
    %reduce_max3A = arith.constant dense<0xFF800000> : vector<2000xf32>
    %reduce_max3A_43 = vector.multi_reduction <maximumf>, %add3A_42, %reduce_max3A [1] : vector<2000x40xf32> to vector<2000xf32>
    %broadcast_in_dim3A = vector.shape_cast %reduce_max3A_43 : vector<2000xf32> to vector<2000x1xf32>
    %sub3A = vector.broadcast %broadcast_in_dim3A : vector<2000x1xf32> to vector<2000x40xf32>
    %sub3A_44 = arith.subf %add3A_42, %sub3A : vector<2000x40xf32>
    %exp3A = math.exp %sub3A_44 : vector<2000x40xf32>
    %reduce_sum3A = arith.constant dense<0.000000e+00> : vector<2000xf32>
    %reduce_sum3A_45 = vector.multi_reduction <add>, %exp3A, %reduce_sum3A [1] : vector<2000x40xf32> to vector<2000xf32>
    %broadcast_in_dim3A_46 = vector.shape_cast %reduce_sum3A_45 : vector<2000xf32> to vector<2000x1xf32>
    %log3A = math.log %broadcast_in_dim3A_46 : vector<2000x1xf32>
    %add3A_47 = arith.addf %log3A, %broadcast_in_dim3A : vector<2000x1xf32>
    %sub3A_48 = vector.broadcast %add3A_47 : vector<2000x1xf32> to vector<2000x40xf32>
    %sub3A_49 = arith.subf %add3A_42, %sub3A_48 : vector<2000x40xf32>
    %swap3A = arith.constant 0 : index
    %swap3A_50 = arith.constant 0 : index
    %swap3A_51 = vector.load %arg9[%swap3A, %swap3A_50] : memref<2000x40xf32, #tpu.memory_space<vmem>>, vector<2000x40xf32>
    tpu.vector_store %arg9[%swap3A, %swap3A_50], %sub3A_49 {strides = array<i32>} : memref<2000x40xf32, #tpu.memory_space<vmem>>, vector<2000x40xf32>,
    return
  }
  func.func @transform_0(%arg0: i32) -> (i32, i32) {
    %c0_i32 = arith.constant 0 : i32
    %c0_i32_0 = arith.constant 0 : i32
    return %arg0, %c0_i32 : i32, i32
  }
  func.func @transform_1(%arg0: i32) -> (i32, i32) {
    %c0_i32 = arith.constant 0 : i32
    %c0_i32_0 = arith.constant 0 : i32
    return %arg0, %c0_i32 : i32, i32
  }
  func.func @transform_2(%arg0: i32) -> (i32, i32) {
    %c0_i32 = arith.constant 0 : i32
    %c0_i32_0 = arith.constant 0 : i32
    return %arg0, %c0_i32 : i32, i32
  }
  func.func @transform_3(%arg0: i32) -> (i32, i32, i32) {
    %c0_i32 = arith.constant 0 : i32
    %c0_i32_0 = arith.constant 0 : i32
    %c0_i32_1 = arith.constant 0 : i32
    return %c0_i32, %arg0, %c0_i32_0 : i32, i32, i32
  }
  func.func @transform_4(%arg0: i32) -> (i32, i32, i32) {
    %c1_i32 = arith.constant 1 : i32
    %c0_i32 = arith.constant 0 : i32
    %c0_i32_0 = arith.constant 0 : i32
    return %c1_i32, %arg0, %c0_i32 : i32, i32, i32
  }
  func.func @transform_5(%arg0: i32) -> (i32, i32) {
    %c0_i32 = arith.constant 0 : i32
    %c0_i32_0 = arith.constant 0 : i32
    %c0_i32_1 = arith.constant 0 : i32
    return %c0_i32, %c0_i32_0 : i32, i32
  }
  func.func @transform_6(%arg0: i32) -> (i32, i32) {
    %c0_i32 = arith.constant 0 : i32
    %c0_i32_0 = arith.constant 0 : i32
    %c0_i32_1 = arith.constant 0 : i32
    return %c0_i32, %c0_i32_0 : i32, i32
  }
  func.func @transform_7(%arg0: i32) -> (i32, i32) {
    %c0_i32 = arith.constant 0 : i32
    %c0_i32_0 = arith.constant 0 : i32
    %c0_i32_1 = arith.constant 0 : i32
    return %c0_i32, %c0_i32_0 : i32, i32
  }
  func.func @transform_8(%arg0: i32) -> (i32, i32) {
    %c0_i32 = arith.constant 0 : i32
    %c0_i32_0 = arith.constant 0 : i32
    return %arg0, %c0_i32 : i32, i32
  }
}

</mosaic_0001>

<sc_bundles>
// kernel: kernel.12.cloned.1.call-start
scs
__scs_entry_jumppad:
0x0: {  	(pc) =	sbr.rel $0x88, $3  }
0x1: {  	(tag) =	ssettag $0x0;
	lr =	simm.s32 $0x1  }
0x2: {  	[smem:$0x3F99] =	sst lr;
	_ =	strace $0xD0000000  }
0x3: {  	_ = 	snop  }
0x4: {  	_ = 	snop  }
0x5: {  	_ = 	snop  }
0x6: {  	_ = 	snop  }
0x7: {  	_ = 	snop  }
__scs_overlays_trampoline_lowered:
0x8: {  	[smem:$0x3FA8] =	sst s0  }
0x9: {  	[smem:$0x3FA9] =	sst s1  }
0xa: {  	[smem:$0x3FAA] =	sst s2  }
0xb: {  	[smem:$0x3FAB] =	sst s3  }
0xc: {  	[smem:$0x3FAC] =	sst s4  }
0xd: {  	[smem:$0x3FAD] =	sst s5  }
0xe: {  	[smem:$0x3FAE] =	sst s6  }
0xf: {  	[smem:$0x3FAF] =	sst s7  }
0x10: {  	[smem:$0x3FB0] =	sst s8  }
0x11: {  	[smem:$0x3FB1] =	sst s9;
	s0 =	simm.s32 @!p0 $0x0  }
0x12: {  	s1 =	sld [smem:$0x3F97];
	s0 =	simm.s32 @p0 $0x1  }
0x13: {  	[smem:$0x3FB2] =	sst s0;
	s0 =	simm.s32 @!p1 $0x0  }
0x14: {  	s2 =	sld [smem:$0x3F96];
	s0 =	simm.s32 @p1 $0x1  }
0x15: {  	[smem:$0x3FB3] =	sst s0;
	s0 =	simm.s32 @!p2 $0x0  }
0x16: {  	s3 =	sld [smem:$0x3FDB];
	s0 =	simm.s32 @p2 $0x1  }
0x17: {  	s4 =	simm.s32 $0x1BF5;
	[smem:$0x3FB5] =	sst s0  }
0x18: {  	s0 =	sld [smem:$0x3F98];
	_ =	swait.ge [sflag:s4], $0x0  }
0x19: {  	s7 =	sld [smem:$0x3F99]  }
0x1a: {  	s8 =	sadd.s32 $0xFFFFE003, lr  }
0x1b: {  	s9 =	sadd.s32 $0xFFFFFEF7, lr;
	s5 =	simm.s32 $0xFFFFFFFF;
	p2 =	slt.u32 s8, $0xFFFFF086  }
0x1c: {  	p1 =	slt.u32 s9, $0xF7A;
	s5 =	simm.s32 @!p2 $0x0  }
0x1d: {  	s5 =	simm.s32 @p1 $0x1;
	p0 =	seq.s32 s7, s2  }
0x1e: {  	s7 =	smul.u32 @!p0 $0xF7A, s2;
	p2 =	seq.s32 @!p0 s5, $0x0  }
0x1f: {  	s9 =	smul.u32 $0xF7A, s1;
	s8 =	simm.s32 @!p0 $0x1BF5;
	p2 =	por !p2, p0  }
0x20: {  	[sflag:s8] =	ssyncset.s32 @!p0 $0xFFFFF086;
	s6 =	sadd.s32 @!p0 s3, s7;
	s7 =	simm.s32 @!p0 $0x108  }
0x21: {  	s3 =	sadd.s32 s3, s9;
	s6 =	sadd.s32 @!p0 $0x88, s6;
	s7 =	simm.s32 @p2 $0x1082  }
0x22: {  	[simem:s7], [sflag:s8] =	dma.local @!p0 [hbm:s6], $0xF7A  }
0x23: {  	s9 =	sor.u32 $0xD0000000, s2;
	s6 =	simm.s32 $0x108;
	_ =	swait.ge @!p0 [sflag:s8], $0x0  }
0x24: {  	s3 =	sadd.s32 $0x88, s3;
	s6 =	simm.s32 @!p1 $0x1082;
	[sflag:s4] =	ssyncset.s32 $0xFFFFF086  }
0x25: {  	[simem:s6], [sflag:s4] =	dma.local [hbm:s3], $0xF7A  }
0x26: {  	[smem:$0x3F99] =	sst s1;
	(tag) =	ssettag s2;
	_ =	strace s9  }
0x27: {  	s1 =	sld [smem:$0x3FA9]  }
0x28: {  	s2 =	sld [smem:$0x3FAA]  }
0x29: {  	s4 =	sld [smem:$0x3FAC]  }
0x2a: {  	p0 =	seq.s32 s5, $0x0;
	s5 =	sld [smem:$0x3FAD]  }
0x2b: {  	s6 =	sld [smem:$0x3FAE]  }
0x2c: {  	s7 =	sld [smem:$0x3FAF]  }
0x2d: {  	s3 =	simm.s32 $0x108;
	s8 =	sld [smem:$0x3FB0]  }
0x2e: {  	s3 =	simm.s32 @!p0 $0x1082;
	s9 =	sld [smem:$0x3FB1]  }
0x2f: {  	lr =	sadd.s32 s0, s3;
	s0 =	sld [smem:$0x3FA8]  }
0x30: {  	s3 =	sld [smem:$0x3FAB]  }
0x31: {  	[smem:$0x3FB4] =	sst s10  }
0x32: {  	s10 =	sld [smem:$0x3FB2];
	_ =	sdelay $0x3  }
0x33: {  	p0 =	seq.s32 s10, $0x1;
	s10 =	sld [smem:$0x3FB4];
	_ =	sdelay $0x3  }
0x34: {  	[smem:$0x3FB4] =	sst s10  }
0x35: {  	s10 =	sld [smem:$0x3FB3];
	_ =	sdelay $0x3  }
0x36: {  	p1 =	seq.s32 s10, $0x1;
	s10 =	sld [smem:$0x3FB4];
	_ =	sdelay $0x3  }
0x37: {  	[smem:$0x3FB4] =	sst s10  }
0x38: {  	s10 =	sld [smem:$0x3FB5]  }
0x39: {  	_ = 	snop;
	(pc) =	sbr.ind lr, $3  }
0x3a: {  	_ = 	snop  }
0x3b: {  	_ = 	snop  }
0x3c: {  	p2 =	seq.s32 s10, $0x1;
	s10 =	sld [smem:$0x3FB4]  }
0x3d: {  	_ =	shalt  }
0x3e: {  	_ =	shalt  }
0x3f: {  	_ =	shalt  }
0x40: {  	_ =	shalt  }
0x41: {  	_ =	shalt  }
0x42: {  	_ =	shalt  }
0x43: {  	_ =	shalt  }
0x44: {  	_ =	shalt  }
0x45: {  	_ =	shalt  }
0x46: {  	_ =	shalt  }
0x47: {  	_ =	shalt  }
0x48: {  	_ =	shalt  }
0x49: {  	_ =	shalt  }
0x4a: {  	_ =	shalt  }
0x4b: {  	_ =	shalt  }
0x4c: {  	_ =	shalt  }
0x4d: {  	_ =	shalt  }
0x4e: {  	_ =	shalt  }
0x4f: {  	_ =	shalt  }
0x50: {  	_ =	shalt  }
0x51: {  	_ =	shalt  }
0x52: {  	_ =	shalt  }
0x53: {  	_ =	shalt  }
0x54: {  	_ =	shalt  }
0x55: {  	_ =	shalt  }
0x56: {  	_ =	shalt  }
0x57: {  	_ =	shalt  }
0x58: {  	_ =	shalt  }
0x59: {  	_ =	shalt  }
0x5a: {  	_ =	shalt  }
0x5b: {  	_ =	shalt  }
0x5c: {  	_ =	shalt  }
0x5d: {  	_ =	shalt  }
0x5e: {  	_ =	shalt  }
0x5f: {  	_ =	shalt  }
0x60: {  	_ =	shalt  }
0x61: {  	_ =	shalt  }
0x62: {  	_ =	shalt  }
0x63: {  	_ =	shalt  }
0x64: {  	_ =	shalt  }
0x65: {  	_ =	shalt  }
0x66: {  	_ =	shalt  }
0x67: {  	_ =	shalt  }
0x68: {  	_ =	shalt  }
0x69: {  	_ =	shalt  }
0x6a: {  	_ =	shalt  }
0x6b: {  	_ =	shalt  }
0x6c: {  	_ =	shalt  }
0x6d: {  	_ =	shalt  }
0x6e: {  	_ =	shalt  }
0x6f: {  	_ =	shalt  }
0x70: {  	_ =	shalt  }
0x71: {  	_ =	shalt  }
0x72: {  	_ =	shalt  }
0x73: {  	_ =	shalt  }
0x74: {  	_ =	shalt  }
0x75: {  	_ =	shalt  }
0x76: {  	_ =	shalt  }
0x77: {  	_ =	shalt  }
0x78: {  	_ =	shalt  }
0x79: {  	_ =	shalt  }
0x7a: {  	_ =	shalt  }
0x7b: {  	_ =	shalt  }
0x7c: {  	_ =	shalt  }
0x7d: {  	_ =	shalt  }
0x7e: {  	_ =	shalt  }
0x7f: {  	_ =	shalt  }
0x80: {  	_ =	shalt  }
0x81: {  	_ =	shalt  }
0x82: {  	_ =	shalt  }
0x83: {  	_ =	shalt  }
0x84: {  	_ =	shalt  }
0x85: {  	_ =	shalt  }
0x86: {  	_ =	shalt  }
0x87: {  	_ =	shalt  }
.Lfunc_end0:
.L_simem_size_0:
called_computation_lowered:
.L_overlay_start_0:
0x88: {  	s2 =	sld [smem:$0x3FD9]  }
0x89: {  	s3 =	sld [smem:$0x3FFE];
	_ =	sdelay $0x1  }
0x8a: {  	s1 =	srdreg.scid  }
0x8b: {  	s0 =	sand.u32 $0x1, s1  }
0x8c: {  	s17 =	sshll.u32 s0, $0xA;
	s2 =	sadd.s32 s3, s2  }
0x8d: {  	s2 =	sadd.s32 s2, s17  }
0x8e: {  	[smem:$0x3FC0] =	sst s2  }
0x8f: {  	_ = 	snop  }
0x90: {  	s2 =	sld [smem:$0x3FD0];
	(tm) =	ssettm $0x1  }
0x91: {  	s18 =	sld [smem:$0x3FFB];
	_ =	sdelay $0x3  }
0x92: {  	_ =	strace s18  }
0x93: {  	s3 =	sld [smem:$0x3FFC];
	_ =	sdelay $0x3  }
0x94: {  	_ =	strace s3  }
0x95: {  	s3 =	sld [smem:$0x3FFD];
	_ =	sdelay $0x3  }
0x96: {  	_ =	strace s3  }
0x97: {  	_ =	strace $0x8FFFFFFF  }
0x98: {  	s19 =	sld [smem:$0x3FDB];
	_ =	sdelay $0x1  }
0x99: {  	s4 =	simm.s32 $_scs_section_size  }
0x9a: {  	s5 =	simm.s32 $_size__tile_overlayer_lowered;
	s6 =	simm.s32 $_tile_overlayer_lowered  }
0x9b: {  	s22 =	simm.s32 $0x1BFF;
	s21 =	sshll.u32 s6, $0x1;
	s3 =	sadd.s32 s4, s19  }
0x9c: {  	s7 =	simm.s32 $0x0;
	s20 =	sshll.u32 s5, $0x1;
	s5 =	sadd.s32 s21, s3  }
0x9d: {  	[timem:s7], [sflag:s22] =	dma.local [hbm:s5], s20  }
0x9e: {  	_ =	swait.ge [sflag:s22], s20  }
0x9f: {  	s4 =	ssub.s32 $0x0, s20;
	[sflag:s22] =	ssyncset.done $0x0  }
0xa0: {  	[sflag:s22] =	ssyncadd.s32 s4;
	_ =	sdelay $0x1  }
0xa1: {  	s23 =	simm.s32 $0x1B8B  }
0xa2: {  	_ =	swait.ge [sflag:s23], $0x1  }
0xa3: {  	[sflag:s23] =	ssyncset.done $0x0  }
0xa4: {  	s25 =	simm.s32 $0x1B8E;
	s24 =	sld [smem:$0x3FFE];
	[sflag:s23] =	ssyncadd.s32 $0xFFFFFFFF  }
0xa5: {  	s26 =	simm.s32 $execute0_lowered;
	[smem:$0x3FD2] =	sst s25  }
0xa6: {  	s5 =	sshll.u32 s26, $0x1;
	_ =	strace $0x80000046;
	[dreg:$0x1] =	wrdreg $0xFFFFFFFF  }
0xa7: {  	s28 =	simm.s32 $_size_execute0_lowered;
	s3 =	sadd.s32 s3, s5;
	[dreg:$0x0] =	wrdreg $0x0  }
0xa8: {  	s5 =	sshll.u32 s28, $0x1;
	[dreg:$0x2] =	wrdreg s3  }
0xa9: {  	[dreg:$0x3] =	wrdreg s5  }
0xaa: {  	[dreg:$0x4] =	wrdreg $0xC0  }
0xab: {  	_ =	task [dreg:s7], $0x5FFFF  }
0xac: {  	[dreg:$0x1] =	wrdreg $0xFFFFFFFF  }
0xad: {  	[dreg:$0x0] =	wrdreg $0x60  }
0xae: {  	[dreg:$0x2] =	wrdreg s2  }
0xaf: {  	[dreg:$0x3] =	wrdreg s24  }
0xb0: {  	[dreg:$0x4] =	wrdreg $0x2F000  }
0xb1: {  	[dreg:$0x5] =	wrdreg $0x9  }
0xb2: {  	_ =	task.clear_ibuf [dreg:s7], $0x6FFFF;
	_ =	strace $0x90000046  }
0xb3: {  	s29 =	simm.s32 $0x9;
	_ =	strace $0x80000048  }
0xb4: {  	_ =	swait.ge [sflag:s29], $0x1  }
0xb5: {  	[sflag:s29] =	ssyncadd.s32 $0xFFFFFFFF  }
0xb6: {  	_ =	strace $0x90000048  }
0xb7: {  	_ =	sfence  }
0xb8: {  	s30 =	sld [smem:$0x0];
	_ =	sdelay $0x2  }
0xb9: {  	s31 =	sshll.u32 s1, $0xD;
	s1 =	sshrl.u32 s1, $0x2  }
0xba: {  	s3 =	sand.u32 $0x4000, s31;
	s1 =	sadd.s32 s1, s30  }
0xbb: {  	s0 =	sor.u32 s3, s0;
	s1 =	sshll.u32 s1, $0x11  }
0xbc: {  	s0 =	sor.u32 s1, s0  }
0xbd: {  	s0 =	sadd.s32 $0x8F2B, s0  }
0xbe: {  	[sflag:s0] =	ssyncadd.remote.s32 $0x1  }
0xbf: {  	_ =	sfence.sel $0xFFFF  }
0xc0: {  	[dreg:$0x0] =	wrdreg $0xFFFFFFFF;
	(pc) =	sbr.abs _section_cstart, $3  }
0xc1: {  	[dreg:$0x1] =	wrdreg $0xFFFFFFFF  }
0xc2: {  	_ =	task.clear_ibuf [dreg:s7], $0x2FFFF;
	_ =	strace $0x9FFFFFFF  }
0xc3: {  	(tm) =	ssettm $0x7FFFFFFF  }
tec
execute0_lowered:
.L_overlay_start_1:
0x0: {  	(tag) =	ssettag $0x1  }
0x1: {  	s1 =	rddreg [dreg:$0x0]  }
0x2: {  	s5 =	rddreg [dreg:$0x1]  }
0x3: {  	s2 =	srdreg.scid;
	s0 =	stileid.u32  }
0x4: {  	s3 =	rddreg [dreg:$0x2];
	s4 =	simm.s32 $0x0;
	s12 =	simm.s32 $0x2  }
0x5: {  	s13 =	simm.s32 $0x80;
	s6 =	sand.u32 $0x1, s2;
	s7 =	smul.u32 $0x280, s0  }
0x6: {  	s14 =	simm.s32 $0x2C00;
	s2 =	rddreg [dreg:$0x3];
	s8 =	smul.u32 $0x2800, s6  }
0x7: {  	s15 =	simm.s32 $0x0;
	[smem:$0x7FF] =	sst s4;
	s10 =	smul.u32 $0xA20, s0  }
0x8: {  	_ =	strace $0x80000047;
	s9 =	ssub.s32 $0x2, s6;
	s8 =	sadd.s32 s7, s8  }
0x9: {  	s11 =	smul.u32 $0x510, s6;
	s31 =	sshrl.u32 s9, $0x1;
	s8 =	sshrl.u32 s8, $0x3  }
0xa: {  	s6 =	sadd.s32 s7, s3;
	s9 =	ssub.s32 s9, s31;
	s8 =	sadd.s32 s8, s5  }
0xb: {  	s5 =	sadd.s32 $0x80, s1;
	s7 =	sadd.s32 $0x5A00, s8;
	s8 =	smax.u32 s9, $0x1  }
0xc: {  	v0 =	vimm.f32 $1.000000000e+00;
	v1 =	vimm.f32 $0.0e+00;
	s9 =	sadd.s32 s11, s10;
	s10 =	simm.s32 $0x1;
	s11 =	simm.s32 $0x2C80  }
.LBB2_1:
0xd: {  	s16 =	simm.s32 $0x0;
	s17 =	sadd.s32 s9, s1  }
0xe: {  	[tilespmem:s16], [sflag:$0x1] =	stream.linear.gather [hbm4b:s17+s4], $0x80, $0x38;
	[tilespmem:$0x3180] =	vst v63  }
0xf: {  	s31 =	simm.s32 $0x80;
	s18 =	sadd.s32 $0x10, s17  }
0x10: {  	[tilespmem:s31], [sflag:$0x1] =	stream.linear.gather [hbm4b:s18+s4], $0x80, $0x38;
	[tilespmem:$0x3180] =	vst v63  }
0x11: {  	s19 =	sadd.s32 $0x20, s17;
	s18 =	simm.s32 $0x100  }
0x12: {  	[tilespmem:s18], [sflag:$0x1] =	stream.linear.gather [hbm4b:s19+s4], $0x80, $0x38;
	[tilespmem:$0x3180] =	vst v63  }
0x13: {  	s20 =	simm.s32 $0x180;
	s21 =	sadd.s32 $0x30, s17  }
0x14: {  	[tilespmem:s20], [sflag:$0x1] =	stream.linear.gather [hbm4b:s21+s4], $0x80, $0x38;
	[tilespmem:$0x3180] =	vst v63  }
0x15: {  	s22 =	simm.s32 $0x200;
	s23 =	sadd.s32 $0x40, s17  }
0x16: {  	[tilespmem:s22], [sflag:$0x1] =	stream.linear.gather [hbm4b:s23+s4], $0x80, $0x38;
	[tilespmem:$0x3180] =	vst v63  }
0x17: {  	s24 =	sand.u32 $0xFFFFF80, s9;
	s25 =	simm.s32 $0x280;
	s19 =	sadd.s32 $0x50, s17  }
0x18: {  	[tilespmem:s25], [sflag:$0x1] =	stream.linear.gather [hbm4b:s19+s4], $0x80, $0x38;
	[tilespmem:$0x3180] =	vst v63  }
0x19: {  	s28 =	simm.s32 $0x300;
	s29 =	sand.u32 $0x70, s9;
	s26 =	sadd.s32 $0x60, s17  }
0x1a: {  	[tilespmem:s28], [sflag:$0x1] =	stream.linear.gather [hbm4b:s26+s4], $0x80, $0x38;
	[tilespmem:$0x3180] =	vst v63  }
0x1b: {  	s30 =	simm.s32 $0x380;
	s16 =	sadd.s32 s24, s5;
	s17 =	sadd.s32 $0x70, s17  }
0x1c: {  	[tilespmem:s30], [sflag:$0x1] =	stream.linear.gather [hbm4b:s17+s4], $0x80, $0x38;
	[tilespmem:$0x3180] =	vst v63  }
0x1d: {  	s16 =	sadd.s32 s29, s16;
	s31 =	simm.s32 $0x400  }
0x1e: {  	[tilespmem:s31], [sflag:$0x1] =	stream.linear.gather [hbm4b:s16+s4], $0x80, $0x38;
	[tilespmem:$0x3180] =	vst v63  }
0x1f: {  	_ =	swait.ge [sflag:s10], $0x80  }
0x20: {  	[sflag:s10] =	ssyncset.done $0x0  }
0x21: {  	[sflag:s10] =	ssyncadd.s32 $0xFFFFFF80  }
0x22: {  	_ =	swait.ge [sflag:s10], $0x80  }
0x23: {  	[sflag:s10] =	ssyncset.done $0x0  }
0x24: {  	[sflag:s10] =	ssyncadd.s32 $0xFFFFFF80  }
0x25: {  	_ =	swait.ge [sflag:s10], $0x80  }
0x26: {  	[sflag:s10] =	ssyncset.done $0x0  }
0x27: {  	[sflag:s10] =	ssyncadd.s32 $0xFFFFFF80  }
0x28: {  	_ =	swait.ge [sflag:s10], $0x80  }
0x29: {  	[sflag:s10] =	ssyncset.done $0x0  }
0x2a: {  	[sflag:s10] =	ssyncadd.s32 $0xFFFFFF80  }
0x2b: {  	_ =	swait.ge [sflag:s10], $0x80  }
0x2c: {  	[sflag:s10] =	ssyncset.done $0x0  }
0x2d: {  	[sflag:s10] =	ssyncadd.s32 $0xFFFFFF80  }
0x2e: {  	_ =	swait.ge [sflag:s10], $0x80  }
0x2f: {  	[sflag:s10] =	ssyncset.done $0x0  }
0x30: {  	[sflag:s10] =	ssyncadd.s32 $0xFFFFFF80  }
0x31: {  	_ =	swait.ge [sflag:s10], $0x80  }
0x32: {  	[sflag:s10] =	ssyncset.done $0x0  }
0x33: {  	[sflag:s10] =	ssyncadd.s32 $0xFFFFFF80  }
0x34: {  	s18 =	simm.s32 $0x2400;
	_ =	swait.ge [sflag:s10], $0x80  }
0x35: {  	s17 =	simm.s32 $0x1200;
	s16 =	sadd.s32 $0x90, s9;
	[sflag:s10] =	ssyncset.done $0x0  }
.LBB2_2:
0x36: {  	s19 =	sshra.s32 s17, $0x2  }
0x37: {  	s20 =	sadd.s32 s16, s1;
	[sflag:s10] =	ssyncadd.s32 $0xFFFFFF80;
	s17 =	smov.u32 s18  }
0x38: {  	s21 =	sadd.s32 $0x80, s19;
	s22 =	sadd.s32 $0x10, s20;
	_ =	swait.ge [sflag:s10], $0x80  }
0x39: {  	p0 =	sne.s32 s18, $0x9000;
	s18 =	sadd.s32 $0x1200, s18;
	[sflag:s10] =	ssyncset.done $0x0  }
0x3a: {  	[sflag:s10] =	ssyncadd.s32 $0xFFFFFF80  }
0x3b: {  	[tilespmem:s19], [sflag:$0x1] =	stream.linear.gather [hbm4b:s20+s4], $0x80, $0x38;
	[tilespmem:$0x3180] =	vst v63  }
0x3c: {  	_ = 	snop  }
0x3d: {  	[tilespmem:s21], [sflag:$0x1] =	stream.linear.gather [hbm4b:s22+s4], $0x80, $0x38;
	[tilespmem:$0x3180] =	vst v63  }
0x3e: {  	s23 =	sadd.s32 $0x20, s20;
	s21 =	sand.u32 $0xFFFFF80, s16;
	s22 =	sadd.s32 $0x100, s19  }
0x3f: {  	[tilespmem:s22], [sflag:$0x1] =	stream.linear.gather [hbm4b:s23+s4], $0x80, $0x38;
	[tilespmem:$0x3180] =	vst v63  }
0x40: {  	s24 =	sadd.s32 $0x60, s20;
	s22 =	sadd.s32 $0x180, s19;
	s23 =	sadd.s32 $0x30, s20  }
0x41: {  	[tilespmem:s22], [sflag:$0x1] =	stream.linear.gather [hbm4b:s23+s4], $0x80, $0x38;
	[tilespmem:$0x3180] =	vst v63  }
0x42: {  	s25 =	sadd.s32 $0x300, s19;
	s22 =	sadd.s32 $0x200, s19;
	s23 =	sadd.s32 $0x40, s20  }
0x43: {  	[tilespmem:s22], [sflag:$0x1] =	stream.linear.gather [hbm4b:s23+s4], $0x80, $0x38;
	[tilespmem:$0x3180] =	vst v63  }
0x44: {  	s21 =	sadd.s32 s21, s5;
	s22 =	sadd.s32 $0x280, s19;
	s23 =	sadd.s32 $0x50, s20  }
0x45: {  	[tilespmem:s22], [sflag:$0x1] =	stream.linear.gather [hbm4b:s23+s4], $0x80, $0x38;
	[tilespmem:$0x3180] =	vst v63  }
0x46: {  	s22 =	sand.u32 $0x70, s16  }
0x47: {  	[tilespmem:s25], [sflag:$0x1] =	stream.linear.gather [hbm4b:s24+s4], $0x80, $0x38;
	[tilespmem:$0x3180] =	vst v63  }
0x48: {  	s20 =	sadd.s32 $0x70, s20;
	s23 =	sadd.s32 $0x380, s19;
	s19 =	sadd.s32 $0x400, s19  }
0x49: {  	[tilespmem:s23], [sflag:$0x1] =	stream.linear.gather [hbm4b:s20+s4], $0x80, $0x38;
	[tilespmem:$0x3180] =	vst v63  }
0x4a: {  	s20 =	sadd.s32 s22, s21  }
0x4b: {  	[tilespmem:s19], [sflag:$0x1] =	stream.linear.gather [hbm4b:s20+s4], $0x80, $0x38;
	[tilespmem:$0x3180] =	vst v63  }
0x4c: {  	_ =	swait.ge [sflag:s10], $0x80  }
0x4d: {  	[sflag:s10] =	ssyncset.done $0x0  }
0x4e: {  	[sflag:s10] =	ssyncadd.s32 $0xFFFFFF80  }
0x4f: {  	_ =	swait.ge [sflag:s10], $0x80  }
0x50: {  	[sflag:s10] =	ssyncset.done $0x0  }
0x51: {  	[sflag:s10] =	ssyncadd.s32 $0xFFFFFF80  }
0x52: {  	_ =	swait.ge [sflag:s10], $0x80  }
0x53: {  	[sflag:s10] =	ssyncset.done $0x0  }
0x54: {  	[sflag:s10] =	ssyncadd.s32 $0xFFFFFF80  }
0x55: {  	_ =	swait.ge [sflag:s10], $0x80  }
0x56: {  	[sflag:s10] =	ssyncset.done $0x0  }
0x57: {  	[sflag:s10] =	ssyncadd.s32 $0xFFFFFF80  }
0x58: {  	_ =	swait.ge [sflag:s10], $0x80  }
0x59: {  	[sflag:s10] =	ssyncset.done $0x0  }
0x5a: {  	[sflag:s10] =	ssyncadd.s32 $0xFFFFFF80  }
0x5b: {  	_ =	swait.ge [sflag:s10], $0x80  }
0x5c: {  	[sflag:s10] =	ssyncset.done $0x0  }
0x5d: {  	[sflag:s10] =	ssyncadd.s32 $0xFFFFFF80  }
.Ltmp0:
0x5e: {  	_ =	swait.ge [sflag:s10], $0x80;
	(pc) =	sbr.rel @p0 .LBB2_2-.Ltmp0, $4  }
0x5f: {  	[sflag:s10] =	ssyncset.done $0x0  }
0x60: {  	[sflag:s10] =	ssyncadd.s32 $0xFFFFFF80  }
0x61: {  	_ =	swait.ge [sflag:s10], $0x80  }
0x62: {  	s16 =	sadd.s32 $0x90, s16;
	[sflag:s10] =	ssyncset.done $0x0  }
0x63: {  	[sflag:s10] =	ssyncadd.s32 $0xFFFFFF80  }
0x64: {  	_ =	swait.ge [sflag:s10], $0x80  }
0x65: {  	[sflag:s10] =	ssyncset.done $0x0  }
0x66: {  	s17 =	sshra.s32 s17, $0x2;
	s18 =	sadd.s32 s16, s1;
	[sflag:s10] =	ssyncadd.s32 $0xFFFFFF80  }
0x67: {  	[tilespmem:s17], [sflag:$0x1] =	stream.linear.gather [hbm4b:s18+s4], $0x80, $0x38;
	[tilespmem:$0x3180] =	vst v63  }
0x68: {  	s19 =	sadd.s32 $0x80, s17;
	s20 =	sadd.s32 $0x10, s18  }
0x69: {  	[tilespmem:s19], [sflag:$0x1] =	stream.linear.gather [hbm4b:s20+s4], $0x80, $0x38;
	[tilespmem:$0x3180] =	vst v63  }
0x6a: {  	s21 =	sadd.s32 $0x20, s18;
	s20 =	sadd.s32 $0x100, s17  }
0x6b: {  	[tilespmem:s20], [sflag:$0x1] =	stream.linear.gather [hbm4b:s21+s4], $0x80, $0x38;
	[tilespmem:$0x3180] =	vst v63  }
0x6c: {  	s22 =	sadd.s32 $0x180, s17;
	s23 =	sadd.s32 $0x30, s18  }
0x6d: {  	[tilespmem:s22], [sflag:$0x1] =	stream.linear.gather [hbm4b:s23+s4], $0x80, $0x38;
	[tilespmem:$0x3180] =	vst v63  }
0x6e: {  	s24 =	sadd.s32 $0x200, s17;
	s25 =	sadd.s32 $0x40, s18  }
0x6f: {  	[tilespmem:s24], [sflag:$0x1] =	stream.linear.gather [hbm4b:s25+s4], $0x80, $0x38;
	[tilespmem:$0x3180] =	vst v63  }
0x70: {  	s26 =	sand.u32 $0xFFFFF80, s16;
	s28 =	sadd.s32 $0x280, s17;
	s21 =	sadd.s32 $0x50, s18  }
0x71: {  	[tilespmem:s28], [sflag:$0x1] =	stream.linear.gather [hbm4b:s21+s4], $0x80, $0x38;
	[tilespmem:$0x3180] =	vst v63  }
0x72: {  	s31 =	sand.u32 $0x70, s16;
	s29 =	sadd.s32 $0x60, s18;
	s30 =	sadd.s32 $0x300, s17  }
0x73: {  	[tilespmem:s30], [sflag:$0x1] =	stream.linear.gather [hbm4b:s29+s4], $0x80, $0x38;
	[tilespmem:$0x3180] =	vst v63  }
0x74: {  	s19 =	sadd.s32 s26, s5;
	s18 =	sadd.s32 $0x70, s18;
	s21 =	sadd.s32 $0x380, s17  }
0x75: {  	[tilespmem:s21], [sflag:$0x1] =	stream.linear.gather [hbm4b:s18+s4], $0x80, $0x38;
	[tilespmem:$0x3180] =	vst v63  }
0x76: {  	s16 =	sadd.s32 s31, s19;
	s17 =	sadd.s32 $0x400, s17  }
0x77: {  	[tilespmem:s17], [sflag:$0x1] =	stream.linear.gather [hbm4b:s16+s4], $0x80, $0x38;
	[tilespmem:$0x3180] =	vst v63  }
0x78: {  	_ =	swait.ge [sflag:s10], $0x80  }
0x79: {  	[sflag:s10] =	ssyncset.done $0x0  }
0x7a: {  	[sflag:s10] =	ssyncadd.s32 $0xFFFFFF80  }
0x7b: {  	_ =	swait.ge [sflag:s10], $0x80  }
0x7c: {  	[sflag:s10] =	ssyncset.done $0x0  }
0x7d: {  	[sflag:s10] =	ssyncadd.s32 $0xFFFFFF80  }
0x7e: {  	_ =	swait.ge [sflag:s10], $0x80  }
0x7f: {  	[sflag:s10] =	ssyncset.done $0x0  }
0x80: {  	[sflag:s10] =	ssyncadd.s32 $0xFFFFFF80  }
0x81: {  	_ =	swait.ge [sflag:s10], $0x80  }
0x82: {  	[sflag:s10] =	ssyncset.done $0x0  }
0x83: {  	[sflag:s10] =	ssyncadd.s32 $0xFFFFFF80  }
0x84: {  	_ =	swait.ge [sflag:s10], $0x80  }
0x85: {  	[sflag:s10] =	ssyncset.done $0x0  }
0x86: {  	[sflag:s10] =	ssyncadd.s32 $0xFFFFFF80  }
0x87: {  	_ =	swait.ge [sflag:s10], $0x80  }
0x88: {  	[sflag:s10] =	ssyncset.done $0x0  }
0x89: {  	[sflag:s10] =	ssyncadd.s32 $0xFFFFFF80  }
0x8a: {  	_ =	swait.ge [sflag:s10], $0x80  }
0x8b: {  	[sflag:s10] =	ssyncset.done $0x0  }
0x8c: {  	[sflag:s10] =	ssyncadd.s32 $0xFFFFFF80  }
0x8d: {  	_ =	swait.ge [sflag:s10], $0x80  }
0x8e: {  	[sflag:s10] =	ssyncset.done $0x0  }
0x8f: {  	[sflag:s10] =	ssyncadd.s32 $0xFFFFFF80  }
0x90: {  	_ =	swait.ge [sflag:s10], $0x80  }
0x91: {  	[sflag:s10] =	ssyncset.done $0x0  }
0x92: {  	[sflag:s10] =	ssyncadd.s32 $0xFFFFFF80  }
0x93: {  	[tilespmem:$0x2C00] =	vst v0  }
0x94: {  	[tilespmem:$0x2C80] =	vst v1  }
0x95: {  	[tilespmem:$0x2C10] =	vst v0  }
0x96: {  	[tilespmem:$0x2C90] =	vst v1  }
0x97: {  	[tilespmem:$0x2C20] =	vst v0  }
0x98: {  	[tilespmem:$0x2CA0] =	vst v1  }
0x99: {  	[tilespmem:$0x2C30] =	vst v0  }
0x9a: {  	[tilespmem:$0x2CB0] =	vst v1  }
0x9b: {  	[tilespmem:$0x2C40] =	vst v0  }
0x9c: {  	[tilespmem:$0x2CC0] =	vst v1  }
0x9d: {  	[tilespmem:$0x2C50] =	vst v0  }
0x9e: {  	[tilespmem:$0x2CD0] =	vst v1  }
0x9f: {  	[tilespmem:$0x2C60] =	vst v0  }
0xa0: {  	[tilespmem:$0x2CE0] =	vst v1  }
0xa1: {  	[tilespmem:$0x2C70] =	vst v0  }
0xa2: {  	[tilespmem:$0x2CF0] =	vst v1  }
0xa3: {  	[tilespmem:$0x2D00] =	vst v1  }
0xa4: {  	[tilespmem:$0x2D10] =	vst v1  }
0xa5: {  	[tilespmem:$0x2D20] =	vst v1  }
0xa6: {  	[tilespmem:$0x2D30] =	vst v1  }
0xa7: {  	[tilespmem:$0x2D40] =	vst v1  }
0xa8: {  	[tilespmem:$0x2D50] =	vst v1  }
0xa9: {  	[tilespmem:$0x2D60] =	vst v1  }
0xaa: {  	[tilespmem:$0x2D70] =	vst v1  }
0xab: {  	[tilespmem:$0x2D80] =	vst v1  }
0xac: {  	[tilespmem:$0x2D90] =	vst v1  }
0xad: {  	[tilespmem:$0x2DA0] =	vst v1  }
0xae: {  	[tilespmem:$0x2DB0] =	vst v1  }
0xaf: {  	[tilespmem:$0x2DC0] =	vst v1  }
0xb0: {  	[tilespmem:$0x2DD0] =	vst v1  }
0xb1: {  	[tilespmem:$0x2DE0] =	vst v1  }
0xb2: {  	[tilespmem:$0x2DF0] =	vst v1  }
0xb3: {  	[tilespmem:$0x2E00] =	vst v1  }
0xb4: {  	[tilespmem:$0x2E10] =	vst v1  }
0xb5: {  	[tilespmem:$0x2E20] =	vst v1  }
0xb6: {  	[tilespmem:$0x2E30] =	vst v1  }
0xb7: {  	[tilespmem:$0x2E40] =	vst v1  }
0xb8: {  	[tilespmem:$0x2E50] =	vst v1  }
0xb9: {  	[tilespmem:$0x2E60] =	vst v1  }
0xba: {  	[tilespmem:$0x2E70] =	vst v1  }
0xbb: {  	[tilespmem:$0x2E80] =	vst v1  }
0xbc: {  	[tilespmem:$0x2E90] =	vst v1  }
0xbd: {  	[tilespmem:$0x2EA0] =	vst v1  }
0xbe: {  	[tilespmem:$0x2EB0] =	vst v1  }
0xbf: {  	[tilespmem:$0x2EC0] =	vst v1  }
0xc0: {  	[tilespmem:$0x2ED0] =	vst v1  }
0xc1: {  	[tilespmem:$0x2EE0] =	vst v1  }
0xc2: {  	[tilespmem:$0x2EF0] =	vst v1  }
0xc3: {  	[spmem:s6] =	stream.linear.scatter [tilespmem:s11], [sflag:$0x2], $0x280, $0x38;
	[tilespmem:$0x3180] =	vst v63  }
0xc4: {  	_ =	swait.ge [sflag:s12], $0x280  }
0xc5: {  	[sflag:s12] =	ssyncset.done $0x0  }
0xc6: {  	[sflag:s12] =	ssyncadd.s32 $0xFFFFFD80  }
0xc7: {  	s22 =	simm.s32 $0x0;
	[bflag:$0x0] =	sbarrier.arrive $0xFFFF  }
0xc8: {  	[spmem:s3] =	stream.indirect.scatter.add.f32 [tilespmem:s14], [sflag:$0x1], $0x1, s22, s13, $0xb8;
	[tilespmem:$0x3180] =	vst v63  }
0xc9: {  	s23 =	simm.s32 $0x80  }
0xca: {  	[spmem:s3] =	stream.indirect.scatter.add.f32 [tilespmem:s14], [sflag:$0x1], $0x1, s23, s13, $0xb8;
	[tilespmem:$0x3180] =	vst v63  }
0xcb: {  	s24 =	simm.s32 $0x100  }
0xcc: {  	[spmem:s3] =	stream.indirect.scatter.add.f32 [tilespmem:s14], [sflag:$0x1], $0x1, s24, s13, $0xb8;
	[tilespmem:$0x3180] =	vst v63  }
0xcd: {  	s25 =	simm.s32 $0x180  }
0xce: {  	[spmem:s3] =	stream.indirect.scatter.add.f32 [tilespmem:s14], [sflag:$0x1], $0x1, s25, s13, $0xb8;
	[tilespmem:$0x3180] =	vst v63  }
0xcf: {  	s26 =	simm.s32 $0x200  }
0xd0: {  	[spmem:s3] =	stream.indirect.scatter.add.f32 [tilespmem:s14], [sflag:$0x1], $0x1, s26, s13, $0xb8;
	[tilespmem:$0x3180] =	vst v63  }
0xd1: {  	s28 =	simm.s32 $0x280  }
0xd2: {  	[spmem:s3] =	stream.indirect.scatter.add.f32 [tilespmem:s14], [sflag:$0x1], $0x1, s28, s13, $0xb8;
	[tilespmem:$0x3180] =	vst v63  }
0xd3: {  	s29 =	simm.s32 $0x300  }
0xd4: {  	[spmem:s3] =	stream.indirect.scatter.add.f32 [tilespmem:s14], [sflag:$0x1], $0x1, s29, s13, $0xb8;
	[tilespmem:$0x3180] =	vst v63  }
0xd5: {  	s30 =	simm.s32 $0x380  }
0xd6: {  	[spmem:s3] =	stream.indirect.scatter.add.f32 [tilespmem:s14], [sflag:$0x1], $0x1, s30, s13, $0xb8;
	[tilespmem:$0x3180] =	vst v63  }
0xd7: {  	s31 =	simm.s32 $0x400  }
0xd8: {  	[spmem:s3] =	stream.indirect.scatter.add.f32 [tilespmem:s14], [sflag:$0x1], $0x1, s31, s13, $0xb8;
	[tilespmem:$0x3180] =	vst v63  }
0xd9: {  	_ =	swait.ge [sflag:s10], $0x80  }
0xda: {  	[sflag:s10] =	ssyncset.done $0x0  }
0xdb: {  	[sflag:s10] =	ssyncadd.s32 $0xFFFFFF80  }
0xdc: {  	_ =	swait.ge [sflag:s10], $0x80  }
0xdd: {  	[sflag:s10] =	ssyncset.done $0x0  }
0xde: {  	[sflag:s10] =	ssyncadd.s32 $0xFFFFFF80  }
0xdf: {  	_ =	swait.ge [sflag:s10], $0x80  }
0xe0: {  	[sflag:s10] =	ssyncset.done $0x0  }
0xe1: {  	[sflag:s10] =	ssyncadd.s32 $0xFFFFFF80  }
0xe2: {  	_ =	swait.ge [sflag:s10], $0x80  }
0xe3: {  	[sflag:s10] =	ssyncset.done $0x0  }
0xe4: {  	[sflag:s10] =	ssyncadd.s32 $0xFFFFFF80  }
0xe5: {  	_ =	swait.ge [sflag:s10], $0x80  }
0xe6: {  	[sflag:s10] =	ssyncset.done $0x0  }
0xe7: {  	[sflag:s10] =	ssyncadd.s32 $0xFFFFFF80  }
0xe8: {  	_ =	swait.ge [sflag:s10], $0x80  }
0xe9: {  	[sflag:s10] =	ssyncset.done $0x0  }
0xea: {  	[sflag:s10] =	ssyncadd.s32 $0xFFFFFF80  }
0xeb: {  	_ =	swait.ge [sflag:s10], $0x80  }
0xec: {  	[sflag:s10] =	ssyncset.done $0x0  }
0xed: {  	[sflag:s10] =	ssyncadd.s32 $0xFFFFFF80  }
0xee: {  	_ =	swait.ge [sflag:s10], $0x80  }
0xef: {  	[sflag:s10] =	ssyncset.done $0x0  }
0xf0: {  	[sflag:s10] =	ssyncadd.s32 $0xFFFFFF80  }
0xf1: {  	_ =	swait.ge [sflag:s10], $0x80  }
0xf2: {  	s18 =	simm.s32 $0x2400;
	s16 =	simm.s32 $0x1200;
	[sflag:s10] =	ssyncset.done $0x0  }
.LBB2_4:
0xf3: {  	s19 =	sshra.s32 s16, $0x2  }
0xf4: {  	[sflag:s10] =	ssyncadd.s32 $0xFFFFFF80;
	s16 =	smov.u32 s18;
	s17 =	sadd.s32 $0x1200, s18  }
0xf5: {  	[spmem:s3] =	stream.indirect.scatter.add.f32 [tilespmem:s14], [sflag:$0x1], $0x1, s19, s13, $0xb8;
	[tilespmem:$0x3180] =	vst v63  }
0xf6: {  	p0 =	sne.s32 s18, $0x9000;
	s18 =	sadd.s32 $0x80, s19  }
0xf7: {  	[spmem:s3] =	stream.indirect.scatter.add.f32 [tilespmem:s14], [sflag:$0x1], $0x1, s18, s13, $0xb8;
	[tilespmem:$0x3180] =	vst v63  }
0xf8: {  	s18 =	sadd.s32 $0x100, s19  }
0xf9: {  	[spmem:s3] =	stream.indirect.scatter.add.f32 [tilespmem:s14], [sflag:$0x1], $0x1, s18, s13, $0xb8;
	[tilespmem:$0x3180] =	vst v63  }
0xfa: {  	s18 =	sadd.s32 $0x180, s19  }
0xfb: {  	[spmem:s3] =	stream.indirect.scatter.add.f32 [tilespmem:s14], [sflag:$0x1], $0x1, s18, s13, $0xb8;
	[tilespmem:$0x3180] =	vst v63  }
0xfc: {  	s18 =	sadd.s32 $0x200, s19  }
0xfd: {  	[spmem:s3] =	stream.indirect.scatter.add.f32 [tilespmem:s14], [sflag:$0x1], $0x1, s18, s13, $0xb8;
	[tilespmem:$0x3180] =	vst v63  }
0xfe: {  	s18 =	sadd.s32 $0x280, s19  }
0xff: {  	[spmem:s3] =	stream.indirect.scatter.add.f32 [tilespmem:s14], [sflag:$0x1], $0x1, s18, s13, $0xb8;
	[tilespmem:$0x3180] =	vst v63  }
0x100: {  	s18 =	sadd.s32 $0x300, s19  }
0x101: {  	[spmem:s3] =	stream.indirect.scatter.add.f32 [tilespmem:s14], [sflag:$0x1], $0x1, s18, s13, $0xb8;
	[tilespmem:$0x3180] =	vst v63  }
0x102: {  	s18 =	sadd.s32 $0x380, s19  }
0x103: {  	[spmem:s3] =	stream.indirect.scatter.add.f32 [tilespmem:s14], [sflag:$0x1], $0x1, s18, s13, $0xb8;
	[tilespmem:$0x3180] =	vst v63  }
0x104: {  	s18 =	sadd.s32 $0x400, s19  }
0x105: {  	[spmem:s3] =	stream.indirect.scatter.add.f32 [tilespmem:s14], [sflag:$0x1], $0x1, s18, s13, $0xb8;
	[tilespmem:$0x3180] =	vst v63  }
0x106: {  	_ =	swait.ge [sflag:s10], $0x80  }
0x107: {  	[sflag:s10] =	ssyncset.done $0x0  }
0x108: {  	[sflag:s10] =	ssyncadd.s32 $0xFFFFFF80  }
0x109: {  	_ =	swait.ge [sflag:s10], $0x80  }
0x10a: {  	[sflag:s10] =	ssyncset.done $0x0  }
0x10b: {  	[sflag:s10] =	ssyncadd.s32 $0xFFFFFF80  }
0x10c: {  	_ =	swait.ge [sflag:s10], $0x80  }
0x10d: {  	[sflag:s10] =	ssyncset.done $0x0  }
0x10e: {  	[sflag:s10] =	ssyncadd.s32 $0xFFFFFF80  }
0x10f: {  	_ =	swait.ge [sflag:s10], $0x80  }
0x110: {  	[sflag:s10] =	ssyncset.done $0x0  }
0x111: {  	[sflag:s10] =	ssyncadd.s32 $0xFFFFFF80  }
0x112: {  	_ =	swait.ge [sflag:s10], $0x80  }
0x113: {  	[sflag:s10] =	ssyncset.done $0x0  }
0x114: {  	[sflag:s10] =	ssyncadd.s32 $0xFFFFFF80  }
0x115: {  	_ =	swait.ge [sflag:s10], $0x80  }
0x116: {  	[sflag:s10] =	ssyncset.done $0x0  }
0x117: {  	[sflag:s10] =	ssyncadd.s32 $0xFFFFFF80  }
0x118: {  	_ =	swait.ge [sflag:s10], $0x80  }
0x119: {  	[sflag:s10] =	ssyncset.done $0x0  }
0x11a: {  	[sflag:s10] =	ssyncadd.s32 $0xFFFFFF80  }
.Ltmp1:
0x11b: {  	_ =	swait.ge [sflag:s10], $0x80;
	(pc) =	sbr.rel @p0 .LBB2_4-.Ltmp1, $4  }
0x11c: {  	[sflag:s10] =	ssyncset.done $0x0  }
0x11d: {  	[sflag:s10] =	ssyncadd.s32 $0xFFFFFF80  }
0x11e: {  	_ =	swait.ge [sflag:s10], $0x80  }
0x11f: {  	s18 =	smov.u32 s17;
	[sflag:s10] =	ssyncset.done $0x0  }
0x120: {  	s16 =	sshra.s32 s16, $0x2;
	[sflag:s10] =	ssyncadd.s32 $0xFFFFFF80  }
0x121: {  	[spmem:s3] =	stream.indirect.scatter.add.f32 [tilespmem:s14], [sflag:$0x1], $0x1, s16, s13, $0xb8;
	[tilespmem:$0x3180] =	vst v63  }
0x122: {  	s17 =	sadd.s32 $0x80, s16  }
0x123: {  	[spmem:s3] =	stream.indirect.scatter.add.f32 [tilespmem:s14], [sflag:$0x1], $0x1, s17, s13, $0xb8;
	[tilespmem:$0x3180] =	vst v63  }
0x124: {  	s25 =	sadd.s32 $0x100, s16  }
0x125: {  	[spmem:s3] =	stream.indirect.scatter.add.f32 [tilespmem:s14], [sflag:$0x1], $0x1, s25, s13, $0xb8;
	[tilespmem:$0x3180] =	vst v63  }
0x126: {  	s26 =	sadd.s32 $0x180, s16  }
0x127: {  	[spmem:s3] =	stream.indirect.scatter.add.f32 [tilespmem:s14], [sflag:$0x1], $0x1, s26, s13, $0xb8;
	[tilespmem:$0x3180] =	vst v63  }
0x128: {  	s28 =	sadd.s32 $0x200, s16  }
0x129: {  	[spmem:s3] =	stream.indirect.scatter.add.f32 [tilespmem:s14], [sflag:$0x1], $0x1, s28, s13, $0xb8;
	[tilespmem:$0x3180] =	vst v63  }
0x12a: {  	s29 =	sadd.s32 $0x280, s16  }
0x12b: {  	[spmem:s3] =	stream.indirect.scatter.add.f32 [tilespmem:s14], [sflag:$0x1], $0x1, s29, s13, $0xb8;
	[tilespmem:$0x3180] =	vst v63  }
0x12c: {  	s30 =	sadd.s32 $0x300, s16  }
0x12d: {  	[spmem:s3] =	stream.indirect.scatter.add.f32 [tilespmem:s14], [sflag:$0x1], $0x1, s30, s13, $0xb8;
	[tilespmem:$0x3180] =	vst v63  }
0x12e: {  	s31 =	sadd.s32 $0x380, s16  }
0x12f: {  	[spmem:s3] =	stream.indirect.scatter.add.f32 [tilespmem:s14], [sflag:$0x1], $0x1, s31, s13, $0xb8;
	[tilespmem:$0x3180] =	vst v63  }
0x130: {  	s16 =	sadd.s32 $0x400, s16  }
0x131: {  	[spmem:s3] =	stream.indirect.scatter.add.f32 [tilespmem:s14], [sflag:$0x1], $0x1, s16, s13, $0xb8;
	[tilespmem:$0x3180] =	vst v63  }
0x132: {  	_ =	swait.ge [sflag:s10], $0x80  }
0x133: {  	[sflag:s10] =	ssyncset.done $0x0  }
0x134: {  	[sflag:s10] =	ssyncadd.s32 $0xFFFFFF80  }
0x135: {  	_ =	swait.ge [sflag:s10], $0x80  }
0x136: {  	[sflag:s10] =	ssyncset.done $0x0  }
0x137: {  	[sflag:s10] =	ssyncadd.s32 $0xFFFFFF80  }
0x138: {  	_ =	swait.ge [sflag:s10], $0x80  }
0x139: {  	[sflag:s10] =	ssyncset.done $0x0  }
0x13a: {  	[sflag:s10] =	ssyncadd.s32 $0xFFFFFF80  }
0x13b: {  	_ =	swait.ge [sflag:s10], $0x80  }
0x13c: {  	[sflag:s10] =	ssyncset.done $0x0  }
0x13d: {  	[sflag:s10] =	ssyncadd.s32 $0xFFFFFF80  }
0x13e: {  	_ =	swait.ge [sflag:s10], $0x80  }
0x13f: {  	[sflag:s10] =	ssyncset.done $0x0  }
0x140: {  	[sflag:s10] =	ssyncadd.s32 $0xFFFFFF80  }
0x141: {  	_ =	swait.ge [sflag:s10], $0x80  }
0x142: {  	[sflag:s10] =	ssyncset.done $0x0  }
0x143: {  	[sflag:s10] =	ssyncadd.s32 $0xFFFFFF80  }
0x144: {  	_ =	swait.ge [sflag:s10], $0x80  }
0x145: {  	[sflag:s10] =	ssyncset.done $0x0  }
0x146: {  	[sflag:s10] =	ssyncadd.s32 $0xFFFFFF80  }
0x147: {  	_ =	swait.ge [sflag:s10], $0x80  }
0x148: {  	[sflag:s10] =	ssyncset.done $0x0  }
0x149: {  	[sflag:s10] =	ssyncadd.s32 $0xFFFFFF80  }
0x14a: {  	_ =	swait.ge [sflag:s10], $0x80  }
0x14b: {  	[sflag:s10] =	ssyncset.done $0x0  }
0x14c: {  	[sflag:s10] =	ssyncadd.s32 $0xFFFFFF80  }
0x14d: {  	[bflag:$0x0] =	sbarrier.arrive $0xFFFF  }
0x14e: {  	[tilespmem:s11], [sflag:$0x2] =	stream.linear.gather [spmem:s6], $0x280, $0x38;
	[tilespmem:$0x3180] =	vst v63  }
0x14f: {  	s15 =	sadd.s32 $0x1, s15;
	_ =	swait.ge [sflag:s12], $0x280  }
0x150: {  	p0 =	sne.s32 s15, s8;
	[sflag:s12] =	ssyncset.done $0x0  }
.Ltmp2:
0x151: {  	[sflag:s12] =	ssyncadd.s32 $0xFFFFFD80;
	(pc) =	sbr.rel @p0 .LBB2_1-.Ltmp2, $4  }
0x152: {  	[hbm4b:s7+s4] =	stream.linear.scatter [tilespmem:s11], [sflag:$0x2], $0x280, $0x38;
	[tilespmem:$0x3180] =	vst v63  }
0x153: {  	_ =	swait.ge [sflag:s12], $0x280  }
0x154: {  	[sflag:s12] =	ssyncset.done $0x0  }
0x155: {  	[sflag:s12] =	ssyncadd.s32 $0xFFFFFD80  }
0x156: {  	_ =	sfence.sel $0x180000  }
0x157: {  	[bflag:$0x0] =	sbarrier.arrive $0xFFFF  }
0x158: {  	p0 =	sne.s32 s0, $0x0;
	_ =	strace $0x90000047  }
0x159: {  	s0 =	sadd.s32 @!p0 $0x100000, s2;
	[bflag:$0x2] =	sbarrier.arrive $0xFFFF  }
0x15a: {  	[sflag:s0] =	ssyncadd.tile.s32 @!p0 $0x1;
	_ =	shalt  }
.Lfunc_end2:
_tile_overlayer_lowered:
.L_overlay_start_2:
0x15b: {  	(tag) =	ssettag $0x2  }
0x15c: {  	s0 =	rddreg [dreg:$0x0];
	s2 =	stileid.u32  }
0x15d: {  	s1 =	rddreg [dreg:$0x1];
	p0 =	sne.s32 s2, $0x0  }
0x15e: {  	s3 =	rddreg [dreg:$0x2];
	[bflag:$0x3] =	sbarrier.arrive $0xFFFF;
	s2 =	simm.s32 @!p0 $0x1C02  }
0x15f: {  	[timem:s3], [sflag:s2] =	dma.local @!p0 [hbm:s0], s1  }
0x160: {  	s0 =	simm.s32 @!p0 $0x2  }
0x161: {  	_ =	swait.ge @!p0 [sflag:s0], s1  }
0x162: {  	s1 =	ssub.s32 @!p0 $0x0, s1;
	[sflag:s0] =	ssyncset.done @!p0 $0x0  }
0x163: {  	[sflag:s0] =	ssyncadd.s32 @!p0 s1  }
0x164: {  	[bflag:$0x3] =	sbarrier.arrive $0xFFFF  }
0x165: {  	_ =	shalt  }

// kernel: kernel.15.cloned.1.call-start
scs
__scs_entry_jumppad:
0x0: {  	(pc) =	sbr.rel $0x88, $3  }
0x1: {  	(tag) =	ssettag $0x0;
	lr =	simm.s32 $0x1  }
0x2: {  	[smem:$0x3F99] =	sst lr;
	_ =	strace $0xD0000000  }
0x3: {  	_ = 	snop  }
0x4: {  	_ = 	snop  }
0x5: {  	_ = 	snop  }
0x6: {  	_ = 	snop  }
0x7: {  	_ = 	snop  }
__scs_overlays_trampoline_lowered:
0x8: {  	[smem:$0x3FA8] =	sst s0  }
0x9: {  	[smem:$0x3FA9] =	sst s1  }
0xa: {  	[smem:$0x3FAA] =	sst s2  }
0xb: {  	[smem:$0x3FAB] =	sst s3  }
0xc: {  	[smem:$0x3FAC] =	sst s4  }
0xd: {  	[smem:$0x3FAD] =	sst s5  }
0xe: {  	[smem:$0x3FAE] =	sst s6  }
0xf: {  	[smem:$0x3FAF] =	sst s7  }
0x10: {  	[smem:$0x3FB0] =	sst s8  }
0x11: {  	[smem:$0x3FB1] =	sst s9;
	s0 =	simm.s32 @!p0 $0x0  }
0x12: {  	s1 =	sld [smem:$0x3F97];
	s0 =	simm.s32 @p0 $0x1  }
0x13: {  	[smem:$0x3FB2] =	sst s0;
	s0 =	simm.s32 @!p1 $0x0  }
0x14: {  	s2 =	sld [smem:$0x3F96];
	s0 =	simm.s32 @p1 $0x1  }
0x15: {  	[smem:$0x3FB3] =	sst s0;
	s0 =	simm.s32 @!p2 $0x0  }
0x16: {  	s3 =	sld [smem:$0x3FDB];
	s0 =	simm.s32 @p2 $0x1  }
0x17: {  	s4 =	simm.s32 $0x1BF5;
	[smem:$0x3FB5] =	sst s0  }
0x18: {  	s0 =	sld [smem:$0x3F98];
	_ =	swait.ge [sflag:s4], $0x0  }
0x19: {  	s7 =	sld [smem:$0x3F99]  }
0x1a: {  	s8 =	sadd.s32 $0xFFFFE003, lr  }
0x1b: {  	s9 =	sadd.s32 $0xFFFFFEF7, lr;
	s5 =	simm.s32 $0xFFFFFFFF;
	p2 =	slt.u32 s8, $0xFFFFF086  }
0x1c: {  	p1 =	slt.u32 s9, $0xF7A;
	s5 =	simm.s32 @!p2 $0x0  }
0x1d: {  	s5 =	simm.s32 @p1 $0x1;
	p0 =	seq.s32 s7, s2  }
0x1e: {  	s7 =	smul.u32 @!p0 $0xF7A, s2;
	p2 =	seq.s32 @!p0 s5, $0x0  }
0x1f: {  	s9 =	smul.u32 $0xF7A, s1;
	s8 =	simm.s32 @!p0 $0x1BF5;
	p2 =	por !p2, p0  }
0x20: {  	[sflag:s8] =	ssyncset.s32 @!p0 $0xFFFFF086;
	s6 =	sadd.s32 @!p0 s3, s7;
	s7 =	simm.s32 @!p0 $0x108  }
0x21: {  	s3 =	sadd.s32 s3, s9;
	s6 =	sadd.s32 @!p0 $0x88, s6;
	s7 =	simm.s32 @p2 $0x1082  }
0x22: {  	[simem:s7], [sflag:s8] =	dma.local @!p0 [hbm:s6], $0xF7A  }
0x23: {  	s9 =	sor.u32 $0xD0000000, s2;
	s6 =	simm.s32 $0x108;
	_ =	swait.ge @!p0 [sflag:s8], $0x0  }
0x24: {  	s3 =	sadd.s32 $0x88, s3;
	s6 =	simm.s32 @!p1 $0x1082;
	[sflag:s4] =	ssyncset.s32 $0xFFFFF086  }
0x25: {  	[simem:s6], [sflag:s4] =	dma.local [hbm:s3], $0xF7A  }
0x26: {  	[smem:$0x3F99] =	sst s1;
	(tag) =	ssettag s2;
	_ =	strace s9  }
0x27: {  	s1 =	sld [smem:$0x3FA9]  }
0x28: {  	s2 =	sld [smem:$0x3FAA]  }
0x29: {  	s4 =	sld [smem:$0x3FAC]  }
0x2a: {  	p0 =	seq.s32 s5, $0x0;
	s5 =	sld [smem:$0x3FAD]  }
0x2b: {  	s6 =	sld [smem:$0x3FAE]  }
0x2c: {  	s7 =	sld [smem:$0x3FAF]  }
0x2d: {  	s3 =	simm.s32 $0x108;
	s8 =	sld [smem:$0x3FB0]  }
0x2e: {  	s3 =	simm.s32 @!p0 $0x1082;
	s9 =	sld [smem:$0x3FB1]  }
0x2f: {  	lr =	sadd.s32 s0, s3;
	s0 =	sld [smem:$0x3FA8]  }
0x30: {  	s3 =	sld [smem:$0x3FAB]  }
0x31: {  	[smem:$0x3FB4] =	sst s10  }
0x32: {  	s10 =	sld [smem:$0x3FB2];
	_ =	sdelay $0x3  }
0x33: {  	p0 =	seq.s32 s10, $0x1;
	s10 =	sld [smem:$0x3FB4];
	_ =	sdelay $0x3  }
0x34: {  	[smem:$0x3FB4] =	sst s10  }
0x35: {  	s10 =	sld [smem:$0x3FB3];
	_ =	sdelay $0x3  }
0x36: {  	p1 =	seq.s32 s10, $0x1;
	s10 =	sld [smem:$0x3FB4];
	_ =	sdelay $0x3  }
0x37: {  	[smem:$0x3FB4] =	sst s10  }
0x38: {  	s10 =	sld [smem:$0x3FB5]  }
0x39: {  	_ = 	snop;
	(pc) =	sbr.ind lr, $3  }
0x3a: {  	_ = 	snop  }
0x3b: {  	_ = 	snop  }
0x3c: {  	p2 =	seq.s32 s10, $0x1;
	s10 =	sld [smem:$0x3FB4]  }
0x3d: {  	_ =	shalt  }
0x3e: {  	_ =	shalt  }
0x3f: {  	_ =	shalt  }
0x40: {  	_ =	shalt  }
0x41: {  	_ =	shalt  }
0x42: {  	_ =	shalt  }
0x43: {  	_ =	shalt  }
0x44: {  	_ =	shalt  }
0x45: {  	_ =	shalt  }
0x46: {  	_ =	shalt  }
0x47: {  	_ =	shalt  }
0x48: {  	_ =	shalt  }
0x49: {  	_ =	shalt  }
0x4a: {  	_ =	shalt  }
0x4b: {  	_ =	shalt  }
0x4c: {  	_ =	shalt  }
0x4d: {  	_ =	shalt  }
0x4e: {  	_ =	shalt  }
0x4f: {  	_ =	shalt  }
0x50: {  	_ =	shalt  }
0x51: {  	_ =	shalt  }
0x52: {  	_ =	shalt  }
0x53: {  	_ =	shalt  }
0x54: {  	_ =	shalt  }
0x55: {  	_ =	shalt  }
0x56: {  	_ =	shalt  }
0x57: {  	_ =	shalt  }
0x58: {  	_ =	shalt  }
0x59: {  	_ =	shalt  }
0x5a: {  	_ =	shalt  }
0x5b: {  	_ =	shalt  }
0x5c: {  	_ =	shalt  }
0x5d: {  	_ =	shalt  }
0x5e: {  	_ =	shalt  }
0x5f: {  	_ =	shalt  }
0x60: {  	_ =	shalt  }
0x61: {  	_ =	shalt  }
0x62: {  	_ =	shalt  }
0x63: {  	_ =	shalt  }
0x64: {  	_ =	shalt  }
0x65: {  	_ =	shalt  }
0x66: {  	_ =	shalt  }
0x67: {  	_ =	shalt  }
0x68: {  	_ =	shalt  }
0x69: {  	_ =	shalt  }
0x6a: {  	_ =	shalt  }
0x6b: {  	_ =	shalt  }
0x6c: {  	_ =	shalt  }
0x6d: {  	_ =	shalt  }
0x6e: {  	_ =	shalt  }
0x6f: {  	_ =	shalt  }
0x70: {  	_ =	shalt  }
0x71: {  	_ =	shalt  }
0x72: {  	_ =	shalt  }
0x73: {  	_ =	shalt  }
0x74: {  	_ =	shalt  }
0x75: {  	_ =	shalt  }
0x76: {  	_ =	shalt  }
0x77: {  	_ =	shalt  }
0x78: {  	_ =	shalt  }
0x79: {  	_ =	shalt  }
0x7a: {  	_ =	shalt  }
0x7b: {  	_ =	shalt  }
0x7c: {  	_ =	shalt  }
0x7d: {  	_ =	shalt  }
0x7e: {  	_ =	shalt  }
0x7f: {  	_ =	shalt  }
0x80: {  	_ =	shalt  }
0x81: {  	_ =	shalt  }
0x82: {  	_ =	shalt  }
0x83: {  	_ =	shalt  }
0x84: {  	_ =	shalt  }
0x85: {  	_ =	shalt  }
0x86: {  	_ =	shalt  }
0x87: {  	_ =	shalt  }
.Lfunc_end0:
.L_simem_size_0:
called_computation.1_lowered:
.L_overlay_start_0:
0x88: {  	s2 =	sld [smem:$0x3FD9]  }
0x89: {  	s3 =	sld [smem:$0x3FFE];
	_ =	sdelay $0x1  }
0x8a: {  	s1 =	srdreg.scid  }
0x8b: {  	s0 =	sand.u32 $0x1, s1  }
0x8c: {  	s17 =	sshll.u32 s0, $0xA;
	s2 =	sadd.s32 s3, s2  }
0x8d: {  	s2 =	sadd.s32 s2, s17  }
0x8e: {  	[smem:$0x3FC0] =	sst s2  }
0x8f: {  	_ = 	snop  }
0x90: {  	s2 =	sld [smem:$0x3FD0];
	(tm) =	ssettm $0x1  }
0x91: {  	s18 =	sld [smem:$0x3FFB];
	_ =	sdelay $0x3  }
0x92: {  	_ =	strace s18  }
0x93: {  	s3 =	sld [smem:$0x3FFC];
	_ =	sdelay $0x3  }
0x94: {  	_ =	strace s3  }
0x95: {  	s3 =	sld [smem:$0x3FFD];
	_ =	sdelay $0x3  }
0x96: {  	_ =	strace s3  }
0x97: {  	_ =	strace $0x8FFFFFFF  }
0x98: {  	s19 =	sld [smem:$0x3FDB];
	_ =	sdelay $0x1  }
0x99: {  	s4 =	simm.s32 $_scs_section_size  }
0x9a: {  	s5 =	simm.s32 $_size__tile_overlayer_lowered;
	s6 =	simm.s32 $_tile_overlayer_lowered  }
0x9b: {  	s22 =	simm.s32 $0x1BFF;
	s21 =	sshll.u32 s6, $0x1;
	s3 =	sadd.s32 s4, s19  }
0x9c: {  	s7 =	simm.s32 $0x0;
	s20 =	sshll.u32 s5, $0x1;
	s5 =	sadd.s32 s21, s3  }
0x9d: {  	[timem:s7], [sflag:s22] =	dma.local [hbm:s5], s20  }
0x9e: {  	_ =	swait.ge [sflag:s22], s20  }
0x9f: {  	s4 =	ssub.s32 $0x0, s20;
	[sflag:s22] =	ssyncset.done $0x0  }
0xa0: {  	[sflag:s22] =	ssyncadd.s32 s4;
	_ =	sdelay $0x1  }
0xa1: {  	s23 =	simm.s32 $0x1B8B  }
0xa2: {  	_ =	swait.ge [sflag:s23], $0x1  }
0xa3: {  	[sflag:s23] =	ssyncset.done $0x0  }
0xa4: {  	s25 =	simm.s32 $0x1B8E;
	s24 =	sld [smem:$0x3FFE];
	[sflag:s23] =	ssyncadd.s32 $0xFFFFFFFF  }
0xa5: {  	s26 =	simm.s32 $execute0_lowered;
	[smem:$0x3FD2] =	sst s25  }
0xa6: {  	s5 =	sshll.u32 s26, $0x1;
	_ =	strace $0x80000049;
	[dreg:$0x1] =	wrdreg $0xFFFFFFFF  }
0xa7: {  	s28 =	simm.s32 $_size_execute0_lowered;
	s3 =	sadd.s32 s3, s5;
	[dreg:$0x0] =	wrdreg $0x0  }
0xa8: {  	s5 =	sshll.u32 s28, $0x1;
	[dreg:$0x2] =	wrdreg s3  }
0xa9: {  	[dreg:$0x3] =	wrdreg s5  }
0xaa: {  	[dreg:$0x4] =	wrdreg $0xC0  }
0xab: {  	_ =	task [dreg:s7], $0x5FFFF  }
0xac: {  	[dreg:$0x1] =	wrdreg $0xFFFFFFFF  }
0xad: {  	[dreg:$0x0] =	wrdreg $0x60  }
0xae: {  	[dreg:$0x2] =	wrdreg s24  }
0xaf: {  	[dreg:$0x3] =	wrdreg s2  }
0xb0: {  	[dreg:$0x4] =	wrdreg $0xC3000  }
0xb1: {  	[dreg:$0x5] =	wrdreg $0x9  }
0xb2: {  	_ =	task.clear_ibuf [dreg:s7], $0x6FFFF;
	_ =	strace $0x90000049  }
0xb3: {  	s29 =	simm.s32 $0x9;
	_ =	strace $0x8000004B  }
0xb4: {  	_ =	swait.ge [sflag:s29], $0x1  }
0xb5: {  	[sflag:s29] =	ssyncadd.s32 $0xFFFFFFFF  }
0xb6: {  	_ =	strace $0x9000004B  }
0xb7: {  	_ =	sfence  }
0xb8: {  	s30 =	sld [smem:$0x0];
	_ =	sdelay $0x2  }
0xb9: {  	s31 =	sshll.u32 s1, $0xD;
	s1 =	sshrl.u32 s1, $0x2  }
0xba: {  	s3 =	sand.u32 $0x4000, s31;
	s1 =	sadd.s32 s1, s30  }
0xbb: {  	s0 =	sor.u32 s3, s0;
	s1 =	sshll.u32 s1, $0x11  }
0xbc: {  	s0 =	sor.u32 s1, s0  }
0xbd: {  	s0 =	sadd.s32 $0x8F2B, s0  }
0xbe: {  	[sflag:s0] =	ssyncadd.remote.s32 $0x1  }
0xbf: {  	_ =	sfence.sel $0xFFFF  }
0xc0: {  	[dreg:$0x0] =	wrdreg $0xFFFFFFFF;
	(pc) =	sbr.abs _section_cstart, $3  }
0xc1: {  	[dreg:$0x1] =	wrdreg $0xFFFFFFFF  }
0xc2: {  	_ =	task.clear_ibuf [dreg:s7], $0x2FFFF;
	_ =	strace $0x9FFFFFFF  }
0xc3: {  	(tm) =	ssettm $0x7FFFFFFF  }
tec
execute0_lowered:
.L_overlay_start_1:
0x0: {  	(tag) =	ssettag $0x1  }
0x1: {  	s0 =	rddreg [dreg:$0x0]  }
0x2: {  	s1 =	rddreg [dreg:$0x1]  }
0x3: {  	s2 =	rddreg [dreg:$0x2]  }
0x4: {  	s3 =	simm.s32 $0x0;
	s4 =	srdreg.scid;
	s13 =	stileid.u32  }
0x5: {  	s28 =	simm.s32 $0x180;
	s29 =	simm.s32 $0x200;
	s30 =	simm.s32 $0x280  }
0x6: {  	[smem:$0x7FF] =	sst s3;
	s5 =	sand.u32 $0x1, s4;
	s6 =	smul.u32 $0x2780, s13  }
0x7: {  	s4 =	sadd.s32 $0x10600, s0;
	s8 =	sadd.s32 $0x6400, s0;
	s15 =	smul.u32 $0x4F000, s13  }
0x8: {  	s9 =	sadd.s32 $0x5A00, s0;
	s26 =	sshll.u32 s13, $0x1;
	s24 =	smul.u32 $0xA20, s13  }
0x9: {  	s13 =	simm.s32 $0xC;
	_ =	strace $0x8000004A;
	s7 =	smul.u32 $0x27800, s5  }
0xa: {  	s31 =	sor.u32 s5, s26;
	s16 =	ssub.s32 $0x2, s5;
	s5 =	smul.u32 $0x510, s5  }
0xb: {  	[dreg:$0x4] =	wrdreg s9;
	s10 =	smul.u32 $0x2880, s31;
	s11 =	sshrl.u32 s16, $0x1  }
0xc: {  	s9 =	sshrl.u32 s15, $0x2;
	s12 =	sshll.u32 s31, $0x7;
	s15 =	simm.s32 $0x2  }
0xd: {  	s6 =	sadd.s32 s6, s7;
	s14 =	sadd.s32 s9, s2;
	s12 =	sand.u32 $0x380, s12  }
0xe: {  	s7 =	smul.u32 $0x510, s31;
	s0 =	sadd.s32 s6, s0;
	s17 =	sand.u32 $0x7FC00, s10  }
0xf: {  	s6 =	ssub.s32 s16, s11;
	s18 =	sadd.s32 $0x4000, s14;
	[dreg:$0x5] =	wrdreg s14  }
0x10: {  	s19 =	sadd.s32 $0x8000, s14;
	s20 =	sadd.s32 $0xC000, s14;
	[dreg:$0x6] =	wrdreg s18  }
0x11: {  	s21 =	sadd.s32 $0x10000, s14;
	s10 =	sshrl.u32 s10, $0x3;
	[dreg:$0x7] =	wrdreg s19  }
0x12: {  	s11 =	simm.s32 $0x4;
	s16 =	simm.s32 $0x0;
	[dreg:$0x8] =	wrdreg s20  }
0x13: {  	s9 =	sor.u32 s12, s17;
	[dreg:$0x9] =	wrdreg s21;
	s23 =	sadd.s32 $0x10, s10  }
0x14: {  	s10 =	sadd.s32 s8, s10;
	s0 =	sadd.s32 $0x5EA00, s0;
	s31 =	smax.u32 s6, $0x1  }
0x15: {  	s18 =	sadd.s32 s5, s24;
	s19 =	sadd.s32 $0x4E0, s7;
	s20 =	sadd.s32 $0x20, s1  }
0x16: {  	s6 =	simm.s32 $0xD;
	s5 =	simm.s32 $0x300;
	s7 =	simm.s32 $0xB  }
0x17: {  	s12 =	simm.s32 $0x9;
	s9 =	sshrl.u32 s9, $0x3;
	[dreg:$0xf] =	wrdreg s0  }
0x18: {  	s25 =	sadd.s32 s8, s23;
	s10 =	sadd.s32 $0x20, s10;
	[dreg:$0x10] =	wrdreg s31  }
0x19: {  	s26 =	sadd.s32 s1, s23;
	s21 =	sadd.s32 s1, s18;
	[dreg:$0xb] =	wrdreg s25  }
.Ltmp0:
0x1a: {  	s23 =	simm.s32 $0x8300;
	[dreg:$0xc] =	wrdreg s10;
	(pc) =	sbr.rel .LBB2_1-.Ltmp0, $4  }
0x1b: {  	s0 =	simm.s32 $0x8;
	s22 =	sadd.s32 s8, s9;
	[dreg:$0xe] =	wrdreg s26  }
0x1c: {  	s9 =	sadd.s32 s1, s9;
	s25 =	simm.s32 $0x80;
	[dreg:$0xa] =	wrdreg s22  }
0x1d: {  	s26 =	simm.s32 $0x100;
	s10 =	simm.s32 $0x1;
	[dreg:$0xd] =	wrdreg s9  }
0x1e: {  	s22 =	sadd.s32 s8, s18;
	s8 =	simm.s32 $0x4300;
	s9 =	simm.s32 $0x6  }
.LBB2_4:
0x1f: {  	_ =	swait.ge [sflag:s12], $0x4000  }
0x20: {  	[sflag:s12] =	ssyncset.done $0x0  }
0x21: {  	[sflag:s12] =	ssyncadd.s32 $0xFFFFC000  }
0x22: {  	s1 =	stileid.u32;
	[bflag:$0x0] =	sbarrier.arrive $0xFFFF  }
0x23: {  	s1 =	sshll.u32 s1, $0x6;
	s14 =	rddreg [dreg:$0x5]  }
0x24: {  	s1 =	sor.u32 $0x1C0D, s1;
	s17 =	rddreg [dreg:$0xf];
	s6 =	sshrl.u32 s14, $0x3  }
0x25: {  	[hbm:s17], [sflag:s1] =	dma.local [spmem:s6], $0x2780  }
0x26: {  	s6 =	simm.s32 $0xD  }
0x27: {  	_ =	swait.ge [sflag:s6], $0x2780  }
0x28: {  	s16 =	sadd.s32 $0x1, s16;
	s31 =	rddreg [dreg:$0x10]  }
0x29: {  	p0 =	sne.s32 s16, s31  }
.Ltmp1:
0x2a: {  	_ = 	snop;
	(pc) =	sbr.rel @!p0 .LBB2_5-.Ltmp1, $3  }
0x2b: {  	_ =	sdelay $0x1  }
0x2c: {  	[sflag:s6] =	ssyncset.done $0x0  }
0x2d: {  	[sflag:s6] =	ssyncadd.s32 $0xFFFFD880  }
.LBB2_1:
0x2e: {  	s1 =	rddreg [dreg:$0x4]  }
0x2f: {  	[tilespmem:s23], [sflag:$0xD] =	stream.linear.gather [hbm4b:s1+s3], $0x4000, $0x38;
	[tilespmem:$0x1FF00] =	vst v63  }
0x30: {  	_ =	swait.ge [sflag:s6], $0x4000  }
0x31: {  	[sflag:s6] =	ssyncset.done $0x0  }
0x32: {  	[sflag:s6] =	ssyncadd.s32 $0xFFFFC000  }
0x33: {  	[spmem:s14] =	stream.linear.scatter [tilespmem:s23], [sflag:$0x7], $0x4000, $0x38;
	[tilespmem:$0x1FF00] =	vst v63  }
0x34: {  	s31 =	rddreg [dreg:$0x6]  }
0x35: {  	[spmem:s31] =	stream.linear.scatter [tilespmem:s23], [sflag:$0x7], $0x4000, $0x38;
	[tilespmem:$0x1FF00] =	vst v63  }
0x36: {  	s6 =	rddreg [dreg:$0x7]  }
0x37: {  	[spmem:s6] =	stream.linear.scatter [tilespmem:s23], [sflag:$0x7], $0x4000, $0x38;
	[tilespmem:$0x1FF00] =	vst v63  }
0x38: {  	s14 =	rddreg [dreg:$0x8]  }
0x39: {  	[spmem:s14] =	stream.linear.scatter [tilespmem:s23], [sflag:$0x7], $0x4000, $0x38;
	[tilespmem:$0x1FF00] =	vst v63  }
0x3a: {  	s17 =	rddreg [dreg:$0x9]  }
0x3b: {  	[spmem:s17] =	stream.linear.scatter [tilespmem:s23], [sflag:$0x8], $0x3C00, $0x38;
	[tilespmem:$0x1FF00] =	vst v63  }
0x3c: {  	s24 =	rddreg [dreg:$0xa]  }
0x3d: {  	[tilespmem:s3], [sflag:$0xA] =	stream.linear.gather [hbm4b:s24+s3], $0x80, $0x38;
	[tilespmem:$0x1FF00] =	vst v63  }
0x3e: {  	s31 =	rddreg [dreg:$0xb]  }
0x3f: {  	[tilespmem:s25], [sflag:$0xB] =	stream.linear.gather [hbm4b:s31+s3], $0x80, $0x38;
	[tilespmem:$0x1FF00] =	vst v63  }
0x40: {  	s6 =	rddreg [dreg:$0xc]  }
0x41: {  	[tilespmem:s26], [sflag:$0xC] =	stream.linear.gather [hbm4b:s6+s3], $0x80, $0x38;
	[tilespmem:$0x1FF00] =	vst v63  }
0x42: {  	s14 =	rddreg [dreg:$0xd]  }
0x43: {  	[tilespmem:s28], [sflag:$0x4] =	stream.linear.gather [hbm4b:s14+s3], $0x80, $0x38;
	[tilespmem:$0x1FF00] =	vst v63  }
0x44: {  	s17 =	rddreg [dreg:$0xe]  }
0x45: {  	[tilespmem:s29], [sflag:$0x5] =	stream.linear.gather [hbm4b:s17+s3], $0x80, $0x38;
	[tilespmem:$0x1FF00] =	vst v63  }
0x46: {  	s24 =	simm.s32 $0x7  }
0x47: {  	[tilespmem:s30], [sflag:$0x6] =	stream.linear.gather [hbm4b:s14+s3], $0x80, $0x38;
	[tilespmem:$0x1FF00] =	vst v63  }
0x48: {  	_ =	swait.ge [sflag:s24], $0x4000  }
0x49: {  	[sflag:s24] =	ssyncset.done $0x0  }
0x4a: {  	[sflag:s24] =	ssyncadd.s32 $0xFFFFC000  }
0x4b: {  	_ =	swait.ge [sflag:s24], $0x4000  }
0x4c: {  	[sflag:s24] =	ssyncset.done $0x0  }
0x4d: {  	[sflag:s24] =	ssyncadd.s32 $0xFFFFC000  }
0x4e: {  	_ =	swait.ge [sflag:s24], $0x4000  }
0x4f: {  	[sflag:s24] =	ssyncset.done $0x0  }
0x50: {  	[sflag:s24] =	ssyncadd.s32 $0xFFFFC000  }
0x51: {  	_ =	swait.ge [sflag:s24], $0x4000  }
0x52: {  	[sflag:s24] =	ssyncset.done $0x0  }
0x53: {  	[sflag:s24] =	ssyncadd.s32 $0xFFFFC000  }
0x54: {  	_ =	swait.ge [sflag:s0], $0x3C00  }
0x55: {  	[sflag:s0] =	ssyncset.done $0x0  }
0x56: {  	s31 =	simm.s32 $0xA;
	[sflag:s0] =	ssyncadd.s32 $0xFFFFC400  }
0x57: {  	_ =	swait.ge [sflag:s31], $0x80  }
0x58: {  	[sflag:s31] =	ssyncset.done $0x0  }
0x59: {  	[sflag:s31] =	ssyncadd.s32 $0xFFFFFF80  }
0x5a: {  	[tilespmem:s5], [sflag:$0x1] =	stream.indirect.gather [hbm4b:s4+s25], $0x80, s3, s25, $0xb8;
	[tilespmem:$0x1FF00] =	vst v63  }
0x5b: {  	_ =	swait.ge [sflag:s7], $0x80  }
0x5c: {  	[sflag:s7] =	ssyncset.done $0x0  }
0x5d: {  	[sflag:s7] =	ssyncadd.s32 $0xFFFFFF80  }
0x5e: {  	[tilespmem:s8], [sflag:$0x2] =	stream.indirect.gather [hbm4b:s4+s25], $0x80, s25, s25, $0xb8;
	[tilespmem:$0x1FF00] =	vst v63  }
0x5f: {  	_ =	swait.ge [sflag:s9], $0x80  }
0x60: {  	[sflag:s9] =	ssyncset.done $0x0  }
0x61: {  	[sflag:s9] =	ssyncadd.s32 $0xFFFFFF80  }
0x62: {  	s17 =	simm.s32 $0x0;
	[bflag:$0x0] =	sbarrier.arrive $0xFFFF  }
0x63: {  	[spmem:s2] =	stream.indirect.scatter.add.f32 [tilespmem:s23], [sflag:$0x9], $0x80, s30, s25, $0xb8;
	[tilespmem:$0x1FF00] =	vst v63  }
.LBB2_2:
0x64: {  	_ =	swait.ge [sflag:s10], $0x4000;
	p0 =	seq.s32 s17, $0x4E0  }
0x65: {  	[sflag:s10] =	ssyncset.done $0x0;
	s1 =	sadd.s32 @!p0 s17, s22  }
0x66: {  	s6 =	simm.s32 @!p0 $0x0;
	[sflag:s10] =	ssyncadd.s32 $0xFFFFC000;
	s14 =	sadd.s32 @!p0 $0x30, s1  }
0x67: {  	[tilespmem:s6], [sflag:$0xA] =	stream.linear.gather @!p0 [hbm4b:s14+s6], $0x80, $0x38;
	[tilespmem:$0x1FF00] =	vst v63  }
0x68: {  	_ =	swait.ge [sflag:s11], $0x80  }
0x69: {  	[sflag:s11] =	ssyncset.done $0x0  }
0x6a: {  	[sflag:s11] =	ssyncadd.s32 $0xFFFFFF80  }
0x6b: {  	[spmem:s2] =	stream.indirect.scatter.add.f32 [tilespmem:s5], [sflag:$0x7], $0x80, s28, s25, $0xb8;
	[tilespmem:$0x1FF00] =	vst v63  }
0x6c: {  	s14 =	sadd.s32 @!p0 s17, s18;
	_ =	swait.ge [sflag:s12], $0x4000  }
0x6d: {  	s14 =	smov.u32 @p0 s19;
	[sflag:s12] =	ssyncset.done $0x0  }
0x6e: {  	s14 =	sadd.s32 s20, s14;
	[sflag:s12] =	ssyncadd.s32 $0xFFFFC000  }
0x6f: {  	[tilespmem:s30], [sflag:$0x6] =	stream.linear.gather [hbm4b:s14+s3], $0x80, $0x38;
	[tilespmem:$0x1FF00] =	vst v63  }
0x70: {  	_ =	swait.ge [sflag:s13], $0x80  }
0x71: {  	[sflag:s13] =	ssyncset.done $0x0  }
0x72: {  	[sflag:s13] =	ssyncadd.s32 $0xFFFFFF80  }
0x73: {  	[tilespmem:s23], [sflag:$0x3] =	stream.indirect.gather [hbm4b:s4+s25], $0x80, s26, s25, $0xb8;
	[tilespmem:$0x1FF00] =	vst v63  }
0x74: {  	_ =	swait.ge [sflag:s15], $0x4000  }
0x75: {  	[sflag:s15] =	ssyncset.done $0x0  }
0x76: {  	s14 =	simm.s32 @p0 $0x5;
	[sflag:s15] =	ssyncadd.s32 $0xFFFFC000  }
0x77: {  	_ =	swait.ge @p0 [sflag:s14], $0x80  }
0x78: {  	s24 =	simm.s32 @p0 $0x200;
	[sflag:s14] =	ssyncset.done @p0 $0x0  }
0x79: {  	s31 =	simm.s32 @p0 $0x4300;
	[sflag:s14] =	ssyncadd.s32 @p0 $0xFFFFFF80;
	s14 =	simm.s32 @p0 $0x80  }
0x7a: {  	[spmem:s2] =	stream.indirect.scatter.add.f32 @p0 [tilespmem:s31], [sflag:$0x8], $0x80, s24, s14, $0xb8;
	[tilespmem:$0x1FF00] =	vst v63  }
0x7b: {  	s14 =	simm.s32 @p0 $0x7  }
0x7c: {  	_ =	swait.ge @p0 [sflag:s14], $0x4000  }
0x7d: {  	[sflag:s14] =	ssyncset.done @p0 $0x0  }
0x7e: {  	[sflag:s14] =	ssyncadd.s32 @p0 $0xFFFFC000;
	s14 =	simm.s32 @p0 $0x3  }
0x7f: {  	_ =	swait.ge @p0 [sflag:s14], $0x4000  }
0x80: {  	[sflag:s14] =	ssyncset.done @p0 $0x0  }
0x81: {  	s24 =	simm.s32 @!p0 $0x80;
	[sflag:s14] =	ssyncadd.s32 @p0 $0xFFFFC000;
	s14 =	sadd.s32 @!p0 $0x40, s1  }
0x82: {  	[tilespmem:s24], [sflag:$0xB] =	stream.linear.gather @!p0 [hbm4b:s14+s6], $0x80, $0x38;
	[tilespmem:$0x1FF00] =	vst v63  }
0x83: {  	s14 =	simm.s32 @!p0 $0x5  }
0x84: {  	_ =	swait.ge @!p0 [sflag:s14], $0x80  }
0x85: {  	[sflag:s14] =	ssyncset.done @!p0 $0x0  }
0x86: {  	s31 =	simm.s32 @!p0 $0x4300;
	[sflag:s14] =	ssyncadd.s32 @!p0 $0xFFFFFF80;
	s14 =	simm.s32 @!p0 $0x200  }
0x87: {  	[spmem:s2] =	stream.indirect.scatter.add.f32 @!p0 [tilespmem:s31], [sflag:$0x8], $0x80, s14, s24, $0xb8;
	[tilespmem:$0x1FF00] =	vst v63  }
0x88: {  	s14 =	simm.s32 @!p0 $0x7  }
0x89: {  	_ =	swait.ge @!p0 [sflag:s14], $0x4000  }
0x8a: {  	s31 =	sadd.s32 @!p0 s17, s21;
	[sflag:s14] =	ssyncset.done @!p0 $0x0  }
0x8b: {  	[sflag:s14] =	ssyncadd.s32 @!p0 $0xFFFFC000;
	s14 =	sadd.s32 @!p0 $0x30, s31;
	s31 =	simm.s32 @!p0 $0x180  }
0x8c: {  	[tilespmem:s31], [sflag:$0x4] =	stream.linear.gather @!p0 [hbm4b:s14+s6], $0x80, $0x38;
	[tilespmem:$0x1FF00] =	vst v63  }
0x8d: {  	s14 =	simm.s32 @!p0 $0xA  }
0x8e: {  	_ =	swait.ge @!p0 [sflag:s14], $0x80  }
0x8f: {  	[sflag:s14] =	ssyncset.done @!p0 $0x0  }
0x90: {  	[sflag:s14] =	ssyncadd.s32 @!p0 $0xFFFFFF80;
	s14 =	simm.s32 @!p0 $0x300  }
0x91: {  	[tilespmem:s14], [sflag:$0x1] =	stream.indirect.gather @!p0 [hbm4b:s4+s24], $0x80, s6, s24, $0xb8;
	[tilespmem:$0x1FF00] =	vst v63  }
0x92: {  	s14 =	simm.s32 @!p0 $0x3  }
0x93: {  	_ =	swait.ge @!p0 [sflag:s14], $0x4000  }
0x94: {  	[sflag:s14] =	ssyncset.done @!p0 $0x0  }
0x95: {  	s1 =	sadd.s32 @!p0 $0x50, s1;
	[sflag:s14] =	ssyncadd.s32 @!p0 $0xFFFFC000;
	s14 =	simm.s32 @!p0 $0x100  }
0x96: {  	[tilespmem:s14], [sflag:$0xC] =	stream.linear.gather @!p0 [hbm4b:s1+s6], $0x80, $0x38;
	[tilespmem:$0x1FF00] =	vst v63  }
0x97: {  	_ =	swait.ge [sflag:s9], $0x80  }
0x98: {  	[sflag:s9] =	ssyncset.done $0x0  }
.Ltmp2:
0x99: {  	[sflag:s9] =	ssyncadd.s32 $0xFFFFFF80;
	(pc) =	sbr.rel @p0 .LBB2_4-.Ltmp2, $4  }
0x9a: {  	[spmem:s2] =	stream.indirect.scatter.add.f32 [tilespmem:s23], [sflag:$0x9], $0x80, s30, s25, $0xb8;
	[tilespmem:$0x1FF00] =	vst v63  }
0x9b: {  	_ =	swait.ge [sflag:s0], $0x4000  }
0x9c: {  	[sflag:s0] =	ssyncset.done $0x0  }
0x9d: {  	[sflag:s0] =	ssyncadd.s32 $0xFFFFC000  }
0x9e: {  	s1 =	sadd.s32 s17, s21  }
0x9f: {  	s1 =	sadd.s32 $0x40, s1  }
0xa0: {  	[tilespmem:s29], [sflag:$0x5] =	stream.linear.gather [hbm4b:s1+s3], $0x80, $0x38;
	[tilespmem:$0x1FF00] =	vst v63  }
.Ltmp3:
0xa1: {  	_ = 	snop;
	(pc) =	sbr.rel .LBB2_2-.Ltmp3, $4  }
0xa2: {  	_ =	swait.ge [sflag:s7], $0x80  }
0xa3: {  	[sflag:s7] =	ssyncset.done $0x0  }
0xa4: {  	s17 =	sadd.s32 $0x30, s17;
	[sflag:s7] =	ssyncadd.s32 $0xFFFFFF80  }
0xa5: {  	[tilespmem:s8], [sflag:$0x2] =	stream.indirect.gather [hbm4b:s4+s25], $0x80, s25, s25, $0xb8;
	[tilespmem:$0x1FF00] =	vst v63  }
.LBB2_5:
0xa6: {  	_ =	sfence.sel $0x180000  }
0xa7: {  	[bflag:$0x0] =	sbarrier.arrive $0xFFFF  }
0xa8: {  	_ =	strace $0x9000004A  }
0xa9: {  	s0 =	stileid.u32;
	[bflag:$0x2] =	sbarrier.arrive $0xFFFF  }
0xaa: {  	p0 =	sne.s32 s0, $0x0;
	s0 =	rddreg [dreg:$0x3]  }
0xab: {  	s0 =	sadd.s32 @!p0 $0x100000, s0  }
0xac: {  	[sflag:s0] =	ssyncadd.tile.s32 @!p0 $0x1;
	_ =	shalt  }
.Lfunc_end2:
_tile_overlayer_lowered:
.L_overlay_start_2:
0xad: {  	(tag) =	ssettag $0x2  }
0xae: {  	s0 =	rddreg [dreg:$0x0];
	s2 =	stileid.u32  }
0xaf: {  	s1 =	rddreg [dreg:$0x1];
	p0 =	sne.s32 s2, $0x0  }
0xb0: {  	s3 =	rddreg [dreg:$0x2];
	[bflag:$0x3] =	sbarrier.arrive $0xFFFF;
	s2 =	simm.s32 @!p0 $0x1C0D  }
0xb1: {  	[timem:s3], [sflag:s2] =	dma.local @!p0 [hbm:s0], s1  }
0xb2: {  	s0 =	simm.s32 @!p0 $0xD  }
0xb3: {  	_ =	swait.ge @!p0 [sflag:s0], s1  }
0xb4: {  	s1 =	ssub.s32 @!p0 $0x0, s1;
	[sflag:s0] =	ssyncset.done @!p0 $0x0  }
0xb5: {  	[sflag:s0] =	ssyncadd.s32 @!p0 s1  }
0xb6: {  	[bflag:$0x3] =	sbarrier.arrive $0xFFFF  }
0xb7: {  	_ =	shalt  }

// kernel: kernel.18.cloned.1.call-start
scs
__scs_entry_jumppad:
0x0: {  	(pc) =	sbr.rel $0x88, $3  }
0x1: {  	(tag) =	ssettag $0x0;
	lr =	simm.s32 $0x1  }
0x2: {  	[smem:$0x3F99] =	sst lr;
	_ =	strace $0xD0000000  }
0x3: {  	_ = 	snop  }
0x4: {  	_ = 	snop  }
0x5: {  	_ = 	snop  }
0x6: {  	_ = 	snop  }
0x7: {  	_ = 	snop  }
__scs_overlays_trampoline_lowered:
0x8: {  	[smem:$0x3FA8] =	sst s0  }
0x9: {  	[smem:$0x3FA9] =	sst s1  }
0xa: {  	[smem:$0x3FAA] =	sst s2  }
0xb: {  	[smem:$0x3FAB] =	sst s3  }
0xc: {  	[smem:$0x3FAC] =	sst s4  }
0xd: {  	[smem:$0x3FAD] =	sst s5  }
0xe: {  	[smem:$0x3FAE] =	sst s6  }
0xf: {  	[smem:$0x3FAF] =	sst s7  }
0x10: {  	[smem:$0x3FB0] =	sst s8  }
0x11: {  	[smem:$0x3FB1] =	sst s9;
	s0 =	simm.s32 @!p0 $0x0  }
0x12: {  	s1 =	sld [smem:$0x3F97];
	s0 =	simm.s32 @p0 $0x1  }
0x13: {  	[smem:$0x3FB2] =	sst s0;
	s0 =	simm.s32 @!p1 $0x0  }
0x14: {  	s2 =	sld [smem:$0x3F96];
	s0 =	simm.s32 @p1 $0x1  }
0x15: {  	[smem:$0x3FB3] =	sst s0;
	s0 =	simm.s32 @!p2 $0x0  }
0x16: {  	s3 =	sld [smem:$0x3FDB];
	s0 =	simm.s32 @p2 $0x1  }
0x17: {  	s4 =	simm.s32 $0x1BF5;
	[smem:$0x3FB5] =	sst s0  }
0x18: {  	s0 =	sld [smem:$0x3F98];
	_ =	swait.ge [sflag:s4], $0x0  }
0x19: {  	s7 =	sld [smem:$0x3F99]  }
0x1a: {  	s8 =	sadd.s32 $0xFFFFE003, lr  }
0x1b: {  	s9 =	sadd.s32 $0xFFFFFEF7, lr;
	s5 =	simm.s32 $0xFFFFFFFF;
	p2 =	slt.u32 s8, $0xFFFFF086  }
0x1c: {  	p1 =	slt.u32 s9, $0xF7A;
	s5 =	simm.s32 @!p2 $0x0  }
0x1d: {  	s5 =	simm.s32 @p1 $0x1;
	p0 =	seq.s32 s7, s2  }
0x1e: {  	s7 =	smul.u32 @!p0 $0xF7A, s2;
	p2 =	seq.s32 @!p0 s5, $0x0  }
0x1f: {  	s9 =	smul.u32 $0xF7A, s1;
	s8 =	simm.s32 @!p0 $0x1BF5;
	p2 =	por !p2, p0  }
0x20: {  	[sflag:s8] =	ssyncset.s32 @!p0 $0xFFFFF086;
	s6 =	sadd.s32 @!p0 s3, s7;
	s7 =	simm.s32 @!p0 $0x108  }
0x21: {  	s3 =	sadd.s32 s3, s9;
	s6 =	sadd.s32 @!p0 $0x88, s6;
	s7 =	simm.s32 @p2 $0x1082  }
0x22: {  	[simem:s7], [sflag:s8] =	dma.local @!p0 [hbm:s6], $0xF7A  }
0x23: {  	s9 =	sor.u32 $0xD0000000, s2;
	s6 =	simm.s32 $0x108;
	_ =	swait.ge @!p0 [sflag:s8], $0x0  }
0x24: {  	s3 =	sadd.s32 $0x88, s3;
	s6 =	simm.s32 @!p1 $0x1082;
	[sflag:s4] =	ssyncset.s32 $0xFFFFF086  }
0x25: {  	[simem:s6], [sflag:s4] =	dma.local [hbm:s3], $0xF7A  }
0x26: {  	[smem:$0x3F99] =	sst s1;
	(tag) =	ssettag s2;
	_ =	strace s9  }
0x27: {  	s1 =	sld [smem:$0x3FA9]  }
0x28: {  	s2 =	sld [smem:$0x3FAA]  }
0x29: {  	s4 =	sld [smem:$0x3FAC]  }
0x2a: {  	p0 =	seq.s32 s5, $0x0;
	s5 =	sld [smem:$0x3FAD]  }
0x2b: {  	s6 =	sld [smem:$0x3FAE]  }
0x2c: {  	s7 =	sld [smem:$0x3FAF]  }
0x2d: {  	s3 =	simm.s32 $0x108;
	s8 =	sld [smem:$0x3FB0]  }
0x2e: {  	s3 =	simm.s32 @!p0 $0x1082;
	s9 =	sld [smem:$0x3FB1]  }
0x2f: {  	lr =	sadd.s32 s0, s3;
	s0 =	sld [smem:$0x3FA8]  }
0x30: {  	s3 =	sld [smem:$0x3FAB]  }
0x31: {  	[smem:$0x3FB4] =	sst s10  }
0x32: {  	s10 =	sld [smem:$0x3FB2];
	_ =	sdelay $0x3  }
0x33: {  	p0 =	seq.s32 s10, $0x1;
	s10 =	sld [smem:$0x3FB4];
	_ =	sdelay $0x3  }
0x34: {  	[smem:$0x3FB4] =	sst s10  }
0x35: {  	s10 =	sld [smem:$0x3FB3];
	_ =	sdelay $0x3  }
0x36: {  	p1 =	seq.s32 s10, $0x1;
	s10 =	sld [smem:$0x3FB4];
	_ =	sdelay $0x3  }
0x37: {  	[smem:$0x3FB4] =	sst s10  }
0x38: {  	s10 =	sld [smem:$0x3FB5]  }
0x39: {  	_ = 	snop;
	(pc) =	sbr.ind lr, $3  }
0x3a: {  	_ = 	snop  }
0x3b: {  	_ = 	snop  }
0x3c: {  	p2 =	seq.s32 s10, $0x1;
	s10 =	sld [smem:$0x3FB4]  }
0x3d: {  	_ =	shalt  }
0x3e: {  	_ =	shalt  }
0x3f: {  	_ =	shalt  }
0x40: {  	_ =	shalt  }
0x41: {  	_ =	shalt  }
0x42: {  	_ =	shalt  }
0x43: {  	_ =	shalt  }
0x44: {  	_ =	shalt  }
0x45: {  	_ =	shalt  }
0x46: {  	_ =	shalt  }
0x47: {  	_ =	shalt  }
0x48: {  	_ =	shalt  }
0x49: {  	_ =	shalt  }
0x4a: {  	_ =	shalt  }
0x4b: {  	_ =	shalt  }
0x4c: {  	_ =	shalt  }
0x4d: {  	_ =	shalt  }
0x4e: {  	_ =	shalt  }
0x4f: {  	_ =	shalt  }
0x50: {  	_ =	shalt  }
0x51: {  	_ =	shalt  }
0x52: {  	_ =	shalt  }
0x53: {  	_ =	shalt  }
0x54: {  	_ =	shalt  }
0x55: {  	_ =	shalt  }
0x56: {  	_ =	shalt  }
0x57: {  	_ =	shalt  }
0x58: {  	_ =	shalt  }
0x59: {  	_ =	shalt  }
0x5a: {  	_ =	shalt  }
0x5b: {  	_ =	shalt  }
0x5c: {  	_ =	shalt  }
0x5d: {  	_ =	shalt  }
0x5e: {  	_ =	shalt  }
0x5f: {  	_ =	shalt  }
0x60: {  	_ =	shalt  }
0x61: {  	_ =	shalt  }
0x62: {  	_ =	shalt  }
0x63: {  	_ =	shalt  }
0x64: {  	_ =	shalt  }
0x65: {  	_ =	shalt  }
0x66: {  	_ =	shalt  }
0x67: {  	_ =	shalt  }
0x68: {  	_ =	shalt  }
0x69: {  	_ =	shalt  }
0x6a: {  	_ =	shalt  }
0x6b: {  	_ =	shalt  }
0x6c: {  	_ =	shalt  }
0x6d: {  	_ =	shalt  }
0x6e: {  	_ =	shalt  }
0x6f: {  	_ =	shalt  }
0x70: {  	_ =	shalt  }
0x71: {  	_ =	shalt  }
0x72: {  	_ =	shalt  }
0x73: {  	_ =	shalt  }
0x74: {  	_ =	shalt  }
0x75: {  	_ =	shalt  }
0x76: {  	_ =	shalt  }
0x77: {  	_ =	shalt  }
0x78: {  	_ =	shalt  }
0x79: {  	_ =	shalt  }
0x7a: {  	_ =	shalt  }
0x7b: {  	_ =	shalt  }
0x7c: {  	_ =	shalt  }
0x7d: {  	_ =	shalt  }
0x7e: {  	_ =	shalt  }
0x7f: {  	_ =	shalt  }
0x80: {  	_ =	shalt  }
0x81: {  	_ =	shalt  }
0x82: {  	_ =	shalt  }
0x83: {  	_ =	shalt  }
0x84: {  	_ =	shalt  }
0x85: {  	_ =	shalt  }
0x86: {  	_ =	shalt  }
0x87: {  	_ =	shalt  }
.Lfunc_end0:
.L_simem_size_0:
called_computation.2_lowered:
.L_overlay_start_0:
0x88: {  	s2 =	sld [smem:$0x3FD9]  }
0x89: {  	s3 =	sld [smem:$0x3FFE];
	_ =	sdelay $0x1  }
0x8a: {  	s1 =	srdreg.scid  }
0x8b: {  	s0 =	sand.u32 $0x1, s1  }
0x8c: {  	s17 =	sshll.u32 s0, $0xA;
	s2 =	sadd.s32 s3, s2  }
0x8d: {  	s2 =	sadd.s32 s2, s17  }
0x8e: {  	[smem:$0x3FC0] =	sst s2  }
0x8f: {  	_ = 	snop  }
0x90: {  	s2 =	sld [smem:$0x3FD0];
	(tm) =	ssettm $0x1  }
0x91: {  	s18 =	sld [smem:$0x3FFB];
	_ =	sdelay $0x3  }
0x92: {  	_ =	strace s18  }
0x93: {  	s3 =	sld [smem:$0x3FFC];
	_ =	sdelay $0x3  }
0x94: {  	_ =	strace s3  }
0x95: {  	s3 =	sld [smem:$0x3FFD];
	_ =	sdelay $0x3  }
0x96: {  	_ =	strace s3  }
0x97: {  	_ =	strace $0x8FFFFFFF  }
0x98: {  	s19 =	sld [smem:$0x3FDB];
	_ =	sdelay $0x1  }
0x99: {  	s4 =	simm.s32 $_scs_section_size  }
0x9a: {  	s5 =	simm.s32 $_size__tile_overlayer_lowered;
	s6 =	simm.s32 $_tile_overlayer_lowered  }
0x9b: {  	s22 =	simm.s32 $0x1BFF;
	s21 =	sshll.u32 s6, $0x1;
	s3 =	sadd.s32 s4, s19  }
0x9c: {  	s7 =	simm.s32 $0x0;
	s20 =	sshll.u32 s5, $0x1;
	s5 =	sadd.s32 s21, s3  }
0x9d: {  	[timem:s7], [sflag:s22] =	dma.local [hbm:s5], s20  }
0x9e: {  	_ =	swait.ge [sflag:s22], s20  }
0x9f: {  	s4 =	ssub.s32 $0x0, s20;
	[sflag:s22] =	ssyncset.done $0x0  }
0xa0: {  	[sflag:s22] =	ssyncadd.s32 s4;
	_ =	sdelay $0x1  }
0xa1: {  	s23 =	simm.s32 $0x1B8B  }
0xa2: {  	_ =	swait.ge [sflag:s23], $0x1  }
0xa3: {  	[sflag:s23] =	ssyncset.done $0x0  }
0xa4: {  	s25 =	simm.s32 $0x1B8E;
	s24 =	sld [smem:$0x3FFE];
	[sflag:s23] =	ssyncadd.s32 $0xFFFFFFFF  }
0xa5: {  	s26 =	simm.s32 $execute0_lowered;
	[smem:$0x3FD2] =	sst s25  }
0xa6: {  	s5 =	sshll.u32 s26, $0x1;
	_ =	strace $0x8000004C;
	[dreg:$0x1] =	wrdreg $0xFFFFFFFF  }
0xa7: {  	s28 =	simm.s32 $_size_execute0_lowered;
	s3 =	sadd.s32 s3, s5;
	[dreg:$0x0] =	wrdreg $0x0  }
0xa8: {  	s5 =	sshll.u32 s28, $0x1;
	[dreg:$0x2] =	wrdreg s3  }
0xa9: {  	[dreg:$0x3] =	wrdreg s5  }
0xaa: {  	[dreg:$0x4] =	wrdreg $0xC0  }
0xab: {  	_ =	task [dreg:s7], $0x5FFFF  }
0xac: {  	[dreg:$0x1] =	wrdreg $0xFFFFFFFF  }
0xad: {  	[dreg:$0x0] =	wrdreg $0x60  }
0xae: {  	[dreg:$0x2] =	wrdreg s24  }
0xaf: {  	[dreg:$0x3] =	wrdreg s2  }
0xb0: {  	[dreg:$0x4] =	wrdreg $0xC3000  }
0xb1: {  	[dreg:$0x5] =	wrdreg $0x9  }
0xb2: {  	_ =	task.clear_ibuf [dreg:s7], $0x6FFFF;
	_ =	strace $0x9000004C  }
0xb3: {  	s29 =	simm.s32 $0x9;
	_ =	strace $0x8000004E  }
0xb4: {  	_ =	swait.ge [sflag:s29], $0x1  }
0xb5: {  	[sflag:s29] =	ssyncadd.s32 $0xFFFFFFFF  }
0xb6: {  	_ =	strace $0x9000004E  }
0xb7: {  	_ =	sfence  }
0xb8: {  	s30 =	sld [smem:$0x0];
	_ =	sdelay $0x2  }
0xb9: {  	s31 =	sshll.u32 s1, $0xD;
	s1 =	sshrl.u32 s1, $0x2  }
0xba: {  	s3 =	sand.u32 $0x4000, s31;
	s1 =	sadd.s32 s1, s30  }
0xbb: {  	s0 =	sor.u32 s3, s0;
	s1 =	sshll.u32 s1, $0x11  }
0xbc: {  	s0 =	sor.u32 s1, s0  }
0xbd: {  	s0 =	sadd.s32 $0x8F2B, s0  }
0xbe: {  	[sflag:s0] =	ssyncadd.remote.s32 $0x1  }
0xbf: {  	_ =	sfence.sel $0xFFFF  }
0xc0: {  	[dreg:$0x0] =	wrdreg $0xFFFFFFFF;
	(pc) =	sbr.abs _section_cstart, $3  }
0xc1: {  	[dreg:$0x1] =	wrdreg $0xFFFFFFFF  }
0xc2: {  	_ =	task.clear_ibuf [dreg:s7], $0x2FFFF;
	_ =	strace $0x9FFFFFFF  }
0xc3: {  	(tm) =	ssettm $0x7FFFFFFF  }
tec
execute0_lowered:
.L_overlay_start_1:
0x0: {  	(tag) =	ssettag $0x1  }
0x1: {  	s0 =	rddreg [dreg:$0x0]  }
0x2: {  	s1 =	rddreg [dreg:$0x1]  }
0x3: {  	s2 =	rddreg [dreg:$0x2]  }
0x4: {  	s3 =	simm.s32 $0x0;
	s4 =	srdreg.scid;
	s13 =	stileid.u32  }
0x5: {  	s28 =	simm.s32 $0x180;
	s29 =	simm.s32 $0x200;
	s30 =	simm.s32 $0x280  }
0x6: {  	[smem:$0x7FF] =	sst s3;
	s5 =	sand.u32 $0x1, s4;
	s6 =	smul.u32 $0x2780, s13  }
0x7: {  	s4 =	sadd.s32 $0x10600, s0;
	s8 =	sadd.s32 $0x6400, s0;
	s15 =	smul.u32 $0x4F000, s13  }
0x8: {  	s9 =	sadd.s32 $0x5A00, s0;
	s26 =	sshll.u32 s13, $0x1;
	s24 =	smul.u32 $0xA20, s13  }
0x9: {  	s13 =	simm.s32 $0xC;
	_ =	strace $0x8000004D;
	s7 =	smul.u32 $0x27800, s5  }
0xa: {  	s31 =	sor.u32 s5, s26;
	s16 =	ssub.s32 $0x2, s5;
	s5 =	smul.u32 $0x510, s5  }
0xb: {  	[dreg:$0x4] =	wrdreg s9;
	s10 =	smul.u32 $0x2880, s31;
	s11 =	sshrl.u32 s16, $0x1  }
0xc: {  	s9 =	sshrl.u32 s15, $0x2;
	s12 =	sshll.u32 s31, $0x7;
	s15 =	simm.s32 $0x2  }
0xd: {  	s6 =	sadd.s32 s6, s7;
	s14 =	sadd.s32 s9, s2;
	s12 =	sand.u32 $0x380, s12  }
0xe: {  	s7 =	smul.u32 $0x510, s31;
	s0 =	sadd.s32 s6, s0;
	s17 =	sand.u32 $0x7FC00, s10  }
0xf: {  	s6 =	ssub.s32 s16, s11;
	s18 =	sadd.s32 $0x4000, s14;
	[dreg:$0x5] =	wrdreg s14  }
0x10: {  	s19 =	sadd.s32 $0x8000, s14;
	s20 =	sadd.s32 $0xC000, s14;
	[dreg:$0x6] =	wrdreg s18  }
0x11: {  	s21 =	sadd.s32 $0x10000, s14;
	s10 =	sshrl.u32 s10, $0x3;
	[dreg:$0x7] =	wrdreg s19  }
0x12: {  	s11 =	simm.s32 $0x4;
	s16 =	simm.s32 $0x0;
	[dreg:$0x8] =	wrdreg s20  }
0x13: {  	s9 =	sor.u32 s12, s17;
	[dreg:$0x9] =	wrdreg s21;
	s23 =	sadd.s32 $0x10, s10  }
0x14: {  	s10 =	sadd.s32 s8, s10;
	s0 =	sadd.s32 $0x5EA00, s0;
	s31 =	smax.u32 s6, $0x1  }
0x15: {  	s18 =	sadd.s32 s5, s24;
	s19 =	sadd.s32 $0x4E0, s7;
	s20 =	sadd.s32 $0x20, s1  }
0x16: {  	s6 =	simm.s32 $0xD;
	s5 =	simm.s32 $0x300;
	s7 =	simm.s32 $0xB  }
0x17: {  	s12 =	simm.s32 $0x9;
	s9 =	sshrl.u32 s9, $0x3;
	[dreg:$0xf] =	wrdreg s0  }
0x18: {  	s25 =	sadd.s32 s8, s23;
	s10 =	sadd.s32 $0x20, s10;
	[dreg:$0x10] =	wrdreg s31  }
0x19: {  	s26 =	sadd.s32 s1, s23;
	s21 =	sadd.s32 s1, s18;
	[dreg:$0xb] =	wrdreg s25  }
.Ltmp0:
0x1a: {  	s23 =	simm.s32 $0x8300;
	[dreg:$0xc] =	wrdreg s10;
	(pc) =	sbr.rel .LBB2_1-.Ltmp0, $4  }
0x1b: {  	s0 =	simm.s32 $0x8;
	s22 =	sadd.s32 s8, s9;
	[dreg:$0xe] =	wrdreg s26  }
0x1c: {  	s9 =	sadd.s32 s1, s9;
	s25 =	simm.s32 $0x80;
	[dreg:$0xa] =	wrdreg s22  }
0x1d: {  	s26 =	simm.s32 $0x100;
	s10 =	simm.s32 $0x1;
	[dreg:$0xd] =	wrdreg s9  }
0x1e: {  	s22 =	sadd.s32 s8, s18;
	s8 =	simm.s32 $0x4300;
	s9 =	simm.s32 $0x6  }
.LBB2_4:
0x1f: {  	_ =	swait.ge [sflag:s12], $0x4000  }
0x20: {  	[sflag:s12] =	ssyncset.done $0x0  }
0x21: {  	[sflag:s12] =	ssyncadd.s32 $0xFFFFC000  }
0x22: {  	s1 =	stileid.u32;
	[bflag:$0x0] =	sbarrier.arrive $0xFFFF  }
0x23: {  	s1 =	sshll.u32 s1, $0x6;
	s14 =	rddreg [dreg:$0x5]  }
0x24: {  	s1 =	sor.u32 $0x1C0D, s1;
	s17 =	rddreg [dreg:$0xf];
	s6 =	sshrl.u32 s14, $0x3  }
0x25: {  	[hbm:s17], [sflag:s1] =	dma.local [spmem:s6], $0x2780  }
0x26: {  	s6 =	simm.s32 $0xD  }
0x27: {  	_ =	swait.ge [sflag:s6], $0x2780  }
0x28: {  	s16 =	sadd.s32 $0x1, s16;
	s31 =	rddreg [dreg:$0x10]  }
0x29: {  	p0 =	sne.s32 s16, s31  }
.Ltmp1:
0x2a: {  	_ = 	snop;
	(pc) =	sbr.rel @!p0 .LBB2_5-.Ltmp1, $3  }
0x2b: {  	_ =	sdelay $0x1  }
0x2c: {  	[sflag:s6] =	ssyncset.done $0x0  }
0x2d: {  	[sflag:s6] =	ssyncadd.s32 $0xFFFFD880  }
.LBB2_1:
0x2e: {  	s1 =	rddreg [dreg:$0x4]  }
0x2f: {  	[tilespmem:s23], [sflag:$0xD] =	stream.linear.gather [hbm4b:s1+s3], $0x4000, $0x38;
	[tilespmem:$0x1FF00] =	vst v63  }
0x30: {  	_ =	swait.ge [sflag:s6], $0x4000  }
0x31: {  	[sflag:s6] =	ssyncset.done $0x0  }
0x32: {  	[sflag:s6] =	ssyncadd.s32 $0xFFFFC000  }
0x33: {  	[spmem:s14] =	stream.linear.scatter [tilespmem:s23], [sflag:$0x7], $0x4000, $0x38;
	[tilespmem:$0x1FF00] =	vst v63  }
0x34: {  	s31 =	rddreg [dreg:$0x6]  }
0x35: {  	[spmem:s31] =	stream.linear.scatter [tilespmem:s23], [sflag:$0x7], $0x4000, $0x38;
	[tilespmem:$0x1FF00] =	vst v63  }
0x36: {  	s6 =	rddreg [dreg:$0x7]  }
0x37: {  	[spmem:s6] =	stream.linear.scatter [tilespmem:s23], [sflag:$0x7], $0x4000, $0x38;
	[tilespmem:$0x1FF00] =	vst v63  }
0x38: {  	s14 =	rddreg [dreg:$0x8]  }
0x39: {  	[spmem:s14] =	stream.linear.scatter [tilespmem:s23], [sflag:$0x7], $0x4000, $0x38;
	[tilespmem:$0x1FF00] =	vst v63  }
0x3a: {  	s17 =	rddreg [dreg:$0x9]  }
0x3b: {  	[spmem:s17] =	stream.linear.scatter [tilespmem:s23], [sflag:$0x8], $0x3C00, $0x38;
	[tilespmem:$0x1FF00] =	vst v63  }
0x3c: {  	s24 =	rddreg [dreg:$0xa]  }
0x3d: {  	[tilespmem:s3], [sflag:$0xA] =	stream.linear.gather [hbm4b:s24+s3], $0x80, $0x38;
	[tilespmem:$0x1FF00] =	vst v63  }
0x3e: {  	s31 =	rddreg [dreg:$0xb]  }
0x3f: {  	[tilespmem:s25], [sflag:$0xB] =	stream.linear.gather [hbm4b:s31+s3], $0x80, $0x38;
	[tilespmem:$0x1FF00] =	vst v63  }
0x40: {  	s6 =	rddreg [dreg:$0xc]  }
0x41: {  	[tilespmem:s26], [sflag:$0xC] =	stream.linear.gather [hbm4b:s6+s3], $0x80, $0x38;
	[tilespmem:$0x1FF00] =	vst v63  }
0x42: {  	s14 =	rddreg [dreg:$0xd]  }
0x43: {  	[tilespmem:s28], [sflag:$0x4] =	stream.linear.gather [hbm4b:s14+s3], $0x80, $0x38;
	[tilespmem:$0x1FF00] =	vst v63  }
0x44: {  	s17 =	rddreg [dreg:$0xe]  }
0x45: {  	[tilespmem:s29], [sflag:$0x5] =	stream.linear.gather [hbm4b:s17+s3], $0x80, $0x38;
	[tilespmem:$0x1FF00] =	vst v63  }
0x46: {  	s24 =	simm.s32 $0x7  }
0x47: {  	[tilespmem:s30], [sflag:$0x6] =	stream.linear.gather [hbm4b:s14+s3], $0x80, $0x38;
	[tilespmem:$0x1FF00] =	vst v63  }
0x48: {  	_ =	swait.ge [sflag:s24], $0x4000  }
0x49: {  	[sflag:s24] =	ssyncset.done $0x0  }
0x4a: {  	[sflag:s24] =	ssyncadd.s32 $0xFFFFC000  }
0x4b: {  	_ =	swait.ge [sflag:s24], $0x4000  }
0x4c: {  	[sflag:s24] =	ssyncset.done $0x0  }
0x4d: {  	[sflag:s24] =	ssyncadd.s32 $0xFFFFC000  }
0x4e: {  	_ =	swait.ge [sflag:s24], $0x4000  }
0x4f: {  	[sflag:s24] =	ssyncset.done $0x0  }
0x50: {  	[sflag:s24] =	ssyncadd.s32 $0xFFFFC000  }
0x51: {  	_ =	swait.ge [sflag:s24], $0x4000  }
0x52: {  	[sflag:s24] =	ssyncset.done $0x0  }
0x53: {  	[sflag:s24] =	ssyncadd.s32 $0xFFFFC000  }
0x54: {  	_ =	swait.ge [sflag:s0], $0x3C00  }
0x55: {  	[sflag:s0] =	ssyncset.done $0x0  }
0x56: {  	s31 =	simm.s32 $0xA;
	[sflag:s0] =	ssyncadd.s32 $0xFFFFC400  }
0x57: {  	_ =	swait.ge [sflag:s31], $0x80  }
0x58: {  	[sflag:s31] =	ssyncset.done $0x0  }
0x59: {  	[sflag:s31] =	ssyncadd.s32 $0xFFFFFF80  }
0x5a: {  	[tilespmem:s5], [sflag:$0x1] =	stream.indirect.gather [hbm4b:s4+s25], $0x80, s3, s25, $0xb8;
	[tilespmem:$0x1FF00] =	vst v63  }
0x5b: {  	_ =	swait.ge [sflag:s7], $0x80  }
0x5c: {  	[sflag:s7] =	ssyncset.done $0x0  }
0x5d: {  	[sflag:s7] =	ssyncadd.s32 $0xFFFFFF80  }
0x5e: {  	[tilespmem:s8], [sflag:$0x2] =	stream.indirect.gather [hbm4b:s4+s25], $0x80, s25, s25, $0xb8;
	[tilespmem:$0x1FF00] =	vst v63  }
0x5f: {  	_ =	swait.ge [sflag:s9], $0x80  }
0x60: {  	[sflag:s9] =	ssyncset.done $0x0  }
0x61: {  	[sflag:s9] =	ssyncadd.s32 $0xFFFFFF80  }
0x62: {  	s17 =	simm.s32 $0x0;
	[bflag:$0x0] =	sbarrier.arrive $0xFFFF  }
0x63: {  	[spmem:s2] =	stream.indirect.scatter.add.f32 [tilespmem:s23], [sflag:$0x9], $0x80, s30, s25, $0xb8;
	[tilespmem:$0x1FF00] =	vst v63  }
.LBB2_2:
0x64: {  	_ =	swait.ge [sflag:s10], $0x4000;
	p0 =	seq.s32 s17, $0x4E0  }
0x65: {  	[sflag:s10] =	ssyncset.done $0x0;
	s1 =	sadd.s32 @!p0 s17, s22  }
0x66: {  	s6 =	simm.s32 @!p0 $0x0;
	[sflag:s10] =	ssyncadd.s32 $0xFFFFC000;
	s14 =	sadd.s32 @!p0 $0x30, s1  }
0x67: {  	[tilespmem:s6], [sflag:$0xA] =	stream.linear.gather @!p0 [hbm4b:s14+s6], $0x80, $0x38;
	[tilespmem:$0x1FF00] =	vst v63  }
0x68: {  	_ =	swait.ge [sflag:s11], $0x80  }
0x69: {  	[sflag:s11] =	ssyncset.done $0x0  }
0x6a: {  	[sflag:s11] =	ssyncadd.s32 $0xFFFFFF80  }
0x6b: {  	[spmem:s2] =	stream.indirect.scatter.add.f32 [tilespmem:s5], [sflag:$0x7], $0x80, s28, s25, $0xb8;
	[tilespmem:$0x1FF00] =	vst v63  }
0x6c: {  	s14 =	sadd.s32 @!p0 s17, s18;
	_ =	swait.ge [sflag:s12], $0x4000  }
0x6d: {  	s14 =	smov.u32 @p0 s19;
	[sflag:s12] =	ssyncset.done $0x0  }
0x6e: {  	s14 =	sadd.s32 s20, s14;
	[sflag:s12] =	ssyncadd.s32 $0xFFFFC000  }
0x6f: {  	[tilespmem:s30], [sflag:$0x6] =	stream.linear.gather [hbm4b:s14+s3], $0x80, $0x38;
	[tilespmem:$0x1FF00] =	vst v63  }
0x70: {  	_ =	swait.ge [sflag:s13], $0x80  }
0x71: {  	[sflag:s13] =	ssyncset.done $0x0  }
0x72: {  	[sflag:s13] =	ssyncadd.s32 $0xFFFFFF80  }
0x73: {  	[tilespmem:s23], [sflag:$0x3] =	stream.indirect.gather [hbm4b:s4+s25], $0x80, s26, s25, $0xb8;
	[tilespmem:$0x1FF00] =	vst v63  }
0x74: {  	_ =	swait.ge [sflag:s15], $0x4000  }
0x75: {  	[sflag:s15] =	ssyncset.done $0x0  }
0x76: {  	s14 =	simm.s32 @p0 $0x5;
	[sflag:s15] =	ssyncadd.s32 $0xFFFFC000  }
0x77: {  	_ =	swait.ge @p0 [sflag:s14], $0x80  }
0x78: {  	s24 =	simm.s32 @p0 $0x200;
	[sflag:s14] =	ssyncset.done @p0 $0x0  }
0x79: {  	s31 =	simm.s32 @p0 $0x4300;
	[sflag:s14] =	ssyncadd.s32 @p0 $0xFFFFFF80;
	s14 =	simm.s32 @p0 $0x80  }
0x7a: {  	[spmem:s2] =	stream.indirect.scatter.add.f32 @p0 [tilespmem:s31], [sflag:$0x8], $0x80, s24, s14, $0xb8;
	[tilespmem:$0x1FF00] =	vst v63  }
0x7b: {  	s14 =	simm.s32 @p0 $0x7  }
0x7c: {  	_ =	swait.ge @p0 [sflag:s14], $0x4000  }
0x7d: {  	[sflag:s14] =	ssyncset.done @p0 $0x0  }
0x7e: {  	[sflag:s14] =	ssyncadd.s32 @p0 $0xFFFFC000;
	s14 =	simm.s32 @p0 $0x3  }
0x7f: {  	_ =	swait.ge @p0 [sflag:s14], $0x4000  }
0x80: {  	[sflag:s14] =	ssyncset.done @p0 $0x0  }
0x81: {  	s24 =	simm.s32 @!p0 $0x80;
	[sflag:s14] =	ssyncadd.s32 @p0 $0xFFFFC000;
	s14 =	sadd.s32 @!p0 $0x40, s1  }
0x82: {  	[tilespmem:s24], [sflag:$0xB] =	stream.linear.gather @!p0 [hbm4b:s14+s6], $0x80, $0x38;
	[tilespmem:$0x1FF00] =	vst v63  }
0x83: {  	s14 =	simm.s32 @!p0 $0x5  }
0x84: {  	_ =	swait.ge @!p0 [sflag:s14], $0x80  }
0x85: {  	[sflag:s14] =	ssyncset.done @!p0 $0x0  }
0x86: {  	s31 =	simm.s32 @!p0 $0x4300;
	[sflag:s14] =	ssyncadd.s32 @!p0 $0xFFFFFF80;
	s14 =	simm.s32 @!p0 $0x200  }
0x87: {  	[spmem:s2] =	stream.indirect.scatter.add.f32 @!p0 [tilespmem:s31], [sflag:$0x8], $0x80, s14, s24, $0xb8;
	[tilespmem:$0x1FF00] =	vst v63  }
0x88: {  	s14 =	simm.s32 @!p0 $0x7  }
0x89: {  	_ =	swait.ge @!p0 [sflag:s14], $0x4000  }
0x8a: {  	s31 =	sadd.s32 @!p0 s17, s21;
	[sflag:s14] =	ssyncset.done @!p0 $0x0  }
0x8b: {  	[sflag:s14] =	ssyncadd.s32 @!p0 $0xFFFFC000;
	s14 =	sadd.s32 @!p0 $0x30, s31;
	s31 =	simm.s32 @!p0 $0x180  }
0x8c: {  	[tilespmem:s31], [sflag:$0x4] =	stream.linear.gather @!p0 [hbm4b:s14+s6], $0x80, $0x38;
	[tilespmem:$0x1FF00] =	vst v63  }
0x8d: {  	s14 =	simm.s32 @!p0 $0xA  }
0x8e: {  	_ =	swait.ge @!p0 [sflag:s14], $0x80  }
0x8f: {  	[sflag:s14] =	ssyncset.done @!p0 $0x0  }
0x90: {  	[sflag:s14] =	ssyncadd.s32 @!p0 $0xFFFFFF80;
	s14 =	simm.s32 @!p0 $0x300  }
0x91: {  	[tilespmem:s14], [sflag:$0x1] =	stream.indirect.gather @!p0 [hbm4b:s4+s24], $0x80, s6, s24, $0xb8;
	[tilespmem:$0x1FF00] =	vst v63  }
0x92: {  	s14 =	simm.s32 @!p0 $0x3  }
0x93: {  	_ =	swait.ge @!p0 [sflag:s14], $0x4000  }
0x94: {  	[sflag:s14] =	ssyncset.done @!p0 $0x0  }
0x95: {  	s1 =	sadd.s32 @!p0 $0x50, s1;
	[sflag:s14] =	ssyncadd.s32 @!p0 $0xFFFFC000;
	s14 =	simm.s32 @!p0 $0x100  }
0x96: {  	[tilespmem:s14], [sflag:$0xC] =	stream.linear.gather @!p0 [hbm4b:s1+s6], $0x80, $0x38;
	[tilespmem:$0x1FF00] =	vst v63  }
0x97: {  	_ =	swait.ge [sflag:s9], $0x80  }
0x98: {  	[sflag:s9] =	ssyncset.done $0x0  }
.Ltmp2:
0x99: {  	[sflag:s9] =	ssyncadd.s32 $0xFFFFFF80;
	(pc) =	sbr.rel @p0 .LBB2_4-.Ltmp2, $4  }
0x9a: {  	[spmem:s2] =	stream.indirect.scatter.add.f32 [tilespmem:s23], [sflag:$0x9], $0x80, s30, s25, $0xb8;
	[tilespmem:$0x1FF00] =	vst v63  }
0x9b: {  	_ =	swait.ge [sflag:s0], $0x4000  }
0x9c: {  	[sflag:s0] =	ssyncset.done $0x0  }
0x9d: {  	[sflag:s0] =	ssyncadd.s32 $0xFFFFC000  }
0x9e: {  	s1 =	sadd.s32 s17, s21  }
0x9f: {  	s1 =	sadd.s32 $0x40, s1  }
0xa0: {  	[tilespmem:s29], [sflag:$0x5] =	stream.linear.gather [hbm4b:s1+s3], $0x80, $0x38;
	[tilespmem:$0x1FF00] =	vst v63  }
.Ltmp3:
0xa1: {  	_ = 	snop;
	(pc) =	sbr.rel .LBB2_2-.Ltmp3, $4  }
0xa2: {  	_ =	swait.ge [sflag:s7], $0x80  }
0xa3: {  	[sflag:s7] =	ssyncset.done $0x0  }
0xa4: {  	s17 =	sadd.s32 $0x30, s17;
	[sflag:s7] =	ssyncadd.s32 $0xFFFFFF80  }
0xa5: {  	[tilespmem:s8], [sflag:$0x2] =	stream.indirect.gather [hbm4b:s4+s25], $0x80, s25, s25, $0xb8;
	[tilespmem:$0x1FF00] =	vst v63  }
.LBB2_5:
0xa6: {  	_ =	sfence.sel $0x180000  }
0xa7: {  	[bflag:$0x0] =	sbarrier.arrive $0xFFFF  }
0xa8: {  	_ =	strace $0x9000004D  }
0xa9: {  	s0 =	stileid.u32;
	[bflag:$0x2] =	sbarrier.arrive $0xFFFF  }
0xaa: {  	p0 =	sne.s32 s0, $0x0;
	s0 =	rddreg [dreg:$0x3]  }
0xab: {  	s0 =	sadd.s32 @!p0 $0x100000, s0  }
0xac: {  	[sflag:s0] =	ssyncadd.tile.s32 @!p0 $0x1;
	_ =	shalt  }
.Lfunc_end2:
_tile_overlayer_lowered:
.L_overlay_start_2:
0xad: {  	(tag) =	ssettag $0x2  }
0xae: {  	s0 =	rddreg [dreg:$0x0];
	s2 =	stileid.u32  }
0xaf: {  	s1 =	rddreg [dreg:$0x1];
	p0 =	sne.s32 s2, $0x0  }
0xb0: {  	s3 =	rddreg [dreg:$0x2];
	[bflag:$0x3] =	sbarrier.arrive $0xFFFF;
	s2 =	simm.s32 @!p0 $0x1C0D  }
0xb1: {  	[timem:s3], [sflag:s2] =	dma.local @!p0 [hbm:s0], s1  }
0xb2: {  	s0 =	simm.s32 @!p0 $0xD  }
0xb3: {  	_ =	swait.ge @!p0 [sflag:s0], s1  }
0xb4: {  	s1 =	ssub.s32 @!p0 $0x0, s1;
	[sflag:s0] =	ssyncset.done @!p0 $0x0  }
0xb5: {  	[sflag:s0] =	ssyncadd.s32 @!p0 s1  }
0xb6: {  	[bflag:$0x3] =	sbarrier.arrive $0xFFFF  }
0xb7: {  	_ =	shalt  }

// kernel: kernel.21.cloned.1.call-start
scs
__scs_entry_jumppad:
0x0: {  	(pc) =	sbr.rel $0x88, $3  }
0x1: {  	(tag) =	ssettag $0x0;
	lr =	simm.s32 $0x1  }
0x2: {  	[smem:$0x3F99] =	sst lr;
	_ =	strace $0xD0000000  }
0x3: {  	_ = 	snop  }
0x4: {  	_ = 	snop  }
0x5: {  	_ = 	snop  }
0x6: {  	_ = 	snop  }
0x7: {  	_ = 	snop  }
__scs_overlays_trampoline_lowered:
0x8: {  	[smem:$0x3FA8] =	sst s0  }
0x9: {  	[smem:$0x3FA9] =	sst s1  }
0xa: {  	[smem:$0x3FAA] =	sst s2  }
0xb: {  	[smem:$0x3FAB] =	sst s3  }
0xc: {  	[smem:$0x3FAC] =	sst s4  }
0xd: {  	[smem:$0x3FAD] =	sst s5  }
0xe: {  	[smem:$0x3FAE] =	sst s6  }
0xf: {  	[smem:$0x3FAF] =	sst s7  }
0x10: {  	[smem:$0x3FB0] =	sst s8  }
0x11: {  	[smem:$0x3FB1] =	sst s9;
	s0 =	simm.s32 @!p0 $0x0  }
0x12: {  	s1 =	sld [smem:$0x3F97];
	s0 =	simm.s32 @p0 $0x1  }
0x13: {  	[smem:$0x3FB2] =	sst s0;
	s0 =	simm.s32 @!p1 $0x0  }
0x14: {  	s2 =	sld [smem:$0x3F96];
	s0 =	simm.s32 @p1 $0x1  }
0x15: {  	[smem:$0x3FB3] =	sst s0;
	s0 =	simm.s32 @!p2 $0x0  }
0x16: {  	s3 =	sld [smem:$0x3FDB];
	s0 =	simm.s32 @p2 $0x1  }
0x17: {  	s4 =	simm.s32 $0x1BF5;
	[smem:$0x3FB5] =	sst s0  }
0x18: {  	s0 =	sld [smem:$0x3F98];
	_ =	swait.ge [sflag:s4], $0x0  }
0x19: {  	s7 =	sld [smem:$0x3F99]  }
0x1a: {  	s8 =	sadd.s32 $0xFFFFE003, lr  }
0x1b: {  	s9 =	sadd.s32 $0xFFFFFEF7, lr;
	s5 =	simm.s32 $0xFFFFFFFF;
	p2 =	slt.u32 s8, $0xFFFFF086  }
0x1c: {  	p1 =	slt.u32 s9, $0xF7A;
	s5 =	simm.s32 @!p2 $0x0  }
0x1d: {  	s5 =	simm.s32 @p1 $0x1;
	p0 =	seq.s32 s7, s2  }
0x1e: {  	s7 =	smul.u32 @!p0 $0xF7A, s2;
	p2 =	seq.s32 @!p0 s5, $0x0  }
0x1f: {  	s9 =	smul.u32 $0xF7A, s1;
	s8 =	simm.s32 @!p0 $0x1BF5;
	p2 =	por !p2, p0  }
0x20: {  	[sflag:s8] =	ssyncset.s32 @!p0 $0xFFFFF086;
	s6 =	sadd.s32 @!p0 s3, s7;
	s7 =	simm.s32 @!p0 $0x108  }
0x21: {  	s3 =	sadd.s32 s3, s9;
	s6 =	sadd.s32 @!p0 $0x88, s6;
	s7 =	simm.s32 @p2 $0x1082  }
0x22: {  	[simem:s7], [sflag:s8] =	dma.local @!p0 [hbm:s6], $0xF7A  }
0x23: {  	s9 =	sor.u32 $0xD0000000, s2;
	s6 =	simm.s32 $0x108;
	_ =	swait.ge @!p0 [sflag:s8], $0x0  }
0x24: {  	s3 =	sadd.s32 $0x88, s3;
	s6 =	simm.s32 @!p1 $0x1082;
	[sflag:s4] =	ssyncset.s32 $0xFFFFF086  }
0x25: {  	[simem:s6], [sflag:s4] =	dma.local [hbm:s3], $0xF7A  }
0x26: {  	[smem:$0x3F99] =	sst s1;
	(tag) =	ssettag s2;
	_ =	strace s9  }
0x27: {  	s1 =	sld [smem:$0x3FA9]  }
0x28: {  	s2 =	sld [smem:$0x3FAA]  }
0x29: {  	s4 =	sld [smem:$0x3FAC]  }
0x2a: {  	p0 =	seq.s32 s5, $0x0;
	s5 =	sld [smem:$0x3FAD]  }
0x2b: {  	s6 =	sld [smem:$0x3FAE]  }
0x2c: {  	s7 =	sld [smem:$0x3FAF]  }
0x2d: {  	s3 =	simm.s32 $0x108;
	s8 =	sld [smem:$0x3FB0]  }
0x2e: {  	s3 =	simm.s32 @!p0 $0x1082;
	s9 =	sld [smem:$0x3FB1]  }
0x2f: {  	lr =	sadd.s32 s0, s3;
	s0 =	sld [smem:$0x3FA8]  }
0x30: {  	s3 =	sld [smem:$0x3FAB]  }
0x31: {  	[smem:$0x3FB4] =	sst s10  }
0x32: {  	s10 =	sld [smem:$0x3FB2];
	_ =	sdelay $0x3  }
0x33: {  	p0 =	seq.s32 s10, $0x1;
	s10 =	sld [smem:$0x3FB4];
	_ =	sdelay $0x3  }
0x34: {  	[smem:$0x3FB4] =	sst s10  }
0x35: {  	s10 =	sld [smem:$0x3FB3];
	_ =	sdelay $0x3  }
0x36: {  	p1 =	seq.s32 s10, $0x1;
	s10 =	sld [smem:$0x3FB4];
	_ =	sdelay $0x3  }
0x37: {  	[smem:$0x3FB4] =	sst s10  }
0x38: {  	s10 =	sld [smem:$0x3FB5]  }
0x39: {  	_ = 	snop;
	(pc) =	sbr.ind lr, $3  }
0x3a: {  	_ = 	snop  }
0x3b: {  	_ = 	snop  }
0x3c: {  	p2 =	seq.s32 s10, $0x1;
	s10 =	sld [smem:$0x3FB4]  }
0x3d: {  	_ =	shalt  }
0x3e: {  	_ =	shalt  }
0x3f: {  	_ =	shalt  }
0x40: {  	_ =	shalt  }
0x41: {  	_ =	shalt  }
0x42: {  	_ =	shalt  }
0x43: {  	_ =	shalt  }
0x44: {  	_ =	shalt  }
0x45: {  	_ =	shalt  }
0x46: {  	_ =	shalt  }
0x47: {  	_ =	shalt  }
0x48: {  	_ =	shalt  }
0x49: {  	_ =	shalt  }
0x4a: {  	_ =	shalt  }
0x4b: {  	_ =	shalt  }
0x4c: {  	_ =	shalt  }
0x4d: {  	_ =	shalt  }
0x4e: {  	_ =	shalt  }
0x4f: {  	_ =	shalt  }
0x50: {  	_ =	shalt  }
0x51: {  	_ =	shalt  }
0x52: {  	_ =	shalt  }
0x53: {  	_ =	shalt  }
0x54: {  	_ =	shalt  }
0x55: {  	_ =	shalt  }
0x56: {  	_ =	shalt  }
0x57: {  	_ =	shalt  }
0x58: {  	_ =	shalt  }
0x59: {  	_ =	shalt  }
0x5a: {  	_ =	shalt  }
0x5b: {  	_ =	shalt  }
0x5c: {  	_ =	shalt  }
0x5d: {  	_ =	shalt  }
0x5e: {  	_ =	shalt  }
0x5f: {  	_ =	shalt  }
0x60: {  	_ =	shalt  }
0x61: {  	_ =	shalt  }
0x62: {  	_ =	shalt  }
0x63: {  	_ =	shalt  }
0x64: {  	_ =	shalt  }
0x65: {  	_ =	shalt  }
0x66: {  	_ =	shalt  }
0x67: {  	_ =	shalt  }
0x68: {  	_ =	shalt  }
0x69: {  	_ =	shalt  }
0x6a: {  	_ =	shalt  }
0x6b: {  	_ =	shalt  }
0x6c: {  	_ =	shalt  }
0x6d: {  	_ =	shalt  }
0x6e: {  	_ =	shalt  }
0x6f: {  	_ =	shalt  }
0x70: {  	_ =	shalt  }
0x71: {  	_ =	shalt  }
0x72: {  	_ =	shalt  }
0x73: {  	_ =	shalt  }
0x74: {  	_ =	shalt  }
0x75: {  	_ =	shalt  }
0x76: {  	_ =	shalt  }
0x77: {  	_ =	shalt  }
0x78: {  	_ =	shalt  }
0x79: {  	_ =	shalt  }
0x7a: {  	_ =	shalt  }
0x7b: {  	_ =	shalt  }
0x7c: {  	_ =	shalt  }
0x7d: {  	_ =	shalt  }
0x7e: {  	_ =	shalt  }
0x7f: {  	_ =	shalt  }
0x80: {  	_ =	shalt  }
0x81: {  	_ =	shalt  }
0x82: {  	_ =	shalt  }
0x83: {  	_ =	shalt  }
0x84: {  	_ =	shalt  }
0x85: {  	_ =	shalt  }
0x86: {  	_ =	shalt  }
0x87: {  	_ =	shalt  }
.Lfunc_end0:
.L_simem_size_0:
called_computation.3_lowered:
.L_overlay_start_0:
0x88: {  	s2 =	sld [smem:$0x3FD9]  }
0x89: {  	s3 =	sld [smem:$0x3FFE];
	_ =	sdelay $0x1  }
0x8a: {  	s1 =	srdreg.scid  }
0x8b: {  	s0 =	sand.u32 $0x1, s1  }
0x8c: {  	s17 =	sshll.u32 s0, $0xA;
	s2 =	sadd.s32 s3, s2  }
0x8d: {  	s2 =	sadd.s32 s2, s17  }
0x8e: {  	[smem:$0x3FC0] =	sst s2  }
0x8f: {  	_ = 	snop  }
0x90: {  	s2 =	sld [smem:$0x3FD0];
	(tm) =	ssettm $0x1  }
0x91: {  	s18 =	sld [smem:$0x3FFB];
	_ =	sdelay $0x3  }
0x92: {  	_ =	strace s18  }
0x93: {  	s3 =	sld [smem:$0x3FFC];
	_ =	sdelay $0x3  }
0x94: {  	_ =	strace s3  }
0x95: {  	s3 =	sld [smem:$0x3FFD];
	_ =	sdelay $0x3  }
0x96: {  	_ =	strace s3  }
0x97: {  	_ =	strace $0x8FFFFFFF  }
0x98: {  	s19 =	sld [smem:$0x3FDB];
	_ =	sdelay $0x1  }
0x99: {  	s4 =	simm.s32 $_scs_section_size  }
0x9a: {  	s5 =	simm.s32 $_size__tile_overlayer_lowered;
	s6 =	simm.s32 $_tile_overlayer_lowered  }
0x9b: {  	s22 =	simm.s32 $0x1BFF;
	s21 =	sshll.u32 s6, $0x1;
	s3 =	sadd.s32 s4, s19  }
0x9c: {  	s7 =	simm.s32 $0x0;
	s20 =	sshll.u32 s5, $0x1;
	s5 =	sadd.s32 s21, s3  }
0x9d: {  	[timem:s7], [sflag:s22] =	dma.local [hbm:s5], s20  }
0x9e: {  	_ =	swait.ge [sflag:s22], s20  }
0x9f: {  	s4 =	ssub.s32 $0x0, s20;
	[sflag:s22] =	ssyncset.done $0x0  }
0xa0: {  	[sflag:s22] =	ssyncadd.s32 s4;
	_ =	sdelay $0x1  }
0xa1: {  	s23 =	simm.s32 $0x1B8B  }
0xa2: {  	_ =	swait.ge [sflag:s23], $0x1  }
0xa3: {  	[sflag:s23] =	ssyncset.done $0x0  }
0xa4: {  	s25 =	simm.s32 $0x1B8E;
	s24 =	sld [smem:$0x3FFE];
	[sflag:s23] =	ssyncadd.s32 $0xFFFFFFFF  }
0xa5: {  	s26 =	simm.s32 $execute0_lowered;
	[smem:$0x3FD2] =	sst s25  }
0xa6: {  	s5 =	sshll.u32 s26, $0x1;
	_ =	strace $0x8000004F;
	[dreg:$0x1] =	wrdreg $0xFFFFFFFF  }
0xa7: {  	s28 =	simm.s32 $_size_execute0_lowered;
	s3 =	sadd.s32 s3, s5;
	[dreg:$0x0] =	wrdreg $0x0  }
0xa8: {  	s5 =	sshll.u32 s28, $0x1;
	[dreg:$0x2] =	wrdreg s3  }
0xa9: {  	[dreg:$0x3] =	wrdreg s5  }
0xaa: {  	[dreg:$0x4] =	wrdreg $0xC0  }
0xab: {  	_ =	task [dreg:s7], $0x5FFFF  }
0xac: {  	[dreg:$0x1] =	wrdreg $0xFFFFFFFF  }
0xad: {  	[dreg:$0x0] =	wrdreg $0x60  }
0xae: {  	[dreg:$0x2] =	wrdreg s24  }
0xaf: {  	[dreg:$0x3] =	wrdreg s2  }
0xb0: {  	[dreg:$0x4] =	wrdreg $0xC3000  }
0xb1: {  	[dreg:$0x5] =	wrdreg $0x9  }
0xb2: {  	_ =	task.clear_ibuf [dreg:s7], $0x6FFFF;
	_ =	strace $0x9000004F  }
0xb3: {  	s29 =	simm.s32 $0x9;
	_ =	strace $0x80000051  }
0xb4: {  	_ =	swait.ge [sflag:s29], $0x1  }
0xb5: {  	[sflag:s29] =	ssyncadd.s32 $0xFFFFFFFF  }
0xb6: {  	_ =	strace $0x90000051  }
0xb7: {  	_ =	sfence  }
0xb8: {  	s30 =	sld [smem:$0x0];
	_ =	sdelay $0x2  }
0xb9: {  	s31 =	sshll.u32 s1, $0xD;
	s1 =	sshrl.u32 s1, $0x2  }
0xba: {  	s3 =	sand.u32 $0x4000, s31;
	s1 =	sadd.s32 s1, s30  }
0xbb: {  	s0 =	sor.u32 s3, s0;
	s1 =	sshll.u32 s1, $0x11  }
0xbc: {  	s0 =	sor.u32 s1, s0  }
0xbd: {  	s0 =	sadd.s32 $0x8F2B, s0  }
0xbe: {  	[sflag:s0] =	ssyncadd.remote.s32 $0x1  }
0xbf: {  	_ =	sfence.sel $0xFFFF  }
0xc0: {  	[dreg:$0x0] =	wrdreg $0xFFFFFFFF;
	(pc) =	sbr.abs _section_cstart, $3  }
0xc1: {  	[dreg:$0x1] =	wrdreg $0xFFFFFFFF  }
0xc2: {  	_ =	task.clear_ibuf [dreg:s7], $0x2FFFF;
	_ =	strace $0x9FFFFFFF  }
0xc3: {  	(tm) =	ssettm $0x7FFFFFFF  }
tec
execute0_lowered:
.L_overlay_start_1:
0x0: {  	(tag) =	ssettag $0x1  }
0x1: {  	s0 =	rddreg [dreg:$0x0]  }
0x2: {  	s1 =	rddreg [dreg:$0x1]  }
0x3: {  	s2 =	rddreg [dreg:$0x2]  }
0x4: {  	s3 =	simm.s32 $0x0;
	s4 =	srdreg.scid;
	s13 =	stileid.u32  }
0x5: {  	s28 =	simm.s32 $0x180;
	s29 =	simm.s32 $0x200;
	s30 =	simm.s32 $0x280  }
0x6: {  	[smem:$0x7FF] =	sst s3;
	s5 =	sand.u32 $0x1, s4;
	s6 =	smul.u32 $0x2780, s13  }
0x7: {  	s4 =	sadd.s32 $0x10600, s0;
	s8 =	sadd.s32 $0x6400, s0;
	s15 =	smul.u32 $0x4F000, s13  }
0x8: {  	s9 =	sadd.s32 $0x5A00, s0;
	s26 =	sshll.u32 s13, $0x1;
	s24 =	smul.u32 $0xA20, s13  }
0x9: {  	s13 =	simm.s32 $0xC;
	_ =	strace $0x80000050;
	s7 =	smul.u32 $0x27800, s5  }
0xa: {  	s31 =	sor.u32 s5, s26;
	s16 =	ssub.s32 $0x2, s5;
	s5 =	smul.u32 $0x510, s5  }
0xb: {  	[dreg:$0x4] =	wrdreg s9;
	s10 =	smul.u32 $0x2880, s31;
	s11 =	sshrl.u32 s16, $0x1  }
0xc: {  	s9 =	sshrl.u32 s15, $0x2;
	s12 =	sshll.u32 s31, $0x7;
	s15 =	simm.s32 $0x2  }
0xd: {  	s6 =	sadd.s32 s6, s7;
	s14 =	sadd.s32 s9, s2;
	s12 =	sand.u32 $0x380, s12  }
0xe: {  	s7 =	smul.u32 $0x510, s31;
	s0 =	sadd.s32 s6, s0;
	s17 =	sand.u32 $0x7FC00, s10  }
0xf: {  	s6 =	ssub.s32 s16, s11;
	s18 =	sadd.s32 $0x4000, s14;
	[dreg:$0x5] =	wrdreg s14  }
0x10: {  	s19 =	sadd.s32 $0x8000, s14;
	s20 =	sadd.s32 $0xC000, s14;
	[dreg:$0x6] =	wrdreg s18  }
0x11: {  	s21 =	sadd.s32 $0x10000, s14;
	s10 =	sshrl.u32 s10, $0x3;
	[dreg:$0x7] =	wrdreg s19  }
0x12: {  	s11 =	simm.s32 $0x4;
	s16 =	simm.s32 $0x0;
	[dreg:$0x8] =	wrdreg s20  }
0x13: {  	s9 =	sor.u32 s12, s17;
	[dreg:$0x9] =	wrdreg s21;
	s23 =	sadd.s32 $0x10, s10  }
0x14: {  	s10 =	sadd.s32 s8, s10;
	s0 =	sadd.s32 $0x5EA00, s0;
	s31 =	smax.u32 s6, $0x1  }
0x15: {  	s18 =	sadd.s32 s5, s24;
	s19 =	sadd.s32 $0x4E0, s7;
	s20 =	sadd.s32 $0x20, s1  }
0x16: {  	s6 =	simm.s32 $0xD;
	s5 =	simm.s32 $0x300;
	s7 =	simm.s32 $0xB  }
0x17: {  	s12 =	simm.s32 $0x9;
	s9 =	sshrl.u32 s9, $0x3;
	[dreg:$0xf] =	wrdreg s0  }
0x18: {  	s25 =	sadd.s32 s8, s23;
	s10 =	sadd.s32 $0x20, s10;
	[dreg:$0x10] =	wrdreg s31  }
0x19: {  	s26 =	sadd.s32 s1, s23;
	s21 =	sadd.s32 s1, s18;
	[dreg:$0xb] =	wrdreg s25  }
.Ltmp0:
0x1a: {  	s23 =	simm.s32 $0x8300;
	[dreg:$0xc] =	wrdreg s10;
	(pc) =	sbr.rel .LBB2_1-.Ltmp0, $4  }
0x1b: {  	s0 =	simm.s32 $0x8;
	s22 =	sadd.s32 s8, s9;
	[dreg:$0xe] =	wrdreg s26  }
0x1c: {  	s9 =	sadd.s32 s1, s9;
	s25 =	simm.s32 $0x80;
	[dreg:$0xa] =	wrdreg s22  }
0x1d: {  	s26 =	simm.s32 $0x100;
	s10 =	simm.s32 $0x1;
	[dreg:$0xd] =	wrdreg s9  }
0x1e: {  	s22 =	sadd.s32 s8, s18;
	s8 =	simm.s32 $0x4300;
	s9 =	simm.s32 $0x6  }
.LBB2_4:
0x1f: {  	_ =	swait.ge [sflag:s12], $0x4000  }
0x20: {  	[sflag:s12] =	ssyncset.done $0x0  }
0x21: {  	[sflag:s12] =	ssyncadd.s32 $0xFFFFC000  }
0x22: {  	s1 =	stileid.u32;
	[bflag:$0x0] =	sbarrier.arrive $0xFFFF  }
0x23: {  	s1 =	sshll.u32 s1, $0x6;
	s14 =	rddreg [dreg:$0x5]  }
0x24: {  	s1 =	sor.u32 $0x1C0D, s1;
	s17 =	rddreg [dreg:$0xf];
	s6 =	sshrl.u32 s14, $0x3  }
0x25: {  	[hbm:s17], [sflag:s1] =	dma.local [spmem:s6], $0x2780  }
0x26: {  	s6 =	simm.s32 $0xD  }
0x27: {  	_ =	swait.ge [sflag:s6], $0x2780  }
0x28: {  	s16 =	sadd.s32 $0x1, s16;
	s31 =	rddreg [dreg:$0x10]  }
0x29: {  	p0 =	sne.s32 s16, s31  }
.Ltmp1:
0x2a: {  	_ = 	snop;
	(pc) =	sbr.rel @!p0 .LBB2_5-.Ltmp1, $3  }
0x2b: {  	_ =	sdelay $0x1  }
0x2c: {  	[sflag:s6] =	ssyncset.done $0x0  }
0x2d: {  	[sflag:s6] =	ssyncadd.s32 $0xFFFFD880  }
.LBB2_1:
0x2e: {  	s1 =	rddreg [dreg:$0x4]  }
0x2f: {  	[tilespmem:s23], [sflag:$0xD] =	stream.linear.gather [hbm4b:s1+s3], $0x4000, $0x38;
	[tilespmem:$0x1FF00] =	vst v63  }
0x30: {  	_ =	swait.ge [sflag:s6], $0x4000  }
0x31: {  	[sflag:s6] =	ssyncset.done $0x0  }
0x32: {  	[sflag:s6] =	ssyncadd.s32 $0xFFFFC000  }
0x33: {  	[spmem:s14] =	stream.linear.scatter [tilespmem:s23], [sflag:$0x7], $0x4000, $0x38;
	[tilespmem:$0x1FF00] =	vst v63  }
0x34: {  	s31 =	rddreg [dreg:$0x6]  }
0x35: {  	[spmem:s31] =	stream.linear.scatter [tilespmem:s23], [sflag:$0x7], $0x4000, $0x38;
	[tilespmem:$0x1FF00] =	vst v63  }
0x36: {  	s6 =	rddreg [dreg:$0x7]  }
0x37: {  	[spmem:s6] =	stream.linear.scatter [tilespmem:s23], [sflag:$0x7], $0x4000, $0x38;
	[tilespmem:$0x1FF00] =	vst v63  }
0x38: {  	s14 =	rddreg [dreg:$0x8]  }
0x39: {  	[spmem:s14] =	stream.linear.scatter [tilespmem:s23], [sflag:$0x7], $0x4000, $0x38;
	[tilespmem:$0x1FF00] =	vst v63  }
0x3a: {  	s17 =	rddreg [dreg:$0x9]  }
0x3b: {  	[spmem:s17] =	stream.linear.scatter [tilespmem:s23], [sflag:$0x8], $0x3C00, $0x38;
	[tilespmem:$0x1FF00] =	vst v63  }
0x3c: {  	s24 =	rddreg [dreg:$0xa]  }
0x3d: {  	[tilespmem:s3], [sflag:$0xA] =	stream.linear.gather [hbm4b:s24+s3], $0x80, $0x38;
	[tilespmem:$0x1FF00] =	vst v63  }
0x3e: {  	s31 =	rddreg [dreg:$0xb]  }
0x3f: {  	[tilespmem:s25], [sflag:$0xB] =	stream.linear.gather [hbm4b:s31+s3], $0x80, $0x38;
	[tilespmem:$0x1FF00] =	vst v63  }
0x40: {  	s6 =	rddreg [dreg:$0xc]  }
0x41: {  	[tilespmem:s26], [sflag:$0xC] =	stream.linear.gather [hbm4b:s6+s3], $0x80, $0x38;
	[tilespmem:$0x1FF00] =	vst v63  }
0x42: {  	s14 =	rddreg [dreg:$0xd]  }
0x43: {  	[tilespmem:s28], [sflag:$0x4] =	stream.linear.gather [hbm4b:s14+s3], $0x80, $0x38;
	[tilespmem:$0x1FF00] =	vst v63  }
0x44: {  	s17 =	rddreg [dreg:$0xe]  }
0x45: {  	[tilespmem:s29], [sflag:$0x5] =	stream.linear.gather [hbm4b:s17+s3], $0x80, $0x38;
	[tilespmem:$0x1FF00] =	vst v63  }
0x46: {  	s24 =	simm.s32 $0x7  }
0x47: {  	[tilespmem:s30], [sflag:$0x6] =	stream.linear.gather [hbm4b:s14+s3], $0x80, $0x38;
	[tilespmem:$0x1FF00] =	vst v63  }
0x48: {  	_ =	swait.ge [sflag:s24], $0x4000  }
0x49: {  	[sflag:s24] =	ssyncset.done $0x0  }
0x4a: {  	[sflag:s24] =	ssyncadd.s32 $0xFFFFC000  }
0x4b: {  	_ =	swait.ge [sflag:s24], $0x4000  }
0x4c: {  	[sflag:s24] =	ssyncset.done $0x0  }
0x4d: {  	[sflag:s24] =	ssyncadd.s32 $0xFFFFC000  }
0x4e: {  	_ =	swait.ge [sflag:s24], $0x4000  }
0x4f: {  	[sflag:s24] =	ssyncset.done $0x0  }
0x50: {  	[sflag:s24] =	ssyncadd.s32 $0xFFFFC000  }
0x51: {  	_ =	swait.ge [sflag:s24], $0x4000  }
0x52: {  	[sflag:s24] =	ssyncset.done $0x0  }
0x53: {  	[sflag:s24] =	ssyncadd.s32 $0xFFFFC000  }
0x54: {  	_ =	swait.ge [sflag:s0], $0x3C00  }
0x55: {  	[sflag:s0] =	ssyncset.done $0x0  }
0x56: {  	s31 =	simm.s32 $0xA;
	[sflag:s0] =	ssyncadd.s32 $0xFFFFC400  }
0x57: {  	_ =	swait.ge [sflag:s31], $0x80  }
0x58: {  	[sflag:s31] =	ssyncset.done $0x0  }
0x59: {  	[sflag:s31] =	ssyncadd.s32 $0xFFFFFF80  }
0x5a: {  	[tilespmem:s5], [sflag:$0x1] =	stream.indirect.gather [hbm4b:s4+s25], $0x80, s3, s25, $0xb8;
	[tilespmem:$0x1FF00] =	vst v63  }
0x5b: {  	_ =	swait.ge [sflag:s7], $0x80  }
0x5c: {  	[sflag:s7] =	ssyncset.done $0x0  }
0x5d: {  	[sflag:s7] =	ssyncadd.s32 $0xFFFFFF80  }
0x5e: {  	[tilespmem:s8], [sflag:$0x2] =	stream.indirect.gather [hbm4b:s4+s25], $0x80, s25, s25, $0xb8;
	[tilespmem:$0x1FF00] =	vst v63  }
0x5f: {  	_ =	swait.ge [sflag:s9], $0x80  }
0x60: {  	[sflag:s9] =	ssyncset.done $0x0  }
0x61: {  	[sflag:s9] =	ssyncadd.s32 $0xFFFFFF80  }
0x62: {  	s17 =	simm.s32 $0x0;
	[bflag:$0x0] =	sbarrier.arrive $0xFFFF  }
0x63: {  	[spmem:s2] =	stream.indirect.scatter.add.f32 [tilespmem:s23], [sflag:$0x9], $0x80, s30, s25, $0xb8;
	[tilespmem:$0x1FF00] =	vst v63  }
.LBB2_2:
0x64: {  	_ =	swait.ge [sflag:s10], $0x4000;
	p0 =	seq.s32 s17, $0x4E0  }
0x65: {  	[sflag:s10] =	ssyncset.done $0x0;
	s1 =	sadd.s32 @!p0 s17, s22  }
0x66: {  	s6 =	simm.s32 @!p0 $0x0;
	[sflag:s10] =	ssyncadd.s32 $0xFFFFC000;
	s14 =	sadd.s32 @!p0 $0x30, s1  }
0x67: {  	[tilespmem:s6], [sflag:$0xA] =	stream.linear.gather @!p0 [hbm4b:s14+s6], $0x80, $0x38;
	[tilespmem:$0x1FF00] =	vst v63  }
0x68: {  	_ =	swait.ge [sflag:s11], $0x80  }
0x69: {  	[sflag:s11] =	ssyncset.done $0x0  }
0x6a: {  	[sflag:s11] =	ssyncadd.s32 $0xFFFFFF80  }
0x6b: {  	[spmem:s2] =	stream.indirect.scatter.add.f32 [tilespmem:s5], [sflag:$0x7], $0x80, s28, s25, $0xb8;
	[tilespmem:$0x1FF00] =	vst v63  }
0x6c: {  	s14 =	sadd.s32 @!p0 s17, s18;
	_ =	swait.ge [sflag:s12], $0x4000  }
0x6d: {  	s14 =	smov.u32 @p0 s19;
	[sflag:s12] =	ssyncset.done $0x0  }
0x6e: {  	s14 =	sadd.s32 s20, s14;
	[sflag:s12] =	ssyncadd.s32 $0xFFFFC000  }
0x6f: {  	[tilespmem:s30], [sflag:$0x6] =	stream.linear.gather [hbm4b:s14+s3], $0x80, $0x38;
	[tilespmem:$0x1FF00] =	vst v63  }
0x70: {  	_ =	swait.ge [sflag:s13], $0x80  }
0x71: {  	[sflag:s13] =	ssyncset.done $0x0  }
0x72: {  	[sflag:s13] =	ssyncadd.s32 $0xFFFFFF80  }
0x73: {  	[tilespmem:s23], [sflag:$0x3] =	stream.indirect.gather [hbm4b:s4+s25], $0x80, s26, s25, $0xb8;
	[tilespmem:$0x1FF00] =	vst v63  }
0x74: {  	_ =	swait.ge [sflag:s15], $0x4000  }
0x75: {  	[sflag:s15] =	ssyncset.done $0x0  }
0x76: {  	s14 =	simm.s32 @p0 $0x5;
	[sflag:s15] =	ssyncadd.s32 $0xFFFFC000  }
0x77: {  	_ =	swait.ge @p0 [sflag:s14], $0x80  }
0x78: {  	s24 =	simm.s32 @p0 $0x200;
	[sflag:s14] =	ssyncset.done @p0 $0x0  }
0x79: {  	s31 =	simm.s32 @p0 $0x4300;
	[sflag:s14] =	ssyncadd.s32 @p0 $0xFFFFFF80;
	s14 =	simm.s32 @p0 $0x80  }
0x7a: {  	[spmem:s2] =	stream.indirect.scatter.add.f32 @p0 [tilespmem:s31], [sflag:$0x8], $0x80, s24, s14, $0xb8;
	[tilespmem:$0x1FF00] =	vst v63  }
0x7b: {  	s14 =	simm.s32 @p0 $0x7  }
0x7c: {  	_ =	swait.ge @p0 [sflag:s14], $0x4000  }
0x7d: {  	[sflag:s14] =	ssyncset.done @p0 $0x0  }
0x7e: {  	[sflag:s14] =	ssyncadd.s32 @p0 $0xFFFFC000;
	s14 =	simm.s32 @p0 $0x3  }
0x7f: {  	_ =	swait.ge @p0 [sflag:s14], $0x4000  }
0x80: {  	[sflag:s14] =	ssyncset.done @p0 $0x0  }
0x81: {  	s24 =	simm.s32 @!p0 $0x80;
	[sflag:s14] =	ssyncadd.s32 @p0 $0xFFFFC000;
	s14 =	sadd.s32 @!p0 $0x40, s1  }
0x82: {  	[tilespmem:s24], [sflag:$0xB] =	stream.linear.gather @!p0 [hbm4b:s14+s6], $0x80, $0x38;
	[tilespmem:$0x1FF00] =	vst v63  }
0x83: {  	s14 =	simm.s32 @!p0 $0x5  }
0x84: {  	_ =	swait.ge @!p0 [sflag:s14], $0x80  }
0x85: {  	[sflag:s14] =	ssyncset.done @!p0 $0x0  }
0x86: {  	s31 =	simm.s32 @!p0 $0x4300;
	[sflag:s14] =	ssyncadd.s32 @!p0 $0xFFFFFF80;
	s14 =	simm.s32 @!p0 $0x200  }
0x87: {  	[spmem:s2] =	stream.indirect.scatter.add.f32 @!p0 [tilespmem:s31], [sflag:$0x8], $0x80, s14, s24, $0xb8;
	[tilespmem:$0x1FF00] =	vst v63  }
0x88: {  	s14 =	simm.s32 @!p0 $0x7  }
0x89: {  	_ =	swait.ge @!p0 [sflag:s14], $0x4000  }
0x8a: {  	s31 =	sadd.s32 @!p0 s17, s21;
	[sflag:s14] =	ssyncset.done @!p0 $0x0  }
0x8b: {  	[sflag:s14] =	ssyncadd.s32 @!p0 $0xFFFFC000;
	s14 =	sadd.s32 @!p0 $0x30, s31;
	s31 =	simm.s32 @!p0 $0x180  }
0x8c: {  	[tilespmem:s31], [sflag:$0x4] =	stream.linear.gather @!p0 [hbm4b:s14+s6], $0x80, $0x38;
	[tilespmem:$0x1FF00] =	vst v63  }
0x8d: {  	s14 =	simm.s32 @!p0 $0xA  }
0x8e: {  	_ =	swait.ge @!p0 [sflag:s14], $0x80  }
0x8f: {  	[sflag:s14] =	ssyncset.done @!p0 $0x0  }
0x90: {  	[sflag:s14] =	ssyncadd.s32 @!p0 $0xFFFFFF80;
	s14 =	simm.s32 @!p0 $0x300  }
0x91: {  	[tilespmem:s14], [sflag:$0x1] =	stream.indirect.gather @!p0 [hbm4b:s4+s24], $0x80, s6, s24, $0xb8;
	[tilespmem:$0x1FF00] =	vst v63  }
0x92: {  	s14 =	simm.s32 @!p0 $0x3  }
0x93: {  	_ =	swait.ge @!p0 [sflag:s14], $0x4000  }
0x94: {  	[sflag:s14] =	ssyncset.done @!p0 $0x0  }
0x95: {  	s1 =	sadd.s32 @!p0 $0x50, s1;
	[sflag:s14] =	ssyncadd.s32 @!p0 $0xFFFFC000;
	s14 =	simm.s32 @!p0 $0x100  }
0x96: {  	[tilespmem:s14], [sflag:$0xC] =	stream.linear.gather @!p0 [hbm4b:s1+s6], $0x80, $0x38;
	[tilespmem:$0x1FF00] =	vst v63  }
0x97: {  	_ =	swait.ge [sflag:s9], $0x80  }
0x98: {  	[sflag:s9] =	ssyncset.done $0x0  }
.Ltmp2:
0x99: {  	[sflag:s9] =	ssyncadd.s32 $0xFFFFFF80;
	(pc) =	sbr.rel @p0 .LBB2_4-.Ltmp2, $4  }
0x9a: {  	[spmem:s2] =	stream.indirect.scatter.add.f32 [tilespmem:s23], [sflag:$0x9], $0x80, s30, s25, $0xb8;
	[tilespmem:$0x1FF00] =	vst v63  }
0x9b: {  	_ =	swait.ge [sflag:s0], $0x4000  }
0x9c: {  	[sflag:s0] =	ssyncset.done $0x0  }
0x9d: {  	[sflag:s0] =	ssyncadd.s32 $0xFFFFC000  }
0x9e: {  	s1 =	sadd.s32 s17, s21  }
0x9f: {  	s1 =	sadd.s32 $0x40, s1  }
0xa0: {  	[tilespmem:s29], [sflag:$0x5] =	stream.linear.gather [hbm4b:s1+s3], $0x80, $0x38;
	[tilespmem:$0x1FF00] =	vst v63  }
.Ltmp3:
0xa1: {  	_ = 	snop;
	(pc) =	sbr.rel .LBB2_2-.Ltmp3, $4  }
0xa2: {  	_ =	swait.ge [sflag:s7], $0x80  }
0xa3: {  	[sflag:s7] =	ssyncset.done $0x0  }
0xa4: {  	s17 =	sadd.s32 $0x30, s17;
	[sflag:s7] =	ssyncadd.s32 $0xFFFFFF80  }
0xa5: {  	[tilespmem:s8], [sflag:$0x2] =	stream.indirect.gather [hbm4b:s4+s25], $0x80, s25, s25, $0xb8;
	[tilespmem:$0x1FF00] =	vst v63  }
.LBB2_5:
0xa6: {  	_ =	sfence.sel $0x180000  }
0xa7: {  	[bflag:$0x0] =	sbarrier.arrive $0xFFFF  }
0xa8: {  	_ =	strace $0x90000050  }
0xa9: {  	s0 =	stileid.u32;
	[bflag:$0x2] =	sbarrier.arrive $0xFFFF  }
0xaa: {  	p0 =	sne.s32 s0, $0x0;
	s0 =	rddreg [dreg:$0x3]  }
0xab: {  	s0 =	sadd.s32 @!p0 $0x100000, s0  }
0xac: {  	[sflag:s0] =	ssyncadd.tile.s32 @!p0 $0x1;
	_ =	shalt  }
.Lfunc_end2:
_tile_overlayer_lowered:
.L_overlay_start_2:
0xad: {  	(tag) =	ssettag $0x2  }
0xae: {  	s0 =	rddreg [dreg:$0x0];
	s2 =	stileid.u32  }
0xaf: {  	s1 =	rddreg [dreg:$0x1];
	p0 =	sne.s32 s2, $0x0  }
0xb0: {  	s3 =	rddreg [dreg:$0x2];
	[bflag:$0x3] =	sbarrier.arrive $0xFFFF;
	s2 =	simm.s32 @!p0 $0x1C0D  }
0xb1: {  	[timem:s3], [sflag:s2] =	dma.local @!p0 [hbm:s0], s1  }
0xb2: {  	s0 =	simm.s32 @!p0 $0xD  }
0xb3: {  	_ =	swait.ge @!p0 [sflag:s0], s1  }
0xb4: {  	s1 =	ssub.s32 @!p0 $0x0, s1;
	[sflag:s0] =	ssyncset.done @!p0 $0x0  }
0xb5: {  	[sflag:s0] =	ssyncadd.s32 @!p0 s1  }
0xb6: {  	[bflag:$0x3] =	sbarrier.arrive $0xFFFF  }
0xb7: {  	_ =	shalt  }

// kernel: kernel.24.cloned.1.call-start
scs
__scs_entry_jumppad:
0x0: {  	(pc) =	sbr.rel $0x88, $3  }
0x1: {  	(tag) =	ssettag $0x0;
	lr =	simm.s32 $0x1  }
0x2: {  	[smem:$0x3F99] =	sst lr;
	_ =	strace $0xD0000000  }
0x3: {  	_ = 	snop  }
0x4: {  	_ = 	snop  }
0x5: {  	_ = 	snop  }
0x6: {  	_ = 	snop  }
0x7: {  	_ = 	snop  }
__scs_overlays_trampoline_lowered:
0x8: {  	[smem:$0x3FA8] =	sst s0  }
0x9: {  	[smem:$0x3FA9] =	sst s1  }
0xa: {  	[smem:$0x3FAA] =	sst s2  }
0xb: {  	[smem:$0x3FAB] =	sst s3  }
0xc: {  	[smem:$0x3FAC] =	sst s4  }
0xd: {  	[smem:$0x3FAD] =	sst s5  }
0xe: {  	[smem:$0x3FAE] =	sst s6  }
0xf: {  	[smem:$0x3FAF] =	sst s7  }
0x10: {  	[smem:$0x3FB0] =	sst s8  }
0x11: {  	[smem:$0x3FB1] =	sst s9;
	s0 =	simm.s32 @!p0 $0x0  }
0x12: {  	s1 =	sld [smem:$0x3F97];
	s0 =	simm.s32 @p0 $0x1  }
0x13: {  	[smem:$0x3FB2] =	sst s0;
	s0 =	simm.s32 @!p1 $0x0  }
0x14: {  	s2 =	sld [smem:$0x3F96];
	s0 =	simm.s32 @p1 $0x1  }
0x15: {  	[smem:$0x3FB3] =	sst s0;
	s0 =	simm.s32 @!p2 $0x0  }
0x16: {  	s3 =	sld [smem:$0x3FDB];
	s0 =	simm.s32 @p2 $0x1  }
0x17: {  	s4 =	simm.s32 $0x1BF5;
	[smem:$0x3FB5] =	sst s0  }
0x18: {  	s0 =	sld [smem:$0x3F98];
	_ =	swait.ge [sflag:s4], $0x0  }
0x19: {  	s7 =	sld [smem:$0x3F99]  }
0x1a: {  	s8 =	sadd.s32 $0xFFFFE003, lr  }
0x1b: {  	s9 =	sadd.s32 $0xFFFFFEF7, lr;
	s5 =	simm.s32 $0xFFFFFFFF;
	p2 =	slt.u32 s8, $0xFFFFF086  }
0x1c: {  	p1 =	slt.u32 s9, $0xF7A;
	s5 =	simm.s32 @!p2 $0x0  }
0x1d: {  	s5 =	simm.s32 @p1 $0x1;
	p0 =	seq.s32 s7, s2  }
0x1e: {  	s7 =	smul.u32 @!p0 $0xF7A, s2;
	p2 =	seq.s32 @!p0 s5, $0x0  }
0x1f: {  	s9 =	smul.u32 $0xF7A, s1;
	s8 =	simm.s32 @!p0 $0x1BF5;
	p2 =	por !p2, p0  }
0x20: {  	[sflag:s8] =	ssyncset.s32 @!p0 $0xFFFFF086;
	s6 =	sadd.s32 @!p0 s3, s7;
	s7 =	simm.s32 @!p0 $0x108  }
0x21: {  	s3 =	sadd.s32 s3, s9;
	s6 =	sadd.s32 @!p0 $0x88, s6;
	s7 =	simm.s32 @p2 $0x1082  }
0x22: {  	[simem:s7], [sflag:s8] =	dma.local @!p0 [hbm:s6], $0xF7A  }
0x23: {  	s9 =	sor.u32 $0xD0000000, s2;
	s6 =	simm.s32 $0x108;
	_ =	swait.ge @!p0 [sflag:s8], $0x0  }
0x24: {  	s3 =	sadd.s32 $0x88, s3;
	s6 =	simm.s32 @!p1 $0x1082;
	[sflag:s4] =	ssyncset.s32 $0xFFFFF086  }
0x25: {  	[simem:s6], [sflag:s4] =	dma.local [hbm:s3], $0xF7A  }
0x26: {  	[smem:$0x3F99] =	sst s1;
	(tag) =	ssettag s2;
	_ =	strace s9  }
0x27: {  	s1 =	sld [smem:$0x3FA9]  }
0x28: {  	s2 =	sld [smem:$0x3FAA]  }
0x29: {  	s4 =	sld [smem:$0x3FAC]  }
0x2a: {  	p0 =	seq.s32 s5, $0x0;
	s5 =	sld [smem:$0x3FAD]  }
0x2b: {  	s6 =	sld [smem:$0x3FAE]  }
0x2c: {  	s7 =	sld [smem:$0x3FAF]  }
0x2d: {  	s3 =	simm.s32 $0x108;
	s8 =	sld [smem:$0x3FB0]  }
0x2e: {  	s3 =	simm.s32 @!p0 $0x1082;
	s9 =	sld [smem:$0x3FB1]  }
0x2f: {  	lr =	sadd.s32 s0, s3;
	s0 =	sld [smem:$0x3FA8]  }
0x30: {  	s3 =	sld [smem:$0x3FAB]  }
0x31: {  	[smem:$0x3FB4] =	sst s10  }
0x32: {  	s10 =	sld [smem:$0x3FB2];
	_ =	sdelay $0x3  }
0x33: {  	p0 =	seq.s32 s10, $0x1;
	s10 =	sld [smem:$0x3FB4];
	_ =	sdelay $0x3  }
0x34: {  	[smem:$0x3FB4] =	sst s10  }
0x35: {  	s10 =	sld [smem:$0x3FB3];
	_ =	sdelay $0x3  }
0x36: {  	p1 =	seq.s32 s10, $0x1;
	s10 =	sld [smem:$0x3FB4];
	_ =	sdelay $0x3  }
0x37: {  	[smem:$0x3FB4] =	sst s10  }
0x38: {  	s10 =	sld [smem:$0x3FB5]  }
0x39: {  	_ = 	snop;
	(pc) =	sbr.ind lr, $3  }
0x3a: {  	_ = 	snop  }
0x3b: {  	_ = 	snop  }
0x3c: {  	p2 =	seq.s32 s10, $0x1;
	s10 =	sld [smem:$0x3FB4]  }
0x3d: {  	_ =	shalt  }
0x3e: {  	_ =	shalt  }
0x3f: {  	_ =	shalt  }
0x40: {  	_ =	shalt  }
0x41: {  	_ =	shalt  }
0x42: {  	_ =	shalt  }
0x43: {  	_ =	shalt  }
0x44: {  	_ =	shalt  }
0x45: {  	_ =	shalt  }
0x46: {  	_ =	shalt  }
0x47: {  	_ =	shalt  }
0x48: {  	_ =	shalt  }
0x49: {  	_ =	shalt  }
0x4a: {  	_ =	shalt  }
0x4b: {  	_ =	shalt  }
0x4c: {  	_ =	shalt  }
0x4d: {  	_ =	shalt  }
0x4e: {  	_ =	shalt  }
0x4f: {  	_ =	shalt  }
0x50: {  	_ =	shalt  }
0x51: {  	_ =	shalt  }
0x52: {  	_ =	shalt  }
0x53: {  	_ =	shalt  }
0x54: {  	_ =	shalt  }
0x55: {  	_ =	shalt  }
0x56: {  	_ =	shalt  }
0x57: {  	_ =	shalt  }
0x58: {  	_ =	shalt  }
0x59: {  	_ =	shalt  }
0x5a: {  	_ =	shalt  }
0x5b: {  	_ =	shalt  }
0x5c: {  	_ =	shalt  }
0x5d: {  	_ =	shalt  }
0x5e: {  	_ =	shalt  }
0x5f: {  	_ =	shalt  }
0x60: {  	_ =	shalt  }
0x61: {  	_ =	shalt  }
0x62: {  	_ =	shalt  }
0x63: {  	_ =	shalt  }
0x64: {  	_ =	shalt  }
0x65: {  	_ =	shalt  }
0x66: {  	_ =	shalt  }
0x67: {  	_ =	shalt  }
0x68: {  	_ =	shalt  }
0x69: {  	_ =	shalt  }
0x6a: {  	_ =	shalt  }
0x6b: {  	_ =	shalt  }
0x6c: {  	_ =	shalt  }
0x6d: {  	_ =	shalt  }
0x6e: {  	_ =	shalt  }
0x6f: {  	_ =	shalt  }
0x70: {  	_ =	shalt  }
0x71: {  	_ =	shalt  }
0x72: {  	_ =	shalt  }
0x73: {  	_ =	shalt  }
0x74: {  	_ =	shalt  }
0x75: {  	_ =	shalt  }
0x76: {  	_ =	shalt  }
0x77: {  	_ =	shalt  }
0x78: {  	_ =	shalt  }
0x79: {  	_ =	shalt  }
0x7a: {  	_ =	shalt  }
0x7b: {  	_ =	shalt  }
0x7c: {  	_ =	shalt  }
0x7d: {  	_ =	shalt  }
0x7e: {  	_ =	shalt  }
0x7f: {  	_ =	shalt  }
0x80: {  	_ =	shalt  }
0x81: {  	_ =	shalt  }
0x82: {  	_ =	shalt  }
0x83: {  	_ =	shalt  }
0x84: {  	_ =	shalt  }
0x85: {  	_ =	shalt  }
0x86: {  	_ =	shalt  }
0x87: {  	_ =	shalt  }
.Lfunc_end0:
.L_simem_size_0:
called_computation.4_lowered:
.L_overlay_start_0:
0x88: {  	s2 =	sld [smem:$0x3FD9]  }
0x89: {  	s3 =	sld [smem:$0x3FFE];
	_ =	sdelay $0x1  }
0x8a: {  	s1 =	srdreg.scid  }
0x8b: {  	s0 =	sand.u32 $0x1, s1  }
0x8c: {  	s17 =	sshll.u32 s0, $0xA;
	s2 =	sadd.s32 s3, s2  }
0x8d: {  	s2 =	sadd.s32 s2, s17  }
0x8e: {  	[smem:$0x3FC0] =	sst s2  }
0x8f: {  	_ = 	snop  }
0x90: {  	s2 =	sld [smem:$0x3FD0];
	(tm) =	ssettm $0x1  }
0x91: {  	s18 =	sld [smem:$0x3FFB];
	_ =	sdelay $0x3  }
0x92: {  	_ =	strace s18  }
0x93: {  	s3 =	sld [smem:$0x3FFC];
	_ =	sdelay $0x3  }
0x94: {  	_ =	strace s3  }
0x95: {  	s3 =	sld [smem:$0x3FFD];
	_ =	sdelay $0x3  }
0x96: {  	_ =	strace s3  }
0x97: {  	_ =	strace $0x8FFFFFFF  }
0x98: {  	s19 =	sld [smem:$0x3FDB];
	_ =	sdelay $0x1  }
0x99: {  	s4 =	simm.s32 $_scs_section_size  }
0x9a: {  	s5 =	simm.s32 $_size__tile_overlayer_lowered;
	s6 =	simm.s32 $_tile_overlayer_lowered  }
0x9b: {  	s22 =	simm.s32 $0x1BFF;
	s21 =	sshll.u32 s6, $0x1;
	s3 =	sadd.s32 s4, s19  }
0x9c: {  	s7 =	simm.s32 $0x0;
	s20 =	sshll.u32 s5, $0x1;
	s5 =	sadd.s32 s21, s3  }
0x9d: {  	[timem:s7], [sflag:s22] =	dma.local [hbm:s5], s20  }
0x9e: {  	_ =	swait.ge [sflag:s22], s20  }
0x9f: {  	s4 =	ssub.s32 $0x0, s20;
	[sflag:s22] =	ssyncset.done $0x0  }
0xa0: {  	[sflag:s22] =	ssyncadd.s32 s4;
	_ =	sdelay $0x1  }
0xa1: {  	s23 =	simm.s32 $0x1B8B  }
0xa2: {  	_ =	swait.ge [sflag:s23], $0x1  }
0xa3: {  	[sflag:s23] =	ssyncset.done $0x0  }
0xa4: {  	s25 =	simm.s32 $0x1B8E;
	s24 =	sld [smem:$0x3FFE];
	[sflag:s23] =	ssyncadd.s32 $0xFFFFFFFF  }
0xa5: {  	s26 =	simm.s32 $execute0_lowered;
	[smem:$0x3FD2] =	sst s25  }
0xa6: {  	s5 =	sshll.u32 s26, $0x1;
	_ =	strace $0x80000052;
	[dreg:$0x1] =	wrdreg $0xFFFFFFFF  }
0xa7: {  	s28 =	simm.s32 $_size_execute0_lowered;
	s3 =	sadd.s32 s3, s5;
	[dreg:$0x0] =	wrdreg $0x0  }
0xa8: {  	s5 =	sshll.u32 s28, $0x1;
	[dreg:$0x2] =	wrdreg s3  }
0xa9: {  	[dreg:$0x3] =	wrdreg s5  }
0xaa: {  	[dreg:$0x4] =	wrdreg $0xC0  }
0xab: {  	_ =	task [dreg:s7], $0x5FFFF  }
0xac: {  	[dreg:$0x1] =	wrdreg $0xFFFFFFFF  }
0xad: {  	[dreg:$0x0] =	wrdreg $0x60  }
0xae: {  	[dreg:$0x2] =	wrdreg s24  }
0xaf: {  	[dreg:$0x3] =	wrdreg s2  }
0xb0: {  	[dreg:$0x4] =	wrdreg $0xC3000  }
0xb1: {  	[dreg:$0x5] =	wrdreg $0x9  }
0xb2: {  	_ =	task.clear_ibuf [dreg:s7], $0x6FFFF;
	_ =	strace $0x90000052  }
0xb3: {  	s29 =	simm.s32 $0x9;
	_ =	strace $0x80000054  }
0xb4: {  	_ =	swait.ge [sflag:s29], $0x1  }
0xb5: {  	[sflag:s29] =	ssyncadd.s32 $0xFFFFFFFF  }
0xb6: {  	_ =	strace $0x90000054  }
0xb7: {  	_ =	sfence  }
0xb8: {  	s30 =	sld [smem:$0x0];
	_ =	sdelay $0x2  }
0xb9: {  	s31 =	sshll.u32 s1, $0xD;
	s1 =	sshrl.u32 s1, $0x2  }
0xba: {  	s3 =	sand.u32 $0x4000, s31;
	s1 =	sadd.s32 s1, s30  }
0xbb: {  	s0 =	sor.u32 s3, s0;
	s1 =	sshll.u32 s1, $0x11  }
0xbc: {  	s0 =	sor.u32 s1, s0  }
0xbd: {  	s0 =	sadd.s32 $0x8F2B, s0  }
0xbe: {  	[sflag:s0] =	ssyncadd.remote.s32 $0x1  }
0xbf: {  	_ =	sfence.sel $0xFFFF  }
0xc0: {  	[dreg:$0x0] =	wrdreg $0xFFFFFFFF;
	(pc) =	sbr.abs _section_cstart, $3  }
0xc1: {  	[dreg:$0x1] =	wrdreg $0xFFFFFFFF  }
0xc2: {  	_ =	task.clear_ibuf [dreg:s7], $0x2FFFF;
	_ =	strace $0x9FFFFFFF  }
0xc3: {  	(tm) =	ssettm $0x7FFFFFFF  }
tec
execute0_lowered:
.L_overlay_start_1:
0x0: {  	(tag) =	ssettag $0x1  }
0x1: {  	s0 =	rddreg [dreg:$0x0]  }
0x2: {  	s1 =	rddreg [dreg:$0x1]  }
0x3: {  	s2 =	rddreg [dreg:$0x2]  }
0x4: {  	s3 =	simm.s32 $0x0;
	s4 =	srdreg.scid;
	s13 =	stileid.u32  }
0x5: {  	s28 =	simm.s32 $0x180;
	s29 =	simm.s32 $0x200;
	s30 =	simm.s32 $0x280  }
0x6: {  	[smem:$0x7FF] =	sst s3;
	s5 =	sand.u32 $0x1, s4;
	s6 =	smul.u32 $0x2780, s13  }
0x7: {  	s4 =	sadd.s32 $0x10600, s0;
	s8 =	sadd.s32 $0x6400, s0;
	s15 =	smul.u32 $0x4F000, s13  }
0x8: {  	s9 =	sadd.s32 $0x5A00, s0;
	s26 =	sshll.u32 s13, $0x1;
	s24 =	smul.u32 $0xA20, s13  }
0x9: {  	s13 =	simm.s32 $0xC;
	_ =	strace $0x80000053;
	s7 =	smul.u32 $0x27800, s5  }
0xa: {  	s31 =	sor.u32 s5, s26;
	s16 =	ssub.s32 $0x2, s5;
	s5 =	smul.u32 $0x510, s5  }
0xb: {  	[dreg:$0x4] =	wrdreg s9;
	s10 =	smul.u32 $0x2880, s31;
	s11 =	sshrl.u32 s16, $0x1  }
0xc: {  	s9 =	sshrl.u32 s15, $0x2;
	s12 =	sshll.u32 s31, $0x7;
	s15 =	simm.s32 $0x2  }
0xd: {  	s6 =	sadd.s32 s6, s7;
	s14 =	sadd.s32 s9, s2;
	s12 =	sand.u32 $0x380, s12  }
0xe: {  	s7 =	smul.u32 $0x510, s31;
	s0 =	sadd.s32 s6, s0;
	s17 =	sand.u32 $0x7FC00, s10  }
0xf: {  	s6 =	ssub.s32 s16, s11;
	s18 =	sadd.s32 $0x4000, s14;
	[dreg:$0x5] =	wrdreg s14  }
0x10: {  	s19 =	sadd.s32 $0x8000, s14;
	s20 =	sadd.s32 $0xC000, s14;
	[dreg:$0x6] =	wrdreg s18  }
0x11: {  	s21 =	sadd.s32 $0x10000, s14;
	s10 =	sshrl.u32 s10, $0x3;
	[dreg:$0x7] =	wrdreg s19  }
0x12: {  	s11 =	simm.s32 $0x4;
	s16 =	simm.s32 $0x0;
	[dreg:$0x8] =	wrdreg s20  }
0x13: {  	s9 =	sor.u32 s12, s17;
	[dreg:$0x9] =	wrdreg s21;
	s23 =	sadd.s32 $0x10, s10  }
0x14: {  	s10 =	sadd.s32 s8, s10;
	s0 =	sadd.s32 $0x5EA00, s0;
	s31 =	smax.u32 s6, $0x1  }
0x15: {  	s18 =	sadd.s32 s5, s24;
	s19 =	sadd.s32 $0x4E0, s7;
	s20 =	sadd.s32 $0x20, s1  }
0x16: {  	s6 =	simm.s32 $0xD;
	s5 =	simm.s32 $0x300;
	s7 =	simm.s32 $0xB  }
0x17: {  	s12 =	simm.s32 $0x9;
	s9 =	sshrl.u32 s9, $0x3;
	[dreg:$0xf] =	wrdreg s0  }
0x18: {  	s25 =	sadd.s32 s8, s23;
	s10 =	sadd.s32 $0x20, s10;
	[dreg:$0x10] =	wrdreg s31  }
0x19: {  	s26 =	sadd.s32 s1, s23;
	s21 =	sadd.s32 s1, s18;
	[dreg:$0xb] =	wrdreg s25  }
.Ltmp0:
0x1a: {  	s23 =	simm.s32 $0x8300;
	[dreg:$0xc] =	wrdreg s10;
	(pc) =	sbr.rel .LBB2_1-.Ltmp0, $4  }
0x1b: {  	s0 =	simm.s32 $0x8;
	s22 =	sadd.s32 s8, s9;
	[dreg:$0xe] =	wrdreg s26  }
0x1c: {  	s9 =	sadd.s32 s1, s9;
	s25 =	simm.s32 $0x80;
	[dreg:$0xa] =	wrdreg s22  }
0x1d: {  	s26 =	simm.s32 $0x100;
	s10 =	simm.s32 $0x1;
	[dreg:$0xd] =	wrdreg s9  }
0x1e: {  	s22 =	sadd.s32 s8, s18;
	s8 =	simm.s32 $0x4300;
	s9 =	simm.s32 $0x6  }
.LBB2_4:
0x1f: {  	_ =	swait.ge [sflag:s12], $0x4000  }
0x20: {  	[sflag:s12] =	ssyncset.done $0x0  }
0x21: {  	[sflag:s12] =	ssyncadd.s32 $0xFFFFC000  }
0x22: {  	s1 =	stileid.u32;
	[bflag:$0x0] =	sbarrier.arrive $0xFFFF  }
0x23: {  	s1 =	sshll.u32 s1, $0x6;
	s14 =	rddreg [dreg:$0x5]  }
0x24: {  	s1 =	sor.u32 $0x1C0D, s1;
	s17 =	rddreg [dreg:$0xf];
	s6 =	sshrl.u32 s14, $0x3  }
0x25: {  	[hbm:s17], [sflag:s1] =	dma.local [spmem:s6], $0x2780  }
0x26: {  	s6 =	simm.s32 $0xD  }
0x27: {  	_ =	swait.ge [sflag:s6], $0x2780  }
0x28: {  	s16 =	sadd.s32 $0x1, s16;
	s31 =	rddreg [dreg:$0x10]  }
0x29: {  	p0 =	sne.s32 s16, s31  }
.Ltmp1:
0x2a: {  	_ = 	snop;
	(pc) =	sbr.rel @!p0 .LBB2_5-.Ltmp1, $3  }
0x2b: {  	_ =	sdelay $0x1  }
0x2c: {  	[sflag:s6] =	ssyncset.done $0x0  }
0x2d: {  	[sflag:s6] =	ssyncadd.s32 $0xFFFFD880  }
.LBB2_1:
0x2e: {  	s1 =	rddreg [dreg:$0x4]  }
0x2f: {  	[tilespmem:s23], [sflag:$0xD] =	stream.linear.gather [hbm4b:s1+s3], $0x4000, $0x38;
	[tilespmem:$0x1FF00] =	vst v63  }
0x30: {  	_ =	swait.ge [sflag:s6], $0x4000  }
0x31: {  	[sflag:s6] =	ssyncset.done $0x0  }
0x32: {  	[sflag:s6] =	ssyncadd.s32 $0xFFFFC000  }
0x33: {  	[spmem:s14] =	stream.linear.scatter [tilespmem:s23], [sflag:$0x7], $0x4000, $0x38;
	[tilespmem:$0x1FF00] =	vst v63  }
0x34: {  	s31 =	rddreg [dreg:$0x6]  }
0x35: {  	[spmem:s31] =	stream.linear.scatter [tilespmem:s23], [sflag:$0x7], $0x4000, $0x38;
	[tilespmem:$0x1FF00] =	vst v63  }
0x36: {  	s6 =	rddreg [dreg:$0x7]  }
0x37: {  	[spmem:s6] =	stream.linear.scatter [tilespmem:s23], [sflag:$0x7], $0x4000, $0x38;
	[tilespmem:$0x1FF00] =	vst v63  }
0x38: {  	s14 =	rddreg [dreg:$0x8]  }
0x39: {  	[spmem:s14] =	stream.linear.scatter [tilespmem:s23], [sflag:$0x7], $0x4000, $0x38;
	[tilespmem:$0x1FF00] =	vst v63  }
0x3a: {  	s17 =	rddreg [dreg:$0x9]  }
0x3b: {  	[spmem:s17] =	stream.linear.scatter [tilespmem:s23], [sflag:$0x8], $0x3C00, $0x38;
	[tilespmem:$0x1FF00] =	vst v63  }
0x3c: {  	s24 =	rddreg [dreg:$0xa]  }
0x3d: {  	[tilespmem:s3], [sflag:$0xA] =	stream.linear.gather [hbm4b:s24+s3], $0x80, $0x38;
	[tilespmem:$0x1FF00] =	vst v63  }
0x3e: {  	s31 =	rddreg [dreg:$0xb]  }
0x3f: {  	[tilespmem:s25], [sflag:$0xB] =	stream.linear.gather [hbm4b:s31+s3], $0x80, $0x38;
	[tilespmem:$0x1FF00] =	vst v63  }
0x40: {  	s6 =	rddreg [dreg:$0xc]  }
0x41: {  	[tilespmem:s26], [sflag:$0xC] =	stream.linear.gather [hbm4b:s6+s3], $0x80, $0x38;
	[tilespmem:$0x1FF00] =	vst v63  }
0x42: {  	s14 =	rddreg [dreg:$0xd]  }
0x43: {  	[tilespmem:s28], [sflag:$0x4] =	stream.linear.gather [hbm4b:s14+s3], $0x80, $0x38;
	[tilespmem:$0x1FF00] =	vst v63  }
0x44: {  	s17 =	rddreg [dreg:$0xe]  }
0x45: {  	[tilespmem:s29], [sflag:$0x5] =	stream.linear.gather [hbm4b:s17+s3], $0x80, $0x38;
	[tilespmem:$0x1FF00] =	vst v63  }
0x46: {  	s24 =	simm.s32 $0x7  }
0x47: {  	[tilespmem:s30], [sflag:$0x6] =	stream.linear.gather [hbm4b:s14+s3], $0x80, $0x38;
	[tilespmem:$0x1FF00] =	vst v63  }
0x48: {  	_ =	swait.ge [sflag:s24], $0x4000  }
0x49: {  	[sflag:s24] =	ssyncset.done $0x0  }
0x4a: {  	[sflag:s24] =	ssyncadd.s32 $0xFFFFC000  }
0x4b: {  	_ =	swait.ge [sflag:s24], $0x4000  }
0x4c: {  	[sflag:s24] =	ssyncset.done $0x0  }
0x4d: {  	[sflag:s24] =	ssyncadd.s32 $0xFFFFC000  }
0x4e: {  	_ =	swait.ge [sflag:s24], $0x4000  }
0x4f: {  	[sflag:s24] =	ssyncset.done $0x0  }
0x50: {  	[sflag:s24] =	ssyncadd.s32 $0xFFFFC000  }
0x51: {  	_ =	swait.ge [sflag:s24], $0x4000  }
0x52: {  	[sflag:s24] =	ssyncset.done $0x0  }
0x53: {  	[sflag:s24] =	ssyncadd.s32 $0xFFFFC000  }
0x54: {  	_ =	swait.ge [sflag:s0], $0x3C00  }
0x55: {  	[sflag:s0] =	ssyncset.done $0x0  }
0x56: {  	s31 =	simm.s32 $0xA;
	[sflag:s0] =	ssyncadd.s32 $0xFFFFC400  }
0x57: {  	_ =	swait.ge [sflag:s31], $0x80  }
0x58: {  	[sflag:s31] =	ssyncset.done $0x0  }
0x59: {  	[sflag:s31] =	ssyncadd.s32 $0xFFFFFF80  }
0x5a: {  	[tilespmem:s5], [sflag:$0x1] =	stream.indirect.gather [hbm4b:s4+s25], $0x80, s3, s25, $0xb8;
	[tilespmem:$0x1FF00] =	vst v63  }
0x5b: {  	_ =	swait.ge [sflag:s7], $0x80  }
0x5c: {  	[sflag:s7] =	ssyncset.done $0x0  }
0x5d: {  	[sflag:s7] =	ssyncadd.s32 $0xFFFFFF80  }
0x5e: {  	[tilespmem:s8], [sflag:$0x2] =	stream.indirect.gather [hbm4b:s4+s25], $0x80, s25, s25, $0xb8;
	[tilespmem:$0x1FF00] =	vst v63  }
0x5f: {  	_ =	swait.ge [sflag:s9], $0x80  }
0x60: {  	[sflag:s9] =	ssyncset.done $0x0  }
0x61: {  	[sflag:s9] =	ssyncadd.s32 $0xFFFFFF80  }
0x62: {  	s17 =	simm.s32 $0x0;
	[bflag:$0x0] =	sbarrier.arrive $0xFFFF  }
0x63: {  	[spmem:s2] =	stream.indirect.scatter.add.f32 [tilespmem:s23], [sflag:$0x9], $0x80, s30, s25, $0xb8;
	[tilespmem:$0x1FF00] =	vst v63  }
.LBB2_2:
0x64: {  	_ =	swait.ge [sflag:s10], $0x4000;
	p0 =	seq.s32 s17, $0x4E0  }
0x65: {  	[sflag:s10] =	ssyncset.done $0x0;
	s1 =	sadd.s32 @!p0 s17, s22  }
0x66: {  	s6 =	simm.s32 @!p0 $0x0;
	[sflag:s10] =	ssyncadd.s32 $0xFFFFC000;
	s14 =	sadd.s32 @!p0 $0x30, s1  }
0x67: {  	[tilespmem:s6], [sflag:$0xA] =	stream.linear.gather @!p0 [hbm4b:s14+s6], $0x80, $0x38;
	[tilespmem:$0x1FF00] =	vst v63  }
0x68: {  	_ =	swait.ge [sflag:s11], $0x80  }
0x69: {  	[sflag:s11] =	ssyncset.done $0x0  }
0x6a: {  	[sflag:s11] =	ssyncadd.s32 $0xFFFFFF80  }
0x6b: {  	[spmem:s2] =	stream.indirect.scatter.add.f32 [tilespmem:s5], [sflag:$0x7], $0x80, s28, s25, $0xb8;
	[tilespmem:$0x1FF00] =	vst v63  }
0x6c: {  	s14 =	sadd.s32 @!p0 s17, s18;
	_ =	swait.ge [sflag:s12], $0x4000  }
0x6d: {  	s14 =	smov.u32 @p0 s19;
	[sflag:s12] =	ssyncset.done $0x0  }
0x6e: {  	s14 =	sadd.s32 s20, s14;
	[sflag:s12] =	ssyncadd.s32 $0xFFFFC000  }
0x6f: {  	[tilespmem:s30], [sflag:$0x6] =	stream.linear.gather [hbm4b:s14+s3], $0x80, $0x38;
	[tilespmem:$0x1FF00] =	vst v63  }
0x70: {  	_ =	swait.ge [sflag:s13], $0x80  }
0x71: {  	[sflag:s13] =	ssyncset.done $0x0  }
0x72: {  	[sflag:s13] =	ssyncadd.s32 $0xFFFFFF80  }
0x73: {  	[tilespmem:s23], [sflag:$0x3] =	stream.indirect.gather [hbm4b:s4+s25], $0x80, s26, s25, $0xb8;
	[tilespmem:$0x1FF00] =	vst v63  }
0x74: {  	_ =	swait.ge [sflag:s15], $0x4000  }
0x75: {  	[sflag:s15] =	ssyncset.done $0x0  }
0x76: {  	s14 =	simm.s32 @p0 $0x5;
	[sflag:s15] =	ssyncadd.s32 $0xFFFFC000  }
0x77: {  	_ =	swait.ge @p0 [sflag:s14], $0x80  }
0x78: {  	s24 =	simm.s32 @p0 $0x200;
	[sflag:s14] =	ssyncset.done @p0 $0x0  }
0x79: {  	s31 =	simm.s32 @p0 $0x4300;
	[sflag:s14] =	ssyncadd.s32 @p0 $0xFFFFFF80;
	s14 =	simm.s32 @p0 $0x80  }
0x7a: {  	[spmem:s2] =	stream.indirect.scatter.add.f32 @p0 [tilespmem:s31], [sflag:$0x8], $0x80, s24, s14, $0xb8;
	[tilespmem:$0x1FF00] =	vst v63  }
0x7b: {  	s14 =	simm.s32 @p0 $0x7  }
0x7c: {  	_ =	swait.ge @p0 [sflag:s14], $0x4000  }
0x7d: {  	[sflag:s14] =	ssyncset.done @p0 $0x0  }
0x7e: {  	[sflag:s14] =	ssyncadd.s32 @p0 $0xFFFFC000;
	s14 =	simm.s32 @p0 $0x3  }
0x7f: {  	_ =	swait.ge @p0 [sflag:s14], $0x4000  }
0x80: {  	[sflag:s14] =	ssyncset.done @p0 $0x0  }
0x81: {  	s24 =	simm.s32 @!p0 $0x80;
	[sflag:s14] =	ssyncadd.s32 @p0 $0xFFFFC000;
	s14 =	sadd.s32 @!p0 $0x40, s1  }
0x82: {  	[tilespmem:s24], [sflag:$0xB] =	stream.linear.gather @!p0 [hbm4b:s14+s6], $0x80, $0x38;
	[tilespmem:$0x1FF00] =	vst v63  }
0x83: {  	s14 =	simm.s32 @!p0 $0x5  }
0x84: {  	_ =	swait.ge @!p0 [sflag:s14], $0x80  }
0x85: {  	[sflag:s14] =	ssyncset.done @!p0 $0x0  }
0x86: {  	s31 =	simm.s32 @!p0 $0x4300;
	[sflag:s14] =	ssyncadd.s32 @!p0 $0xFFFFFF80;
	s14 =	simm.s32 @!p0 $0x200  }
0x87: {  	[spmem:s2] =	stream.indirect.scatter.add.f32 @!p0 [tilespmem:s31], [sflag:$0x8], $0x80, s14, s24, $0xb8;
	[tilespmem:$0x1FF00] =	vst v63  }
0x88: {  	s14 =	simm.s32 @!p0 $0x7  }
0x89: {  	_ =	swait.ge @!p0 [sflag:s14], $0x4000  }
0x8a: {  	s31 =	sadd.s32 @!p0 s17, s21;
	[sflag:s14] =	ssyncset.done @!p0 $0x0  }
0x8b: {  	[sflag:s14] =	ssyncadd.s32 @!p0 $0xFFFFC000;
	s14 =	sadd.s32 @!p0 $0x30, s31;
	s31 =	simm.s32 @!p0 $0x180  }
0x8c: {  	[tilespmem:s31], [sflag:$0x4] =	stream.linear.gather @!p0 [hbm4b:s14+s6], $0x80, $0x38;
	[tilespmem:$0x1FF00] =	vst v63  }
0x8d: {  	s14 =	simm.s32 @!p0 $0xA  }
0x8e: {  	_ =	swait.ge @!p0 [sflag:s14], $0x80  }
0x8f: {  	[sflag:s14] =	ssyncset.done @!p0 $0x0  }
0x90: {  	[sflag:s14] =	ssyncadd.s32 @!p0 $0xFFFFFF80;
	s14 =	simm.s32 @!p0 $0x300  }
0x91: {  	[tilespmem:s14], [sflag:$0x1] =	stream.indirect.gather @!p0 [hbm4b:s4+s24], $0x80, s6, s24, $0xb8;
	[tilespmem:$0x1FF00] =	vst v63  }
0x92: {  	s14 =	simm.s32 @!p0 $0x3  }
0x93: {  	_ =	swait.ge @!p0 [sflag:s14], $0x4000  }
0x94: {  	[sflag:s14] =	ssyncset.done @!p0 $0x0  }
0x95: {  	s1 =	sadd.s32 @!p0 $0x50, s1;
	[sflag:s14] =	ssyncadd.s32 @!p0 $0xFFFFC000;
	s14 =	simm.s32 @!p0 $0x100  }
0x96: {  	[tilespmem:s14], [sflag:$0xC] =	stream.linear.gather @!p0 [hbm4b:s1+s6], $0x80, $0x38;
	[tilespmem:$0x1FF00] =	vst v63  }
0x97: {  	_ =	swait.ge [sflag:s9], $0x80  }
0x98: {  	[sflag:s9] =	ssyncset.done $0x0  }
.Ltmp2:
0x99: {  	[sflag:s9] =	ssyncadd.s32 $0xFFFFFF80;
	(pc) =	sbr.rel @p0 .LBB2_4-.Ltmp2, $4  }
0x9a: {  	[spmem:s2] =	stream.indirect.scatter.add.f32 [tilespmem:s23], [sflag:$0x9], $0x80, s30, s25, $0xb8;
	[tilespmem:$0x1FF00] =	vst v63  }
0x9b: {  	_ =	swait.ge [sflag:s0], $0x4000  }
0x9c: {  	[sflag:s0] =	ssyncset.done $0x0  }
0x9d: {  	[sflag:s0] =	ssyncadd.s32 $0xFFFFC000  }
0x9e: {  	s1 =	sadd.s32 s17, s21  }
0x9f: {  	s1 =	sadd.s32 $0x40, s1  }
0xa0: {  	[tilespmem:s29], [sflag:$0x5] =	stream.linear.gather [hbm4b:s1+s3], $0x80, $0x38;
	[tilespmem:$0x1FF00] =	vst v63  }
.Ltmp3:
0xa1: {  	_ = 	snop;
	(pc) =	sbr.rel .LBB2_2-.Ltmp3, $4  }
0xa2: {  	_ =	swait.ge [sflag:s7], $0x80  }
0xa3: {  	[sflag:s7] =	ssyncset.done $0x0  }
0xa4: {  	s17 =	sadd.s32 $0x30, s17;
	[sflag:s7] =	ssyncadd.s32 $0xFFFFFF80  }
0xa5: {  	[tilespmem:s8], [sflag:$0x2] =	stream.indirect.gather [hbm4b:s4+s25], $0x80, s25, s25, $0xb8;
	[tilespmem:$0x1FF00] =	vst v63  }
.LBB2_5:
0xa6: {  	_ =	sfence.sel $0x180000  }
0xa7: {  	[bflag:$0x0] =	sbarrier.arrive $0xFFFF  }
0xa8: {  	_ =	strace $0x90000053  }
0xa9: {  	s0 =	stileid.u32;
	[bflag:$0x2] =	sbarrier.arrive $0xFFFF  }
0xaa: {  	p0 =	sne.s32 s0, $0x0;
	s0 =	rddreg [dreg:$0x3]  }
0xab: {  	s0 =	sadd.s32 @!p0 $0x100000, s0  }
0xac: {  	[sflag:s0] =	ssyncadd.tile.s32 @!p0 $0x1;
	_ =	shalt  }
.Lfunc_end2:
_tile_overlayer_lowered:
.L_overlay_start_2:
0xad: {  	(tag) =	ssettag $0x2  }
0xae: {  	s0 =	rddreg [dreg:$0x0];
	s2 =	stileid.u32  }
0xaf: {  	s1 =	rddreg [dreg:$0x1];
	p0 =	sne.s32 s2, $0x0  }
0xb0: {  	s3 =	rddreg [dreg:$0x2];
	[bflag:$0x3] =	sbarrier.arrive $0xFFFF;
	s2 =	simm.s32 @!p0 $0x1C0D  }
0xb1: {  	[timem:s3], [sflag:s2] =	dma.local @!p0 [hbm:s0], s1  }
0xb2: {  	s0 =	simm.s32 @!p0 $0xD  }
0xb3: {  	_ =	swait.ge @!p0 [sflag:s0], s1  }
0xb4: {  	s1 =	ssub.s32 @!p0 $0x0, s1;
	[sflag:s0] =	ssyncset.done @!p0 $0x0  }
0xb5: {  	[sflag:s0] =	ssyncadd.s32 @!p0 s1  }
0xb6: {  	[bflag:$0x3] =	sbarrier.arrive $0xFFFF  }
0xb7: {  	_ =	shalt  }

</sc_bundles>
